<compile_context>
chip_gen: v7x
topology: tpu7x:2x2x1
jax: 0.10.2.dev20260603
libtpu: 0.0.44.dev20260713+nightly
codegen_flags: <defaults>
</compile_context>

<pallas_src>
import functools

import jax
import jax.numpy as jnp
from jax import lax
from jax.experimental import pallas as pl
from jax.experimental.pallas import tpu as pltpu
from jax.experimental.pallas import tpu_sc as plsc

N = 10000
E = 320000
D_NODE = 128
D_EDGE = 16
HID = 128
G = 64

NC, NS = 2, 16
NW = NC * NS
EH = E // 2
GC = 200
QS = 1024.0
SC_C = 200
CW = 16

NP = 10240
NSEG = 10240
GSEG = 128

_mesh = lambda: plsc.VectorSubcoreMesh(core_axis_name="c", subcore_axis_name="s")


def _make_sc_gather(NE):
    ew = NE // NW

    @functools.partial(
        pl.kernel,
        out_type=(jax.ShapeDtypeStruct((NE, HID), jnp.int32),
                  jax.ShapeDtypeStruct((NE, HID), jnp.int32)),
        mesh=_mesh(),
        scratch_types=[
            pltpu.VMEM((NE // NW,), jnp.int32),
            pltpu.VMEM((NE // NW,), jnp.int32),
            pltpu.VMEM((GC, HID), jnp.int32),
            pltpu.VMEM((GC, HID), jnp.int32),
            pltpu.SemaphoreType.DMA,
            pltpu.SemaphoreType.DMA,
            pltpu.SemaphoreType.DMA,
            pltpu.SemaphoreType.DMA,
        ],
    )
    def gat(tpd_hbm, tps_hbm, dst_hbm, src_hbm,
            gd_hbm, gs_hbm, idxd_v, idxs_v, rd_v, rs_v, sem1, sem2, sem3, sem4):
        wid = lax.axis_index("s") * NC + lax.axis_index("c")

        pltpu.sync_copy(dst_hbm.at[pl.ds(wid * ew, ew)], idxd_v)
        pltpu.sync_copy(src_hbm.at[pl.ds(wid * ew, ew)], idxs_v)

        def chunk(i, carry):
            off = wid * ew + i * GC
            cd = pltpu.async_copy(tpd_hbm.at[idxd_v.at[pl.ds(i * GC, GC)]], rd_v, sem1)
            cs = pltpu.async_copy(tps_hbm.at[idxs_v.at[pl.ds(i * GC, GC)]], rs_v, sem2)
            cd.wait()
            cs.wait()
            wd = pltpu.async_copy(rd_v, gd_hbm.at[pl.ds(off, GC)], sem3)
            ws = pltpu.async_copy(rs_v, gs_hbm.at[pl.ds(off, GC)], sem4)
            wd.wait()
            ws.wait()
            return carry

        lax.fori_loop(0, ew // GC, chunk, 0)

    return gat


_sc_gather_half = _make_sc_gather(EH)


def _make_sc_scatter(R, S, C):
    rw = R // NW
    stripe = S // NS
    oc = max(d for d in range(1, min(stripe, C) + 1) if stripe % d == 0)

    @functools.partial(
        pl.kernel,
        out_type=jax.ShapeDtypeStruct((NC, S, HID), jnp.float32),
        mesh=_mesh(),
        scratch_types=[
            pltpu.VMEM((C, HID), jnp.float32),
            pltpu.VMEM((C,), jnp.int32),
            pltpu.SemaphoreType.DMA,
            pltpu.SemaphoreType.DMA,
            pltpu.VMEM_SHARED((S, HID), jnp.float32),
        ],
    )
    def scat(vals_hbm, idx_hbm, zeros_hbm, out_hbm, vals_v, idx_v, sv, si, acc_sh):
        cid = lax.axis_index("c")
        sid = lax.axis_index("s")
        wid = sid * NC + cid

        pltpu.sync_copy(zeros_hbm, acc_sh.at[pl.ds(sid * stripe, stripe)])
        plsc.subcore_barrier()

        def chunk(i, carry):
            off = wid * rw + i * C
            ci = pltpu.async_copy(idx_hbm.at[pl.ds(off, C)], idx_v, si)
            cv = pltpu.async_copy(vals_hbm.at[pl.ds(off, C)], vals_v, sv)
            ci.wait()
            cv.wait()
            pltpu.sync_copy(vals_v, acc_sh.at[idx_v], add=True)
            return carry

        lax.fori_loop(0, rw // C, chunk, 0)
        plsc.subcore_barrier()

        def out_chunk(j, carry):
            ro = sid * stripe + j * oc
            pltpu.sync_copy(acc_sh.at[pl.ds(ro, oc)], vals_v.at[pl.ds(0, oc)])
            pltpu.sync_copy(vals_v.at[pl.ds(0, oc)], out_hbm.at[cid, pl.ds(ro, oc)])
            return carry

        lax.fori_loop(0, stripe // oc, out_chunk, 0)

    return scat


_sc_scatter_half = _make_sc_scatter(EH, NSEG, SC_C)
_sc_scatter_pool = _make_sc_scatter(NP, GSEG, 320)


CNT_C = 400


@functools.partial(
    pl.kernel,
    out_type=jax.ShapeDtypeStruct((NC, NSEG, CW), jnp.float32),
    mesh=_mesh(),
    scratch_types=[
        pltpu.VMEM((CNT_C, CW), jnp.float32),
        pltpu.VMEM((NSEG // NS, CW), jnp.float32),
        pltpu.VMEM((CNT_C,), jnp.int32),
        pltpu.VMEM_SHARED((NSEG, CW), jnp.float32),
    ],
    compiler_params=pltpu.CompilerParams(use_tc_tiling_on_sc=False),
)
def _sc_count(idx_hbm, ones_hbm, zeros_hbm, out_hbm, ones_v, cp_v, idx_v, acc_sh):
    cid = lax.axis_index("c")
    sid = lax.axis_index("s")
    wid = sid * NC + cid
    rw = E // NW
    stripe = NSEG // NS

    pltpu.sync_copy(ones_hbm, ones_v)
    pltpu.sync_copy(zeros_hbm, acc_sh.at[pl.ds(sid * stripe, stripe)])
    plsc.subcore_barrier()

    def chunk(i, carry):
        off = wid * rw + i * CNT_C
        pltpu.sync_copy(idx_hbm.at[pl.ds(off, CNT_C)], idx_v)
        pltpu.sync_copy(ones_v, acc_sh.at[idx_v], add=True)
        return carry

    lax.fori_loop(0, rw // CNT_C, chunk, 0)
    plsc.subcore_barrier()
    pltpu.sync_copy(acc_sh.at[pl.ds(sid * stripe, stripe)], cp_v)
    pltpu.sync_copy(cp_v, out_hbm.at[cid, pl.ds(sid * stripe, stripe)])


def _mmT(a, b):
    return lax.dot_general(a, b, (((1,), (1,)), ((), ())),
                           preferred_element_type=jnp.float32)


def _prep_body(x_ref, w_ref, b_ref, o_ref):
    o_ref[...] = _mmT(x_ref[...], w_ref[...]) + b_ref[...]


def _prep_h(x, w_emb, b_emb):
    return pl.pallas_call(
        _prep_body,
        out_shape=jax.ShapeDtypeStruct((N, HID), jnp.float32),
    )(x, w_emb, b_emb.reshape(1, HID))


def _q16(x):
    return jnp.clip(jnp.rint(x * QS), -32767.0, 32767.0).astype(jnp.int32)


def _pack16(f, s):
    return (f & 0xFFFF) | (s << 16)


def _tables_body(h_ref, wfd_ref, wfs_ref, wsd_ref, wss_ref, tpd_ref, tps_ref):
    h = h_ref[...]
    tpd_ref[...] = _pack16(_q16(_mmT(h, wfd_ref[...])),
                           _q16(_mmT(h, wsd_ref[...])))
    tps_ref[...] = _pack16(_q16(_mmT(h, wfs_ref[...])),
                           _q16(_mmT(h, wss_ref[...])))


def _tables(h, wfd, wfs, wsd, wss):
    ty = jax.ShapeDtypeStruct((N, HID), jnp.int32)
    return pl.pallas_call(
        _tables_body,
        out_shape=(ty, ty),
    )(h, wfd, wfs, wsd, wss)


EB = 2000


def _edge_body(gd_ref, gs_ref, ea_ref, m_ref, bias_ref, o_ref):
    ez = _mmT(ea_ref[...], m_ref[...]) + bias_ref[...]
    gd = gd_ref[...]
    gs = gs_ref[...]
    lo = ((gd << 16) >> 16) + ((gs << 16) >> 16)
    hi = (gd >> 16) + (gs >> 16)
    zf = lo.astype(jnp.float32) * (1.0 / QS) + ez[:, :HID]
    zs = hi.astype(jnp.float32) * (1.0 / QS) + ez[:, HID:]
    o_ref[...] = jax.nn.sigmoid(zf) * jax.nn.softplus(zs)


def _edge_math(gf, gs, edge_attr, m_mat, bias):
    ne = gf.shape[0]
    return pl.pallas_call(
        _edge_body,
        grid=(ne // EB,),
        in_specs=[
            pl.BlockSpec((EB, HID), lambda i: (i, 0)),
            pl.BlockSpec((EB, HID), lambda i: (i, 0)),
            pl.BlockSpec((EB, D_EDGE), lambda i: (i, 0)),
            pl.BlockSpec((2 * HID, D_EDGE), lambda i: (0, 0)),
            pl.BlockSpec((1, 2 * HID), lambda i: (0, 0)),
        ],
        out_specs=pl.BlockSpec((EB, HID), lambda i: (i, 0)),
        out_shape=jax.ShapeDtypeStruct((ne, HID), jnp.float32),
    )(gf, gs, edge_attr, m_mat, bias)


def _update_body(p_ref, q_ref, c_ref, h_ref, g_ref, be_ref, o_ref):
    acc = (p_ref[0, :N] + p_ref[1, :N]) + (q_ref[0, :N] + q_ref[1, :N])
    cnt = c_ref[0, :N, :1] + c_ref[1, :N, :1]
    v = acc / jnp.clip(cnt, 1.0) + h_ref[...]
    mu = jnp.mean(v, axis=0, keepdims=True)
    var = jnp.mean((v - mu) ** 2, axis=0, keepdims=True)
    o_ref[...] = (v - mu) * lax.rsqrt(var + 1e-5) * g_ref[...] + be_ref[...]


def _update_bn(partials0, partials1, cnts, h, g, be):
    return pl.pallas_call(
        _update_body,
        out_shape=jax.ShapeDtypeStruct((N, HID), jnp.float32),
    )(partials0, partials1, cnts, h, g.reshape(1, HID), be.reshape(1, HID))


def _head_body(p_ref, batch_ref, w_ref, b_ref, o_ref):
    acc = p_ref[0, :G] + p_ref[1, :G]
    gids = lax.broadcasted_iota(jnp.int32, (G, N), 0)
    onehot = (gids == batch_ref[...]).astype(jnp.float32)
    cnt = jnp.sum(onehot, axis=1, keepdims=True)
    gm = acc / jnp.clip(cnt, 1.0)
    sp = jax.nn.softplus(gm)
    o_ref[...] = jax.nn.softplus(_mmT(sp, w_ref[...]) + b_ref[...])


def _head(pooled, batch, wfc, bfc):
    return pl.pallas_call(
        _head_body,
        out_shape=jax.ShapeDtypeStruct((G, HID), jnp.float32),
    )(pooled, batch.reshape(1, N), wfc, bfc.reshape(1, HID))


def _layer(h, dsts, srcs, eas, zeros_n, cnts, Wf, bf, Ws, bs,
           W_eme, b_eme, g, be):
    wfd = Wf[:, :HID]
    wfs = Wf[:, HID:2 * HID]
    wsd = Ws[:, :HID]
    wss = Ws[:, HID:2 * HID]
    WfE = Wf[:, 2 * HID:]
    WsE = Ws[:, 2 * HID:]
    m_mat = jnp.concatenate([WfE @ W_eme, WsE @ W_eme], axis=0)
    bias = jnp.concatenate([WfE @ b_eme + bf, WsE @ b_eme + bs]).reshape(1, 2 * HID)

    tpd, tps = _tables(h, wfd, wfs, wsd, wss)
    gd0, gs0 = _sc_gather_half(tpd, tps, dsts[0], srcs[0])
    gd1, gs1 = _sc_gather_half(tpd, tps, dsts[1], srcs[1])
    m0 = _edge_math(gd0, gs0, eas[0], m_mat, bias)
    m1 = _edge_math(gd1, gs1, eas[1], m_mat, bias)
    p0 = _sc_scatter_half(m0, dsts[0], zeros_n)
    p1 = _sc_scatter_half(m1, dsts[1], zeros_n)
    return _update_bn(p0, p1, cnts, h, g, be)


def kernel(x, edge_index, edge_attr, batch, W_emb, b_emb, W_eme, b_eme,
           Wf0, bf0, Ws0, bs0, g0, be0, Wf1, bf1, Ws1, bs1, g1, be1, Wfc, bfc):
    src = edge_index[0]
    dst = edge_index[1]
    dsts = (dst[:EH], dst[EH:])
    srcs = (src[:EH], src[EH:])
    eas = (edge_attr[:EH], edge_attr[EH:])
    zeros_n = jnp.zeros((NSEG // NS, HID), jnp.float32)
    ones_c = jnp.ones((CNT_C, CW), jnp.float32)
    zeros_c = jnp.zeros((NSEG // NS, CW), jnp.float32)

    cnts = _sc_count(dst, ones_c, zeros_c)

    h = _prep_h(x, W_emb, b_emb)
    h = _layer(h, dsts, srcs, eas, zeros_n, cnts, Wf0, bf0, Ws0, bs0,
               W_eme, b_eme, g0, be0)
    h = _layer(h, dsts, srcs, eas, zeros_n, cnts, Wf1, bf1, Ws1, bs1,
               W_eme, b_eme, g1, be1)

    hp = jnp.concatenate([h, jnp.zeros((NP - N, HID), jnp.float32)], axis=0)
    batch_p = jnp.concatenate([batch, jnp.full((NP - N,), G - 1, jnp.int32)])
    zeros_g = jnp.zeros((GSEG // NS, HID), jnp.float32)
    pooled = _sc_scatter_pool(hp, batch_p, zeros_g)
    return _head(pooled, batch, Wfc, bfc)

# --- scband reference (transcript-rebuilt; emitter-appended) ---
"""Pipeline reference for scband-cgcnn-13572096656012 (READ-ONLY COPY).

The authoritative reference and input builder live on the scoring server;
editing this copy changes nothing except your own understanding.
"""

import jax, jax.numpy as jnp
import numpy as np

N = 10000
E = 320000
D_NODE = 128
D_EDGE = 16
HID = 128
G = 64


def _lin(k, o, i):
    bound = 1.0 / np.sqrt(i)
    k1, k2 = jax.random.split(k)
    W = jax.random.uniform(k1, (o, i), jnp.float32, -bound, bound)
    b = jax.random.uniform(k2, (o,), jnp.float32, -bound, bound)
    return W, b


def setup_inputs(seed: int = 0) -> dict:
    key = jax.random.key(seed)
    ks = jax.random.split(key, 16)
    inp = {}
    inp["x"] = jax.random.normal(ks[0], (N, D_NODE), jnp.float32)
    inp["edge_index"] = jax.random.randint(ks[1], (2, E), 0, N, dtype=jnp.int32)
    inp["edge_attr"] = jax.random.normal(ks[2], (E, D_EDGE), jnp.float32)
    inp["batch"] = jnp.sort(jax.random.randint(ks[3], (N,), 0, G, dtype=jnp.int32))
    inp["W_emb"], inp["b_emb"] = _lin(ks[4], HID, D_NODE)
    inp["W_eme"], inp["b_eme"] = _lin(ks[5], HID, D_EDGE)
    inp["Wf0"], inp["bf0"] = _lin(ks[6], HID, 3 * HID)
    inp["Ws0"], inp["bs0"] = _lin(ks[7], HID, 3 * HID)
    inp["g0"] = jnp.ones((HID,), jnp.float32)
    inp["be0"] = jnp.zeros((HID,), jnp.float32)
    inp["Wf1"], inp["bf1"] = _lin(ks[8], HID, 3 * HID)
    inp["Ws1"], inp["bs1"] = _lin(ks[9], HID, 3 * HID)
    inp["g1"] = jnp.ones((HID,), jnp.float32)
    inp["be1"] = jnp.zeros((HID,), jnp.float32)
    inp["Wfc"], inp["bfc"] = _lin(ks[10], HID, HID)
    return inp


def reference(x, edge_index, edge_attr, batch, W_emb, b_emb, W_eme, b_eme,
              Wf0, bf0, Ws0, bs0, g0, be0, Wf1, bf1, Ws1, bs1, g1, be1, Wfc, bfc):
    src = edge_index[0]
    dst = edge_index[1]
    h = x @ W_emb.T + b_emb
    ea = edge_attr @ W_eme.T + b_eme

    def cgconv(h, Wf, bf, Ws, bs):
        # PyG CGConv: z = [x_i, x_j, edge_attr]; sigmoid(lin_f(z)) * softplus(lin_s(z)); mean aggr; residual
        z = jnp.concatenate([h[dst], h[src], ea], axis=-1)
        m = jax.nn.sigmoid(z @ Wf.T + bf) * jax.nn.softplus(z @ Ws.T + bs)
        s = jax.ops.segment_sum(m, dst, num_segments=N)
        cnt = jax.ops.segment_sum(jnp.ones((E,), m.dtype), dst, num_segments=N)
        return s / jnp.clip(cnt, 1.0)[:, None] + h

    def bn(h, g, b):
        # BatchNorm1d, training-mode batch statistics (biased variance), eps=1e-5
        mu = h.mean(axis=0)
        var = ((h - mu) ** 2).mean(axis=0)
        return (h - mu) / jnp.sqrt(var + 1e-5) * g + b

    h = bn(cgconv(h, Wf0, bf0, Ws0, bs0), g0, be0)
    h = bn(cgconv(h, Wf1, bf1, Ws1, bs1), g1, be1)
    s = jax.ops.segment_sum(h, batch, num_segments=G)
    cnt = jax.ops.segment_sum(jnp.ones((N,), h.dtype), batch, num_segments=G)
    gm = s / jnp.clip(cnt, 1.0)[:, None]
    gm = jax.nn.softplus(gm) @ Wfc.T + bfc
    return jax.nn.softplus(gm)

if __name__ == "__main__":
    import jax
    _d = setup_inputs()
    print(jax.jit(kernel)(*tuple(_d.values())))

</pallas_src>

<mosaic_0001>
#map = affine_map<(d0, d1) -> (0)>
#map1 = affine_map<(d0, d1) -> (0, 0)>
#map2 = affine_map<(d0, d1) -> (0, 0, 0)>
module attributes {stable_mosaic.version = 14 : i64} {
  func.func @_sc_count(%arg0: i32, %arg1: i32, %arg2: memref<320000xi32, #tpu.memory_space<hbm>>, %arg3: memref<400x16xf32, #tpu.memory_space<hbm>>, %arg4: memref<640x16xf32, #tpu.memory_space<hbm>>, %arg5: memref<2x10240x16xf32, #tpu.memory_space<hbm>>, %arg6: memref<400x16xf32, #tpu.memory_space<vmem>>, %arg7: memref<640x16xf32, #tpu.memory_space<vmem>>, %arg8: memref<400xi32, #tpu.memory_space<vmem>>, %arg9: memref<10240x16xf32, #tpu.memory_space<vmem_shared>>) attributes {dimension_semantics = [#tpu.dimension_semantics<core_parallel>, #tpu.dimension_semantics<subcore_parallel>], iteration_bounds = array<i64: 2, 16>, scalar_prefetch = 0 : i64, scratch_operands = 4 : i64, tpu.core_type = #tpu.core_type<sc_vector_subcore>, window_params = [{transform_indices = #map}, {transform_indices = #map1}, {transform_indices = #map1}, {transform_indices = #map2}]} {
    %mul3A = arith.constant 2 : i32
    %mul3A_0 = arith.muli %arg1, %mul3A : i32
    %add3A = arith.addi %mul3A_0, %arg0 : i32
    "tpu.region"() ({
      %run_scoped3A = tpu.sem_alloc : memref<!tpu.dma_semaphore, #tpu.memory_space<semaphore_mem>>
      tpu.enqueue_dma source(%arg3 : memref<400x16xf32, #tpu.memory_space<hbm>>) target(%arg6 : memref<400x16xf32, #tpu.memory_space<vmem>>) target_semaphore(%run_scoped3A : memref<!tpu.dma_semaphore, #tpu.memory_space<semaphore_mem>>)
      tpu.wait_dma2 semaphore(%run_scoped3A : memref<!tpu.dma_semaphore, #tpu.memory_space<semaphore_mem>>) src(%arg3 : memref<400x16xf32, #tpu.memory_space<hbm>>) dst(%arg6 : memref<400x16xf32, #tpu.memory_space<vmem>>)
      tpu.yield
    }) : () -> ()
    %mul3A_1 = arith.constant 640 : i32
    %mul3A_2 = arith.muli %arg1, %mul3A_1 : i32
    "tpu.region"() ({
      %run_scoped3A = tpu.sem_alloc : memref<!tpu.dma_semaphore, #tpu.memory_space<semaphore_mem>>
      %dma_start3A = arith.constant 0 : i32
      %dma_start3A_13 = tpu.memref_slice %arg9[%mul3A_2, %dma_start3A] : memref<10240x16xf32, #tpu.memory_space<vmem_shared>> -> memref<640x16xf32, #tpu.memory_space<vmem_shared>>
      tpu.enqueue_dma source(%arg4 : memref<640x16xf32, #tpu.memory_space<hbm>>) target(%dma_start3A_13 : memref<640x16xf32, #tpu.memory_space<vmem_shared>>) target_semaphore(%run_scoped3A : memref<!tpu.dma_semaphore, #tpu.memory_space<semaphore_mem>>)
      %dma_wait3A = arith.constant 0 : i32
      %dma_wait3A_14 = tpu.memref_slice %arg9[%mul3A_2, %dma_wait3A] : memref<10240x16xf32, #tpu.memory_space<vmem_shared>> -> memref<640x16xf32, #tpu.memory_space<vmem_shared>>
      tpu.wait_dma2 semaphore(%run_scoped3A : memref<!tpu.dma_semaphore, #tpu.memory_space<semaphore_mem>>) src(%arg4 : memref<640x16xf32, #tpu.memory_space<hbm>>) dst(%dma_wait3A_14 : memref<640x16xf32, #tpu.memory_space<vmem_shared>>)
      tpu.yield
    }) : () -> ()
    %barrier3A = arith.constant 0 : index
    tpu.barrier barrier_id(%barrier3A)
    %scan3A = arith.constant 0 : i32
    %scan3A_3 = arith.constant 0 : i32
    %scan3A_4 = arith.constant 25 : i32
    %scan3A_5 = arith.addi %scan3A_3, %scan3A_4 : i32
    %scan3A_6 = arith.constant 1 : i32
    scf.for %scan3A_13 = %scan3A_3 to %scan3A_5 step %scan3A_6  : i32 {
      %mul3A_14 = arith.constant 10000 : i32
      %mul3A_15 = arith.muli %add3A, %mul3A_14 : i32
      %mul3A_16 = arith.constant 400 : i32
      %mul3A_17 = arith.muli %scan3A_13, %mul3A_16 : i32
      %add3A_18 = arith.addi %mul3A_15, %mul3A_17 : i32
      "tpu.region"() ({
        %run_scoped3A = tpu.sem_alloc : memref<!tpu.dma_semaphore, #tpu.memory_space<semaphore_mem>>
        %dma_start3A = tpu.memref_slice %arg2[%add3A_18] : memref<320000xi32, #tpu.memory_space<hbm>> -> memref<400xi32, #tpu.memory_space<hbm>>
        %dma_start3A_19 = tpu.memref_slice %arg2[%add3A_18] : memref<320000xi32, #tpu.memory_space<hbm>> -> memref<400xi32, #tpu.memory_space<hbm>>
        tpu.enqueue_dma source(%dma_start3A_19 : memref<400xi32, #tpu.memory_space<hbm>>) target(%arg8 : memref<400xi32, #tpu.memory_space<vmem>>) target_semaphore(%run_scoped3A : memref<!tpu.dma_semaphore, #tpu.memory_space<semaphore_mem>>)
        %dma_wait3A = tpu.memref_slice %arg2[%add3A_18] : memref<320000xi32, #tpu.memory_space<hbm>> -> memref<400xi32, #tpu.memory_space<hbm>>
        %dma_wait3A_20 = tpu.memref_slice %arg2[%add3A_18] : memref<320000xi32, #tpu.memory_space<hbm>> -> memref<400xi32, #tpu.memory_space<hbm>>
        tpu.wait_dma2 semaphore(%run_scoped3A : memref<!tpu.dma_semaphore, #tpu.memory_space<semaphore_mem>>) src(%dma_wait3A_20 : memref<400xi32, #tpu.memory_space<hbm>>) dst(%arg8 : memref<400xi32, #tpu.memory_space<vmem>>)
        tpu.yield
      }) : () -> ()
      "tpu.region"() ({
        %run_scoped3A = tpu.sem_alloc : memref<!tpu.dma_semaphore, #tpu.memory_space<semaphore_mem>>
        %dma_start3A = arith.constant 0 : i32
        %dma_start3A_19 = arith.constant 0 : i32
        %dma_start3A_20 = tpu.memref_slice %arg9[%dma_start3A, %dma_start3A_19] : memref<10240x16xf32, #tpu.memory_space<vmem_shared>> -> memref<10240x16xf32, #tpu.memory_space<vmem_shared>>
        tpu.enqueue_indirect_dma source(%arg6 : memref<400x16xf32, #tpu.memory_space<vmem>>) target(%dma_start3A_20 : memref<10240x16xf32, #tpu.memory_space<vmem_shared>>) offsets(%arg8 : memref<400xi32, #tpu.memory_space<vmem>>) semaphore(%run_scoped3A : memref<!tpu.dma_semaphore, #tpu.memory_space<semaphore_mem>>) {add = true}
        %dma_wait3A = arith.constant 0 : i32
        %dma_wait3A_21 = arith.constant 0 : i32
        %dma_wait3A_22 = tpu.memref_slice %arg9[%dma_wait3A, %dma_wait3A_21] : memref<10240x16xf32, #tpu.memory_space<vmem_shared>> -> memref<10240x16xf32, #tpu.memory_space<vmem_shared>>
        tpu.wait_indirect_dma semaphore(%run_scoped3A : memref<!tpu.dma_semaphore, #tpu.memory_space<semaphore_mem>>) src(%arg6 : memref<400x16xf32, #tpu.memory_space<vmem>>) dst(%dma_wait3A_22 : memref<10240x16xf32, #tpu.memory_space<vmem_shared>>)
        tpu.yield
      }) : () -> ()
    }
    %scan3A_7 = arith.constant 25 : i32
    %barrier3A_8 = arith.constant 0 : index
    tpu.barrier barrier_id(%barrier3A_8)
    %mul3A_9 = arith.constant 640 : i32
    %mul3A_10 = arith.muli %arg1, %mul3A_9 : i32
    "tpu.region"() ({
      %run_scoped3A = tpu.sem_alloc : memref<!tpu.dma_semaphore, #tpu.memory_space<semaphore_mem>>
      %dma_start3A = arith.constant 0 : i32
      %dma_start3A_13 = tpu.memref_slice %arg9[%mul3A_10, %dma_start3A] : memref<10240x16xf32, #tpu.memory_space<vmem_shared>> -> memref<640x16xf32, #tpu.memory_space<vmem_shared>>
      %dma_start3A_14 = arith.constant 0 : i32
      %dma_start3A_15 = tpu.memref_slice %arg9[%mul3A_10, %dma_start3A_14] : memref<10240x16xf32, #tpu.memory_space<vmem_shared>> -> memref<640x16xf32, #tpu.memory_space<vmem_shared>>
      tpu.enqueue_dma source(%dma_start3A_15 : memref<640x16xf32, #tpu.memory_space<vmem_shared>>) target(%arg7 : memref<640x16xf32, #tpu.memory_space<vmem>>) target_semaphore(%run_scoped3A : memref<!tpu.dma_semaphore, #tpu.memory_space<semaphore_mem>>)
      %dma_wait3A = arith.constant 0 : i32
      %dma_wait3A_16 = tpu.memref_slice %arg9[%mul3A_10, %dma_wait3A] : memref<10240x16xf32, #tpu.memory_space<vmem_shared>> -> memref<640x16xf32, #tpu.memory_space<vmem_shared>>
      %dma_wait3A_17 = arith.constant 0 : i32
      %dma_wait3A_18 = tpu.memref_slice %arg9[%mul3A_10, %dma_wait3A_17] : memref<10240x16xf32, #tpu.memory_space<vmem_shared>> -> memref<640x16xf32, #tpu.memory_space<vmem_shared>>
      tpu.wait_dma2 semaphore(%run_scoped3A : memref<!tpu.dma_semaphore, #tpu.memory_space<semaphore_mem>>) src(%dma_wait3A_18 : memref<640x16xf32, #tpu.memory_space<vmem_shared>>) dst(%arg7 : memref<640x16xf32, #tpu.memory_space<vmem>>)
      tpu.yield
    }) : () -> ()
    %mul3A_11 = arith.constant 640 : i32
    %mul3A_12 = arith.muli %arg1, %mul3A_11 : i32
    "tpu.region"() ({
      %run_scoped3A = tpu.sem_alloc : memref<!tpu.dma_semaphore, #tpu.memory_space<semaphore_mem>>
      %dma_start3A = arith.constant 0 : i32
      %dma_start3A_13 = tpu.memref_slice %arg5[%arg0, %mul3A_12, %dma_start3A] : memref<2x10240x16xf32, #tpu.memory_space<hbm>> -> memref<1x640x16xf32, #tpu.memory_space<hbm>>
      %dma_start3A_14 = tpu.memref_squeeze %dma_start3A_13 : memref<1x640x16xf32, #tpu.memory_space<hbm>> -> memref<640x16xf32, #tpu.memory_space<hbm>>
      %dma_start3A_15 = arith.constant 0 : i32
      %dma_start3A_16 = tpu.memref_slice %arg5[%arg0, %mul3A_12, %dma_start3A_15] : memref<2x10240x16xf32, #tpu.memory_space<hbm>> -> memref<1x640x16xf32, #tpu.memory_space<hbm>>
      %dma_start3A_17 = tpu.memref_squeeze %dma_start3A_16 : memref<1x640x16xf32, #tpu.memory_space<hbm>> -> memref<640x16xf32, #tpu.memory_space<hbm>>
      tpu.enqueue_dma source(%arg7 : memref<640x16xf32, #tpu.memory_space<vmem>>) target(%dma_start3A_17 : memref<640x16xf32, #tpu.memory_space<hbm>>) target_semaphore(%run_scoped3A : memref<!tpu.dma_semaphore, #tpu.memory_space<semaphore_mem>>)
      %dma_wait3A = arith.constant 0 : i32
      %dma_wait3A_18 = tpu.memref_slice %arg5[%arg0, %mul3A_12, %dma_wait3A] : memref<2x10240x16xf32, #tpu.memory_space<hbm>> -> memref<1x640x16xf32, #tpu.memory_space<hbm>>
      %dma_wait3A_19 = tpu.memref_squeeze %dma_wait3A_18 : memref<1x640x16xf32, #tpu.memory_space<hbm>> -> memref<640x16xf32, #tpu.memory_space<hbm>>
      %dma_wait3A_20 = arith.constant 0 : i32
      %dma_wait3A_21 = tpu.memref_slice %arg5[%arg0, %mul3A_12, %dma_wait3A_20] : memref<2x10240x16xf32, #tpu.memory_space<hbm>> -> memref<1x640x16xf32, #tpu.memory_space<hbm>>
      %dma_wait3A_22 = tpu.memref_squeeze %dma_wait3A_21 : memref<1x640x16xf32, #tpu.memory_space<hbm>> -> memref<640x16xf32, #tpu.memory_space<hbm>>
      tpu.wait_dma2 semaphore(%run_scoped3A : memref<!tpu.dma_semaphore, #tpu.memory_space<semaphore_mem>>) src(%arg7 : memref<640x16xf32, #tpu.memory_space<vmem>>) dst(%dma_wait3A_22 : memref<640x16xf32, #tpu.memory_space<hbm>>)
      tpu.yield
    }) : () -> ()
    return
  }
}

#map = affine_map<(d0, d1) -> (0, 0)>
#map1 = affine_map<(d0, d1) -> (0)>
module attributes {stable_mosaic.version = 14 : i64} {
  func.func @gat(%arg0: i32, %arg1: i32, %arg2: memref<10000x128xi32, #tpu.memory_space<hbm>>, %arg3: memref<10000x128xi32, #tpu.memory_space<hbm>>, %arg4: memref<160000xi32, #tpu.memory_space<hbm>>, %arg5: memref<160000xi32, #tpu.memory_space<hbm>>, %arg6: memref<160000x128xi32, #tpu.memory_space<hbm>>, %arg7: memref<160000x128xi32, #tpu.memory_space<hbm>>, %arg8: memref<5000xi32, #tpu.memory_space<vmem>>, %arg9: memref<5000xi32, #tpu.memory_space<vmem>>, %arg10: memref<200x128xi32, #tpu.memory_space<vmem>>, %arg11: memref<200x128xi32, #tpu.memory_space<vmem>>, %arg12: memref<!tpu.dma_semaphore, #tpu.memory_space<semaphore_mem>>, %arg13: memref<!tpu.dma_semaphore, #tpu.memory_space<semaphore_mem>>, %arg14: memref<!tpu.dma_semaphore, #tpu.memory_space<semaphore_mem>>, %arg15: memref<!tpu.dma_semaphore, #tpu.memory_space<semaphore_mem>>) attributes {dimension_semantics = [#tpu.dimension_semantics<core_parallel>, #tpu.dimension_semantics<subcore_parallel>], iteration_bounds = array<i64: 2, 16>, scalar_prefetch = 0 : i64, scratch_operands = 8 : i64, tpu.core_type = #tpu.core_type<sc_vector_subcore>, window_params = [{transform_indices = #map}, {transform_indices = #map}, {transform_indices = #map1}, {transform_indices = #map1}, {transform_indices = #map}, {transform_indices = #map}]} {
    %mul3A = arith.constant 2 : i32
    %mul3A_0 = arith.muli %arg1, %mul3A : i32
    %add3A = arith.addi %mul3A_0, %arg0 : i32
    %mul3A_1 = arith.constant 5000 : i32
    %mul3A_2 = arith.muli %add3A, %mul3A_1 : i32
    "tpu.region"() ({
      %run_scoped3A = tpu.sem_alloc : memref<!tpu.dma_semaphore, #tpu.memory_space<semaphore_mem>>
      %dma_start3A = tpu.memref_slice %arg4[%mul3A_2] : memref<160000xi32, #tpu.memory_space<hbm>> -> memref<5000xi32, #tpu.memory_space<hbm>>
      %dma_start3A_10 = tpu.memref_slice %arg4[%mul3A_2] : memref<160000xi32, #tpu.memory_space<hbm>> -> memref<5000xi32, #tpu.memory_space<hbm>>
      tpu.enqueue_dma source(%dma_start3A_10 : memref<5000xi32, #tpu.memory_space<hbm>>) target(%arg8 : memref<5000xi32, #tpu.memory_space<vmem>>) target_semaphore(%run_scoped3A : memref<!tpu.dma_semaphore, #tpu.memory_space<semaphore_mem>>)
      %dma_wait3A = tpu.memref_slice %arg4[%mul3A_2] : memref<160000xi32, #tpu.memory_space<hbm>> -> memref<5000xi32, #tpu.memory_space<hbm>>
      %dma_wait3A_11 = tpu.memref_slice %arg4[%mul3A_2] : memref<160000xi32, #tpu.memory_space<hbm>> -> memref<5000xi32, #tpu.memory_space<hbm>>
      tpu.wait_dma2 semaphore(%run_scoped3A : memref<!tpu.dma_semaphore, #tpu.memory_space<semaphore_mem>>) src(%dma_wait3A_11 : memref<5000xi32, #tpu.memory_space<hbm>>) dst(%arg8 : memref<5000xi32, #tpu.memory_space<vmem>>)
      tpu.yield
    }) : () -> ()
    %mul3A_3 = arith.constant 5000 : i32
    %mul3A_4 = arith.muli %add3A, %mul3A_3 : i32
    "tpu.region"() ({
      %run_scoped3A = tpu.sem_alloc : memref<!tpu.dma_semaphore, #tpu.memory_space<semaphore_mem>>
      %dma_start3A = tpu.memref_slice %arg5[%mul3A_4] : memref<160000xi32, #tpu.memory_space<hbm>> -> memref<5000xi32, #tpu.memory_space<hbm>>
      %dma_start3A_10 = tpu.memref_slice %arg5[%mul3A_4] : memref<160000xi32, #tpu.memory_space<hbm>> -> memref<5000xi32, #tpu.memory_space<hbm>>
      tpu.enqueue_dma source(%dma_start3A_10 : memref<5000xi32, #tpu.memory_space<hbm>>) target(%arg9 : memref<5000xi32, #tpu.memory_space<vmem>>) target_semaphore(%run_scoped3A : memref<!tpu.dma_semaphore, #tpu.memory_space<semaphore_mem>>)
      %dma_wait3A = tpu.memref_slice %arg5[%mul3A_4] : memref<160000xi32, #tpu.memory_space<hbm>> -> memref<5000xi32, #tpu.memory_space<hbm>>
      %dma_wait3A_11 = tpu.memref_slice %arg5[%mul3A_4] : memref<160000xi32, #tpu.memory_space<hbm>> -> memref<5000xi32, #tpu.memory_space<hbm>>
      tpu.wait_dma2 semaphore(%run_scoped3A : memref<!tpu.dma_semaphore, #tpu.memory_space<semaphore_mem>>) src(%dma_wait3A_11 : memref<5000xi32, #tpu.memory_space<hbm>>) dst(%arg9 : memref<5000xi32, #tpu.memory_space<vmem>>)
      tpu.yield
    }) : () -> ()
    %scan3A = arith.constant 0 : i32
    %scan3A_5 = arith.constant 0 : i32
    %scan3A_6 = arith.constant 25 : i32
    %scan3A_7 = arith.addi %scan3A_5, %scan3A_6 : i32
    %scan3A_8 = arith.constant 1 : i32
    scf.for %scan3A_10 = %scan3A_5 to %scan3A_7 step %scan3A_8  : i32 {
      %mul3A_11 = arith.constant 5000 : i32
      %mul3A_12 = arith.muli %add3A, %mul3A_11 : i32
      %mul3A_13 = arith.constant 200 : i32
      %mul3A_14 = arith.muli %scan3A_10, %mul3A_13 : i32
      %add3A_15 = arith.addi %mul3A_12, %mul3A_14 : i32
      %mul3A_16 = arith.constant 200 : i32
      %mul3A_17 = arith.muli %scan3A_10, %mul3A_16 : i32
      %dma_start3A = tpu.memref_slice %arg8[%mul3A_17] : memref<5000xi32, #tpu.memory_space<vmem>> -> memref<200xi32, #tpu.memory_space<vmem>>
      %dma_start3A_18 = arith.constant 0 : i32
      %dma_start3A_19 = arith.constant 0 : i32
      %dma_start3A_20 = tpu.memref_slice %arg2[%dma_start3A_18, %dma_start3A_19] : memref<10000x128xi32, #tpu.memory_space<hbm>> -> memref<10000x128xi32, #tpu.memory_space<hbm>>
      tpu.enqueue_indirect_dma source(%dma_start3A_20 : memref<10000x128xi32, #tpu.memory_space<hbm>>) target(%arg10 : memref<200x128xi32, #tpu.memory_space<vmem>>) offsets(%dma_start3A : memref<200xi32, #tpu.memory_space<vmem>>) semaphore(%arg12 : memref<!tpu.dma_semaphore, #tpu.memory_space<semaphore_mem>>)
      %mul3A_21 = arith.constant 200 : i32
      %mul3A_22 = arith.muli %scan3A_10, %mul3A_21 : i32
      %dma_start3A_23 = tpu.memref_slice %arg9[%mul3A_22] : memref<5000xi32, #tpu.memory_space<vmem>> -> memref<200xi32, #tpu.memory_space<vmem>>
      %dma_start3A_24 = arith.constant 0 : i32
      %dma_start3A_25 = arith.constant 0 : i32
      %dma_start3A_26 = tpu.memref_slice %arg3[%dma_start3A_24, %dma_start3A_25] : memref<10000x128xi32, #tpu.memory_space<hbm>> -> memref<10000x128xi32, #tpu.memory_space<hbm>>
      tpu.enqueue_indirect_dma source(%dma_start3A_26 : memref<10000x128xi32, #tpu.memory_space<hbm>>) target(%arg11 : memref<200x128xi32, #tpu.memory_space<vmem>>) offsets(%dma_start3A_23 : memref<200xi32, #tpu.memory_space<vmem>>) semaphore(%arg13 : memref<!tpu.dma_semaphore, #tpu.memory_space<semaphore_mem>>)
      %dma_wait3A = tpu.memref_slice %arg8[%mul3A_17] : memref<5000xi32, #tpu.memory_space<vmem>> -> memref<200xi32, #tpu.memory_space<vmem>>
      %dma_wait3A_27 = arith.constant 0 : i32
      %dma_wait3A_28 = arith.constant 0 : i32
      %dma_wait3A_29 = tpu.memref_slice %arg2[%dma_wait3A_27, %dma_wait3A_28] : memref<10000x128xi32, #tpu.memory_space<hbm>> -> memref<10000x128xi32, #tpu.memory_space<hbm>>
      tpu.wait_indirect_dma semaphore(%arg12 : memref<!tpu.dma_semaphore, #tpu.memory_space<semaphore_mem>>) src(%dma_wait3A_29 : memref<10000x128xi32, #tpu.memory_space<hbm>>) dst(%arg10 : memref<200x128xi32, #tpu.memory_space<vmem>>)
      %dma_wait3A_30 = tpu.memref_slice %arg9[%mul3A_22] : memref<5000xi32, #tpu.memory_space<vmem>> -> memref<200xi32, #tpu.memory_space<vmem>>
      %dma_wait3A_31 = arith.constant 0 : i32
      %dma_wait3A_32 = arith.constant 0 : i32
      %dma_wait3A_33 = tpu.memref_slice %arg3[%dma_wait3A_31, %dma_wait3A_32] : memref<10000x128xi32, #tpu.memory_space<hbm>> -> memref<10000x128xi32, #tpu.memory_space<hbm>>
      tpu.wait_indirect_dma semaphore(%arg13 : memref<!tpu.dma_semaphore, #tpu.memory_space<semaphore_mem>>) src(%dma_wait3A_33 : memref<10000x128xi32, #tpu.memory_space<hbm>>) dst(%arg11 : memref<200x128xi32, #tpu.memory_space<vmem>>)
      %dma_start3A_34 = arith.constant 0 : i32
      %dma_start3A_35 = tpu.memref_slice %arg6[%add3A_15, %dma_start3A_34] : memref<160000x128xi32, #tpu.memory_space<hbm>> -> memref<200x128xi32, #tpu.memory_space<hbm>>
      %dma_start3A_36 = arith.constant 0 : i32
      %dma_start3A_37 = tpu.memref_slice %arg6[%add3A_15, %dma_start3A_36] : memref<160000x128xi32, #tpu.memory_space<hbm>> -> memref<200x128xi32, #tpu.memory_space<hbm>>
      tpu.enqueue_dma source(%arg10 : memref<200x128xi32, #tpu.memory_space<vmem>>) target(%dma_start3A_37 : memref<200x128xi32, #tpu.memory_space<hbm>>) target_semaphore(%arg14 : memref<!tpu.dma_semaphore, #tpu.memory_space<semaphore_mem>>)
      %dma_start3A_38 = arith.constant 0 : i32
      %dma_start3A_39 = tpu.memref_slice %arg7[%add3A_15, %dma_start3A_38] : memref<160000x128xi32, #tpu.memory_space<hbm>> -> memref<200x128xi32, #tpu.memory_space<hbm>>
      %dma_start3A_40 = arith.constant 0 : i32
      %dma_start3A_41 = tpu.memref_slice %arg7[%add3A_15, %dma_start3A_40] : memref<160000x128xi32, #tpu.memory_space<hbm>> -> memref<200x128xi32, #tpu.memory_space<hbm>>
      tpu.enqueue_dma source(%arg11 : memref<200x128xi32, #tpu.memory_space<vmem>>) target(%dma_start3A_41 : memref<200x128xi32, #tpu.memory_space<hbm>>) target_semaphore(%arg15 : memref<!tpu.dma_semaphore, #tpu.memory_space<semaphore_mem>>)
      %dma_wait3A_42 = arith.constant 0 : i32
      %dma_wait3A_43 = tpu.memref_slice %arg6[%add3A_15, %dma_wait3A_42] : memref<160000x128xi32, #tpu.memory_space<hbm>> -> memref<200x128xi32, #tpu.memory_space<hbm>>
      %dma_wait3A_44 = arith.constant 0 : i32
      %dma_wait3A_45 = tpu.memref_slice %arg6[%add3A_15, %dma_wait3A_44] : memref<160000x128xi32, #tpu.memory_space<hbm>> -> memref<200x128xi32, #tpu.memory_space<hbm>>
      tpu.wait_dma2 semaphore(%arg14 : memref<!tpu.dma_semaphore, #tpu.memory_space<semaphore_mem>>) src(%arg10 : memref<200x128xi32, #tpu.memory_space<vmem>>) dst(%dma_wait3A_45 : memref<200x128xi32, #tpu.memory_space<hbm>>)
      %dma_wait3A_46 = arith.constant 0 : i32
      %dma_wait3A_47 = tpu.memref_slice %arg7[%add3A_15, %dma_wait3A_46] : memref<160000x128xi32, #tpu.memory_space<hbm>> -> memref<200x128xi32, #tpu.memory_space<hbm>>
      %dma_wait3A_48 = arith.constant 0 : i32
      %dma_wait3A_49 = tpu.memref_slice %arg7[%add3A_15, %dma_wait3A_48] : memref<160000x128xi32, #tpu.memory_space<hbm>> -> memref<200x128xi32, #tpu.memory_space<hbm>>
      tpu.wait_dma2 semaphore(%arg15 : memref<!tpu.dma_semaphore, #tpu.memory_space<semaphore_mem>>) src(%arg11 : memref<200x128xi32, #tpu.memory_space<vmem>>) dst(%dma_wait3A_49 : memref<200x128xi32, #tpu.memory_space<hbm>>)
    }
    %scan3A_9 = arith.constant 25 : i32
    return
  }
}

#map = affine_map<(d0, d1) -> (0, 0)>
#map1 = affine_map<(d0, d1) -> (0)>
module attributes {stable_mosaic.version = 14 : i64} {
  func.func @gat(%arg0: i32, %arg1: i32, %arg2: memref<10000x128xi32, #tpu.memory_space<hbm>>, %arg3: memref<10000x128xi32, #tpu.memory_space<hbm>>, %arg4: memref<160000xi32, #tpu.memory_space<hbm>>, %arg5: memref<160000xi32, #tpu.memory_space<hbm>>, %arg6: memref<160000x128xi32, #tpu.memory_space<hbm>>, %arg7: memref<160000x128xi32, #tpu.memory_space<hbm>>, %arg8: memref<5000xi32, #tpu.memory_space<vmem>>, %arg9: memref<5000xi32, #tpu.memory_space<vmem>>, %arg10: memref<200x128xi32, #tpu.memory_space<vmem>>, %arg11: memref<200x128xi32, #tpu.memory_space<vmem>>, %arg12: memref<!tpu.dma_semaphore, #tpu.memory_space<semaphore_mem>>, %arg13: memref<!tpu.dma_semaphore, #tpu.memory_space<semaphore_mem>>, %arg14: memref<!tpu.dma_semaphore, #tpu.memory_space<semaphore_mem>>, %arg15: memref<!tpu.dma_semaphore, #tpu.memory_space<semaphore_mem>>) attributes {dimension_semantics = [#tpu.dimension_semantics<core_parallel>, #tpu.dimension_semantics<subcore_parallel>], iteration_bounds = array<i64: 2, 16>, scalar_prefetch = 0 : i64, scratch_operands = 8 : i64, tpu.core_type = #tpu.core_type<sc_vector_subcore>, window_params = [{transform_indices = #map}, {transform_indices = #map}, {transform_indices = #map1}, {transform_indices = #map1}, {transform_indices = #map}, {transform_indices = #map}]} {
    %mul3A = arith.constant 2 : i32
    %mul3A_0 = arith.muli %arg1, %mul3A : i32
    %add3A = arith.addi %mul3A_0, %arg0 : i32
    %mul3A_1 = arith.constant 5000 : i32
    %mul3A_2 = arith.muli %add3A, %mul3A_1 : i32
    "tpu.region"() ({
      %run_scoped3A = tpu.sem_alloc : memref<!tpu.dma_semaphore, #tpu.memory_space<semaphore_mem>>
      %dma_start3A = tpu.memref_slice %arg4[%mul3A_2] : memref<160000xi32, #tpu.memory_space<hbm>> -> memref<5000xi32, #tpu.memory_space<hbm>>
      %dma_start3A_10 = tpu.memref_slice %arg4[%mul3A_2] : memref<160000xi32, #tpu.memory_space<hbm>> -> memref<5000xi32, #tpu.memory_space<hbm>>
      tpu.enqueue_dma source(%dma_start3A_10 : memref<5000xi32, #tpu.memory_space<hbm>>) target(%arg8 : memref<5000xi32, #tpu.memory_space<vmem>>) target_semaphore(%run_scoped3A : memref<!tpu.dma_semaphore, #tpu.memory_space<semaphore_mem>>)
      %dma_wait3A = tpu.memref_slice %arg4[%mul3A_2] : memref<160000xi32, #tpu.memory_space<hbm>> -> memref<5000xi32, #tpu.memory_space<hbm>>
      %dma_wait3A_11 = tpu.memref_slice %arg4[%mul3A_2] : memref<160000xi32, #tpu.memory_space<hbm>> -> memref<5000xi32, #tpu.memory_space<hbm>>
      tpu.wait_dma2 semaphore(%run_scoped3A : memref<!tpu.dma_semaphore, #tpu.memory_space<semaphore_mem>>) src(%dma_wait3A_11 : memref<5000xi32, #tpu.memory_space<hbm>>) dst(%arg8 : memref<5000xi32, #tpu.memory_space<vmem>>)
      tpu.yield
    }) : () -> ()
    %mul3A_3 = arith.constant 5000 : i32
    %mul3A_4 = arith.muli %add3A, %mul3A_3 : i32
    "tpu.region"() ({
      %run_scoped3A = tpu.sem_alloc : memref<!tpu.dma_semaphore, #tpu.memory_space<semaphore_mem>>
      %dma_start3A = tpu.memref_slice %arg5[%mul3A_4] : memref<160000xi32, #tpu.memory_space<hbm>> -> memref<5000xi32, #tpu.memory_space<hbm>>
      %dma_start3A_10 = tpu.memref_slice %arg5[%mul3A_4] : memref<160000xi32, #tpu.memory_space<hbm>> -> memref<5000xi32, #tpu.memory_space<hbm>>
      tpu.enqueue_dma source(%dma_start3A_10 : memref<5000xi32, #tpu.memory_space<hbm>>) target(%arg9 : memref<5000xi32, #tpu.memory_space<vmem>>) target_semaphore(%run_scoped3A : memref<!tpu.dma_semaphore, #tpu.memory_space<semaphore_mem>>)
      %dma_wait3A = tpu.memref_slice %arg5[%mul3A_4] : memref<160000xi32, #tpu.memory_space<hbm>> -> memref<5000xi32, #tpu.memory_space<hbm>>
      %dma_wait3A_11 = tpu.memref_slice %arg5[%mul3A_4] : memref<160000xi32, #tpu.memory_space<hbm>> -> memref<5000xi32, #tpu.memory_space<hbm>>
      tpu.wait_dma2 semaphore(%run_scoped3A : memref<!tpu.dma_semaphore, #tpu.memory_space<semaphore_mem>>) src(%dma_wait3A_11 : memref<5000xi32, #tpu.memory_space<hbm>>) dst(%arg9 : memref<5000xi32, #tpu.memory_space<vmem>>)
      tpu.yield
    }) : () -> ()
    %scan3A = arith.constant 0 : i32
    %scan3A_5 = arith.constant 0 : i32
    %scan3A_6 = arith.constant 25 : i32
    %scan3A_7 = arith.addi %scan3A_5, %scan3A_6 : i32
    %scan3A_8 = arith.constant 1 : i32
    scf.for %scan3A_10 = %scan3A_5 to %scan3A_7 step %scan3A_8  : i32 {
      %mul3A_11 = arith.constant 5000 : i32
      %mul3A_12 = arith.muli %add3A, %mul3A_11 : i32
      %mul3A_13 = arith.constant 200 : i32
      %mul3A_14 = arith.muli %scan3A_10, %mul3A_13 : i32
      %add3A_15 = arith.addi %mul3A_12, %mul3A_14 : i32
      %mul3A_16 = arith.constant 200 : i32
      %mul3A_17 = arith.muli %scan3A_10, %mul3A_16 : i32
      %dma_start3A = tpu.memref_slice %arg8[%mul3A_17] : memref<5000xi32, #tpu.memory_space<vmem>> -> memref<200xi32, #tpu.memory_space<vmem>>
      %dma_start3A_18 = arith.constant 0 : i32
      %dma_start3A_19 = arith.constant 0 : i32
      %dma_start3A_20 = tpu.memref_slice %arg2[%dma_start3A_18, %dma_start3A_19] : memref<10000x128xi32, #tpu.memory_space<hbm>> -> memref<10000x128xi32, #tpu.memory_space<hbm>>
      tpu.enqueue_indirect_dma source(%dma_start3A_20 : memref<10000x128xi32, #tpu.memory_space<hbm>>) target(%arg10 : memref<200x128xi32, #tpu.memory_space<vmem>>) offsets(%dma_start3A : memref<200xi32, #tpu.memory_space<vmem>>) semaphore(%arg12 : memref<!tpu.dma_semaphore, #tpu.memory_space<semaphore_mem>>)
      %mul3A_21 = arith.constant 200 : i32
      %mul3A_22 = arith.muli %scan3A_10, %mul3A_21 : i32
      %dma_start3A_23 = tpu.memref_slice %arg9[%mul3A_22] : memref<5000xi32, #tpu.memory_space<vmem>> -> memref<200xi32, #tpu.memory_space<vmem>>
      %dma_start3A_24 = arith.constant 0 : i32
      %dma_start3A_25 = arith.constant 0 : i32
      %dma_start3A_26 = tpu.memref_slice %arg3[%dma_start3A_24, %dma_start3A_25] : memref<10000x128xi32, #tpu.memory_space<hbm>> -> memref<10000x128xi32, #tpu.memory_space<hbm>>
      tpu.enqueue_indirect_dma source(%dma_start3A_26 : memref<10000x128xi32, #tpu.memory_space<hbm>>) target(%arg11 : memref<200x128xi32, #tpu.memory_space<vmem>>) offsets(%dma_start3A_23 : memref<200xi32, #tpu.memory_space<vmem>>) semaphore(%arg13 : memref<!tpu.dma_semaphore, #tpu.memory_space<semaphore_mem>>)
      %dma_wait3A = tpu.memref_slice %arg8[%mul3A_17] : memref<5000xi32, #tpu.memory_space<vmem>> -> memref<200xi32, #tpu.memory_space<vmem>>
      %dma_wait3A_27 = arith.constant 0 : i32
      %dma_wait3A_28 = arith.constant 0 : i32
      %dma_wait3A_29 = tpu.memref_slice %arg2[%dma_wait3A_27, %dma_wait3A_28] : memref<10000x128xi32, #tpu.memory_space<hbm>> -> memref<10000x128xi32, #tpu.memory_space<hbm>>
      tpu.wait_indirect_dma semaphore(%arg12 : memref<!tpu.dma_semaphore, #tpu.memory_space<semaphore_mem>>) src(%dma_wait3A_29 : memref<10000x128xi32, #tpu.memory_space<hbm>>) dst(%arg10 : memref<200x128xi32, #tpu.memory_space<vmem>>)
      %dma_wait3A_30 = tpu.memref_slice %arg9[%mul3A_22] : memref<5000xi32, #tpu.memory_space<vmem>> -> memref<200xi32, #tpu.memory_space<vmem>>
      %dma_wait3A_31 = arith.constant 0 : i32
      %dma_wait3A_32 = arith.constant 0 : i32
      %dma_wait3A_33 = tpu.memref_slice %arg3[%dma_wait3A_31, %dma_wait3A_32] : memref<10000x128xi32, #tpu.memory_space<hbm>> -> memref<10000x128xi32, #tpu.memory_space<hbm>>
      tpu.wait_indirect_dma semaphore(%arg13 : memref<!tpu.dma_semaphore, #tpu.memory_space<semaphore_mem>>) src(%dma_wait3A_33 : memref<10000x128xi32, #tpu.memory_space<hbm>>) dst(%arg11 : memref<200x128xi32, #tpu.memory_space<vmem>>)
      %dma_start3A_34 = arith.constant 0 : i32
      %dma_start3A_35 = tpu.memref_slice %arg6[%add3A_15, %dma_start3A_34] : memref<160000x128xi32, #tpu.memory_space<hbm>> -> memref<200x128xi32, #tpu.memory_space<hbm>>
      %dma_start3A_36 = arith.constant 0 : i32
      %dma_start3A_37 = tpu.memref_slice %arg6[%add3A_15, %dma_start3A_36] : memref<160000x128xi32, #tpu.memory_space<hbm>> -> memref<200x128xi32, #tpu.memory_space<hbm>>
      tpu.enqueue_dma source(%arg10 : memref<200x128xi32, #tpu.memory_space<vmem>>) target(%dma_start3A_37 : memref<200x128xi32, #tpu.memory_space<hbm>>) target_semaphore(%arg14 : memref<!tpu.dma_semaphore, #tpu.memory_space<semaphore_mem>>)
      %dma_start3A_38 = arith.constant 0 : i32
      %dma_start3A_39 = tpu.memref_slice %arg7[%add3A_15, %dma_start3A_38] : memref<160000x128xi32, #tpu.memory_space<hbm>> -> memref<200x128xi32, #tpu.memory_space<hbm>>
      %dma_start3A_40 = arith.constant 0 : i32
      %dma_start3A_41 = tpu.memref_slice %arg7[%add3A_15, %dma_start3A_40] : memref<160000x128xi32, #tpu.memory_space<hbm>> -> memref<200x128xi32, #tpu.memory_space<hbm>>
      tpu.enqueue_dma source(%arg11 : memref<200x128xi32, #tpu.memory_space<vmem>>) target(%dma_start3A_41 : memref<200x128xi32, #tpu.memory_space<hbm>>) target_semaphore(%arg15 : memref<!tpu.dma_semaphore, #tpu.memory_space<semaphore_mem>>)
      %dma_wait3A_42 = arith.constant 0 : i32
      %dma_wait3A_43 = tpu.memref_slice %arg6[%add3A_15, %dma_wait3A_42] : memref<160000x128xi32, #tpu.memory_space<hbm>> -> memref<200x128xi32, #tpu.memory_space<hbm>>
      %dma_wait3A_44 = arith.constant 0 : i32
      %dma_wait3A_45 = tpu.memref_slice %arg6[%add3A_15, %dma_wait3A_44] : memref<160000x128xi32, #tpu.memory_space<hbm>> -> memref<200x128xi32, #tpu.memory_space<hbm>>
      tpu.wait_dma2 semaphore(%arg14 : memref<!tpu.dma_semaphore, #tpu.memory_space<semaphore_mem>>) src(%arg10 : memref<200x128xi32, #tpu.memory_space<vmem>>) dst(%dma_wait3A_45 : memref<200x128xi32, #tpu.memory_space<hbm>>)
      %dma_wait3A_46 = arith.constant 0 : i32
      %dma_wait3A_47 = tpu.memref_slice %arg7[%add3A_15, %dma_wait3A_46] : memref<160000x128xi32, #tpu.memory_space<hbm>> -> memref<200x128xi32, #tpu.memory_space<hbm>>
      %dma_wait3A_48 = arith.constant 0 : i32
      %dma_wait3A_49 = tpu.memref_slice %arg7[%add3A_15, %dma_wait3A_48] : memref<160000x128xi32, #tpu.memory_space<hbm>> -> memref<200x128xi32, #tpu.memory_space<hbm>>
      tpu.wait_dma2 semaphore(%arg15 : memref<!tpu.dma_semaphore, #tpu.memory_space<semaphore_mem>>) src(%arg11 : memref<200x128xi32, #tpu.memory_space<vmem>>) dst(%dma_wait3A_49 : memref<200x128xi32, #tpu.memory_space<hbm>>)
    }
    %scan3A_9 = arith.constant 25 : i32
    return
  }
}

#map = affine_map<(d0, d1) -> (0, 0)>
#map1 = affine_map<(d0, d1) -> (0)>
#map2 = affine_map<(d0, d1) -> (0, 0, 0)>
module attributes {stable_mosaic.version = 14 : i64} {
  func.func @scat(%arg0: i32, %arg1: i32, %arg2: memref<160000x128xf32, #tpu.memory_space<hbm>>, %arg3: memref<160000xi32, #tpu.memory_space<hbm>>, %arg4: memref<640x128xf32, #tpu.memory_space<hbm>>, %arg5: memref<2x10240x128xf32, #tpu.memory_space<hbm>>, %arg6: memref<200x128xf32, #tpu.memory_space<vmem>>, %arg7: memref<200xi32, #tpu.memory_space<vmem>>, %arg8: memref<!tpu.dma_semaphore, #tpu.memory_space<semaphore_mem>>, %arg9: memref<!tpu.dma_semaphore, #tpu.memory_space<semaphore_mem>>, %arg10: memref<10240x128xf32, #tpu.memory_space<vmem_shared>>) attributes {dimension_semantics = [#tpu.dimension_semantics<core_parallel>, #tpu.dimension_semantics<subcore_parallel>], iteration_bounds = array<i64: 2, 16>, scalar_prefetch = 0 : i64, scratch_operands = 5 : i64, tpu.core_type = #tpu.core_type<sc_vector_subcore>, window_params = [{transform_indices = #map}, {transform_indices = #map1}, {transform_indices = #map}, {transform_indices = #map2}]} {
    %mul3A = arith.constant 2 : i32
    %mul3A_0 = arith.muli %arg1, %mul3A : i32
    %add3A = arith.addi %mul3A_0, %arg0 : i32
    %mul3A_1 = arith.constant 640 : i32
    %mul3A_2 = arith.muli %arg1, %mul3A_1 : i32
    "tpu.region"() ({
      %run_scoped3A = tpu.sem_alloc : memref<!tpu.dma_semaphore, #tpu.memory_space<semaphore_mem>>
      %dma_start3A = arith.constant 0 : i32
      %dma_start3A_15 = tpu.memref_slice %arg10[%mul3A_2, %dma_start3A] : memref<10240x128xf32, #tpu.memory_space<vmem_shared>> -> memref<640x128xf32, #tpu.memory_space<vmem_shared>>
      tpu.enqueue_dma source(%arg4 : memref<640x128xf32, #tpu.memory_space<hbm>>) target(%dma_start3A_15 : memref<640x128xf32, #tpu.memory_space<vmem_shared>>) target_semaphore(%run_scoped3A : memref<!tpu.dma_semaphore, #tpu.memory_space<semaphore_mem>>)
      %dma_wait3A = arith.constant 0 : i32
      %dma_wait3A_16 = tpu.memref_slice %arg10[%mul3A_2, %dma_wait3A] : memref<10240x128xf32, #tpu.memory_space<vmem_shared>> -> memref<640x128xf32, #tpu.memory_space<vmem_shared>>
      tpu.wait_dma2 semaphore(%run_scoped3A : memref<!tpu.dma_semaphore, #tpu.memory_space<semaphore_mem>>) src(%arg4 : memref<640x128xf32, #tpu.memory_space<hbm>>) dst(%dma_wait3A_16 : memref<640x128xf32, #tpu.memory_space<vmem_shared>>)
      tpu.yield
    }) : () -> ()
    %barrier3A = arith.constant 0 : index
    tpu.barrier barrier_id(%barrier3A)
    %scan3A = arith.constant 0 : i32
    %scan3A_3 = arith.constant 0 : i32
    %scan3A_4 = arith.constant 25 : i32
    %scan3A_5 = arith.addi %scan3A_3, %scan3A_4 : i32
    %scan3A_6 = arith.constant 1 : i32
    scf.for %scan3A_15 = %scan3A_3 to %scan3A_5 step %scan3A_6  : i32 {
      %mul3A_16 = arith.constant 5000 : i32
      %mul3A_17 = arith.muli %add3A, %mul3A_16 : i32
      %mul3A_18 = arith.constant 200 : i32
      %mul3A_19 = arith.muli %scan3A_15, %mul3A_18 : i32
      %add3A_20 = arith.addi %mul3A_17, %mul3A_19 : i32
      %dma_start3A = tpu.memref_slice %arg3[%add3A_20] : memref<160000xi32, #tpu.memory_space<hbm>> -> memref<200xi32, #tpu.memory_space<hbm>>
      %dma_start3A_21 = tpu.memref_slice %arg3[%add3A_20] : memref<160000xi32, #tpu.memory_space<hbm>> -> memref<200xi32, #tpu.memory_space<hbm>>
      tpu.enqueue_dma source(%dma_start3A_21 : memref<200xi32, #tpu.memory_space<hbm>>) target(%arg7 : memref<200xi32, #tpu.memory_space<vmem>>) target_semaphore(%arg9 : memref<!tpu.dma_semaphore, #tpu.memory_space<semaphore_mem>>)
      %dma_start3A_22 = arith.constant 0 : i32
      %dma_start3A_23 = tpu.memref_slice %arg2[%add3A_20, %dma_start3A_22] : memref<160000x128xf32, #tpu.memory_space<hbm>> -> memref<200x128xf32, #tpu.memory_space<hbm>>
      %dma_start3A_24 = arith.constant 0 : i32
      %dma_start3A_25 = tpu.memref_slice %arg2[%add3A_20, %dma_start3A_24] : memref<160000x128xf32, #tpu.memory_space<hbm>> -> memref<200x128xf32, #tpu.memory_space<hbm>>
      tpu.enqueue_dma source(%dma_start3A_25 : memref<200x128xf32, #tpu.memory_space<hbm>>) target(%arg6 : memref<200x128xf32, #tpu.memory_space<vmem>>) target_semaphore(%arg8 : memref<!tpu.dma_semaphore, #tpu.memory_space<semaphore_mem>>)
      %dma_wait3A = tpu.memref_slice %arg3[%add3A_20] : memref<160000xi32, #tpu.memory_space<hbm>> -> memref<200xi32, #tpu.memory_space<hbm>>
      %dma_wait3A_26 = tpu.memref_slice %arg3[%add3A_20] : memref<160000xi32, #tpu.memory_space<hbm>> -> memref<200xi32, #tpu.memory_space<hbm>>
      tpu.wait_dma2 semaphore(%arg9 : memref<!tpu.dma_semaphore, #tpu.memory_space<semaphore_mem>>) src(%dma_wait3A_26 : memref<200xi32, #tpu.memory_space<hbm>>) dst(%arg7 : memref<200xi32, #tpu.memory_space<vmem>>)
      %dma_wait3A_27 = arith.constant 0 : i32
      %dma_wait3A_28 = tpu.memref_slice %arg2[%add3A_20, %dma_wait3A_27] : memref<160000x128xf32, #tpu.memory_space<hbm>> -> memref<200x128xf32, #tpu.memory_space<hbm>>
      %dma_wait3A_29 = arith.constant 0 : i32
      %dma_wait3A_30 = tpu.memref_slice %arg2[%add3A_20, %dma_wait3A_29] : memref<160000x128xf32, #tpu.memory_space<hbm>> -> memref<200x128xf32, #tpu.memory_space<hbm>>
      tpu.wait_dma2 semaphore(%arg8 : memref<!tpu.dma_semaphore, #tpu.memory_space<semaphore_mem>>) src(%dma_wait3A_30 : memref<200x128xf32, #tpu.memory_space<hbm>>) dst(%arg6 : memref<200x128xf32, #tpu.memory_space<vmem>>)
      "tpu.region"() ({
        %run_scoped3A = tpu.sem_alloc : memref<!tpu.dma_semaphore, #tpu.memory_space<semaphore_mem>>
        %dma_start3A_31 = arith.constant 0 : i32
        %dma_start3A_32 = arith.constant 0 : i32
        %dma_start3A_33 = tpu.memref_slice %arg10[%dma_start3A_31, %dma_start3A_32] : memref<10240x128xf32, #tpu.memory_space<vmem_shared>> -> memref<10240x128xf32, #tpu.memory_space<vmem_shared>>
        tpu.enqueue_indirect_dma source(%arg6 : memref<200x128xf32, #tpu.memory_space<vmem>>) target(%dma_start3A_33 : memref<10240x128xf32, #tpu.memory_space<vmem_shared>>) offsets(%arg7 : memref<200xi32, #tpu.memory_space<vmem>>) semaphore(%run_scoped3A : memref<!tpu.dma_semaphore, #tpu.memory_space<semaphore_mem>>) {add = true}
        %dma_wait3A_34 = arith.constant 0 : i32
        %dma_wait3A_35 = arith.constant 0 : i32
        %dma_wait3A_36 = tpu.memref_slice %arg10[%dma_wait3A_34, %dma_wait3A_35] : memref<10240x128xf32, #tpu.memory_space<vmem_shared>> -> memref<10240x128xf32, #tpu.memory_space<vmem_shared>>
        tpu.wait_indirect_dma semaphore(%run_scoped3A : memref<!tpu.dma_semaphore, #tpu.memory_space<semaphore_mem>>) src(%arg6 : memref<200x128xf32, #tpu.memory_space<vmem>>) dst(%dma_wait3A_36 : memref<10240x128xf32, #tpu.memory_space<vmem_shared>>)
        tpu.yield
      }) : () -> ()
    }
    %scan3A_7 = arith.constant 25 : i32
    %barrier3A_8 = arith.constant 0 : index
    tpu.barrier barrier_id(%barrier3A_8)
    %scan3A_9 = arith.constant 0 : i32
    %scan3A_10 = arith.constant 0 : i32
    %scan3A_11 = arith.constant 4 : i32
    %scan3A_12 = arith.addi %scan3A_10, %scan3A_11 : i32
    %scan3A_13 = arith.constant 1 : i32
    scf.for %scan3A_15 = %scan3A_10 to %scan3A_12 step %scan3A_13  : i32 {
      %mul3A_16 = arith.constant 640 : i32
      %mul3A_17 = arith.muli %arg1, %mul3A_16 : i32
      %mul3A_18 = arith.constant 160 : i32
      %mul3A_19 = arith.muli %scan3A_15, %mul3A_18 : i32
      %add3A_20 = arith.addi %mul3A_17, %mul3A_19 : i32
      "tpu.region"() ({
        %run_scoped3A = tpu.sem_alloc : memref<!tpu.dma_semaphore, #tpu.memory_space<semaphore_mem>>
        %dma_start3A = arith.constant 0 : i32
        %dma_start3A_21 = arith.constant 0 : i32
        %dma_start3A_22 = tpu.memref_slice %arg6[%dma_start3A, %dma_start3A_21] : memref<200x128xf32, #tpu.memory_space<vmem>> -> memref<160x128xf32, #tpu.memory_space<vmem>>
        %dma_start3A_23 = arith.constant 0 : i32
        %dma_start3A_24 = tpu.memref_slice %arg10[%add3A_20, %dma_start3A_23] : memref<10240x128xf32, #tpu.memory_space<vmem_shared>> -> memref<160x128xf32, #tpu.memory_space<vmem_shared>>
        %dma_start3A_25 = arith.constant 0 : i32
        %dma_start3A_26 = arith.constant 0 : i32
        %dma_start3A_27 = tpu.memref_slice %arg6[%dma_start3A_25, %dma_start3A_26] : memref<200x128xf32, #tpu.memory_space<vmem>> -> memref<160x128xf32, #tpu.memory_space<vmem>>
        %dma_start3A_28 = arith.constant 0 : i32
        %dma_start3A_29 = tpu.memref_slice %arg10[%add3A_20, %dma_start3A_28] : memref<10240x128xf32, #tpu.memory_space<vmem_shared>> -> memref<160x128xf32, #tpu.memory_space<vmem_shared>>
        tpu.enqueue_dma source(%dma_start3A_29 : memref<160x128xf32, #tpu.memory_space<vmem_shared>>) target(%dma_start3A_27 : memref<160x128xf32, #tpu.memory_space<vmem>>) target_semaphore(%run_scoped3A : memref<!tpu.dma_semaphore, #tpu.memory_space<semaphore_mem>>)
        %dma_wait3A = arith.constant 0 : i32
        %dma_wait3A_30 = arith.constant 0 : i32
        %dma_wait3A_31 = tpu.memref_slice %arg6[%dma_wait3A, %dma_wait3A_30] : memref<200x128xf32, #tpu.memory_space<vmem>> -> memref<160x128xf32, #tpu.memory_space<vmem>>
        %dma_wait3A_32 = arith.constant 0 : i32
        %dma_wait3A_33 = tpu.memref_slice %arg10[%add3A_20, %dma_wait3A_32] : memref<10240x128xf32, #tpu.memory_space<vmem_shared>> -> memref<160x128xf32, #tpu.memory_space<vmem_shared>>
        %dma_wait3A_34 = arith.constant 0 : i32
        %dma_wait3A_35 = arith.constant 0 : i32
        %dma_wait3A_36 = tpu.memref_slice %arg6[%dma_wait3A_34, %dma_wait3A_35] : memref<200x128xf32, #tpu.memory_space<vmem>> -> memref<160x128xf32, #tpu.memory_space<vmem>>
        %dma_wait3A_37 = arith.constant 0 : i32
        %dma_wait3A_38 = tpu.memref_slice %arg10[%add3A_20, %dma_wait3A_37] : memref<10240x128xf32, #tpu.memory_space<vmem_shared>> -> memref<160x128xf32, #tpu.memory_space<vmem_shared>>
        tpu.wait_dma2 semaphore(%run_scoped3A : memref<!tpu.dma_semaphore, #tpu.memory_space<semaphore_mem>>) src(%dma_wait3A_38 : memref<160x128xf32, #tpu.memory_space<vmem_shared>>) dst(%dma_wait3A_36 : memref<160x128xf32, #tpu.memory_space<vmem>>)
        tpu.yield
      }) : () -> ()
      "tpu.region"() ({
        %run_scoped3A = tpu.sem_alloc : memref<!tpu.dma_semaphore, #tpu.memory_space<semaphore_mem>>
        %dma_start3A = arith.constant 0 : i32
        %dma_start3A_21 = arith.constant 0 : i32
        %dma_start3A_22 = tpu.memref_slice %arg6[%dma_start3A, %dma_start3A_21] : memref<200x128xf32, #tpu.memory_space<vmem>> -> memref<160x128xf32, #tpu.memory_space<vmem>>
        %dma_start3A_23 = arith.constant 0 : i32
        %dma_start3A_24 = tpu.memref_slice %arg5[%arg0, %add3A_20, %dma_start3A_23] : memref<2x10240x128xf32, #tpu.memory_space<hbm>> -> memref<1x160x128xf32, #tpu.memory_space<hbm>>
        %dma_start3A_25 = tpu.memref_squeeze %dma_start3A_24 : memref<1x160x128xf32, #tpu.memory_space<hbm>> -> memref<160x128xf32, #tpu.memory_space<hbm>>
        %dma_start3A_26 = arith.constant 0 : i32
        %dma_start3A_27 = tpu.memref_slice %arg5[%arg0, %add3A_20, %dma_start3A_26] : memref<2x10240x128xf32, #tpu.memory_space<hbm>> -> memref<1x160x128xf32, #tpu.memory_space<hbm>>
        %dma_start3A_28 = tpu.memref_squeeze %dma_start3A_27 : memref<1x160x128xf32, #tpu.memory_space<hbm>> -> memref<160x128xf32, #tpu.memory_space<hbm>>
        %dma_start3A_29 = arith.constant 0 : i32
        %dma_start3A_30 = arith.constant 0 : i32
        %dma_start3A_31 = tpu.memref_slice %arg6[%dma_start3A_29, %dma_start3A_30] : memref<200x128xf32, #tpu.memory_space<vmem>> -> memref<160x128xf32, #tpu.memory_space<vmem>>
        tpu.enqueue_dma source(%dma_start3A_31 : memref<160x128xf32, #tpu.memory_space<vmem>>) target(%dma_start3A_28 : memref<160x128xf32, #tpu.memory_space<hbm>>) target_semaphore(%run_scoped3A : memref<!tpu.dma_semaphore, #tpu.memory_space<semaphore_mem>>)
        %dma_wait3A = arith.constant 0 : i32
        %dma_wait3A_32 = arith.constant 0 : i32
        %dma_wait3A_33 = tpu.memref_slice %arg6[%dma_wait3A, %dma_wait3A_32] : memref<200x128xf32, #tpu.memory_space<vmem>> -> memref<160x128xf32, #tpu.memory_space<vmem>>
        %dma_wait3A_34 = arith.constant 0 : i32
        %dma_wait3A_35 = tpu.memref_slice %arg5[%arg0, %add3A_20, %dma_wait3A_34] : memref<2x10240x128xf32, #tpu.memory_space<hbm>> -> memref<1x160x128xf32, #tpu.memory_space<hbm>>
        %dma_wait3A_36 = tpu.memref_squeeze %dma_wait3A_35 : memref<1x160x128xf32, #tpu.memory_space<hbm>> -> memref<160x128xf32, #tpu.memory_space<hbm>>
        %dma_wait3A_37 = arith.constant 0 : i32
        %dma_wait3A_38 = tpu.memref_slice %arg5[%arg0, %add3A_20, %dma_wait3A_37] : memref<2x10240x128xf32, #tpu.memory_space<hbm>> -> memref<1x160x128xf32, #tpu.memory_space<hbm>>
        %dma_wait3A_39 = tpu.memref_squeeze %dma_wait3A_38 : memref<1x160x128xf32, #tpu.memory_space<hbm>> -> memref<160x128xf32, #tpu.memory_space<hbm>>
        %dma_wait3A_40 = arith.constant 0 : i32
        %dma_wait3A_41 = arith.constant 0 : i32
        %dma_wait3A_42 = tpu.memref_slice %arg6[%dma_wait3A_40, %dma_wait3A_41] : memref<200x128xf32, #tpu.memory_space<vmem>> -> memref<160x128xf32, #tpu.memory_space<vmem>>
        tpu.wait_dma2 semaphore(%run_scoped3A : memref<!tpu.dma_semaphore, #tpu.memory_space<semaphore_mem>>) src(%dma_wait3A_42 : memref<160x128xf32, #tpu.memory_space<vmem>>) dst(%dma_wait3A_39 : memref<160x128xf32, #tpu.memory_space<hbm>>)
        tpu.yield
      }) : () -> ()
    }
    %scan3A_14 = arith.constant 4 : i32
    return
  }
}

#map = affine_map<(d0, d1) -> (0, 0)>
#map1 = affine_map<(d0, d1) -> (0)>
#map2 = affine_map<(d0, d1) -> (0, 0, 0)>
module attributes {stable_mosaic.version = 14 : i64} {
  func.func @scat(%arg0: i32, %arg1: i32, %arg2: memref<160000x128xf32, #tpu.memory_space<hbm>>, %arg3: memref<160000xi32, #tpu.memory_space<hbm>>, %arg4: memref<640x128xf32, #tpu.memory_space<hbm>>, %arg5: memref<2x10240x128xf32, #tpu.memory_space<hbm>>, %arg6: memref<200x128xf32, #tpu.memory_space<vmem>>, %arg7: memref<200xi32, #tpu.memory_space<vmem>>, %arg8: memref<!tpu.dma_semaphore, #tpu.memory_space<semaphore_mem>>, %arg9: memref<!tpu.dma_semaphore, #tpu.memory_space<semaphore_mem>>, %arg10: memref<10240x128xf32, #tpu.memory_space<vmem_shared>>) attributes {dimension_semantics = [#tpu.dimension_semantics<core_parallel>, #tpu.dimension_semantics<subcore_parallel>], iteration_bounds = array<i64: 2, 16>, scalar_prefetch = 0 : i64, scratch_operands = 5 : i64, tpu.core_type = #tpu.core_type<sc_vector_subcore>, window_params = [{transform_indices = #map}, {transform_indices = #map1}, {transform_indices = #map}, {transform_indices = #map2}]} {
    %mul3A = arith.constant 2 : i32
    %mul3A_0 = arith.muli %arg1, %mul3A : i32
    %add3A = arith.addi %mul3A_0, %arg0 : i32
    %mul3A_1 = arith.constant 640 : i32
    %mul3A_2 = arith.muli %arg1, %mul3A_1 : i32
    "tpu.region"() ({
      %run_scoped3A = tpu.sem_alloc : memref<!tpu.dma_semaphore, #tpu.memory_space<semaphore_mem>>
      %dma_start3A = arith.constant 0 : i32
      %dma_start3A_15 = tpu.memref_slice %arg10[%mul3A_2, %dma_start3A] : memref<10240x128xf32, #tpu.memory_space<vmem_shared>> -> memref<640x128xf32, #tpu.memory_space<vmem_shared>>
      tpu.enqueue_dma source(%arg4 : memref<640x128xf32, #tpu.memory_space<hbm>>) target(%dma_start3A_15 : memref<640x128xf32, #tpu.memory_space<vmem_shared>>) target_semaphore(%run_scoped3A : memref<!tpu.dma_semaphore, #tpu.memory_space<semaphore_mem>>)
      %dma_wait3A = arith.constant 0 : i32
      %dma_wait3A_16 = tpu.memref_slice %arg10[%mul3A_2, %dma_wait3A] : memref<10240x128xf32, #tpu.memory_space<vmem_shared>> -> memref<640x128xf32, #tpu.memory_space<vmem_shared>>
      tpu.wait_dma2 semaphore(%run_scoped3A : memref<!tpu.dma_semaphore, #tpu.memory_space<semaphore_mem>>) src(%arg4 : memref<640x128xf32, #tpu.memory_space<hbm>>) dst(%dma_wait3A_16 : memref<640x128xf32, #tpu.memory_space<vmem_shared>>)
      tpu.yield
    }) : () -> ()
    %barrier3A = arith.constant 0 : index
    tpu.barrier barrier_id(%barrier3A)
    %scan3A = arith.constant 0 : i32
    %scan3A_3 = arith.constant 0 : i32
    %scan3A_4 = arith.constant 25 : i32
    %scan3A_5 = arith.addi %scan3A_3, %scan3A_4 : i32
    %scan3A_6 = arith.constant 1 : i32
    scf.for %scan3A_15 = %scan3A_3 to %scan3A_5 step %scan3A_6  : i32 {
      %mul3A_16 = arith.constant 5000 : i32
      %mul3A_17 = arith.muli %add3A, %mul3A_16 : i32
      %mul3A_18 = arith.constant 200 : i32
      %mul3A_19 = arith.muli %scan3A_15, %mul3A_18 : i32
      %add3A_20 = arith.addi %mul3A_17, %mul3A_19 : i32
      %dma_start3A = tpu.memref_slice %arg3[%add3A_20] : memref<160000xi32, #tpu.memory_space<hbm>> -> memref<200xi32, #tpu.memory_space<hbm>>
      %dma_start3A_21 = tpu.memref_slice %arg3[%add3A_20] : memref<160000xi32, #tpu.memory_space<hbm>> -> memref<200xi32, #tpu.memory_space<hbm>>
      tpu.enqueue_dma source(%dma_start3A_21 : memref<200xi32, #tpu.memory_space<hbm>>) target(%arg7 : memref<200xi32, #tpu.memory_space<vmem>>) target_semaphore(%arg9 : memref<!tpu.dma_semaphore, #tpu.memory_space<semaphore_mem>>)
      %dma_start3A_22 = arith.constant 0 : i32
      %dma_start3A_23 = tpu.memref_slice %arg2[%add3A_20, %dma_start3A_22] : memref<160000x128xf32, #tpu.memory_space<hbm>> -> memref<200x128xf32, #tpu.memory_space<hbm>>
      %dma_start3A_24 = arith.constant 0 : i32
      %dma_start3A_25 = tpu.memref_slice %arg2[%add3A_20, %dma_start3A_24] : memref<160000x128xf32, #tpu.memory_space<hbm>> -> memref<200x128xf32, #tpu.memory_space<hbm>>
      tpu.enqueue_dma source(%dma_start3A_25 : memref<200x128xf32, #tpu.memory_space<hbm>>) target(%arg6 : memref<200x128xf32, #tpu.memory_space<vmem>>) target_semaphore(%arg8 : memref<!tpu.dma_semaphore, #tpu.memory_space<semaphore_mem>>)
      %dma_wait3A = tpu.memref_slice %arg3[%add3A_20] : memref<160000xi32, #tpu.memory_space<hbm>> -> memref<200xi32, #tpu.memory_space<hbm>>
      %dma_wait3A_26 = tpu.memref_slice %arg3[%add3A_20] : memref<160000xi32, #tpu.memory_space<hbm>> -> memref<200xi32, #tpu.memory_space<hbm>>
      tpu.wait_dma2 semaphore(%arg9 : memref<!tpu.dma_semaphore, #tpu.memory_space<semaphore_mem>>) src(%dma_wait3A_26 : memref<200xi32, #tpu.memory_space<hbm>>) dst(%arg7 : memref<200xi32, #tpu.memory_space<vmem>>)
      %dma_wait3A_27 = arith.constant 0 : i32
      %dma_wait3A_28 = tpu.memref_slice %arg2[%add3A_20, %dma_wait3A_27] : memref<160000x128xf32, #tpu.memory_space<hbm>> -> memref<200x128xf32, #tpu.memory_space<hbm>>
      %dma_wait3A_29 = arith.constant 0 : i32
      %dma_wait3A_30 = tpu.memref_slice %arg2[%add3A_20, %dma_wait3A_29] : memref<160000x128xf32, #tpu.memory_space<hbm>> -> memref<200x128xf32, #tpu.memory_space<hbm>>
      tpu.wait_dma2 semaphore(%arg8 : memref<!tpu.dma_semaphore, #tpu.memory_space<semaphore_mem>>) src(%dma_wait3A_30 : memref<200x128xf32, #tpu.memory_space<hbm>>) dst(%arg6 : memref<200x128xf32, #tpu.memory_space<vmem>>)
      "tpu.region"() ({
        %run_scoped3A = tpu.sem_alloc : memref<!tpu.dma_semaphore, #tpu.memory_space<semaphore_mem>>
        %dma_start3A_31 = arith.constant 0 : i32
        %dma_start3A_32 = arith.constant 0 : i32
        %dma_start3A_33 = tpu.memref_slice %arg10[%dma_start3A_31, %dma_start3A_32] : memref<10240x128xf32, #tpu.memory_space<vmem_shared>> -> memref<10240x128xf32, #tpu.memory_space<vmem_shared>>
        tpu.enqueue_indirect_dma source(%arg6 : memref<200x128xf32, #tpu.memory_space<vmem>>) target(%dma_start3A_33 : memref<10240x128xf32, #tpu.memory_space<vmem_shared>>) offsets(%arg7 : memref<200xi32, #tpu.memory_space<vmem>>) semaphore(%run_scoped3A : memref<!tpu.dma_semaphore, #tpu.memory_space<semaphore_mem>>) {add = true}
        %dma_wait3A_34 = arith.constant 0 : i32
        %dma_wait3A_35 = arith.constant 0 : i32
        %dma_wait3A_36 = tpu.memref_slice %arg10[%dma_wait3A_34, %dma_wait3A_35] : memref<10240x128xf32, #tpu.memory_space<vmem_shared>> -> memref<10240x128xf32, #tpu.memory_space<vmem_shared>>
        tpu.wait_indirect_dma semaphore(%run_scoped3A : memref<!tpu.dma_semaphore, #tpu.memory_space<semaphore_mem>>) src(%arg6 : memref<200x128xf32, #tpu.memory_space<vmem>>) dst(%dma_wait3A_36 : memref<10240x128xf32, #tpu.memory_space<vmem_shared>>)
        tpu.yield
      }) : () -> ()
    }
    %scan3A_7 = arith.constant 25 : i32
    %barrier3A_8 = arith.constant 0 : index
    tpu.barrier barrier_id(%barrier3A_8)
    %scan3A_9 = arith.constant 0 : i32
    %scan3A_10 = arith.constant 0 : i32
    %scan3A_11 = arith.constant 4 : i32
    %scan3A_12 = arith.addi %scan3A_10, %scan3A_11 : i32
    %scan3A_13 = arith.constant 1 : i32
    scf.for %scan3A_15 = %scan3A_10 to %scan3A_12 step %scan3A_13  : i32 {
      %mul3A_16 = arith.constant 640 : i32
      %mul3A_17 = arith.muli %arg1, %mul3A_16 : i32
      %mul3A_18 = arith.constant 160 : i32
      %mul3A_19 = arith.muli %scan3A_15, %mul3A_18 : i32
      %add3A_20 = arith.addi %mul3A_17, %mul3A_19 : i32
      "tpu.region"() ({
        %run_scoped3A = tpu.sem_alloc : memref<!tpu.dma_semaphore, #tpu.memory_space<semaphore_mem>>
        %dma_start3A = arith.constant 0 : i32
        %dma_start3A_21 = arith.constant 0 : i32
        %dma_start3A_22 = tpu.memref_slice %arg6[%dma_start3A, %dma_start3A_21] : memref<200x128xf32, #tpu.memory_space<vmem>> -> memref<160x128xf32, #tpu.memory_space<vmem>>
        %dma_start3A_23 = arith.constant 0 : i32
        %dma_start3A_24 = tpu.memref_slice %arg10[%add3A_20, %dma_start3A_23] : memref<10240x128xf32, #tpu.memory_space<vmem_shared>> -> memref<160x128xf32, #tpu.memory_space<vmem_shared>>
        %dma_start3A_25 = arith.constant 0 : i32
        %dma_start3A_26 = arith.constant 0 : i32
        %dma_start3A_27 = tpu.memref_slice %arg6[%dma_start3A_25, %dma_start3A_26] : memref<200x128xf32, #tpu.memory_space<vmem>> -> memref<160x128xf32, #tpu.memory_space<vmem>>
        %dma_start3A_28 = arith.constant 0 : i32
        %dma_start3A_29 = tpu.memref_slice %arg10[%add3A_20, %dma_start3A_28] : memref<10240x128xf32, #tpu.memory_space<vmem_shared>> -> memref<160x128xf32, #tpu.memory_space<vmem_shared>>
        tpu.enqueue_dma source(%dma_start3A_29 : memref<160x128xf32, #tpu.memory_space<vmem_shared>>) target(%dma_start3A_27 : memref<160x128xf32, #tpu.memory_space<vmem>>) target_semaphore(%run_scoped3A : memref<!tpu.dma_semaphore, #tpu.memory_space<semaphore_mem>>)
        %dma_wait3A = arith.constant 0 : i32
        %dma_wait3A_30 = arith.constant 0 : i32
        %dma_wait3A_31 = tpu.memref_slice %arg6[%dma_wait3A, %dma_wait3A_30] : memref<200x128xf32, #tpu.memory_space<vmem>> -> memref<160x128xf32, #tpu.memory_space<vmem>>
        %dma_wait3A_32 = arith.constant 0 : i32
        %dma_wait3A_33 = tpu.memref_slice %arg10[%add3A_20, %dma_wait3A_32] : memref<10240x128xf32, #tpu.memory_space<vmem_shared>> -> memref<160x128xf32, #tpu.memory_space<vmem_shared>>
        %dma_wait3A_34 = arith.constant 0 : i32
        %dma_wait3A_35 = arith.constant 0 : i32
        %dma_wait3A_36 = tpu.memref_slice %arg6[%dma_wait3A_34, %dma_wait3A_35] : memref<200x128xf32, #tpu.memory_space<vmem>> -> memref<160x128xf32, #tpu.memory_space<vmem>>
        %dma_wait3A_37 = arith.constant 0 : i32
        %dma_wait3A_38 = tpu.memref_slice %arg10[%add3A_20, %dma_wait3A_37] : memref<10240x128xf32, #tpu.memory_space<vmem_shared>> -> memref<160x128xf32, #tpu.memory_space<vmem_shared>>
        tpu.wait_dma2 semaphore(%run_scoped3A : memref<!tpu.dma_semaphore, #tpu.memory_space<semaphore_mem>>) src(%dma_wait3A_38 : memref<160x128xf32, #tpu.memory_space<vmem_shared>>) dst(%dma_wait3A_36 : memref<160x128xf32, #tpu.memory_space<vmem>>)
        tpu.yield
      }) : () -> ()
      "tpu.region"() ({
        %run_scoped3A = tpu.sem_alloc : memref<!tpu.dma_semaphore, #tpu.memory_space<semaphore_mem>>
        %dma_start3A = arith.constant 0 : i32
        %dma_start3A_21 = arith.constant 0 : i32
        %dma_start3A_22 = tpu.memref_slice %arg6[%dma_start3A, %dma_start3A_21] : memref<200x128xf32, #tpu.memory_space<vmem>> -> memref<160x128xf32, #tpu.memory_space<vmem>>
        %dma_start3A_23 = arith.constant 0 : i32
        %dma_start3A_24 = tpu.memref_slice %arg5[%arg0, %add3A_20, %dma_start3A_23] : memref<2x10240x128xf32, #tpu.memory_space<hbm>> -> memref<1x160x128xf32, #tpu.memory_space<hbm>>
        %dma_start3A_25 = tpu.memref_squeeze %dma_start3A_24 : memref<1x160x128xf32, #tpu.memory_space<hbm>> -> memref<160x128xf32, #tpu.memory_space<hbm>>
        %dma_start3A_26 = arith.constant 0 : i32
        %dma_start3A_27 = tpu.memref_slice %arg5[%arg0, %add3A_20, %dma_start3A_26] : memref<2x10240x128xf32, #tpu.memory_space<hbm>> -> memref<1x160x128xf32, #tpu.memory_space<hbm>>
        %dma_start3A_28 = tpu.memref_squeeze %dma_start3A_27 : memref<1x160x128xf32, #tpu.memory_space<hbm>> -> memref<160x128xf32, #tpu.memory_space<hbm>>
        %dma_start3A_29 = arith.constant 0 : i32
        %dma_start3A_30 = arith.constant 0 : i32
        %dma_start3A_31 = tpu.memref_slice %arg6[%dma_start3A_29, %dma_start3A_30] : memref<200x128xf32, #tpu.memory_space<vmem>> -> memref<160x128xf32, #tpu.memory_space<vmem>>
        tpu.enqueue_dma source(%dma_start3A_31 : memref<160x128xf32, #tpu.memory_space<vmem>>) target(%dma_start3A_28 : memref<160x128xf32, #tpu.memory_space<hbm>>) target_semaphore(%run_scoped3A : memref<!tpu.dma_semaphore, #tpu.memory_space<semaphore_mem>>)
        %dma_wait3A = arith.constant 0 : i32
        %dma_wait3A_32 = arith.constant 0 : i32
        %dma_wait3A_33 = tpu.memref_slice %arg6[%dma_wait3A, %dma_wait3A_32] : memref<200x128xf32, #tpu.memory_space<vmem>> -> memref<160x128xf32, #tpu.memory_space<vmem>>
        %dma_wait3A_34 = arith.constant 0 : i32
        %dma_wait3A_35 = tpu.memref_slice %arg5[%arg0, %add3A_20, %dma_wait3A_34] : memref<2x10240x128xf32, #tpu.memory_space<hbm>> -> memref<1x160x128xf32, #tpu.memory_space<hbm>>
        %dma_wait3A_36 = tpu.memref_squeeze %dma_wait3A_35 : memref<1x160x128xf32, #tpu.memory_space<hbm>> -> memref<160x128xf32, #tpu.memory_space<hbm>>
        %dma_wait3A_37 = arith.constant 0 : i32
        %dma_wait3A_38 = tpu.memref_slice %arg5[%arg0, %add3A_20, %dma_wait3A_37] : memref<2x10240x128xf32, #tpu.memory_space<hbm>> -> memref<1x160x128xf32, #tpu.memory_space<hbm>>
        %dma_wait3A_39 = tpu.memref_squeeze %dma_wait3A_38 : memref<1x160x128xf32, #tpu.memory_space<hbm>> -> memref<160x128xf32, #tpu.memory_space<hbm>>
        %dma_wait3A_40 = arith.constant 0 : i32
        %dma_wait3A_41 = arith.constant 0 : i32
        %dma_wait3A_42 = tpu.memref_slice %arg6[%dma_wait3A_40, %dma_wait3A_41] : memref<200x128xf32, #tpu.memory_space<vmem>> -> memref<160x128xf32, #tpu.memory_space<vmem>>
        tpu.wait_dma2 semaphore(%run_scoped3A : memref<!tpu.dma_semaphore, #tpu.memory_space<semaphore_mem>>) src(%dma_wait3A_42 : memref<160x128xf32, #tpu.memory_space<vmem>>) dst(%dma_wait3A_39 : memref<160x128xf32, #tpu.memory_space<hbm>>)
        tpu.yield
      }) : () -> ()
    }
    %scan3A_14 = arith.constant 4 : i32
    return
  }
}

#map = affine_map<(d0, d1) -> (0, 0)>
#map1 = affine_map<(d0, d1) -> (0)>
module attributes {stable_mosaic.version = 14 : i64} {
  func.func @gat(%arg0: i32, %arg1: i32, %arg2: memref<10000x128xi32, #tpu.memory_space<hbm>>, %arg3: memref<10000x128xi32, #tpu.memory_space<hbm>>, %arg4: memref<160000xi32, #tpu.memory_space<hbm>>, %arg5: memref<160000xi32, #tpu.memory_space<hbm>>, %arg6: memref<160000x128xi32, #tpu.memory_space<hbm>>, %arg7: memref<160000x128xi32, #tpu.memory_space<hbm>>, %arg8: memref<5000xi32, #tpu.memory_space<vmem>>, %arg9: memref<5000xi32, #tpu.memory_space<vmem>>, %arg10: memref<200x128xi32, #tpu.memory_space<vmem>>, %arg11: memref<200x128xi32, #tpu.memory_space<vmem>>, %arg12: memref<!tpu.dma_semaphore, #tpu.memory_space<semaphore_mem>>, %arg13: memref<!tpu.dma_semaphore, #tpu.memory_space<semaphore_mem>>, %arg14: memref<!tpu.dma_semaphore, #tpu.memory_space<semaphore_mem>>, %arg15: memref<!tpu.dma_semaphore, #tpu.memory_space<semaphore_mem>>) attributes {dimension_semantics = [#tpu.dimension_semantics<core_parallel>, #tpu.dimension_semantics<subcore_parallel>], iteration_bounds = array<i64: 2, 16>, scalar_prefetch = 0 : i64, scratch_operands = 8 : i64, tpu.core_type = #tpu.core_type<sc_vector_subcore>, window_params = [{transform_indices = #map}, {transform_indices = #map}, {transform_indices = #map1}, {transform_indices = #map1}, {transform_indices = #map}, {transform_indices = #map}]} {
    %mul3A = arith.constant 2 : i32
    %mul3A_0 = arith.muli %arg1, %mul3A : i32
    %add3A = arith.addi %mul3A_0, %arg0 : i32
    %mul3A_1 = arith.constant 5000 : i32
    %mul3A_2 = arith.muli %add3A, %mul3A_1 : i32
    "tpu.region"() ({
      %run_scoped3A = tpu.sem_alloc : memref<!tpu.dma_semaphore, #tpu.memory_space<semaphore_mem>>
      %dma_start3A = tpu.memref_slice %arg4[%mul3A_2] : memref<160000xi32, #tpu.memory_space<hbm>> -> memref<5000xi32, #tpu.memory_space<hbm>>
      %dma_start3A_10 = tpu.memref_slice %arg4[%mul3A_2] : memref<160000xi32, #tpu.memory_space<hbm>> -> memref<5000xi32, #tpu.memory_space<hbm>>
      tpu.enqueue_dma source(%dma_start3A_10 : memref<5000xi32, #tpu.memory_space<hbm>>) target(%arg8 : memref<5000xi32, #tpu.memory_space<vmem>>) target_semaphore(%run_scoped3A : memref<!tpu.dma_semaphore, #tpu.memory_space<semaphore_mem>>)
      %dma_wait3A = tpu.memref_slice %arg4[%mul3A_2] : memref<160000xi32, #tpu.memory_space<hbm>> -> memref<5000xi32, #tpu.memory_space<hbm>>
      %dma_wait3A_11 = tpu.memref_slice %arg4[%mul3A_2] : memref<160000xi32, #tpu.memory_space<hbm>> -> memref<5000xi32, #tpu.memory_space<hbm>>
      tpu.wait_dma2 semaphore(%run_scoped3A : memref<!tpu.dma_semaphore, #tpu.memory_space<semaphore_mem>>) src(%dma_wait3A_11 : memref<5000xi32, #tpu.memory_space<hbm>>) dst(%arg8 : memref<5000xi32, #tpu.memory_space<vmem>>)
      tpu.yield
    }) : () -> ()
    %mul3A_3 = arith.constant 5000 : i32
    %mul3A_4 = arith.muli %add3A, %mul3A_3 : i32
    "tpu.region"() ({
      %run_scoped3A = tpu.sem_alloc : memref<!tpu.dma_semaphore, #tpu.memory_space<semaphore_mem>>
      %dma_start3A = tpu.memref_slice %arg5[%mul3A_4] : memref<160000xi32, #tpu.memory_space<hbm>> -> memref<5000xi32, #tpu.memory_space<hbm>>
      %dma_start3A_10 = tpu.memref_slice %arg5[%mul3A_4] : memref<160000xi32, #tpu.memory_space<hbm>> -> memref<5000xi32, #tpu.memory_space<hbm>>
      tpu.enqueue_dma source(%dma_start3A_10 : memref<5000xi32, #tpu.memory_space<hbm>>) target(%arg9 : memref<5000xi32, #tpu.memory_space<vmem>>) target_semaphore(%run_scoped3A : memref<!tpu.dma_semaphore, #tpu.memory_space<semaphore_mem>>)
      %dma_wait3A = tpu.memref_slice %arg5[%mul3A_4] : memref<160000xi32, #tpu.memory_space<hbm>> -> memref<5000xi32, #tpu.memory_space<hbm>>
      %dma_wait3A_11 = tpu.memref_slice %arg5[%mul3A_4] : memref<160000xi32, #tpu.memory_space<hbm>> -> memref<5000xi32, #tpu.memory_space<hbm>>
      tpu.wait_dma2 semaphore(%run_scoped3A : memref<!tpu.dma_semaphore, #tpu.memory_space<semaphore_mem>>) src(%dma_wait3A_11 : memref<5000xi32, #tpu.memory_space<hbm>>) dst(%arg9 : memref<5000xi32, #tpu.memory_space<vmem>>)
      tpu.yield
    }) : () -> ()
    %scan3A = arith.constant 0 : i32
    %scan3A_5 = arith.constant 0 : i32
    %scan3A_6 = arith.constant 25 : i32
    %scan3A_7 = arith.addi %scan3A_5, %scan3A_6 : i32
    %scan3A_8 = arith.constant 1 : i32
    scf.for %scan3A_10 = %scan3A_5 to %scan3A_7 step %scan3A_8  : i32 {
      %mul3A_11 = arith.constant 5000 : i32
      %mul3A_12 = arith.muli %add3A, %mul3A_11 : i32
      %mul3A_13 = arith.constant 200 : i32
      %mul3A_14 = arith.muli %scan3A_10, %mul3A_13 : i32
      %add3A_15 = arith.addi %mul3A_12, %mul3A_14 : i32
      %mul3A_16 = arith.constant 200 : i32
      %mul3A_17 = arith.muli %scan3A_10, %mul3A_16 : i32
      %dma_start3A = tpu.memref_slice %arg8[%mul3A_17] : memref<5000xi32, #tpu.memory_space<vmem>> -> memref<200xi32, #tpu.memory_space<vmem>>
      %dma_start3A_18 = arith.constant 0 : i32
      %dma_start3A_19 = arith.constant 0 : i32
      %dma_start3A_20 = tpu.memref_slice %arg2[%dma_start3A_18, %dma_start3A_19] : memref<10000x128xi32, #tpu.memory_space<hbm>> -> memref<10000x128xi32, #tpu.memory_space<hbm>>
      tpu.enqueue_indirect_dma source(%dma_start3A_20 : memref<10000x128xi32, #tpu.memory_space<hbm>>) target(%arg10 : memref<200x128xi32, #tpu.memory_space<vmem>>) offsets(%dma_start3A : memref<200xi32, #tpu.memory_space<vmem>>) semaphore(%arg12 : memref<!tpu.dma_semaphore, #tpu.memory_space<semaphore_mem>>)
      %mul3A_21 = arith.constant 200 : i32
      %mul3A_22 = arith.muli %scan3A_10, %mul3A_21 : i32
      %dma_start3A_23 = tpu.memref_slice %arg9[%mul3A_22] : memref<5000xi32, #tpu.memory_space<vmem>> -> memref<200xi32, #tpu.memory_space<vmem>>
      %dma_start3A_24 = arith.constant 0 : i32
      %dma_start3A_25 = arith.constant 0 : i32
      %dma_start3A_26 = tpu.memref_slice %arg3[%dma_start3A_24, %dma_start3A_25] : memref<10000x128xi32, #tpu.memory_space<hbm>> -> memref<10000x128xi32, #tpu.memory_space<hbm>>
      tpu.enqueue_indirect_dma source(%dma_start3A_26 : memref<10000x128xi32, #tpu.memory_space<hbm>>) target(%arg11 : memref<200x128xi32, #tpu.memory_space<vmem>>) offsets(%dma_start3A_23 : memref<200xi32, #tpu.memory_space<vmem>>) semaphore(%arg13 : memref<!tpu.dma_semaphore, #tpu.memory_space<semaphore_mem>>)
      %dma_wait3A = tpu.memref_slice %arg8[%mul3A_17] : memref<5000xi32, #tpu.memory_space<vmem>> -> memref<200xi32, #tpu.memory_space<vmem>>
      %dma_wait3A_27 = arith.constant 0 : i32
      %dma_wait3A_28 = arith.constant 0 : i32
      %dma_wait3A_29 = tpu.memref_slice %arg2[%dma_wait3A_27, %dma_wait3A_28] : memref<10000x128xi32, #tpu.memory_space<hbm>> -> memref<10000x128xi32, #tpu.memory_space<hbm>>
      tpu.wait_indirect_dma semaphore(%arg12 : memref<!tpu.dma_semaphore, #tpu.memory_space<semaphore_mem>>) src(%dma_wait3A_29 : memref<10000x128xi32, #tpu.memory_space<hbm>>) dst(%arg10 : memref<200x128xi32, #tpu.memory_space<vmem>>)
      %dma_wait3A_30 = tpu.memref_slice %arg9[%mul3A_22] : memref<5000xi32, #tpu.memory_space<vmem>> -> memref<200xi32, #tpu.memory_space<vmem>>
      %dma_wait3A_31 = arith.constant 0 : i32
      %dma_wait3A_32 = arith.constant 0 : i32
      %dma_wait3A_33 = tpu.memref_slice %arg3[%dma_wait3A_31, %dma_wait3A_32] : memref<10000x128xi32, #tpu.memory_space<hbm>> -> memref<10000x128xi32, #tpu.memory_space<hbm>>
      tpu.wait_indirect_dma semaphore(%arg13 : memref<!tpu.dma_semaphore, #tpu.memory_space<semaphore_mem>>) src(%dma_wait3A_33 : memref<10000x128xi32, #tpu.memory_space<hbm>>) dst(%arg11 : memref<200x128xi32, #tpu.memory_space<vmem>>)
      %dma_start3A_34 = arith.constant 0 : i32
      %dma_start3A_35 = tpu.memref_slice %arg6[%add3A_15, %dma_start3A_34] : memref<160000x128xi32, #tpu.memory_space<hbm>> -> memref<200x128xi32, #tpu.memory_space<hbm>>
      %dma_start3A_36 = arith.constant 0 : i32
      %dma_start3A_37 = tpu.memref_slice %arg6[%add3A_15, %dma_start3A_36] : memref<160000x128xi32, #tpu.memory_space<hbm>> -> memref<200x128xi32, #tpu.memory_space<hbm>>
      tpu.enqueue_dma source(%arg10 : memref<200x128xi32, #tpu.memory_space<vmem>>) target(%dma_start3A_37 : memref<200x128xi32, #tpu.memory_space<hbm>>) target_semaphore(%arg14 : memref<!tpu.dma_semaphore, #tpu.memory_space<semaphore_mem>>)
      %dma_start3A_38 = arith.constant 0 : i32
      %dma_start3A_39 = tpu.memref_slice %arg7[%add3A_15, %dma_start3A_38] : memref<160000x128xi32, #tpu.memory_space<hbm>> -> memref<200x128xi32, #tpu.memory_space<hbm>>
      %dma_start3A_40 = arith.constant 0 : i32
      %dma_start3A_41 = tpu.memref_slice %arg7[%add3A_15, %dma_start3A_40] : memref<160000x128xi32, #tpu.memory_space<hbm>> -> memref<200x128xi32, #tpu.memory_space<hbm>>
      tpu.enqueue_dma source(%arg11 : memref<200x128xi32, #tpu.memory_space<vmem>>) target(%dma_start3A_41 : memref<200x128xi32, #tpu.memory_space<hbm>>) target_semaphore(%arg15 : memref<!tpu.dma_semaphore, #tpu.memory_space<semaphore_mem>>)
      %dma_wait3A_42 = arith.constant 0 : i32
      %dma_wait3A_43 = tpu.memref_slice %arg6[%add3A_15, %dma_wait3A_42] : memref<160000x128xi32, #tpu.memory_space<hbm>> -> memref<200x128xi32, #tpu.memory_space<hbm>>
      %dma_wait3A_44 = arith.constant 0 : i32
      %dma_wait3A_45 = tpu.memref_slice %arg6[%add3A_15, %dma_wait3A_44] : memref<160000x128xi32, #tpu.memory_space<hbm>> -> memref<200x128xi32, #tpu.memory_space<hbm>>
      tpu.wait_dma2 semaphore(%arg14 : memref<!tpu.dma_semaphore, #tpu.memory_space<semaphore_mem>>) src(%arg10 : memref<200x128xi32, #tpu.memory_space<vmem>>) dst(%dma_wait3A_45 : memref<200x128xi32, #tpu.memory_space<hbm>>)
      %dma_wait3A_46 = arith.constant 0 : i32
      %dma_wait3A_47 = tpu.memref_slice %arg7[%add3A_15, %dma_wait3A_46] : memref<160000x128xi32, #tpu.memory_space<hbm>> -> memref<200x128xi32, #tpu.memory_space<hbm>>
      %dma_wait3A_48 = arith.constant 0 : i32
      %dma_wait3A_49 = tpu.memref_slice %arg7[%add3A_15, %dma_wait3A_48] : memref<160000x128xi32, #tpu.memory_space<hbm>> -> memref<200x128xi32, #tpu.memory_space<hbm>>
      tpu.wait_dma2 semaphore(%arg15 : memref<!tpu.dma_semaphore, #tpu.memory_space<semaphore_mem>>) src(%arg11 : memref<200x128xi32, #tpu.memory_space<vmem>>) dst(%dma_wait3A_49 : memref<200x128xi32, #tpu.memory_space<hbm>>)
    }
    %scan3A_9 = arith.constant 25 : i32
    return
  }
}

#map = affine_map<(d0, d1) -> (0, 0)>
#map1 = affine_map<(d0, d1) -> (0)>
module attributes {stable_mosaic.version = 14 : i64} {
  func.func @gat(%arg0: i32, %arg1: i32, %arg2: memref<10000x128xi32, #tpu.memory_space<hbm>>, %arg3: memref<10000x128xi32, #tpu.memory_space<hbm>>, %arg4: memref<160000xi32, #tpu.memory_space<hbm>>, %arg5: memref<160000xi32, #tpu.memory_space<hbm>>, %arg6: memref<160000x128xi32, #tpu.memory_space<hbm>>, %arg7: memref<160000x128xi32, #tpu.memory_space<hbm>>, %arg8: memref<5000xi32, #tpu.memory_space<vmem>>, %arg9: memref<5000xi32, #tpu.memory_space<vmem>>, %arg10: memref<200x128xi32, #tpu.memory_space<vmem>>, %arg11: memref<200x128xi32, #tpu.memory_space<vmem>>, %arg12: memref<!tpu.dma_semaphore, #tpu.memory_space<semaphore_mem>>, %arg13: memref<!tpu.dma_semaphore, #tpu.memory_space<semaphore_mem>>, %arg14: memref<!tpu.dma_semaphore, #tpu.memory_space<semaphore_mem>>, %arg15: memref<!tpu.dma_semaphore, #tpu.memory_space<semaphore_mem>>) attributes {dimension_semantics = [#tpu.dimension_semantics<core_parallel>, #tpu.dimension_semantics<subcore_parallel>], iteration_bounds = array<i64: 2, 16>, scalar_prefetch = 0 : i64, scratch_operands = 8 : i64, tpu.core_type = #tpu.core_type<sc_vector_subcore>, window_params = [{transform_indices = #map}, {transform_indices = #map}, {transform_indices = #map1}, {transform_indices = #map1}, {transform_indices = #map}, {transform_indices = #map}]} {
    %mul3A = arith.constant 2 : i32
    %mul3A_0 = arith.muli %arg1, %mul3A : i32
    %add3A = arith.addi %mul3A_0, %arg0 : i32
    %mul3A_1 = arith.constant 5000 : i32
    %mul3A_2 = arith.muli %add3A, %mul3A_1 : i32
    "tpu.region"() ({
      %run_scoped3A = tpu.sem_alloc : memref<!tpu.dma_semaphore, #tpu.memory_space<semaphore_mem>>
      %dma_start3A = tpu.memref_slice %arg4[%mul3A_2] : memref<160000xi32, #tpu.memory_space<hbm>> -> memref<5000xi32, #tpu.memory_space<hbm>>
      %dma_start3A_10 = tpu.memref_slice %arg4[%mul3A_2] : memref<160000xi32, #tpu.memory_space<hbm>> -> memref<5000xi32, #tpu.memory_space<hbm>>
      tpu.enqueue_dma source(%dma_start3A_10 : memref<5000xi32, #tpu.memory_space<hbm>>) target(%arg8 : memref<5000xi32, #tpu.memory_space<vmem>>) target_semaphore(%run_scoped3A : memref<!tpu.dma_semaphore, #tpu.memory_space<semaphore_mem>>)
      %dma_wait3A = tpu.memref_slice %arg4[%mul3A_2] : memref<160000xi32, #tpu.memory_space<hbm>> -> memref<5000xi32, #tpu.memory_space<hbm>>
      %dma_wait3A_11 = tpu.memref_slice %arg4[%mul3A_2] : memref<160000xi32, #tpu.memory_space<hbm>> -> memref<5000xi32, #tpu.memory_space<hbm>>
      tpu.wait_dma2 semaphore(%run_scoped3A : memref<!tpu.dma_semaphore, #tpu.memory_space<semaphore_mem>>) src(%dma_wait3A_11 : memref<5000xi32, #tpu.memory_space<hbm>>) dst(%arg8 : memref<5000xi32, #tpu.memory_space<vmem>>)
      tpu.yield
    }) : () -> ()
    %mul3A_3 = arith.constant 5000 : i32
    %mul3A_4 = arith.muli %add3A, %mul3A_3 : i32
    "tpu.region"() ({
      %run_scoped3A = tpu.sem_alloc : memref<!tpu.dma_semaphore, #tpu.memory_space<semaphore_mem>>
      %dma_start3A = tpu.memref_slice %arg5[%mul3A_4] : memref<160000xi32, #tpu.memory_space<hbm>> -> memref<5000xi32, #tpu.memory_space<hbm>>
      %dma_start3A_10 = tpu.memref_slice %arg5[%mul3A_4] : memref<160000xi32, #tpu.memory_space<hbm>> -> memref<5000xi32, #tpu.memory_space<hbm>>
      tpu.enqueue_dma source(%dma_start3A_10 : memref<5000xi32, #tpu.memory_space<hbm>>) target(%arg9 : memref<5000xi32, #tpu.memory_space<vmem>>) target_semaphore(%run_scoped3A : memref<!tpu.dma_semaphore, #tpu.memory_space<semaphore_mem>>)
      %dma_wait3A = tpu.memref_slice %arg5[%mul3A_4] : memref<160000xi32, #tpu.memory_space<hbm>> -> memref<5000xi32, #tpu.memory_space<hbm>>
      %dma_wait3A_11 = tpu.memref_slice %arg5[%mul3A_4] : memref<160000xi32, #tpu.memory_space<hbm>> -> memref<5000xi32, #tpu.memory_space<hbm>>
      tpu.wait_dma2 semaphore(%run_scoped3A : memref<!tpu.dma_semaphore, #tpu.memory_space<semaphore_mem>>) src(%dma_wait3A_11 : memref<5000xi32, #tpu.memory_space<hbm>>) dst(%arg9 : memref<5000xi32, #tpu.memory_space<vmem>>)
      tpu.yield
    }) : () -> ()
    %scan3A = arith.constant 0 : i32
    %scan3A_5 = arith.constant 0 : i32
    %scan3A_6 = arith.constant 25 : i32
    %scan3A_7 = arith.addi %scan3A_5, %scan3A_6 : i32
    %scan3A_8 = arith.constant 1 : i32
    scf.for %scan3A_10 = %scan3A_5 to %scan3A_7 step %scan3A_8  : i32 {
      %mul3A_11 = arith.constant 5000 : i32
      %mul3A_12 = arith.muli %add3A, %mul3A_11 : i32
      %mul3A_13 = arith.constant 200 : i32
      %mul3A_14 = arith.muli %scan3A_10, %mul3A_13 : i32
      %add3A_15 = arith.addi %mul3A_12, %mul3A_14 : i32
      %mul3A_16 = arith.constant 200 : i32
      %mul3A_17 = arith.muli %scan3A_10, %mul3A_16 : i32
      %dma_start3A = tpu.memref_slice %arg8[%mul3A_17] : memref<5000xi32, #tpu.memory_space<vmem>> -> memref<200xi32, #tpu.memory_space<vmem>>
      %dma_start3A_18 = arith.constant 0 : i32
      %dma_start3A_19 = arith.constant 0 : i32
      %dma_start3A_20 = tpu.memref_slice %arg2[%dma_start3A_18, %dma_start3A_19] : memref<10000x128xi32, #tpu.memory_space<hbm>> -> memref<10000x128xi32, #tpu.memory_space<hbm>>
      tpu.enqueue_indirect_dma source(%dma_start3A_20 : memref<10000x128xi32, #tpu.memory_space<hbm>>) target(%arg10 : memref<200x128xi32, #tpu.memory_space<vmem>>) offsets(%dma_start3A : memref<200xi32, #tpu.memory_space<vmem>>) semaphore(%arg12 : memref<!tpu.dma_semaphore, #tpu.memory_space<semaphore_mem>>)
      %mul3A_21 = arith.constant 200 : i32
      %mul3A_22 = arith.muli %scan3A_10, %mul3A_21 : i32
      %dma_start3A_23 = tpu.memref_slice %arg9[%mul3A_22] : memref<5000xi32, #tpu.memory_space<vmem>> -> memref<200xi32, #tpu.memory_space<vmem>>
      %dma_start3A_24 = arith.constant 0 : i32
      %dma_start3A_25 = arith.constant 0 : i32
      %dma_start3A_26 = tpu.memref_slice %arg3[%dma_start3A_24, %dma_start3A_25] : memref<10000x128xi32, #tpu.memory_space<hbm>> -> memref<10000x128xi32, #tpu.memory_space<hbm>>
      tpu.enqueue_indirect_dma source(%dma_start3A_26 : memref<10000x128xi32, #tpu.memory_space<hbm>>) target(%arg11 : memref<200x128xi32, #tpu.memory_space<vmem>>) offsets(%dma_start3A_23 : memref<200xi32, #tpu.memory_space<vmem>>) semaphore(%arg13 : memref<!tpu.dma_semaphore, #tpu.memory_space<semaphore_mem>>)
      %dma_wait3A = tpu.memref_slice %arg8[%mul3A_17] : memref<5000xi32, #tpu.memory_space<vmem>> -> memref<200xi32, #tpu.memory_space<vmem>>
      %dma_wait3A_27 = arith.constant 0 : i32
      %dma_wait3A_28 = arith.constant 0 : i32
      %dma_wait3A_29 = tpu.memref_slice %arg2[%dma_wait3A_27, %dma_wait3A_28] : memref<10000x128xi32, #tpu.memory_space<hbm>> -> memref<10000x128xi32, #tpu.memory_space<hbm>>
      tpu.wait_indirect_dma semaphore(%arg12 : memref<!tpu.dma_semaphore, #tpu.memory_space<semaphore_mem>>) src(%dma_wait3A_29 : memref<10000x128xi32, #tpu.memory_space<hbm>>) dst(%arg10 : memref<200x128xi32, #tpu.memory_space<vmem>>)
      %dma_wait3A_30 = tpu.memref_slice %arg9[%mul3A_22] : memref<5000xi32, #tpu.memory_space<vmem>> -> memref<200xi32, #tpu.memory_space<vmem>>
      %dma_wait3A_31 = arith.constant 0 : i32
      %dma_wait3A_32 = arith.constant 0 : i32
      %dma_wait3A_33 = tpu.memref_slice %arg3[%dma_wait3A_31, %dma_wait3A_32] : memref<10000x128xi32, #tpu.memory_space<hbm>> -> memref<10000x128xi32, #tpu.memory_space<hbm>>
      tpu.wait_indirect_dma semaphore(%arg13 : memref<!tpu.dma_semaphore, #tpu.memory_space<semaphore_mem>>) src(%dma_wait3A_33 : memref<10000x128xi32, #tpu.memory_space<hbm>>) dst(%arg11 : memref<200x128xi32, #tpu.memory_space<vmem>>)
      %dma_start3A_34 = arith.constant 0 : i32
      %dma_start3A_35 = tpu.memref_slice %arg6[%add3A_15, %dma_start3A_34] : memref<160000x128xi32, #tpu.memory_space<hbm>> -> memref<200x128xi32, #tpu.memory_space<hbm>>
      %dma_start3A_36 = arith.constant 0 : i32
      %dma_start3A_37 = tpu.memref_slice %arg6[%add3A_15, %dma_start3A_36] : memref<160000x128xi32, #tpu.memory_space<hbm>> -> memref<200x128xi32, #tpu.memory_space<hbm>>
      tpu.enqueue_dma source(%arg10 : memref<200x128xi32, #tpu.memory_space<vmem>>) target(%dma_start3A_37 : memref<200x128xi32, #tpu.memory_space<hbm>>) target_semaphore(%arg14 : memref<!tpu.dma_semaphore, #tpu.memory_space<semaphore_mem>>)
      %dma_start3A_38 = arith.constant 0 : i32
      %dma_start3A_39 = tpu.memref_slice %arg7[%add3A_15, %dma_start3A_38] : memref<160000x128xi32, #tpu.memory_space<hbm>> -> memref<200x128xi32, #tpu.memory_space<hbm>>
      %dma_start3A_40 = arith.constant 0 : i32
      %dma_start3A_41 = tpu.memref_slice %arg7[%add3A_15, %dma_start3A_40] : memref<160000x128xi32, #tpu.memory_space<hbm>> -> memref<200x128xi32, #tpu.memory_space<hbm>>
      tpu.enqueue_dma source(%arg11 : memref<200x128xi32, #tpu.memory_space<vmem>>) target(%dma_start3A_41 : memref<200x128xi32, #tpu.memory_space<hbm>>) target_semaphore(%arg15 : memref<!tpu.dma_semaphore, #tpu.memory_space<semaphore_mem>>)
      %dma_wait3A_42 = arith.constant 0 : i32
      %dma_wait3A_43 = tpu.memref_slice %arg6[%add3A_15, %dma_wait3A_42] : memref<160000x128xi32, #tpu.memory_space<hbm>> -> memref<200x128xi32, #tpu.memory_space<hbm>>
      %dma_wait3A_44 = arith.constant 0 : i32
      %dma_wait3A_45 = tpu.memref_slice %arg6[%add3A_15, %dma_wait3A_44] : memref<160000x128xi32, #tpu.memory_space<hbm>> -> memref<200x128xi32, #tpu.memory_space<hbm>>
      tpu.wait_dma2 semaphore(%arg14 : memref<!tpu.dma_semaphore, #tpu.memory_space<semaphore_mem>>) src(%arg10 : memref<200x128xi32, #tpu.memory_space<vmem>>) dst(%dma_wait3A_45 : memref<200x128xi32, #tpu.memory_space<hbm>>)
      %dma_wait3A_46 = arith.constant 0 : i32
      %dma_wait3A_47 = tpu.memref_slice %arg7[%add3A_15, %dma_wait3A_46] : memref<160000x128xi32, #tpu.memory_space<hbm>> -> memref<200x128xi32, #tpu.memory_space<hbm>>
      %dma_wait3A_48 = arith.constant 0 : i32
      %dma_wait3A_49 = tpu.memref_slice %arg7[%add3A_15, %dma_wait3A_48] : memref<160000x128xi32, #tpu.memory_space<hbm>> -> memref<200x128xi32, #tpu.memory_space<hbm>>
      tpu.wait_dma2 semaphore(%arg15 : memref<!tpu.dma_semaphore, #tpu.memory_space<semaphore_mem>>) src(%arg11 : memref<200x128xi32, #tpu.memory_space<vmem>>) dst(%dma_wait3A_49 : memref<200x128xi32, #tpu.memory_space<hbm>>)
    }
    %scan3A_9 = arith.constant 25 : i32
    return
  }
}

#map = affine_map<(d0, d1) -> (0, 0)>
#map1 = affine_map<(d0, d1) -> (0)>
#map2 = affine_map<(d0, d1) -> (0, 0, 0)>
module attributes {stable_mosaic.version = 14 : i64} {
  func.func @scat(%arg0: i32, %arg1: i32, %arg2: memref<160000x128xf32, #tpu.memory_space<hbm>>, %arg3: memref<160000xi32, #tpu.memory_space<hbm>>, %arg4: memref<640x128xf32, #tpu.memory_space<hbm>>, %arg5: memref<2x10240x128xf32, #tpu.memory_space<hbm>>, %arg6: memref<200x128xf32, #tpu.memory_space<vmem>>, %arg7: memref<200xi32, #tpu.memory_space<vmem>>, %arg8: memref<!tpu.dma_semaphore, #tpu.memory_space<semaphore_mem>>, %arg9: memref<!tpu.dma_semaphore, #tpu.memory_space<semaphore_mem>>, %arg10: memref<10240x128xf32, #tpu.memory_space<vmem_shared>>) attributes {dimension_semantics = [#tpu.dimension_semantics<core_parallel>, #tpu.dimension_semantics<subcore_parallel>], iteration_bounds = array<i64: 2, 16>, scalar_prefetch = 0 : i64, scratch_operands = 5 : i64, tpu.core_type = #tpu.core_type<sc_vector_subcore>, window_params = [{transform_indices = #map}, {transform_indices = #map1}, {transform_indices = #map}, {transform_indices = #map2}]} {
    %mul3A = arith.constant 2 : i32
    %mul3A_0 = arith.muli %arg1, %mul3A : i32
    %add3A = arith.addi %mul3A_0, %arg0 : i32
    %mul3A_1 = arith.constant 640 : i32
    %mul3A_2 = arith.muli %arg1, %mul3A_1 : i32
    "tpu.region"() ({
      %run_scoped3A = tpu.sem_alloc : memref<!tpu.dma_semaphore, #tpu.memory_space<semaphore_mem>>
      %dma_start3A = arith.constant 0 : i32
      %dma_start3A_15 = tpu.memref_slice %arg10[%mul3A_2, %dma_start3A] : memref<10240x128xf32, #tpu.memory_space<vmem_shared>> -> memref<640x128xf32, #tpu.memory_space<vmem_shared>>
      tpu.enqueue_dma source(%arg4 : memref<640x128xf32, #tpu.memory_space<hbm>>) target(%dma_start3A_15 : memref<640x128xf32, #tpu.memory_space<vmem_shared>>) target_semaphore(%run_scoped3A : memref<!tpu.dma_semaphore, #tpu.memory_space<semaphore_mem>>)
      %dma_wait3A = arith.constant 0 : i32
      %dma_wait3A_16 = tpu.memref_slice %arg10[%mul3A_2, %dma_wait3A] : memref<10240x128xf32, #tpu.memory_space<vmem_shared>> -> memref<640x128xf32, #tpu.memory_space<vmem_shared>>
      tpu.wait_dma2 semaphore(%run_scoped3A : memref<!tpu.dma_semaphore, #tpu.memory_space<semaphore_mem>>) src(%arg4 : memref<640x128xf32, #tpu.memory_space<hbm>>) dst(%dma_wait3A_16 : memref<640x128xf32, #tpu.memory_space<vmem_shared>>)
      tpu.yield
    }) : () -> ()
    %barrier3A = arith.constant 0 : index
    tpu.barrier barrier_id(%barrier3A)
    %scan3A = arith.constant 0 : i32
    %scan3A_3 = arith.constant 0 : i32
    %scan3A_4 = arith.constant 25 : i32
    %scan3A_5 = arith.addi %scan3A_3, %scan3A_4 : i32
    %scan3A_6 = arith.constant 1 : i32
    scf.for %scan3A_15 = %scan3A_3 to %scan3A_5 step %scan3A_6  : i32 {
      %mul3A_16 = arith.constant 5000 : i32
      %mul3A_17 = arith.muli %add3A, %mul3A_16 : i32
      %mul3A_18 = arith.constant 200 : i32
      %mul3A_19 = arith.muli %scan3A_15, %mul3A_18 : i32
      %add3A_20 = arith.addi %mul3A_17, %mul3A_19 : i32
      %dma_start3A = tpu.memref_slice %arg3[%add3A_20] : memref<160000xi32, #tpu.memory_space<hbm>> -> memref<200xi32, #tpu.memory_space<hbm>>
      %dma_start3A_21 = tpu.memref_slice %arg3[%add3A_20] : memref<160000xi32, #tpu.memory_space<hbm>> -> memref<200xi32, #tpu.memory_space<hbm>>
      tpu.enqueue_dma source(%dma_start3A_21 : memref<200xi32, #tpu.memory_space<hbm>>) target(%arg7 : memref<200xi32, #tpu.memory_space<vmem>>) target_semaphore(%arg9 : memref<!tpu.dma_semaphore, #tpu.memory_space<semaphore_mem>>)
      %dma_start3A_22 = arith.constant 0 : i32
      %dma_start3A_23 = tpu.memref_slice %arg2[%add3A_20, %dma_start3A_22] : memref<160000x128xf32, #tpu.memory_space<hbm>> -> memref<200x128xf32, #tpu.memory_space<hbm>>
      %dma_start3A_24 = arith.constant 0 : i32
      %dma_start3A_25 = tpu.memref_slice %arg2[%add3A_20, %dma_start3A_24] : memref<160000x128xf32, #tpu.memory_space<hbm>> -> memref<200x128xf32, #tpu.memory_space<hbm>>
      tpu.enqueue_dma source(%dma_start3A_25 : memref<200x128xf32, #tpu.memory_space<hbm>>) target(%arg6 : memref<200x128xf32, #tpu.memory_space<vmem>>) target_semaphore(%arg8 : memref<!tpu.dma_semaphore, #tpu.memory_space<semaphore_mem>>)
      %dma_wait3A = tpu.memref_slice %arg3[%add3A_20] : memref<160000xi32, #tpu.memory_space<hbm>> -> memref<200xi32, #tpu.memory_space<hbm>>
      %dma_wait3A_26 = tpu.memref_slice %arg3[%add3A_20] : memref<160000xi32, #tpu.memory_space<hbm>> -> memref<200xi32, #tpu.memory_space<hbm>>
      tpu.wait_dma2 semaphore(%arg9 : memref<!tpu.dma_semaphore, #tpu.memory_space<semaphore_mem>>) src(%dma_wait3A_26 : memref<200xi32, #tpu.memory_space<hbm>>) dst(%arg7 : memref<200xi32, #tpu.memory_space<vmem>>)
      %dma_wait3A_27 = arith.constant 0 : i32
      %dma_wait3A_28 = tpu.memref_slice %arg2[%add3A_20, %dma_wait3A_27] : memref<160000x128xf32, #tpu.memory_space<hbm>> -> memref<200x128xf32, #tpu.memory_space<hbm>>
      %dma_wait3A_29 = arith.constant 0 : i32
      %dma_wait3A_30 = tpu.memref_slice %arg2[%add3A_20, %dma_wait3A_29] : memref<160000x128xf32, #tpu.memory_space<hbm>> -> memref<200x128xf32, #tpu.memory_space<hbm>>
      tpu.wait_dma2 semaphore(%arg8 : memref<!tpu.dma_semaphore, #tpu.memory_space<semaphore_mem>>) src(%dma_wait3A_30 : memref<200x128xf32, #tpu.memory_space<hbm>>) dst(%arg6 : memref<200x128xf32, #tpu.memory_space<vmem>>)
      "tpu.region"() ({
        %run_scoped3A = tpu.sem_alloc : memref<!tpu.dma_semaphore, #tpu.memory_space<semaphore_mem>>
        %dma_start3A_31 = arith.constant 0 : i32
        %dma_start3A_32 = arith.constant 0 : i32
        %dma_start3A_33 = tpu.memref_slice %arg10[%dma_start3A_31, %dma_start3A_32] : memref<10240x128xf32, #tpu.memory_space<vmem_shared>> -> memref<10240x128xf32, #tpu.memory_space<vmem_shared>>
        tpu.enqueue_indirect_dma source(%arg6 : memref<200x128xf32, #tpu.memory_space<vmem>>) target(%dma_start3A_33 : memref<10240x128xf32, #tpu.memory_space<vmem_shared>>) offsets(%arg7 : memref<200xi32, #tpu.memory_space<vmem>>) semaphore(%run_scoped3A : memref<!tpu.dma_semaphore, #tpu.memory_space<semaphore_mem>>) {add = true}
        %dma_wait3A_34 = arith.constant 0 : i32
        %dma_wait3A_35 = arith.constant 0 : i32
        %dma_wait3A_36 = tpu.memref_slice %arg10[%dma_wait3A_34, %dma_wait3A_35] : memref<10240x128xf32, #tpu.memory_space<vmem_shared>> -> memref<10240x128xf32, #tpu.memory_space<vmem_shared>>
        tpu.wait_indirect_dma semaphore(%run_scoped3A : memref<!tpu.dma_semaphore, #tpu.memory_space<semaphore_mem>>) src(%arg6 : memref<200x128xf32, #tpu.memory_space<vmem>>) dst(%dma_wait3A_36 : memref<10240x128xf32, #tpu.memory_space<vmem_shared>>)
        tpu.yield
      }) : () -> ()
    }
    %scan3A_7 = arith.constant 25 : i32
    %barrier3A_8 = arith.constant 0 : index
    tpu.barrier barrier_id(%barrier3A_8)
    %scan3A_9 = arith.constant 0 : i32
    %scan3A_10 = arith.constant 0 : i32
    %scan3A_11 = arith.constant 4 : i32
    %scan3A_12 = arith.addi %scan3A_10, %scan3A_11 : i32
    %scan3A_13 = arith.constant 1 : i32
    scf.for %scan3A_15 = %scan3A_10 to %scan3A_12 step %scan3A_13  : i32 {
      %mul3A_16 = arith.constant 640 : i32
      %mul3A_17 = arith.muli %arg1, %mul3A_16 : i32
      %mul3A_18 = arith.constant 160 : i32
      %mul3A_19 = arith.muli %scan3A_15, %mul3A_18 : i32
      %add3A_20 = arith.addi %mul3A_17, %mul3A_19 : i32
      "tpu.region"() ({
        %run_scoped3A = tpu.sem_alloc : memref<!tpu.dma_semaphore, #tpu.memory_space<semaphore_mem>>
        %dma_start3A = arith.constant 0 : i32
        %dma_start3A_21 = arith.constant 0 : i32
        %dma_start3A_22 = tpu.memref_slice %arg6[%dma_start3A, %dma_start3A_21] : memref<200x128xf32, #tpu.memory_space<vmem>> -> memref<160x128xf32, #tpu.memory_space<vmem>>
        %dma_start3A_23 = arith.constant 0 : i32
        %dma_start3A_24 = tpu.memref_slice %arg10[%add3A_20, %dma_start3A_23] : memref<10240x128xf32, #tpu.memory_space<vmem_shared>> -> memref<160x128xf32, #tpu.memory_space<vmem_shared>>
        %dma_start3A_25 = arith.constant 0 : i32
        %dma_start3A_26 = arith.constant 0 : i32
        %dma_start3A_27 = tpu.memref_slice %arg6[%dma_start3A_25, %dma_start3A_26] : memref<200x128xf32, #tpu.memory_space<vmem>> -> memref<160x128xf32, #tpu.memory_space<vmem>>
        %dma_start3A_28 = arith.constant 0 : i32
        %dma_start3A_29 = tpu.memref_slice %arg10[%add3A_20, %dma_start3A_28] : memref<10240x128xf32, #tpu.memory_space<vmem_shared>> -> memref<160x128xf32, #tpu.memory_space<vmem_shared>>
        tpu.enqueue_dma source(%dma_start3A_29 : memref<160x128xf32, #tpu.memory_space<vmem_shared>>) target(%dma_start3A_27 : memref<160x128xf32, #tpu.memory_space<vmem>>) target_semaphore(%run_scoped3A : memref<!tpu.dma_semaphore, #tpu.memory_space<semaphore_mem>>)
        %dma_wait3A = arith.constant 0 : i32
        %dma_wait3A_30 = arith.constant 0 : i32
        %dma_wait3A_31 = tpu.memref_slice %arg6[%dma_wait3A, %dma_wait3A_30] : memref<200x128xf32, #tpu.memory_space<vmem>> -> memref<160x128xf32, #tpu.memory_space<vmem>>
        %dma_wait3A_32 = arith.constant 0 : i32
        %dma_wait3A_33 = tpu.memref_slice %arg10[%add3A_20, %dma_wait3A_32] : memref<10240x128xf32, #tpu.memory_space<vmem_shared>> -> memref<160x128xf32, #tpu.memory_space<vmem_shared>>
        %dma_wait3A_34 = arith.constant 0 : i32
        %dma_wait3A_35 = arith.constant 0 : i32
        %dma_wait3A_36 = tpu.memref_slice %arg6[%dma_wait3A_34, %dma_wait3A_35] : memref<200x128xf32, #tpu.memory_space<vmem>> -> memref<160x128xf32, #tpu.memory_space<vmem>>
        %dma_wait3A_37 = arith.constant 0 : i32
        %dma_wait3A_38 = tpu.memref_slice %arg10[%add3A_20, %dma_wait3A_37] : memref<10240x128xf32, #tpu.memory_space<vmem_shared>> -> memref<160x128xf32, #tpu.memory_space<vmem_shared>>
        tpu.wait_dma2 semaphore(%run_scoped3A : memref<!tpu.dma_semaphore, #tpu.memory_space<semaphore_mem>>) src(%dma_wait3A_38 : memref<160x128xf32, #tpu.memory_space<vmem_shared>>) dst(%dma_wait3A_36 : memref<160x128xf32, #tpu.memory_space<vmem>>)
        tpu.yield
      }) : () -> ()
      "tpu.region"() ({
        %run_scoped3A = tpu.sem_alloc : memref<!tpu.dma_semaphore, #tpu.memory_space<semaphore_mem>>
        %dma_start3A = arith.constant 0 : i32
        %dma_start3A_21 = arith.constant 0 : i32
        %dma_start3A_22 = tpu.memref_slice %arg6[%dma_start3A, %dma_start3A_21] : memref<200x128xf32, #tpu.memory_space<vmem>> -> memref<160x128xf32, #tpu.memory_space<vmem>>
        %dma_start3A_23 = arith.constant 0 : i32
        %dma_start3A_24 = tpu.memref_slice %arg5[%arg0, %add3A_20, %dma_start3A_23] : memref<2x10240x128xf32, #tpu.memory_space<hbm>> -> memref<1x160x128xf32, #tpu.memory_space<hbm>>
        %dma_start3A_25 = tpu.memref_squeeze %dma_start3A_24 : memref<1x160x128xf32, #tpu.memory_space<hbm>> -> memref<160x128xf32, #tpu.memory_space<hbm>>
        %dma_start3A_26 = arith.constant 0 : i32
        %dma_start3A_27 = tpu.memref_slice %arg5[%arg0, %add3A_20, %dma_start3A_26] : memref<2x10240x128xf32, #tpu.memory_space<hbm>> -> memref<1x160x128xf32, #tpu.memory_space<hbm>>
        %dma_start3A_28 = tpu.memref_squeeze %dma_start3A_27 : memref<1x160x128xf32, #tpu.memory_space<hbm>> -> memref<160x128xf32, #tpu.memory_space<hbm>>
        %dma_start3A_29 = arith.constant 0 : i32
        %dma_start3A_30 = arith.constant 0 : i32
        %dma_start3A_31 = tpu.memref_slice %arg6[%dma_start3A_29, %dma_start3A_30] : memref<200x128xf32, #tpu.memory_space<vmem>> -> memref<160x128xf32, #tpu.memory_space<vmem>>
        tpu.enqueue_dma source(%dma_start3A_31 : memref<160x128xf32, #tpu.memory_space<vmem>>) target(%dma_start3A_28 : memref<160x128xf32, #tpu.memory_space<hbm>>) target_semaphore(%run_scoped3A : memref<!tpu.dma_semaphore, #tpu.memory_space<semaphore_mem>>)
        %dma_wait3A = arith.constant 0 : i32
        %dma_wait3A_32 = arith.constant 0 : i32
        %dma_wait3A_33 = tpu.memref_slice %arg6[%dma_wait3A, %dma_wait3A_32] : memref<200x128xf32, #tpu.memory_space<vmem>> -> memref<160x128xf32, #tpu.memory_space<vmem>>
        %dma_wait3A_34 = arith.constant 0 : i32
        %dma_wait3A_35 = tpu.memref_slice %arg5[%arg0, %add3A_20, %dma_wait3A_34] : memref<2x10240x128xf32, #tpu.memory_space<hbm>> -> memref<1x160x128xf32, #tpu.memory_space<hbm>>
        %dma_wait3A_36 = tpu.memref_squeeze %dma_wait3A_35 : memref<1x160x128xf32, #tpu.memory_space<hbm>> -> memref<160x128xf32, #tpu.memory_space<hbm>>
        %dma_wait3A_37 = arith.constant 0 : i32
        %dma_wait3A_38 = tpu.memref_slice %arg5[%arg0, %add3A_20, %dma_wait3A_37] : memref<2x10240x128xf32, #tpu.memory_space<hbm>> -> memref<1x160x128xf32, #tpu.memory_space<hbm>>
        %dma_wait3A_39 = tpu.memref_squeeze %dma_wait3A_38 : memref<1x160x128xf32, #tpu.memory_space<hbm>> -> memref<160x128xf32, #tpu.memory_space<hbm>>
        %dma_wait3A_40 = arith.constant 0 : i32
        %dma_wait3A_41 = arith.constant 0 : i32
        %dma_wait3A_42 = tpu.memref_slice %arg6[%dma_wait3A_40, %dma_wait3A_41] : memref<200x128xf32, #tpu.memory_space<vmem>> -> memref<160x128xf32, #tpu.memory_space<vmem>>
        tpu.wait_dma2 semaphore(%run_scoped3A : memref<!tpu.dma_semaphore, #tpu.memory_space<semaphore_mem>>) src(%dma_wait3A_42 : memref<160x128xf32, #tpu.memory_space<vmem>>) dst(%dma_wait3A_39 : memref<160x128xf32, #tpu.memory_space<hbm>>)
        tpu.yield
      }) : () -> ()
    }
    %scan3A_14 = arith.constant 4 : i32
    return
  }
}

#map = affine_map<(d0, d1) -> (0, 0)>
#map1 = affine_map<(d0, d1) -> (0)>
#map2 = affine_map<(d0, d1) -> (0, 0, 0)>
module attributes {stable_mosaic.version = 14 : i64} {
  func.func @scat(%arg0: i32, %arg1: i32, %arg2: memref<160000x128xf32, #tpu.memory_space<hbm>>, %arg3: memref<160000xi32, #tpu.memory_space<hbm>>, %arg4: memref<640x128xf32, #tpu.memory_space<hbm>>, %arg5: memref<2x10240x128xf32, #tpu.memory_space<hbm>>, %arg6: memref<200x128xf32, #tpu.memory_space<vmem>>, %arg7: memref<200xi32, #tpu.memory_space<vmem>>, %arg8: memref<!tpu.dma_semaphore, #tpu.memory_space<semaphore_mem>>, %arg9: memref<!tpu.dma_semaphore, #tpu.memory_space<semaphore_mem>>, %arg10: memref<10240x128xf32, #tpu.memory_space<vmem_shared>>) attributes {dimension_semantics = [#tpu.dimension_semantics<core_parallel>, #tpu.dimension_semantics<subcore_parallel>], iteration_bounds = array<i64: 2, 16>, scalar_prefetch = 0 : i64, scratch_operands = 5 : i64, tpu.core_type = #tpu.core_type<sc_vector_subcore>, window_params = [{transform_indices = #map}, {transform_indices = #map1}, {transform_indices = #map}, {transform_indices = #map2}]} {
    %mul3A = arith.constant 2 : i32
    %mul3A_0 = arith.muli %arg1, %mul3A : i32
    %add3A = arith.addi %mul3A_0, %arg0 : i32
    %mul3A_1 = arith.constant 640 : i32
    %mul3A_2 = arith.muli %arg1, %mul3A_1 : i32
    "tpu.region"() ({
      %run_scoped3A = tpu.sem_alloc : memref<!tpu.dma_semaphore, #tpu.memory_space<semaphore_mem>>
      %dma_start3A = arith.constant 0 : i32
      %dma_start3A_15 = tpu.memref_slice %arg10[%mul3A_2, %dma_start3A] : memref<10240x128xf32, #tpu.memory_space<vmem_shared>> -> memref<640x128xf32, #tpu.memory_space<vmem_shared>>
      tpu.enqueue_dma source(%arg4 : memref<640x128xf32, #tpu.memory_space<hbm>>) target(%dma_start3A_15 : memref<640x128xf32, #tpu.memory_space<vmem_shared>>) target_semaphore(%run_scoped3A : memref<!tpu.dma_semaphore, #tpu.memory_space<semaphore_mem>>)
      %dma_wait3A = arith.constant 0 : i32
      %dma_wait3A_16 = tpu.memref_slice %arg10[%mul3A_2, %dma_wait3A] : memref<10240x128xf32, #tpu.memory_space<vmem_shared>> -> memref<640x128xf32, #tpu.memory_space<vmem_shared>>
      tpu.wait_dma2 semaphore(%run_scoped3A : memref<!tpu.dma_semaphore, #tpu.memory_space<semaphore_mem>>) src(%arg4 : memref<640x128xf32, #tpu.memory_space<hbm>>) dst(%dma_wait3A_16 : memref<640x128xf32, #tpu.memory_space<vmem_shared>>)
      tpu.yield
    }) : () -> ()
    %barrier3A = arith.constant 0 : index
    tpu.barrier barrier_id(%barrier3A)
    %scan3A = arith.constant 0 : i32
    %scan3A_3 = arith.constant 0 : i32
    %scan3A_4 = arith.constant 25 : i32
    %scan3A_5 = arith.addi %scan3A_3, %scan3A_4 : i32
    %scan3A_6 = arith.constant 1 : i32
    scf.for %scan3A_15 = %scan3A_3 to %scan3A_5 step %scan3A_6  : i32 {
      %mul3A_16 = arith.constant 5000 : i32
      %mul3A_17 = arith.muli %add3A, %mul3A_16 : i32
      %mul3A_18 = arith.constant 200 : i32
      %mul3A_19 = arith.muli %scan3A_15, %mul3A_18 : i32
      %add3A_20 = arith.addi %mul3A_17, %mul3A_19 : i32
      %dma_start3A = tpu.memref_slice %arg3[%add3A_20] : memref<160000xi32, #tpu.memory_space<hbm>> -> memref<200xi32, #tpu.memory_space<hbm>>
      %dma_start3A_21 = tpu.memref_slice %arg3[%add3A_20] : memref<160000xi32, #tpu.memory_space<hbm>> -> memref<200xi32, #tpu.memory_space<hbm>>
      tpu.enqueue_dma source(%dma_start3A_21 : memref<200xi32, #tpu.memory_space<hbm>>) target(%arg7 : memref<200xi32, #tpu.memory_space<vmem>>) target_semaphore(%arg9 : memref<!tpu.dma_semaphore, #tpu.memory_space<semaphore_mem>>)
      %dma_start3A_22 = arith.constant 0 : i32
      %dma_start3A_23 = tpu.memref_slice %arg2[%add3A_20, %dma_start3A_22] : memref<160000x128xf32, #tpu.memory_space<hbm>> -> memref<200x128xf32, #tpu.memory_space<hbm>>
      %dma_start3A_24 = arith.constant 0 : i32
      %dma_start3A_25 = tpu.memref_slice %arg2[%add3A_20, %dma_start3A_24] : memref<160000x128xf32, #tpu.memory_space<hbm>> -> memref<200x128xf32, #tpu.memory_space<hbm>>
      tpu.enqueue_dma source(%dma_start3A_25 : memref<200x128xf32, #tpu.memory_space<hbm>>) target(%arg6 : memref<200x128xf32, #tpu.memory_space<vmem>>) target_semaphore(%arg8 : memref<!tpu.dma_semaphore, #tpu.memory_space<semaphore_mem>>)
      %dma_wait3A = tpu.memref_slice %arg3[%add3A_20] : memref<160000xi32, #tpu.memory_space<hbm>> -> memref<200xi32, #tpu.memory_space<hbm>>
      %dma_wait3A_26 = tpu.memref_slice %arg3[%add3A_20] : memref<160000xi32, #tpu.memory_space<hbm>> -> memref<200xi32, #tpu.memory_space<hbm>>
      tpu.wait_dma2 semaphore(%arg9 : memref<!tpu.dma_semaphore, #tpu.memory_space<semaphore_mem>>) src(%dma_wait3A_26 : memref<200xi32, #tpu.memory_space<hbm>>) dst(%arg7 : memref<200xi32, #tpu.memory_space<vmem>>)
      %dma_wait3A_27 = arith.constant 0 : i32
      %dma_wait3A_28 = tpu.memref_slice %arg2[%add3A_20, %dma_wait3A_27] : memref<160000x128xf32, #tpu.memory_space<hbm>> -> memref<200x128xf32, #tpu.memory_space<hbm>>
      %dma_wait3A_29 = arith.constant 0 : i32
      %dma_wait3A_30 = tpu.memref_slice %arg2[%add3A_20, %dma_wait3A_29] : memref<160000x128xf32, #tpu.memory_space<hbm>> -> memref<200x128xf32, #tpu.memory_space<hbm>>
      tpu.wait_dma2 semaphore(%arg8 : memref<!tpu.dma_semaphore, #tpu.memory_space<semaphore_mem>>) src(%dma_wait3A_30 : memref<200x128xf32, #tpu.memory_space<hbm>>) dst(%arg6 : memref<200x128xf32, #tpu.memory_space<vmem>>)
      "tpu.region"() ({
        %run_scoped3A = tpu.sem_alloc : memref<!tpu.dma_semaphore, #tpu.memory_space<semaphore_mem>>
        %dma_start3A_31 = arith.constant 0 : i32
        %dma_start3A_32 = arith.constant 0 : i32
        %dma_start3A_33 = tpu.memref_slice %arg10[%dma_start3A_31, %dma_start3A_32] : memref<10240x128xf32, #tpu.memory_space<vmem_shared>> -> memref<10240x128xf32, #tpu.memory_space<vmem_shared>>
        tpu.enqueue_indirect_dma source(%arg6 : memref<200x128xf32, #tpu.memory_space<vmem>>) target(%dma_start3A_33 : memref<10240x128xf32, #tpu.memory_space<vmem_shared>>) offsets(%arg7 : memref<200xi32, #tpu.memory_space<vmem>>) semaphore(%run_scoped3A : memref<!tpu.dma_semaphore, #tpu.memory_space<semaphore_mem>>) {add = true}
        %dma_wait3A_34 = arith.constant 0 : i32
        %dma_wait3A_35 = arith.constant 0 : i32
        %dma_wait3A_36 = tpu.memref_slice %arg10[%dma_wait3A_34, %dma_wait3A_35] : memref<10240x128xf32, #tpu.memory_space<vmem_shared>> -> memref<10240x128xf32, #tpu.memory_space<vmem_shared>>
        tpu.wait_indirect_dma semaphore(%run_scoped3A : memref<!tpu.dma_semaphore, #tpu.memory_space<semaphore_mem>>) src(%arg6 : memref<200x128xf32, #tpu.memory_space<vmem>>) dst(%dma_wait3A_36 : memref<10240x128xf32, #tpu.memory_space<vmem_shared>>)
        tpu.yield
      }) : () -> ()
    }
    %scan3A_7 = arith.constant 25 : i32
    %barrier3A_8 = arith.constant 0 : index
    tpu.barrier barrier_id(%barrier3A_8)
    %scan3A_9 = arith.constant 0 : i32
    %scan3A_10 = arith.constant 0 : i32
    %scan3A_11 = arith.constant 4 : i32
    %scan3A_12 = arith.addi %scan3A_10, %scan3A_11 : i32
    %scan3A_13 = arith.constant 1 : i32
    scf.for %scan3A_15 = %scan3A_10 to %scan3A_12 step %scan3A_13  : i32 {
      %mul3A_16 = arith.constant 640 : i32
      %mul3A_17 = arith.muli %arg1, %mul3A_16 : i32
      %mul3A_18 = arith.constant 160 : i32
      %mul3A_19 = arith.muli %scan3A_15, %mul3A_18 : i32
      %add3A_20 = arith.addi %mul3A_17, %mul3A_19 : i32
      "tpu.region"() ({
        %run_scoped3A = tpu.sem_alloc : memref<!tpu.dma_semaphore, #tpu.memory_space<semaphore_mem>>
        %dma_start3A = arith.constant 0 : i32
        %dma_start3A_21 = arith.constant 0 : i32
        %dma_start3A_22 = tpu.memref_slice %arg6[%dma_start3A, %dma_start3A_21] : memref<200x128xf32, #tpu.memory_space<vmem>> -> memref<160x128xf32, #tpu.memory_space<vmem>>
        %dma_start3A_23 = arith.constant 0 : i32
        %dma_start3A_24 = tpu.memref_slice %arg10[%add3A_20, %dma_start3A_23] : memref<10240x128xf32, #tpu.memory_space<vmem_shared>> -> memref<160x128xf32, #tpu.memory_space<vmem_shared>>
        %dma_start3A_25 = arith.constant 0 : i32
        %dma_start3A_26 = arith.constant 0 : i32
        %dma_start3A_27 = tpu.memref_slice %arg6[%dma_start3A_25, %dma_start3A_26] : memref<200x128xf32, #tpu.memory_space<vmem>> -> memref<160x128xf32, #tpu.memory_space<vmem>>
        %dma_start3A_28 = arith.constant 0 : i32
        %dma_start3A_29 = tpu.memref_slice %arg10[%add3A_20, %dma_start3A_28] : memref<10240x128xf32, #tpu.memory_space<vmem_shared>> -> memref<160x128xf32, #tpu.memory_space<vmem_shared>>
        tpu.enqueue_dma source(%dma_start3A_29 : memref<160x128xf32, #tpu.memory_space<vmem_shared>>) target(%dma_start3A_27 : memref<160x128xf32, #tpu.memory_space<vmem>>) target_semaphore(%run_scoped3A : memref<!tpu.dma_semaphore, #tpu.memory_space<semaphore_mem>>)
        %dma_wait3A = arith.constant 0 : i32
        %dma_wait3A_30 = arith.constant 0 : i32
        %dma_wait3A_31 = tpu.memref_slice %arg6[%dma_wait3A, %dma_wait3A_30] : memref<200x128xf32, #tpu.memory_space<vmem>> -> memref<160x128xf32, #tpu.memory_space<vmem>>
        %dma_wait3A_32 = arith.constant 0 : i32
        %dma_wait3A_33 = tpu.memref_slice %arg10[%add3A_20, %dma_wait3A_32] : memref<10240x128xf32, #tpu.memory_space<vmem_shared>> -> memref<160x128xf32, #tpu.memory_space<vmem_shared>>
        %dma_wait3A_34 = arith.constant 0 : i32
        %dma_wait3A_35 = arith.constant 0 : i32
        %dma_wait3A_36 = tpu.memref_slice %arg6[%dma_wait3A_34, %dma_wait3A_35] : memref<200x128xf32, #tpu.memory_space<vmem>> -> memref<160x128xf32, #tpu.memory_space<vmem>>
        %dma_wait3A_37 = arith.constant 0 : i32
        %dma_wait3A_38 = tpu.memref_slice %arg10[%add3A_20, %dma_wait3A_37] : memref<10240x128xf32, #tpu.memory_space<vmem_shared>> -> memref<160x128xf32, #tpu.memory_space<vmem_shared>>
        tpu.wait_dma2 semaphore(%run_scoped3A : memref<!tpu.dma_semaphore, #tpu.memory_space<semaphore_mem>>) src(%dma_wait3A_38 : memref<160x128xf32, #tpu.memory_space<vmem_shared>>) dst(%dma_wait3A_36 : memref<160x128xf32, #tpu.memory_space<vmem>>)
        tpu.yield
      }) : () -> ()
      "tpu.region"() ({
        %run_scoped3A = tpu.sem_alloc : memref<!tpu.dma_semaphore, #tpu.memory_space<semaphore_mem>>
        %dma_start3A = arith.constant 0 : i32
        %dma_start3A_21 = arith.constant 0 : i32
        %dma_start3A_22 = tpu.memref_slice %arg6[%dma_start3A, %dma_start3A_21] : memref<200x128xf32, #tpu.memory_space<vmem>> -> memref<160x128xf32, #tpu.memory_space<vmem>>
        %dma_start3A_23 = arith.constant 0 : i32
        %dma_start3A_24 = tpu.memref_slice %arg5[%arg0, %add3A_20, %dma_start3A_23] : memref<2x10240x128xf32, #tpu.memory_space<hbm>> -> memref<1x160x128xf32, #tpu.memory_space<hbm>>
        %dma_start3A_25 = tpu.memref_squeeze %dma_start3A_24 : memref<1x160x128xf32, #tpu.memory_space<hbm>> -> memref<160x128xf32, #tpu.memory_space<hbm>>
        %dma_start3A_26 = arith.constant 0 : i32
        %dma_start3A_27 = tpu.memref_slice %arg5[%arg0, %add3A_20, %dma_start3A_26] : memref<2x10240x128xf32, #tpu.memory_space<hbm>> -> memref<1x160x128xf32, #tpu.memory_space<hbm>>
        %dma_start3A_28 = tpu.memref_squeeze %dma_start3A_27 : memref<1x160x128xf32, #tpu.memory_space<hbm>> -> memref<160x128xf32, #tpu.memory_space<hbm>>
        %dma_start3A_29 = arith.constant 0 : i32
        %dma_start3A_30 = arith.constant 0 : i32
        %dma_start3A_31 = tpu.memref_slice %arg6[%dma_start3A_29, %dma_start3A_30] : memref<200x128xf32, #tpu.memory_space<vmem>> -> memref<160x128xf32, #tpu.memory_space<vmem>>
        tpu.enqueue_dma source(%dma_start3A_31 : memref<160x128xf32, #tpu.memory_space<vmem>>) target(%dma_start3A_28 : memref<160x128xf32, #tpu.memory_space<hbm>>) target_semaphore(%run_scoped3A : memref<!tpu.dma_semaphore, #tpu.memory_space<semaphore_mem>>)
        %dma_wait3A = arith.constant 0 : i32
        %dma_wait3A_32 = arith.constant 0 : i32
        %dma_wait3A_33 = tpu.memref_slice %arg6[%dma_wait3A, %dma_wait3A_32] : memref<200x128xf32, #tpu.memory_space<vmem>> -> memref<160x128xf32, #tpu.memory_space<vmem>>
        %dma_wait3A_34 = arith.constant 0 : i32
        %dma_wait3A_35 = tpu.memref_slice %arg5[%arg0, %add3A_20, %dma_wait3A_34] : memref<2x10240x128xf32, #tpu.memory_space<hbm>> -> memref<1x160x128xf32, #tpu.memory_space<hbm>>
        %dma_wait3A_36 = tpu.memref_squeeze %dma_wait3A_35 : memref<1x160x128xf32, #tpu.memory_space<hbm>> -> memref<160x128xf32, #tpu.memory_space<hbm>>
        %dma_wait3A_37 = arith.constant 0 : i32
        %dma_wait3A_38 = tpu.memref_slice %arg5[%arg0, %add3A_20, %dma_wait3A_37] : memref<2x10240x128xf32, #tpu.memory_space<hbm>> -> memref<1x160x128xf32, #tpu.memory_space<hbm>>
        %dma_wait3A_39 = tpu.memref_squeeze %dma_wait3A_38 : memref<1x160x128xf32, #tpu.memory_space<hbm>> -> memref<160x128xf32, #tpu.memory_space<hbm>>
        %dma_wait3A_40 = arith.constant 0 : i32
        %dma_wait3A_41 = arith.constant 0 : i32
        %dma_wait3A_42 = tpu.memref_slice %arg6[%dma_wait3A_40, %dma_wait3A_41] : memref<200x128xf32, #tpu.memory_space<vmem>> -> memref<160x128xf32, #tpu.memory_space<vmem>>
        tpu.wait_dma2 semaphore(%run_scoped3A : memref<!tpu.dma_semaphore, #tpu.memory_space<semaphore_mem>>) src(%dma_wait3A_42 : memref<160x128xf32, #tpu.memory_space<vmem>>) dst(%dma_wait3A_39 : memref<160x128xf32, #tpu.memory_space<hbm>>)
        tpu.yield
      }) : () -> ()
    }
    %scan3A_14 = arith.constant 4 : i32
    return
  }
}

#map = affine_map<(d0, d1) -> (0, 0)>
#map1 = affine_map<(d0, d1) -> (0)>
#map2 = affine_map<(d0, d1) -> (0, 0, 0)>
module attributes {stable_mosaic.version = 14 : i64} {
  func.func @scat(%arg0: i32, %arg1: i32, %arg2: memref<10240x128xf32, #tpu.memory_space<hbm>>, %arg3: memref<10240xi32, #tpu.memory_space<hbm>>, %arg4: memref<8x128xf32, #tpu.memory_space<hbm>>, %arg5: memref<2x128x128xf32, #tpu.memory_space<hbm>>, %arg6: memref<320x128xf32, #tpu.memory_space<vmem>>, %arg7: memref<320xi32, #tpu.memory_space<vmem>>, %arg8: memref<!tpu.dma_semaphore, #tpu.memory_space<semaphore_mem>>, %arg9: memref<!tpu.dma_semaphore, #tpu.memory_space<semaphore_mem>>, %arg10: memref<128x128xf32, #tpu.memory_space<vmem_shared>>) attributes {dimension_semantics = [#tpu.dimension_semantics<core_parallel>, #tpu.dimension_semantics<subcore_parallel>], iteration_bounds = array<i64: 2, 16>, scalar_prefetch = 0 : i64, scratch_operands = 5 : i64, tpu.core_type = #tpu.core_type<sc_vector_subcore>, window_params = [{transform_indices = #map}, {transform_indices = #map1}, {transform_indices = #map}, {transform_indices = #map2}]} {
    %mul3A = arith.constant 2 : i32
    %mul3A_0 = arith.muli %arg1, %mul3A : i32
    %add3A = arith.addi %mul3A_0, %arg0 : i32
    %mul3A_1 = arith.constant 8 : i32
    %mul3A_2 = arith.muli %arg1, %mul3A_1 : i32
    "tpu.region"() ({
      %run_scoped3A = tpu.sem_alloc : memref<!tpu.dma_semaphore, #tpu.memory_space<semaphore_mem>>
      %dma_start3A_29 = arith.constant 0 : i32
      %dma_start3A_30 = tpu.memref_slice %arg10[%mul3A_2, %dma_start3A_29] : memref<128x128xf32, #tpu.memory_space<vmem_shared>> -> memref<8x128xf32, #tpu.memory_space<vmem_shared>>
      tpu.enqueue_dma source(%arg4 : memref<8x128xf32, #tpu.memory_space<hbm>>) target(%dma_start3A_30 : memref<8x128xf32, #tpu.memory_space<vmem_shared>>) target_semaphore(%run_scoped3A : memref<!tpu.dma_semaphore, #tpu.memory_space<semaphore_mem>>)
      %dma_wait3A_31 = arith.constant 0 : i32
      %dma_wait3A_32 = tpu.memref_slice %arg10[%mul3A_2, %dma_wait3A_31] : memref<128x128xf32, #tpu.memory_space<vmem_shared>> -> memref<8x128xf32, #tpu.memory_space<vmem_shared>>
      tpu.wait_dma2 semaphore(%run_scoped3A : memref<!tpu.dma_semaphore, #tpu.memory_space<semaphore_mem>>) src(%arg4 : memref<8x128xf32, #tpu.memory_space<hbm>>) dst(%dma_wait3A_32 : memref<8x128xf32, #tpu.memory_space<vmem_shared>>)
      tpu.yield
    }) : () -> ()
    %barrier3A = arith.constant 0 : index
    tpu.barrier barrier_id(%barrier3A)
    %scan3A = arith.constant 0 : i32
    %scan3A_3 = arith.constant 0 : i32
    %mul3A_4 = arith.constant 320 : i32
    %mul3A_5 = arith.muli %add3A, %mul3A_4 : i32
    %mul3A_6 = arith.constant 320 : i32
    %mul3A_7 = arith.muli %scan3A_3, %mul3A_6 : i32
    %add3A_8 = arith.addi %mul3A_5, %mul3A_7 : i32
    %dma_start3A = tpu.memref_slice %arg3[%add3A_8] : memref<10240xi32, #tpu.memory_space<hbm>> -> memref<320xi32, #tpu.memory_space<hbm>>
    %dma_start3A_9 = tpu.memref_slice %arg3[%add3A_8] : memref<10240xi32, #tpu.memory_space<hbm>> -> memref<320xi32, #tpu.memory_space<hbm>>
    tpu.enqueue_dma source(%dma_start3A_9 : memref<320xi32, #tpu.memory_space<hbm>>) target(%arg7 : memref<320xi32, #tpu.memory_space<vmem>>) target_semaphore(%arg9 : memref<!tpu.dma_semaphore, #tpu.memory_space<semaphore_mem>>)
    %dma_start3A_10 = arith.constant 0 : i32
    %dma_start3A_11 = tpu.memref_slice %arg2[%add3A_8, %dma_start3A_10] : memref<10240x128xf32, #tpu.memory_space<hbm>> -> memref<320x128xf32, #tpu.memory_space<hbm>>
    %dma_start3A_12 = arith.constant 0 : i32
    %dma_start3A_13 = tpu.memref_slice %arg2[%add3A_8, %dma_start3A_12] : memref<10240x128xf32, #tpu.memory_space<hbm>> -> memref<320x128xf32, #tpu.memory_space<hbm>>
    tpu.enqueue_dma source(%dma_start3A_13 : memref<320x128xf32, #tpu.memory_space<hbm>>) target(%arg6 : memref<320x128xf32, #tpu.memory_space<vmem>>) target_semaphore(%arg8 : memref<!tpu.dma_semaphore, #tpu.memory_space<semaphore_mem>>)
    %dma_wait3A = tpu.memref_slice %arg3[%add3A_8] : memref<10240xi32, #tpu.memory_space<hbm>> -> memref<320xi32, #tpu.memory_space<hbm>>
    %dma_wait3A_14 = tpu.memref_slice %arg3[%add3A_8] : memref<10240xi32, #tpu.memory_space<hbm>> -> memref<320xi32, #tpu.memory_space<hbm>>
    tpu.wait_dma2 semaphore(%arg9 : memref<!tpu.dma_semaphore, #tpu.memory_space<semaphore_mem>>) src(%dma_wait3A_14 : memref<320xi32, #tpu.memory_space<hbm>>) dst(%arg7 : memref<320xi32, #tpu.memory_space<vmem>>)
    %dma_wait3A_15 = arith.constant 0 : i32
    %dma_wait3A_16 = tpu.memref_slice %arg2[%add3A_8, %dma_wait3A_15] : memref<10240x128xf32, #tpu.memory_space<hbm>> -> memref<320x128xf32, #tpu.memory_space<hbm>>
    %dma_wait3A_17 = arith.constant 0 : i32
    %dma_wait3A_18 = tpu.memref_slice %arg2[%add3A_8, %dma_wait3A_17] : memref<10240x128xf32, #tpu.memory_space<hbm>> -> memref<320x128xf32, #tpu.memory_space<hbm>>
    tpu.wait_dma2 semaphore(%arg8 : memref<!tpu.dma_semaphore, #tpu.memory_space<semaphore_mem>>) src(%dma_wait3A_18 : memref<320x128xf32, #tpu.memory_space<hbm>>) dst(%arg6 : memref<320x128xf32, #tpu.memory_space<vmem>>)
    "tpu.region"() ({
      %run_scoped3A = tpu.sem_alloc : memref<!tpu.dma_semaphore, #tpu.memory_space<semaphore_mem>>
      %dma_start3A_29 = arith.constant 0 : i32
      %dma_start3A_30 = arith.constant 0 : i32
      %dma_start3A_31 = tpu.memref_slice %arg10[%dma_start3A_29, %dma_start3A_30] : memref<128x128xf32, #tpu.memory_space<vmem_shared>> -> memref<128x128xf32, #tpu.memory_space<vmem_shared>>
      tpu.enqueue_indirect_dma source(%arg6 : memref<320x128xf32, #tpu.memory_space<vmem>>) target(%dma_start3A_31 : memref<128x128xf32, #tpu.memory_space<vmem_shared>>) offsets(%arg7 : memref<320xi32, #tpu.memory_space<vmem>>) semaphore(%run_scoped3A : memref<!tpu.dma_semaphore, #tpu.memory_space<semaphore_mem>>) {add = true}
      %dma_wait3A_32 = arith.constant 0 : i32
      %dma_wait3A_33 = arith.constant 0 : i32
      %dma_wait3A_34 = tpu.memref_slice %arg10[%dma_wait3A_32, %dma_wait3A_33] : memref<128x128xf32, #tpu.memory_space<vmem_shared>> -> memref<128x128xf32, #tpu.memory_space<vmem_shared>>
      tpu.wait_indirect_dma semaphore(%run_scoped3A : memref<!tpu.dma_semaphore, #tpu.memory_space<semaphore_mem>>) src(%arg6 : memref<320x128xf32, #tpu.memory_space<vmem>>) dst(%dma_wait3A_34 : memref<128x128xf32, #tpu.memory_space<vmem_shared>>)
      tpu.yield
    }) : () -> ()
    %scan3A_19 = arith.constant 1 : i32
    %barrier3A_20 = arith.constant 0 : index
    tpu.barrier barrier_id(%barrier3A_20)
    %scan3A_21 = arith.constant 0 : i32
    %scan3A_22 = arith.constant 0 : i32
    %mul3A_23 = arith.constant 8 : i32
    %mul3A_24 = arith.muli %arg1, %mul3A_23 : i32
    %mul3A_25 = arith.constant 8 : i32
    %mul3A_26 = arith.muli %scan3A_22, %mul3A_25 : i32
    %add3A_27 = arith.addi %mul3A_24, %mul3A_26 : i32
    "tpu.region"() ({
      %run_scoped3A = tpu.sem_alloc : memref<!tpu.dma_semaphore, #tpu.memory_space<semaphore_mem>>
      %dma_start3A_29 = arith.constant 0 : i32
      %dma_start3A_30 = arith.constant 0 : i32
      %dma_start3A_31 = tpu.memref_slice %arg6[%dma_start3A_29, %dma_start3A_30] : memref<320x128xf32, #tpu.memory_space<vmem>> -> memref<8x128xf32, #tpu.memory_space<vmem>>
      %dma_start3A_32 = arith.constant 0 : i32
      %dma_start3A_33 = tpu.memref_slice %arg10[%add3A_27, %dma_start3A_32] : memref<128x128xf32, #tpu.memory_space<vmem_shared>> -> memref<8x128xf32, #tpu.memory_space<vmem_shared>>
      %dma_start3A_34 = arith.constant 0 : i32
      %dma_start3A_35 = arith.constant 0 : i32
      %dma_start3A_36 = tpu.memref_slice %arg6[%dma_start3A_34, %dma_start3A_35] : memref<320x128xf32, #tpu.memory_space<vmem>> -> memref<8x128xf32, #tpu.memory_space<vmem>>
      %dma_start3A_37 = arith.constant 0 : i32
      %dma_start3A_38 = tpu.memref_slice %arg10[%add3A_27, %dma_start3A_37] : memref<128x128xf32, #tpu.memory_space<vmem_shared>> -> memref<8x128xf32, #tpu.memory_space<vmem_shared>>
      tpu.enqueue_dma source(%dma_start3A_38 : memref<8x128xf32, #tpu.memory_space<vmem_shared>>) target(%dma_start3A_36 : memref<8x128xf32, #tpu.memory_space<vmem>>) target_semaphore(%run_scoped3A : memref<!tpu.dma_semaphore, #tpu.memory_space<semaphore_mem>>)
      %dma_wait3A_39 = arith.constant 0 : i32
      %dma_wait3A_40 = arith.constant 0 : i32
      %dma_wait3A_41 = tpu.memref_slice %arg6[%dma_wait3A_39, %dma_wait3A_40] : memref<320x128xf32, #tpu.memory_space<vmem>> -> memref<8x128xf32, #tpu.memory_space<vmem>>
      %dma_wait3A_42 = arith.constant 0 : i32
      %dma_wait3A_43 = tpu.memref_slice %arg10[%add3A_27, %dma_wait3A_42] : memref<128x128xf32, #tpu.memory_space<vmem_shared>> -> memref<8x128xf32, #tpu.memory_space<vmem_shared>>
      %dma_wait3A_44 = arith.constant 0 : i32
      %dma_wait3A_45 = arith.constant 0 : i32
      %dma_wait3A_46 = tpu.memref_slice %arg6[%dma_wait3A_44, %dma_wait3A_45] : memref<320x128xf32, #tpu.memory_space<vmem>> -> memref<8x128xf32, #tpu.memory_space<vmem>>
      %dma_wait3A_47 = arith.constant 0 : i32
      %dma_wait3A_48 = tpu.memref_slice %arg10[%add3A_27, %dma_wait3A_47] : memref<128x128xf32, #tpu.memory_space<vmem_shared>> -> memref<8x128xf32, #tpu.memory_space<vmem_shared>>
      tpu.wait_dma2 semaphore(%run_scoped3A : memref<!tpu.dma_semaphore, #tpu.memory_space<semaphore_mem>>) src(%dma_wait3A_48 : memref<8x128xf32, #tpu.memory_space<vmem_shared>>) dst(%dma_wait3A_46 : memref<8x128xf32, #tpu.memory_space<vmem>>)
      tpu.yield
    }) : () -> ()
    "tpu.region"() ({
      %run_scoped3A = tpu.sem_alloc : memref<!tpu.dma_semaphore, #tpu.memory_space<semaphore_mem>>
      %dma_start3A_29 = arith.constant 0 : i32
      %dma_start3A_30 = arith.constant 0 : i32
      %dma_start3A_31 = tpu.memref_slice %arg6[%dma_start3A_29, %dma_start3A_30] : memref<320x128xf32, #tpu.memory_space<vmem>> -> memref<8x128xf32, #tpu.memory_space<vmem>>
      %dma_start3A_32 = arith.constant 0 : i32
      %dma_start3A_33 = tpu.memref_slice %arg5[%arg0, %add3A_27, %dma_start3A_32] : memref<2x128x128xf32, #tpu.memory_space<hbm>> -> memref<1x8x128xf32, #tpu.memory_space<hbm>>
      %dma_start3A_34 = tpu.memref_squeeze %dma_start3A_33 : memref<1x8x128xf32, #tpu.memory_space<hbm>> -> memref<8x128xf32, #tpu.memory_space<hbm>>
      %dma_start3A_35 = arith.constant 0 : i32
      %dma_start3A_36 = tpu.memref_slice %arg5[%arg0, %add3A_27, %dma_start3A_35] : memref<2x128x128xf32, #tpu.memory_space<hbm>> -> memref<1x8x128xf32, #tpu.memory_space<hbm>>
      %dma_start3A_37 = tpu.memref_squeeze %dma_start3A_36 : memref<1x8x128xf32, #tpu.memory_space<hbm>> -> memref<8x128xf32, #tpu.memory_space<hbm>>
      %dma_start3A_38 = arith.constant 0 : i32
      %dma_start3A_39 = arith.constant 0 : i32
      %dma_start3A_40 = tpu.memref_slice %arg6[%dma_start3A_38, %dma_start3A_39] : memref<320x128xf32, #tpu.memory_space<vmem>> -> memref<8x128xf32, #tpu.memory_space<vmem>>
      tpu.enqueue_dma source(%dma_start3A_40 : memref<8x128xf32, #tpu.memory_space<vmem>>) target(%dma_start3A_37 : memref<8x128xf32, #tpu.memory_space<hbm>>) target_semaphore(%run_scoped3A : memref<!tpu.dma_semaphore, #tpu.memory_space<semaphore_mem>>)
      %dma_wait3A_41 = arith.constant 0 : i32
      %dma_wait3A_42 = arith.constant 0 : i32
      %dma_wait3A_43 = tpu.memref_slice %arg6[%dma_wait3A_41, %dma_wait3A_42] : memref<320x128xf32, #tpu.memory_space<vmem>> -> memref<8x128xf32, #tpu.memory_space<vmem>>
      %dma_wait3A_44 = arith.constant 0 : i32
      %dma_wait3A_45 = tpu.memref_slice %arg5[%arg0, %add3A_27, %dma_wait3A_44] : memref<2x128x128xf32, #tpu.memory_space<hbm>> -> memref<1x8x128xf32, #tpu.memory_space<hbm>>
      %dma_wait3A_46 = tpu.memref_squeeze %dma_wait3A_45 : memref<1x8x128xf32, #tpu.memory_space<hbm>> -> memref<8x128xf32, #tpu.memory_space<hbm>>
      %dma_wait3A_47 = arith.constant 0 : i32
      %dma_wait3A_48 = tpu.memref_slice %arg5[%arg0, %add3A_27, %dma_wait3A_47] : memref<2x128x128xf32, #tpu.memory_space<hbm>> -> memref<1x8x128xf32, #tpu.memory_space<hbm>>
      %dma_wait3A_49 = tpu.memref_squeeze %dma_wait3A_48 : memref<1x8x128xf32, #tpu.memory_space<hbm>> -> memref<8x128xf32, #tpu.memory_space<hbm>>
      %dma_wait3A_50 = arith.constant 0 : i32
      %dma_wait3A_51 = arith.constant 0 : i32
      %dma_wait3A_52 = tpu.memref_slice %arg6[%dma_wait3A_50, %dma_wait3A_51] : memref<320x128xf32, #tpu.memory_space<vmem>> -> memref<8x128xf32, #tpu.memory_space<vmem>>
      tpu.wait_dma2 semaphore(%run_scoped3A : memref<!tpu.dma_semaphore, #tpu.memory_space<semaphore_mem>>) src(%dma_wait3A_52 : memref<8x128xf32, #tpu.memory_space<vmem>>) dst(%dma_wait3A_49 : memref<8x128xf32, #tpu.memory_space<hbm>>)
      tpu.yield
    }) : () -> ()
    %scan3A_28 = arith.constant 1 : i32
    return
  }
}

module attributes {stable_mosaic.version = 14 : i64} {
  func.func @_prep_body(%arg0: memref<10000x128xf32, #tpu.memory_space<vmem>>, %arg1: memref<128x128xf32, #tpu.memory_space<vmem>>, %arg2: memref<1x128xf32, #tpu.memory_space<vmem>>, %arg3: memref<10000x128xf32, #tpu.memory_space<vmem>>) attributes {dimension_semantics = [], scalar_prefetch = 0 : i64, scratch_operands = 0 : i64, tpu.core_type = #tpu.core_type<tc>} {
    %get3A = arith.constant 0 : index
    %get3A_0 = arith.constant 0 : index
    %get3A_1 = vector.load %arg0[%get3A, %get3A_0] : memref<10000x128xf32, #tpu.memory_space<vmem>>, vector<10000x128xf32>
    %get3A_2 = arith.constant 0 : index
    %get3A_3 = arith.constant 0 : index
    %get3A_4 = vector.load %arg1[%get3A_2, %get3A_3] : memref<128x128xf32, #tpu.memory_space<vmem>>, vector<128x128xf32>
    %dot_general3A = arith.constant dense<0.000000e+00> : vector<10000x128xf32>
    %dot_general3A_5 = tpu.matmul %get3A_1, %get3A_4, %dot_general3A {dimension_numbers = #tpu.dot_dimension_numbers<[1], [1], [0], [0], [0, 0, 1, 0], [], []>, transpose_lhs_hint = false} : vector<10000x128xf32>, vector<128x128xf32>, vector<10000x128xf32> -> vector<10000x128xf32>
    %get3A_6 = arith.constant 0 : index
    %get3A_7 = arith.constant 0 : index
    %get3A_8 = vector.load %arg2[%get3A_6, %get3A_7] : memref<1x128xf32, #tpu.memory_space<vmem>>, vector<1x128xf32>
    %add3A = vector.broadcast %get3A_8 : vector<1x128xf32> to vector<10000x128xf32>
    %add3A_9 = arith.addf %dot_general3A_5, %add3A : vector<10000x128xf32>
    %swap3A = arith.constant 0 : index
    %swap3A_10 = arith.constant 0 : index
    %swap3A_11 = vector.load %arg3[%swap3A, %swap3A_10] : memref<10000x128xf32, #tpu.memory_space<vmem>>, vector<10000x128xf32>
    tpu.vector_store %arg3[%swap3A, %swap3A_10], %add3A_9 {strides = array<i32>} : memref<10000x128xf32, #tpu.memory_space<vmem>>, vector<10000x128xf32>,
    return
  }
}

module attributes {stable_mosaic.version = 14 : i64} {
  func.func @_tables_body(%arg0: memref<10000x128xf32, #tpu.memory_space<vmem>>, %arg1: memref<128x128xf32, #tpu.memory_space<vmem>>, %arg2: memref<128x128xf32, #tpu.memory_space<vmem>>, %arg3: memref<128x128xf32, #tpu.memory_space<vmem>>, %arg4: memref<128x128xf32, #tpu.memory_space<vmem>>, %arg5: memref<10000x128xi32, #tpu.memory_space<vmem>>, %arg6: memref<10000x128xi32, #tpu.memory_space<vmem>>) attributes {dimension_semantics = [], scalar_prefetch = 0 : i64, scratch_operands = 0 : i64, tpu.core_type = #tpu.core_type<tc>} {
    %get3A = arith.constant 0 : index
    %get3A_0 = arith.constant 0 : index
    %get3A_1 = vector.load %arg0[%get3A, %get3A_0] : memref<10000x128xf32, #tpu.memory_space<vmem>>, vector<10000x128xf32>
    %get3A_2 = arith.constant 0 : index
    %get3A_3 = arith.constant 0 : index
    %get3A_4 = vector.load %arg1[%get3A_2, %get3A_3] : memref<128x128xf32, #tpu.memory_space<vmem>>, vector<128x128xf32>
    %dot_general3A = arith.constant dense<0.000000e+00> : vector<10000x128xf32>
    %dot_general3A_5 = tpu.matmul %get3A_1, %get3A_4, %dot_general3A {dimension_numbers = #tpu.dot_dimension_numbers<[1], [1], [0], [0], [0, 0, 1, 0], [], []>, transpose_lhs_hint = false} : vector<10000x128xf32>, vector<128x128xf32>, vector<10000x128xf32> -> vector<10000x128xf32>
    %mul3A = arith.constant 1.024000e+03 : f32
    %mul3A_6 = vector.broadcast %mul3A : f32 to vector<10000x128xf32>
    %mul3A_7 = arith.mulf %dot_general3A_5, %mul3A_6 : vector<10000x128xf32>
    %round3A = math.roundeven %mul3A_7 : vector<10000x128xf32>
    %jit3A = arith.constant -3.276700e+04 : f32
    %jit3A_8 = arith.constant 3.276700e+04 : f32
    %max3A = vector.broadcast %jit3A : f32 to vector<10000x128xf32>
    %max3A_9 = arith.maximumf %max3A, %round3A : vector<10000x128xf32>
    %min3A = vector.broadcast %jit3A_8 : f32 to vector<10000x128xf32>
    %min3A_10 = arith.minimumf %min3A, %max3A_9 : vector<10000x128xf32>
    %convert_element_type3A = arith.fptosi %min3A_10 : vector<10000x128xf32> to vector<10000x128xi32>
    %get3A_11 = arith.constant 0 : index
    %get3A_12 = arith.constant 0 : index
    %get3A_13 = vector.load %arg3[%get3A_11, %get3A_12] : memref<128x128xf32, #tpu.memory_space<vmem>>, vector<128x128xf32>
    %dot_general3A_14 = arith.constant dense<0.000000e+00> : vector<10000x128xf32>
    %dot_general3A_15 = tpu.matmul %get3A_1, %get3A_13, %dot_general3A_14 {dimension_numbers = #tpu.dot_dimension_numbers<[1], [1], [0], [0], [0, 0, 1, 0], [], []>, transpose_lhs_hint = false} : vector<10000x128xf32>, vector<128x128xf32>, vector<10000x128xf32> -> vector<10000x128xf32>
    %mul3A_16 = arith.constant 1.024000e+03 : f32
    %mul3A_17 = vector.broadcast %mul3A_16 : f32 to vector<10000x128xf32>
    %mul3A_18 = arith.mulf %dot_general3A_15, %mul3A_17 : vector<10000x128xf32>
    %round3A_19 = math.roundeven %mul3A_18 : vector<10000x128xf32>
    %jit3A_20 = arith.constant -3.276700e+04 : f32
    %jit3A_21 = arith.constant 3.276700e+04 : f32
    %max3A_22 = vector.broadcast %jit3A_20 : f32 to vector<10000x128xf32>
    %max3A_23 = arith.maximumf %max3A_22, %round3A_19 : vector<10000x128xf32>
    %min3A_24 = vector.broadcast %jit3A_21 : f32 to vector<10000x128xf32>
    %min3A_25 = arith.minimumf %min3A_24, %max3A_23 : vector<10000x128xf32>
    %convert_element_type3A_26 = arith.fptosi %min3A_25 : vector<10000x128xf32> to vector<10000x128xi32>
    %and3A = arith.constant 65535 : i32
    %and3A_27 = vector.broadcast %and3A : i32 to vector<10000x128xi32>
    %and3A_28 = arith.andi %convert_element_type3A, %and3A_27 : vector<10000x128xi32>
    %shift_left3A = arith.constant 16 : i32
    %shift_left3A_29 = vector.broadcast %shift_left3A : i32 to vector<10000x128xi32>
    %shift_left3A_30 = arith.shli %convert_element_type3A_26, %shift_left3A_29 : vector<10000x128xi32>
    %or3A = arith.ori %and3A_28, %shift_left3A_30 : vector<10000x128xi32>
    %swap3A = arith.constant 0 : index
    %swap3A_31 = arith.constant 0 : index
    %swap3A_32 = vector.load %arg5[%swap3A, %swap3A_31] : memref<10000x128xi32, #tpu.memory_space<vmem>>, vector<10000x128xi32>
    tpu.vector_store %arg5[%swap3A, %swap3A_31], %or3A {strides = array<i32>} : memref<10000x128xi32, #tpu.memory_space<vmem>>, vector<10000x128xi32>,
    %get3A_33 = arith.constant 0 : index
    %get3A_34 = arith.constant 0 : index
    %get3A_35 = vector.load %arg2[%get3A_33, %get3A_34] : memref<128x128xf32, #tpu.memory_space<vmem>>, vector<128x128xf32>
    %dot_general3A_36 = arith.constant dense<0.000000e+00> : vector<10000x128xf32>
    %dot_general3A_37 = tpu.matmul %get3A_1, %get3A_35, %dot_general3A_36 {dimension_numbers = #tpu.dot_dimension_numbers<[1], [1], [0], [0], [0, 0, 1, 0], [], []>, transpose_lhs_hint = false} : vector<10000x128xf32>, vector<128x128xf32>, vector<10000x128xf32> -> vector<10000x128xf32>
    %mul3A_38 = arith.constant 1.024000e+03 : f32
    %mul3A_39 = vector.broadcast %mul3A_38 : f32 to vector<10000x128xf32>
    %mul3A_40 = arith.mulf %dot_general3A_37, %mul3A_39 : vector<10000x128xf32>
    %round3A_41 = math.roundeven %mul3A_40 : vector<10000x128xf32>
    %jit3A_42 = arith.constant -3.276700e+04 : f32
    %jit3A_43 = arith.constant 3.276700e+04 : f32
    %max3A_44 = vector.broadcast %jit3A_42 : f32 to vector<10000x128xf32>
    %max3A_45 = arith.maximumf %max3A_44, %round3A_41 : vector<10000x128xf32>
    %min3A_46 = vector.broadcast %jit3A_43 : f32 to vector<10000x128xf32>
    %min3A_47 = arith.minimumf %min3A_46, %max3A_45 : vector<10000x128xf32>
    %convert_element_type3A_48 = arith.fptosi %min3A_47 : vector<10000x128xf32> to vector<10000x128xi32>
    %get3A_49 = arith.constant 0 : index
    %get3A_50 = arith.constant 0 : index
    %get3A_51 = vector.load %arg4[%get3A_49, %get3A_50] : memref<128x128xf32, #tpu.memory_space<vmem>>, vector<128x128xf32>
    %dot_general3A_52 = arith.constant dense<0.000000e+00> : vector<10000x128xf32>
    %dot_general3A_53 = tpu.matmul %get3A_1, %get3A_51, %dot_general3A_52 {dimension_numbers = #tpu.dot_dimension_numbers<[1], [1], [0], [0], [0, 0, 1, 0], [], []>, transpose_lhs_hint = false} : vector<10000x128xf32>, vector<128x128xf32>, vector<10000x128xf32> -> vector<10000x128xf32>
    %mul3A_54 = arith.constant 1.024000e+03 : f32
    %mul3A_55 = vector.broadcast %mul3A_54 : f32 to vector<10000x128xf32>
    %mul3A_56 = arith.mulf %dot_general3A_53, %mul3A_55 : vector<10000x128xf32>
    %round3A_57 = math.roundeven %mul3A_56 : vector<10000x128xf32>
    %jit3A_58 = arith.constant -3.276700e+04 : f32
    %jit3A_59 = arith.constant 3.276700e+04 : f32
    %max3A_60 = vector.broadcast %jit3A_58 : f32 to vector<10000x128xf32>
    %max3A_61 = arith.maximumf %max3A_60, %round3A_57 : vector<10000x128xf32>
    %min3A_62 = vector.broadcast %jit3A_59 : f32 to vector<10000x128xf32>
    %min3A_63 = arith.minimumf %min3A_62, %max3A_61 : vector<10000x128xf32>
    %convert_element_type3A_64 = arith.fptosi %min3A_63 : vector<10000x128xf32> to vector<10000x128xi32>
    %and3A_65 = arith.constant 65535 : i32
    %and3A_66 = vector.broadcast %and3A_65 : i32 to vector<10000x128xi32>
    %and3A_67 = arith.andi %convert_element_type3A_48, %and3A_66 : vector<10000x128xi32>
    %shift_left3A_68 = arith.constant 16 : i32
    %shift_left3A_69 = vector.broadcast %shift_left3A_68 : i32 to vector<10000x128xi32>
    %shift_left3A_70 = arith.shli %convert_element_type3A_64, %shift_left3A_69 : vector<10000x128xi32>
    %or3A_71 = arith.ori %and3A_67, %shift_left3A_70 : vector<10000x128xi32>
    %swap3A_72 = arith.constant 0 : index
    %swap3A_73 = arith.constant 0 : index
    %swap3A_74 = vector.load %arg6[%swap3A_72, %swap3A_73] : memref<10000x128xi32, #tpu.memory_space<vmem>>, vector<10000x128xi32>
    tpu.vector_store %arg6[%swap3A_72, %swap3A_73], %or3A_71 {strides = array<i32>} : memref<10000x128xi32, #tpu.memory_space<vmem>>, vector<10000x128xi32>,
    return
  }
}

module attributes {stable_mosaic.version = 14 : i64} {
  func.func @_edge_body(%arg0: i32, %arg1: memref<2000x128xi32, #tpu.memory_space<vmem>>, %arg2: memref<2000x128xi32, #tpu.memory_space<vmem>>, %arg3: memref<2000x16xf32, #tpu.memory_space<vmem>>, %arg4: memref<256x16xf32, #tpu.memory_space<vmem>>, %arg5: memref<1x256xf32, #tpu.memory_space<vmem>>, %arg6: memref<2000x128xf32, #tpu.memory_space<vmem>>) attributes {dimension_semantics = [#tpu.dimension_semantics<arbitrary>], iteration_bounds = array<i64: 80>, scalar_prefetch = 0 : i64, scratch_operands = 0 : i64, tpu.core_type = #tpu.core_type<tc>, window_params = [{transform_indices = @transform_0, window_bounds = array<i64: 2000, 128>}, {transform_indices = @transform_1, window_bounds = array<i64: 2000, 128>}, {transform_indices = @transform_2, window_bounds = array<i64: 2000, 16>}, {pipeline_mode = #tpu.pipeline_mode<synchronous>, transform_indices = @transform_3, window_bounds = array<i64: 256, 16>}, {pipeline_mode = #tpu.pipeline_mode<synchronous>, transform_indices = @transform_4, window_bounds = array<i64: 1, 256>}, {transform_indices = @transform_5, window_bounds = array<i64: 2000, 128>}]} {
    %get3A = arith.constant 0 : index
    %get3A_0 = arith.constant 0 : index
    %get3A_1 = vector.load %arg3[%get3A, %get3A_0] : memref<2000x16xf32, #tpu.memory_space<vmem>>, vector<2000x16xf32>
    %get3A_2 = arith.constant 0 : index
    %get3A_3 = arith.constant 0 : index
    %get3A_4 = vector.load %arg4[%get3A_2, %get3A_3] : memref<256x16xf32, #tpu.memory_space<vmem>>, vector<256x16xf32>
    %dot_general3A = arith.constant dense<0.000000e+00> : vector<2000x256xf32>
    %dot_general3A_5 = tpu.matmul %get3A_1, %get3A_4, %dot_general3A {dimension_numbers = #tpu.dot_dimension_numbers<[1], [1], [0], [0], [0, 0, 1, 0], [], []>, transpose_lhs_hint = false} : vector<2000x16xf32>, vector<256x16xf32>, vector<2000x256xf32> -> vector<2000x256xf32>
    %get3A_6 = arith.constant 0 : index
    %get3A_7 = arith.constant 0 : index
    %get3A_8 = vector.load %arg5[%get3A_6, %get3A_7] : memref<1x256xf32, #tpu.memory_space<vmem>>, vector<1x256xf32>
    %add3A = vector.broadcast %get3A_8 : vector<1x256xf32> to vector<2000x256xf32>
    %add3A_9 = arith.addf %dot_general3A_5, %add3A : vector<2000x256xf32>
    %get3A_10 = arith.constant 0 : index
    %get3A_11 = arith.constant 0 : index
    %get3A_12 = vector.load %arg1[%get3A_10, %get3A_11] : memref<2000x128xi32, #tpu.memory_space<vmem>>, vector<2000x128xi32>
    %get3A_13 = arith.constant 0 : index
    %get3A_14 = arith.constant 0 : index
    %get3A_15 = vector.load %arg2[%get3A_13, %get3A_14] : memref<2000x128xi32, #tpu.memory_space<vmem>>, vector<2000x128xi32>
    %shift_left3A = arith.constant 16 : i32
    %shift_left3A_16 = vector.broadcast %shift_left3A : i32 to vector<2000x128xi32>
    %shift_left3A_17 = arith.shli %get3A_12, %shift_left3A_16 : vector<2000x128xi32>
    %shift_right_arithmetic3A = arith.constant 16 : i32
    %shift_right_arithmetic3A_18 = vector.broadcast %shift_right_arithmetic3A : i32 to vector<2000x128xi32>
    %shift_right_arithmetic3A_19 = arith.shrsi %shift_left3A_17, %shift_right_arithmetic3A_18 : vector<2000x128xi32>
    %shift_left3A_20 = arith.constant 16 : i32
    %shift_left3A_21 = vector.broadcast %shift_left3A_20 : i32 to vector<2000x128xi32>
    %shift_left3A_22 = arith.shli %get3A_15, %shift_left3A_21 : vector<2000x128xi32>
    %shift_right_arithmetic3A_23 = arith.constant 16 : i32
    %shift_right_arithmetic3A_24 = vector.broadcast %shift_right_arithmetic3A_23 : i32 to vector<2000x128xi32>
    %shift_right_arithmetic3A_25 = arith.shrsi %shift_left3A_22, %shift_right_arithmetic3A_24 : vector<2000x128xi32>
    %add3A_26 = arith.addi %shift_right_arithmetic3A_19, %shift_right_arithmetic3A_25 : vector<2000x128xi32>
    %shift_right_arithmetic3A_27 = arith.constant 16 : i32
    %shift_right_arithmetic3A_28 = vector.broadcast %shift_right_arithmetic3A_27 : i32 to vector<2000x128xi32>
    %shift_right_arithmetic3A_29 = arith.shrsi %get3A_12, %shift_right_arithmetic3A_28 : vector<2000x128xi32>
    %shift_right_arithmetic3A_30 = arith.constant 16 : i32
    %shift_right_arithmetic3A_31 = vector.broadcast %shift_right_arithmetic3A_30 : i32 to vector<2000x128xi32>
    %shift_right_arithmetic3A_32 = arith.shrsi %get3A_15, %shift_right_arithmetic3A_31 : vector<2000x128xi32>
    %add3A_33 = arith.addi %shift_right_arithmetic3A_29, %shift_right_arithmetic3A_32 : vector<2000x128xi32>
    %convert_element_type3A = arith.sitofp %add3A_26 : vector<2000x128xi32> to vector<2000x128xf32>
    %mul3A = arith.constant 9.765625E-4 : f32
    %mul3A_34 = vector.broadcast %mul3A : f32 to vector<2000x128xf32>
    %mul3A_35 = arith.mulf %convert_element_type3A, %mul3A_34 : vector<2000x128xf32>
    %slice3A = vector.extract_strided_slice %add3A_9 {offsets = [0, 0], sizes = [2000, 128], strides = [1, 1]} : vector<2000x256xf32> to vector<2000x128xf32>
    %add3A_36 = arith.addf %mul3A_35, %slice3A : vector<2000x128xf32>
    %convert_element_type3A_37 = arith.sitofp %add3A_33 : vector<2000x128xi32> to vector<2000x128xf32>
    %mul3A_38 = arith.constant 9.765625E-4 : f32
    %mul3A_39 = vector.broadcast %mul3A_38 : f32 to vector<2000x128xf32>
    %mul3A_40 = arith.mulf %convert_element_type3A_37, %mul3A_39 : vector<2000x128xf32>
    %slice3A_41 = vector.extract_strided_slice %add3A_9 {offsets = [0, 128], sizes = [2000, 128], strides = [1, 1]} : vector<2000x256xf32> to vector<2000x128xf32>
    %add3A_42 = arith.addf %mul3A_40, %slice3A_41 : vector<2000x128xf32>
    %logistic3A = arith.negf %add3A_36 : vector<2000x128xf32>
    %logistic3A_43 = math.exp %logistic3A : vector<2000x128xf32>
    %logistic3A_44 = arith.constant 1.000000e+00 : f32
    %logistic3A_45 = vector.broadcast %logistic3A_44 : f32 to vector<2000x128xf32>
    %logistic3A_46 = arith.addf %logistic3A_45, %logistic3A_43 : vector<2000x128xf32>
    %logistic3A_47 = arith.divf %logistic3A_45, %logistic3A_46 : vector<2000x128xf32>
    %custom_jvp_call3A = arith.constant 0.000000e+00 : f32
    %max3A = vector.broadcast %custom_jvp_call3A : f32 to vector<2000x128xf32>
    %max3A_48 = arith.maximumf %add3A_42, %max3A : vector<2000x128xf32>
    %sub3A = vector.broadcast %custom_jvp_call3A : f32 to vector<2000x128xf32>
    %sub3A_49 = arith.subf %add3A_42, %sub3A : vector<2000x128xf32>
    %ne3A = arith.cmpf one, %sub3A_49, %sub3A_49 : vector<2000x128xf32>
    %add3A_50 = vector.broadcast %custom_jvp_call3A : f32 to vector<2000x128xf32>
    %add3A_51 = arith.addf %add3A_42, %add3A_50 : vector<2000x128xf32>
    %abs3A = math.absf %sub3A_49 : vector<2000x128xf32>
    %neg3A = arith.constant 0.000000e+00 : f32
    %neg3A_52 = vector.broadcast %neg3A : f32 to vector<2000x128xf32>
    %neg3A_53 = arith.subf %neg3A_52, %abs3A : vector<2000x128xf32>
    %exp3A = math.exp %neg3A_53 : vector<2000x128xf32>
    %log1p3A = math.log1p %exp3A : vector<2000x128xf32>
    %add3A_54 = arith.addf %max3A_48, %log1p3A : vector<2000x128xf32>
    %select_n3A = arith.select %ne3A, %add3A_51, %add3A_54 : vector<2000x128xi1>, vector<2000x128xf32>
    %mul3A_55 = arith.mulf %logistic3A_47, %select_n3A : vector<2000x128xf32>
    %swap3A = arith.constant 0 : index
    %swap3A_56 = arith.constant 0 : index
    %swap3A_57 = vector.load %arg6[%swap3A, %swap3A_56] : memref<2000x128xf32, #tpu.memory_space<vmem>>, vector<2000x128xf32>
    tpu.vector_store %arg6[%swap3A, %swap3A_56], %mul3A_55 {strides = array<i32>} : memref<2000x128xf32, #tpu.memory_space<vmem>>, vector<2000x128xf32>,
    return
  }
  func.func @transform_0(%arg0: i32) -> (i32, i32) {
    %c0_i32 = arith.constant 0 : i32
    %c0_i32_0 = arith.constant 0 : i32
    return %arg0, %c0_i32 : i32, i32
  }
  func.func @transform_1(%arg0: i32) -> (i32, i32) {
    %c0_i32 = arith.constant 0 : i32
    %c0_i32_0 = arith.constant 0 : i32
    return %arg0, %c0_i32 : i32, i32
  }
  func.func @transform_2(%arg0: i32) -> (i32, i32) {
    %c0_i32 = arith.constant 0 : i32
    %c0_i32_0 = arith.constant 0 : i32
    return %arg0, %c0_i32 : i32, i32
  }
  func.func @transform_3(%arg0: i32) -> (i32, i32) {
    %c0_i32 = arith.constant 0 : i32
    %c0_i32_0 = arith.constant 0 : i32
    %c0_i32_1 = arith.constant 0 : i32
    return %c0_i32, %c0_i32_0 : i32, i32
  }
  func.func @transform_4(%arg0: i32) -> (i32, i32) {
    %c0_i32 = arith.constant 0 : i32
    %c0_i32_0 = arith.constant 0 : i32
    %c0_i32_1 = arith.constant 0 : i32
    return %c0_i32, %c0_i32_0 : i32, i32
  }
  func.func @transform_5(%arg0: i32) -> (i32, i32) {
    %c0_i32 = arith.constant 0 : i32
    %c0_i32_0 = arith.constant 0 : i32
    return %arg0, %c0_i32 : i32, i32
  }
}

module attributes {stable_mosaic.version = 14 : i64} {
  func.func @_update_body(%arg0: memref<2x10240x128xf32, #tpu.memory_space<vmem>>, %arg1: memref<2x10240x128xf32, #tpu.memory_space<vmem>>, %arg2: memref<2x10240x16xf32, #tpu.memory_space<vmem>>, %arg3: memref<10000x128xf32, #tpu.memory_space<vmem>>, %arg4: memref<1x128xf32, #tpu.memory_space<vmem>>, %arg5: memref<1x128xf32, #tpu.memory_space<vmem>>, %arg6: memref<10000x128xf32, #tpu.memory_space<vmem>>) attributes {dimension_semantics = [], scalar_prefetch = 0 : i64, scratch_operands = 0 : i64, tpu.core_type = #tpu.core_type<tc>} {
    %get3A = arith.constant 0 : index
    %get3A_0 = arith.constant 0 : index
    %get3A_1 = arith.constant 0 : index
    %get3A_2 = vector.load %arg0[%get3A, %get3A_0, %get3A_1] : memref<2x10240x128xf32, #tpu.memory_space<vmem>>, vector<1x10000x128xf32>
    %get3A_3 = vector.shape_cast %get3A_2 : vector<1x10000x128xf32> to vector<10000x128xf32>
    %get3A_4 = arith.constant 1 : index
    %get3A_5 = arith.constant 0 : index
    %get3A_6 = arith.constant 0 : index
    %get3A_7 = vector.load %arg0[%get3A_4, %get3A_5, %get3A_6] : memref<2x10240x128xf32, #tpu.memory_space<vmem>>, vector<1x10000x128xf32>
    %get3A_8 = vector.shape_cast %get3A_7 : vector<1x10000x128xf32> to vector<10000x128xf32>
    %add3A = arith.addf %get3A_3, %get3A_8 : vector<10000x128xf32>
    %get3A_9 = arith.constant 0 : index
    %get3A_10 = arith.constant 0 : index
    %get3A_11 = arith.constant 0 : index
    %get3A_12 = vector.load %arg1[%get3A_9, %get3A_10, %get3A_11] : memref<2x10240x128xf32, #tpu.memory_space<vmem>>, vector<1x10000x128xf32>
    %get3A_13 = vector.shape_cast %get3A_12 : vector<1x10000x128xf32> to vector<10000x128xf32>
    %get3A_14 = arith.constant 1 : index
    %get3A_15 = arith.constant 0 : index
    %get3A_16 = arith.constant 0 : index
    %get3A_17 = vector.load %arg1[%get3A_14, %get3A_15, %get3A_16] : memref<2x10240x128xf32, #tpu.memory_space<vmem>>, vector<1x10000x128xf32>
    %get3A_18 = vector.shape_cast %get3A_17 : vector<1x10000x128xf32> to vector<10000x128xf32>
    %add3A_19 = arith.addf %get3A_13, %get3A_18 : vector<10000x128xf32>
    %add3A_20 = arith.addf %add3A, %add3A_19 : vector<10000x128xf32>
    %get3A_21 = arith.constant 0 : index
    %get3A_22 = arith.constant 0 : index
    %get3A_23 = arith.constant 0 : index
    %get3A_24 = vector.load %arg2[%get3A_21, %get3A_22, %get3A_23] : memref<2x10240x16xf32, #tpu.memory_space<vmem>>, vector<1x10000x1xf32>
    %get3A_25 = vector.shape_cast %get3A_24 : vector<1x10000x1xf32> to vector<10000x1xf32>
    %get3A_26 = arith.constant 1 : index
    %get3A_27 = arith.constant 0 : index
    %get3A_28 = arith.constant 0 : index
    %get3A_29 = vector.load %arg2[%get3A_26, %get3A_27, %get3A_28] : memref<2x10240x16xf32, #tpu.memory_space<vmem>>, vector<1x10000x1xf32>
    %get3A_30 = vector.shape_cast %get3A_29 : vector<1x10000x1xf32> to vector<10000x1xf32>
    %add3A_31 = arith.addf %get3A_25, %get3A_30 : vector<10000x1xf32>
    %jit3A = arith.constant 1.000000e+00 : f32
    %max3A = vector.broadcast %jit3A : f32 to vector<10000x1xf32>
    %max3A_32 = arith.maximumf %max3A, %add3A_31 : vector<10000x1xf32>
    %div3A = vector.broadcast %max3A_32 : vector<10000x1xf32> to vector<10000x128xf32>
    %div3A_33 = arith.divf %add3A_20, %div3A : vector<10000x128xf32>
    %get3A_34 = arith.constant 0 : index
    %get3A_35 = arith.constant 0 : index
    %get3A_36 = vector.load %arg3[%get3A_34, %get3A_35] : memref<10000x128xf32, #tpu.memory_space<vmem>>, vector<10000x128xf32>
    %add3A_37 = arith.addf %div3A_33, %get3A_36 : vector<10000x128xf32>
    %reduce_sum3A = arith.constant dense<0.000000e+00> : vector<128xf32>
    %reduce_sum3A_38 = vector.multi_reduction <add>, %add3A_37, %reduce_sum3A [0] : vector<10000x128xf32> to vector<128xf32>
    %broadcast_in_dim3A = vector.shape_cast %reduce_sum3A_38 : vector<128xf32> to vector<1x128xf32>
    %div3A_39 = arith.constant 1.000000e+04 : f32
    %div3A_40 = vector.broadcast %div3A_39 : f32 to vector<1x128xf32>
    %div3A_41 = arith.divf %broadcast_in_dim3A, %div3A_40 : vector<1x128xf32>
    %sub3A = vector.broadcast %div3A_41 : vector<1x128xf32> to vector<10000x128xf32>
    %sub3A_42 = arith.subf %add3A_37, %sub3A : vector<10000x128xf32>
    %integer_pow3A = arith.mulf %sub3A_42, %sub3A_42 : vector<10000x128xf32>
    %reduce_sum3A_43 = arith.constant dense<0.000000e+00> : vector<128xf32>
    %reduce_sum3A_44 = vector.multi_reduction <add>, %integer_pow3A, %reduce_sum3A_43 [0] : vector<10000x128xf32> to vector<128xf32>
    %broadcast_in_dim3A_45 = vector.shape_cast %reduce_sum3A_44 : vector<128xf32> to vector<1x128xf32>
    %div3A_46 = arith.constant 1.000000e+04 : f32
    %div3A_47 = vector.broadcast %div3A_46 : f32 to vector<1x128xf32>
    %div3A_48 = arith.divf %broadcast_in_dim3A_45, %div3A_47 : vector<1x128xf32>
    %sub3A_49 = vector.broadcast %div3A_41 : vector<1x128xf32> to vector<10000x128xf32>
    %sub3A_50 = arith.subf %add3A_37, %sub3A_49 : vector<10000x128xf32>
    %add3A_51 = arith.constant 9.99999974E-6 : f32
    %add3A_52 = vector.broadcast %add3A_51 : f32 to vector<1x128xf32>
    %add3A_53 = arith.addf %div3A_48, %add3A_52 : vector<1x128xf32>
    %rsqrt3A = math.rsqrt %add3A_53 : vector<1x128xf32>
    %mul3A = vector.broadcast %rsqrt3A : vector<1x128xf32> to vector<10000x128xf32>
    %mul3A_54 = arith.mulf %sub3A_50, %mul3A : vector<10000x128xf32>
    %get3A_55 = arith.constant 0 : index
    %get3A_56 = arith.constant 0 : index
    %get3A_57 = vector.load %arg4[%get3A_55, %get3A_56] : memref<1x128xf32, #tpu.memory_space<vmem>>, vector<1x128xf32>
    %mul3A_58 = vector.broadcast %get3A_57 : vector<1x128xf32> to vector<10000x128xf32>
    %mul3A_59 = arith.mulf %mul3A_54, %mul3A_58 : vector<10000x128xf32>
    %get3A_60 = arith.constant 0 : index
    %get3A_61 = arith.constant 0 : index
    %get3A_62 = vector.load %arg5[%get3A_60, %get3A_61] : memref<1x128xf32, #tpu.memory_space<vmem>>, vector<1x128xf32>
    %add3A_63 = vector.broadcast %get3A_62 : vector<1x128xf32> to vector<10000x128xf32>
    %add3A_64 = arith.addf %mul3A_59, %add3A_63 : vector<10000x128xf32>
    %swap3A = arith.constant 0 : index
    %swap3A_65 = arith.constant 0 : index
    %swap3A_66 = vector.load %arg6[%swap3A, %swap3A_65] : memref<10000x128xf32, #tpu.memory_space<vmem>>, vector<10000x128xf32>
    tpu.vector_store %arg6[%swap3A, %swap3A_65], %add3A_64 {strides = array<i32>} : memref<10000x128xf32, #tpu.memory_space<vmem>>, vector<10000x128xf32>,
    return
  }
}

module attributes {stable_mosaic.version = 14 : i64} {
  func.func @_head_body(%arg0: memref<2x128x128xf32, #tpu.memory_space<vmem>>, %arg1: memref<1x10000xi32, #tpu.memory_space<vmem>>, %arg2: memref<128x128xf32, #tpu.memory_space<vmem>>, %arg3: memref<1x128xf32, #tpu.memory_space<vmem>>, %arg4: memref<64x128xf32, #tpu.memory_space<vmem>>) attributes {dimension_semantics = [], scalar_prefetch = 0 : i64, scratch_operands = 0 : i64, tpu.core_type = #tpu.core_type<tc>} {
    %get3A = arith.constant 0 : index
    %get3A_0 = arith.constant 0 : index
    %get3A_1 = arith.constant 0 : index
    %get3A_2 = vector.load %arg0[%get3A, %get3A_0, %get3A_1] : memref<2x128x128xf32, #tpu.memory_space<vmem>>, vector<1x64x128xf32>
    %get3A_3 = vector.shape_cast %get3A_2 : vector<1x64x128xf32> to vector<64x128xf32>
    %get3A_4 = arith.constant 1 : index
    %get3A_5 = arith.constant 0 : index
    %get3A_6 = arith.constant 0 : index
    %get3A_7 = vector.load %arg0[%get3A_4, %get3A_5, %get3A_6] : memref<2x128x128xf32, #tpu.memory_space<vmem>>, vector<1x64x128xf32>
    %get3A_8 = vector.shape_cast %get3A_7 : vector<1x64x128xf32> to vector<64x128xf32>
    %add3A = arith.addf %get3A_3, %get3A_8 : vector<64x128xf32>
    %iota3A = tpu.iota {dimensions = array<i32: 0>} : vector<64x10000xi32>
    %get3A_9 = arith.constant 0 : index
    %get3A_10 = arith.constant 0 : index
    %get3A_11 = vector.load %arg1[%get3A_9, %get3A_10] : memref<1x10000xi32, #tpu.memory_space<vmem>>, vector<1x10000xi32>
    %eq3A = vector.broadcast %get3A_11 : vector<1x10000xi32> to vector<64x10000xi32>
    %eq3A_12 = arith.cmpi eq, %iota3A, %eq3A : vector<64x10000xi32>
    %convert_element_type3A = arith.extui %eq3A_12 : vector<64x10000xi1> to vector<64x10000xi32>
    %convert_element_type3A_13 = arith.sitofp %convert_element_type3A : vector<64x10000xi32> to vector<64x10000xf32>
    %reduce_sum3A = arith.constant dense<0.000000e+00> : vector<64xf32>
    %reduce_sum3A_14 = vector.multi_reduction <add>, %convert_element_type3A_13, %reduce_sum3A [1] : vector<64x10000xf32> to vector<64xf32>
    %broadcast_in_dim3A = vector.shape_cast %reduce_sum3A_14 : vector<64xf32> to vector<64x1xf32>
    %jit3A = arith.constant 1.000000e+00 : f32
    %max3A = vector.broadcast %jit3A : f32 to vector<64x1xf32>
    %max3A_15 = arith.maximumf %max3A, %broadcast_in_dim3A : vector<64x1xf32>
    %div3A = vector.broadcast %max3A_15 : vector<64x1xf32> to vector<64x128xf32>
    %div3A_16 = arith.divf %add3A, %div3A : vector<64x128xf32>
    %custom_jvp_call3A = arith.constant 0.000000e+00 : f32
    %max3A_17 = vector.broadcast %custom_jvp_call3A : f32 to vector<64x128xf32>
    %max3A_18 = arith.maximumf %div3A_16, %max3A_17 : vector<64x128xf32>
    %sub3A = vector.broadcast %custom_jvp_call3A : f32 to vector<64x128xf32>
    %sub3A_19 = arith.subf %div3A_16, %sub3A : vector<64x128xf32>
    %ne3A = arith.cmpf one, %sub3A_19, %sub3A_19 : vector<64x128xf32>
    %add3A_20 = vector.broadcast %custom_jvp_call3A : f32 to vector<64x128xf32>
    %add3A_21 = arith.addf %div3A_16, %add3A_20 : vector<64x128xf32>
    %abs3A = math.absf %sub3A_19 : vector<64x128xf32>
    %neg3A = arith.constant 0.000000e+00 : f32
    %neg3A_22 = vector.broadcast %neg3A : f32 to vector<64x128xf32>
    %neg3A_23 = arith.subf %neg3A_22, %abs3A : vector<64x128xf32>
    %exp3A = math.exp %neg3A_23 : vector<64x128xf32>
    %log1p3A = math.log1p %exp3A : vector<64x128xf32>
    %add3A_24 = arith.addf %max3A_18, %log1p3A : vector<64x128xf32>
    %select_n3A = arith.select %ne3A, %add3A_21, %add3A_24 : vector<64x128xi1>, vector<64x128xf32>
    %get3A_25 = arith.constant 0 : index
    %get3A_26 = arith.constant 0 : index
    %get3A_27 = vector.load %arg2[%get3A_25, %get3A_26] : memref<128x128xf32, #tpu.memory_space<vmem>>, vector<128x128xf32>
    %dot_general3A = arith.constant dense<0.000000e+00> : vector<64x128xf32>
    %dot_general3A_28 = tpu.matmul %select_n3A, %get3A_27, %dot_general3A {dimension_numbers = #tpu.dot_dimension_numbers<[1], [1], [0], [0], [0, 0, 1, 0], [], []>, transpose_lhs_hint = false} : vector<64x128xf32>, vector<128x128xf32>, vector<64x128xf32> -> vector<64x128xf32>
    %get3A_29 = arith.constant 0 : index
    %get3A_30 = arith.constant 0 : index
    %get3A_31 = vector.load %arg3[%get3A_29, %get3A_30] : memref<1x128xf32, #tpu.memory_space<vmem>>, vector<1x128xf32>
    %add3A_32 = vector.broadcast %get3A_31 : vector<1x128xf32> to vector<64x128xf32>
    %add3A_33 = arith.addf %dot_general3A_28, %add3A_32 : vector<64x128xf32>
    %custom_jvp_call3A_34 = arith.constant 0.000000e+00 : f32
    %max3A_35 = vector.broadcast %custom_jvp_call3A_34 : f32 to vector<64x128xf32>
    %max3A_36 = arith.maximumf %add3A_33, %max3A_35 : vector<64x128xf32>
    %sub3A_37 = vector.broadcast %custom_jvp_call3A_34 : f32 to vector<64x128xf32>
    %sub3A_38 = arith.subf %add3A_33, %sub3A_37 : vector<64x128xf32>
    %ne3A_39 = arith.cmpf one, %sub3A_38, %sub3A_38 : vector<64x128xf32>
    %add3A_40 = vector.broadcast %custom_jvp_call3A_34 : f32 to vector<64x128xf32>
    %add3A_41 = arith.addf %add3A_33, %add3A_40 : vector<64x128xf32>
    %abs3A_42 = math.absf %sub3A_38 : vector<64x128xf32>
    %neg3A_43 = arith.constant 0.000000e+00 : f32
    %neg3A_44 = vector.broadcast %neg3A_43 : f32 to vector<64x128xf32>
    %neg3A_45 = arith.subf %neg3A_44, %abs3A_42 : vector<64x128xf32>
    %exp3A_46 = math.exp %neg3A_45 : vector<64x128xf32>
    %log1p3A_47 = math.log1p %exp3A_46 : vector<64x128xf32>
    %add3A_48 = arith.addf %max3A_36, %log1p3A_47 : vector<64x128xf32>
    %select_n3A_49 = arith.select %ne3A_39, %add3A_41, %add3A_48 : vector<64x128xi1>, vector<64x128xf32>
    %swap3A = arith.constant 0 : index
    %swap3A_50 = arith.constant 0 : index
    %swap3A_51 = vector.load %arg4[%swap3A, %swap3A_50] : memref<64x128xf32, #tpu.memory_space<vmem>>, vector<64x128xf32>
    tpu.vector_store %arg4[%swap3A, %swap3A_50], %select_n3A_49 {strides = array<i32>} : memref<64x128xf32, #tpu.memory_space<vmem>>, vector<64x128xf32>,
    return
  }
}

</mosaic_0001>

<sc_bundles>
// kernel: kernel.22.cloned.1.call-start
scs
__scs_entry_jumppad:
0x0: {  	(pc) =	sbr.rel $0x88, $3  }
0x1: {  	(tag) =	ssettag $0x0;
	lr =	simm.s32 $0x1  }
0x2: {  	[smem:$0x3F8B] =	sst lr;
	_ =	strace $0xD0000000  }
0x3: {  	_ = 	snop  }
0x4: {  	_ = 	snop  }
0x5: {  	_ = 	snop  }
0x6: {  	_ = 	snop  }
0x7: {  	_ = 	snop  }
__scs_overlays_trampoline_lowered:
0x8: {  	[smem:$0x3F9A] =	sst s0  }
0x9: {  	[smem:$0x3F9B] =	sst s1  }
0xa: {  	[smem:$0x3F9C] =	sst s2  }
0xb: {  	[smem:$0x3F9D] =	sst s3  }
0xc: {  	[smem:$0x3F9E] =	sst s4  }
0xd: {  	[smem:$0x3F9F] =	sst s5  }
0xe: {  	[smem:$0x3FA0] =	sst s6  }
0xf: {  	[smem:$0x3FA1] =	sst s7  }
0x10: {  	[smem:$0x3FA2] =	sst s8  }
0x11: {  	[smem:$0x3FA3] =	sst s9;
	s0 =	simm.s32 @!p0 $0x0  }
0x12: {  	s1 =	sld [smem:$0x3F89];
	s0 =	simm.s32 @p0 $0x1  }
0x13: {  	[smem:$0x3FA4] =	sst s0;
	s0 =	simm.s32 @!p1 $0x0  }
0x14: {  	s2 =	sld [smem:$0x3F88];
	s0 =	simm.s32 @p1 $0x1  }
0x15: {  	[smem:$0x3FA5] =	sst s0;
	s0 =	simm.s32 @!p2 $0x0  }
0x16: {  	s3 =	sld [smem:$0x3FDB];
	s0 =	simm.s32 @p2 $0x1  }
0x17: {  	s4 =	simm.s32 $0x1BF5;
	[smem:$0x3FA7] =	sst s0  }
0x18: {  	s0 =	sld [smem:$0x3F8A];
	_ =	swait.ge [sflag:s4], $0x0  }
0x19: {  	s7 =	sld [smem:$0x3F8B]  }
0x1a: {  	s8 =	sadd.s32 $0xFFFFE003, lr  }
0x1b: {  	s9 =	sadd.s32 $0xFFFFFEF7, lr;
	s5 =	simm.s32 $0xFFFFFFFF;
	p2 =	slt.u32 s8, $0xFFFFF086  }
0x1c: {  	p1 =	slt.u32 s9, $0xF7A;
	s5 =	simm.s32 @!p2 $0x0  }
0x1d: {  	s5 =	simm.s32 @p1 $0x1;
	p0 =	seq.s32 s7, s2  }
0x1e: {  	s7 =	smul.u32 @!p0 $0xF7A, s2;
	p2 =	seq.s32 @!p0 s5, $0x0  }
0x1f: {  	s9 =	smul.u32 $0xF7A, s1;
	s8 =	simm.s32 @!p0 $0x1BF5;
	p2 =	por !p2, p0  }
0x20: {  	[sflag:s8] =	ssyncset.s32 @!p0 $0xFFFFF086;
	s6 =	sadd.s32 @!p0 s3, s7;
	s7 =	simm.s32 @!p0 $0x108  }
0x21: {  	s3 =	sadd.s32 s3, s9;
	s6 =	sadd.s32 @!p0 $0x88, s6;
	s7 =	simm.s32 @p2 $0x1082  }
0x22: {  	[simem:s7], [sflag:s8] =	dma.local @!p0 [hbm:s6], $0xF7A  }
0x23: {  	s9 =	sor.u32 $0xD0000000, s2;
	s6 =	simm.s32 $0x108;
	_ =	swait.ge @!p0 [sflag:s8], $0x0  }
0x24: {  	s3 =	sadd.s32 $0x88, s3;
	s6 =	simm.s32 @!p1 $0x1082;
	[sflag:s4] =	ssyncset.s32 $0xFFFFF086  }
0x25: {  	[simem:s6], [sflag:s4] =	dma.local [hbm:s3], $0xF7A  }
0x26: {  	[smem:$0x3F8B] =	sst s1;
	(tag) =	ssettag s2;
	_ =	strace s9  }
0x27: {  	s1 =	sld [smem:$0x3F9B]  }
0x28: {  	s2 =	sld [smem:$0x3F9C]  }
0x29: {  	s4 =	sld [smem:$0x3F9E]  }
0x2a: {  	p0 =	seq.s32 s5, $0x0;
	s5 =	sld [smem:$0x3F9F]  }
0x2b: {  	s6 =	sld [smem:$0x3FA0]  }
0x2c: {  	s7 =	sld [smem:$0x3FA1]  }
0x2d: {  	s3 =	simm.s32 $0x108;
	s8 =	sld [smem:$0x3FA2]  }
0x2e: {  	s3 =	simm.s32 @!p0 $0x1082;
	s9 =	sld [smem:$0x3FA3]  }
0x2f: {  	lr =	sadd.s32 s0, s3;
	s0 =	sld [smem:$0x3F9A]  }
0x30: {  	s3 =	sld [smem:$0x3F9D]  }
0x31: {  	[smem:$0x3FA6] =	sst s10  }
0x32: {  	s10 =	sld [smem:$0x3FA4];
	_ =	sdelay $0x3  }
0x33: {  	p0 =	seq.s32 s10, $0x1;
	s10 =	sld [smem:$0x3FA6];
	_ =	sdelay $0x3  }
0x34: {  	[smem:$0x3FA6] =	sst s10  }
0x35: {  	s10 =	sld [smem:$0x3FA5];
	_ =	sdelay $0x3  }
0x36: {  	p1 =	seq.s32 s10, $0x1;
	s10 =	sld [smem:$0x3FA6];
	_ =	sdelay $0x3  }
0x37: {  	[smem:$0x3FA6] =	sst s10  }
0x38: {  	s10 =	sld [smem:$0x3FA7]  }
0x39: {  	_ = 	snop;
	(pc) =	sbr.ind lr, $3  }
0x3a: {  	_ = 	snop  }
0x3b: {  	_ = 	snop  }
0x3c: {  	p2 =	seq.s32 s10, $0x1;
	s10 =	sld [smem:$0x3FA6]  }
0x3d: {  	_ =	shalt  }
0x3e: {  	_ =	shalt  }
0x3f: {  	_ =	shalt  }
0x40: {  	_ =	shalt  }
0x41: {  	_ =	shalt  }
0x42: {  	_ =	shalt  }
0x43: {  	_ =	shalt  }
0x44: {  	_ =	shalt  }
0x45: {  	_ =	shalt  }
0x46: {  	_ =	shalt  }
0x47: {  	_ =	shalt  }
0x48: {  	_ =	shalt  }
0x49: {  	_ =	shalt  }
0x4a: {  	_ =	shalt  }
0x4b: {  	_ =	shalt  }
0x4c: {  	_ =	shalt  }
0x4d: {  	_ =	shalt  }
0x4e: {  	_ =	shalt  }
0x4f: {  	_ =	shalt  }
0x50: {  	_ =	shalt  }
0x51: {  	_ =	shalt  }
0x52: {  	_ =	shalt  }
0x53: {  	_ =	shalt  }
0x54: {  	_ =	shalt  }
0x55: {  	_ =	shalt  }
0x56: {  	_ =	shalt  }
0x57: {  	_ =	shalt  }
0x58: {  	_ =	shalt  }
0x59: {  	_ =	shalt  }
0x5a: {  	_ =	shalt  }
0x5b: {  	_ =	shalt  }
0x5c: {  	_ =	shalt  }
0x5d: {  	_ =	shalt  }
0x5e: {  	_ =	shalt  }
0x5f: {  	_ =	shalt  }
0x60: {  	_ =	shalt  }
0x61: {  	_ =	shalt  }
0x62: {  	_ =	shalt  }
0x63: {  	_ =	shalt  }
0x64: {  	_ =	shalt  }
0x65: {  	_ =	shalt  }
0x66: {  	_ =	shalt  }
0x67: {  	_ =	shalt  }
0x68: {  	_ =	shalt  }
0x69: {  	_ =	shalt  }
0x6a: {  	_ =	shalt  }
0x6b: {  	_ =	shalt  }
0x6c: {  	_ =	shalt  }
0x6d: {  	_ =	shalt  }
0x6e: {  	_ =	shalt  }
0x6f: {  	_ =	shalt  }
0x70: {  	_ =	shalt  }
0x71: {  	_ =	shalt  }
0x72: {  	_ =	shalt  }
0x73: {  	_ =	shalt  }
0x74: {  	_ =	shalt  }
0x75: {  	_ =	shalt  }
0x76: {  	_ =	shalt  }
0x77: {  	_ =	shalt  }
0x78: {  	_ =	shalt  }
0x79: {  	_ =	shalt  }
0x7a: {  	_ =	shalt  }
0x7b: {  	_ =	shalt  }
0x7c: {  	_ =	shalt  }
0x7d: {  	_ =	shalt  }
0x7e: {  	_ =	shalt  }
0x7f: {  	_ =	shalt  }
0x80: {  	_ =	shalt  }
0x81: {  	_ =	shalt  }
0x82: {  	_ =	shalt  }
0x83: {  	_ =	shalt  }
0x84: {  	_ =	shalt  }
0x85: {  	_ =	shalt  }
0x86: {  	_ =	shalt  }
0x87: {  	_ =	shalt  }
.Lfunc_end0:
.L_simem_size_0:
called_computation_lowered:
.L_overlay_start_0:
0x88: {  	s2 =	sld [smem:$0x3FD9]  }
0x89: {  	s3 =	sld [smem:$0x3FFE];
	_ =	sdelay $0x1  }
0x8a: {  	s1 =	srdreg.scid  }
0x8b: {  	s0 =	sand.u32 $0x1, s1  }
0x8c: {  	s17 =	sshll.u32 s0, $0xA;
	s2 =	sadd.s32 s3, s2  }
0x8d: {  	s2 =	sadd.s32 s2, s17  }
0x8e: {  	[smem:$0x3FB2] =	sst s2  }
0x8f: {  	_ = 	snop  }
0x90: {  	s18 =	sld [smem:$0x3FD0];
	(tm) =	ssettm $0x1  }
0x91: {  	s19 =	sld [smem:$0x3FFB];
	_ =	sdelay $0x3  }
0x92: {  	_ =	strace s19  }
0x93: {  	s2 =	sld [smem:$0x3FFC];
	_ =	sdelay $0x3  }
0x94: {  	_ =	strace s2  }
0x95: {  	s2 =	sld [smem:$0x3FFD];
	_ =	sdelay $0x3  }
0x96: {  	_ =	strace s2  }
0x97: {  	_ =	strace $0x8FFFFFFF  }
0x98: {  	s20 =	sld [smem:$0x3FDB];
	_ =	sdelay $0x1  }
0x99: {  	s4 =	simm.s32 $_scs_section_size  }
0x9a: {  	s5 =	simm.s32 $_size__tile_overlayer_lowered;
	s6 =	simm.s32 $_tile_overlayer_lowered  }
0x9b: {  	s7 =	simm.s32 $0x1BFF;
	s21 =	sshll.u32 s6, $0x1;
	s4 =	sadd.s32 s4, s20  }
0x9c: {  	s22 =	simm.s32 $0x0;
	s5 =	sshll.u32 s5, $0x1;
	s6 =	sadd.s32 s21, s4  }
0x9d: {  	[timem:s22], [sflag:s7] =	dma.local [hbm:s6], s5  }
0x9e: {  	_ =	swait.ge [sflag:s7], s5  }
0x9f: {  	s5 =	ssub.s32 $0x0, s5;
	[sflag:s7] =	ssyncset.done $0x0  }
0xa0: {  	[sflag:s7] =	ssyncadd.s32 s5;
	_ =	sdelay $0x1  }
0xa1: {  	s23 =	simm.s32 $0x1B8B  }
0xa2: {  	_ =	swait.ge [sflag:s23], $0x1  }
0xa3: {  	[sflag:s23] =	ssyncset.done $0x0  }
0xa4: {  	[sflag:s23] =	ssyncadd.s32 $0xFFFFFFFF  }
0xa5: {  	s5 =	sld [smem:$0x0]  }
0xa6: {  	s6 =	sand.u32 $0xFFFFFFFE, s1  }
0xa7: {  	p0 =	sne.s32 s1, s6  }
0xa8: {  	s6 =	sshll.u32 @p0 s6, $0xE  }
0xa9: {  	s6 =	sadd.s32 @p0 $0x11B8D, s6;
	s7 =	sshll.u32 @p0 s5, $0x11  }
0xaa: {  	s6 =	sor.u32 @p0 s7, s6  }
0xab: {  	[sflag:s6] =	ssyncadd.remote.s32 @p0 $0x1;
	_ =	sdelay $0x1  }
0xac: {  	s6 =	simm.s32 @p0 $0x1B8D  }
0xad: {  	_ =	swait.eq @p0 [sflag:s6], $0x1  }
0xae: {  	[sflag:s6] =	ssyncadd.s32 @p0 $0xFFFFFFFF  }
0xaf: {  	s7 =	sshll.u32 @!p0 s1, $0xE  }
0xb0: {  	s7 =	sor.u32 @!p0 $0x4000, s7;
	s6 =	simm.s32 @!p0 $0x1B8D  }
0xb1: {  	s5 =	sshll.u32 @!p0 s5, $0x11;
	s7 =	sadd.s32 @!p0 $0x11B8D, s7;
	_ =	swait.eq @!p0 [sflag:s6], $0x1  }
0xb2: {  	s5 =	sor.u32 @!p0 s5, s7;
	[sflag:s6] =	ssyncadd.s32 @!p0 $0xFFFFFFFF  }
0xb3: {  	s25 =	simm.s32 $0x1B8E;
	s24 =	sld [smem:$0x3FFE];
	[sflag:s5] =	ssyncadd.remote.s32 @!p0 $0x1  }
0xb4: {  	s26 =	simm.s32 $execute0_lowered;
	[smem:$0x3FD2] =	sst s25  }
0xb5: {  	s6 =	sshll.u32 s26, $0x1;
	_ =	strace $0x8000004C;
	[dreg:$0x1] =	wrdreg $0xFFFFFFFF  }
0xb6: {  	s28 =	simm.s32 $_size_execute0_lowered;
	s4 =	sadd.s32 s4, s6;
	[dreg:$0x0] =	wrdreg $0x0  }
0xb7: {  	s6 =	sshll.u32 s28, $0x1;
	[dreg:$0x2] =	wrdreg s4  }
0xb8: {  	[dreg:$0x3] =	wrdreg s6  }
0xb9: {  	[dreg:$0x4] =	wrdreg $0xC0  }
0xba: {  	_ =	task [dreg:s22], $0x5FFFF  }
0xbb: {  	[dreg:$0x1] =	wrdreg $0xFFFFFFFF  }
0xbc: {  	[dreg:$0x0] =	wrdreg $0x60  }
0xbd: {  	[dreg:$0x2] =	wrdreg s24  }
0xbe: {  	[dreg:$0x3] =	wrdreg s18  }
0xbf: {  	[dreg:$0x4] =	wrdreg $0x42900  }
0xc0: {  	[dreg:$0x5] =	wrdreg $0x9  }
0xc1: {  	_ =	task.clear_ibuf [dreg:s22], $0x6FFFF;
	_ =	strace $0x9000004C  }
0xc2: {  	s29 =	simm.s32 $0x9;
	_ =	strace $0x8000004E  }
0xc3: {  	_ =	swait.ge [sflag:s29], $0x1  }
0xc4: {  	[sflag:s29] =	ssyncadd.s32 $0xFFFFFFFF  }
0xc5: {  	_ =	strace $0x9000004E  }
0xc6: {  	_ =	sfence  }
0xc7: {  	s30 =	sld [smem:$0x0];
	_ =	sdelay $0x2  }
0xc8: {  	s31 =	sshll.u32 s1, $0xD;
	s1 =	sshrl.u32 s1, $0x2  }
0xc9: {  	s4 =	sand.u32 $0x4000, s31;
	s1 =	sadd.s32 s1, s30  }
0xca: {  	s0 =	sor.u32 s4, s0;
	s1 =	sshll.u32 s1, $0x11  }
0xcb: {  	s0 =	sor.u32 s1, s0  }
0xcc: {  	s0 =	sadd.s32 $0x8F2B, s0  }
0xcd: {  	[sflag:s0] =	ssyncadd.remote.s32 $0x1  }
0xce: {  	_ =	sfence.sel $0xFFFF  }
0xcf: {  	[dreg:$0x0] =	wrdreg $0xFFFFFFFF;
	(pc) =	sbr.abs _section_cstart, $3  }
0xd0: {  	[dreg:$0x1] =	wrdreg $0xFFFFFFFF  }
0xd1: {  	_ =	task.clear_ibuf [dreg:s22], $0x2FFFF;
	_ =	strace $0x9FFFFFFF  }
0xd2: {  	(tm) =	ssettm $0x7FFFFFFF  }
0xd3: {  	_ =	shalt  }
tec
execute0_lowered:
.L_overlay_start_1:
0x0: {  	(tag) =	ssettag $0x1  }
0x1: {  	s6 =	rddreg [dreg:$0x0]  }
0x2: {  	s1 =	srdreg.scid;
	s2 =	rddreg [dreg:$0x1]  }
0x3: {  	s0 =	stileid.u32;
	s3 =	rddreg [dreg:$0x2];
	s4 =	simm.s32 $0x0  }
0x4: {  	s13 =	simm.s32 $0x4100;
	s14 =	simm.s32 $0x190;
	s7 =	smul.u32 $0x4E20, s0  }
0x5: {  	s15 =	simm.s32 $0x1900;
	s5 =	sand.u32 $0x1, s1;
	s9 =	smul.u32 $0x2800, s0  }
0x6: {  	s16 =	simm.s32 $0x0;
	s1 =	rddreg [dreg:$0x3];
	s8 =	smul.u32 $0x2710, s5  }
0x7: {  	[smem:$0x7FF] =	sst s4;
	s31 =	sshll.u32 s0, $0x6;
	s10 =	smul.u32 $0x28000, s5  }
0x8: {  	_ =	strace $0x8000004D;
	s28 =	ssub.s32 $0x2, s5;
	s5 =	sadd.s32 $0xA60600, s6  }
0x9: {  	s30 =	sshrl.u32 s28, $0x1;
	s7 =	sadd.s32 s8, s7;
	s26 =	sadd.s32 s9, s10  }
0xa: {  	s8 =	ssub.s32 s28, s30;
	s7 =	sshrl.u32 s7, $0x3;
	s29 =	sshrl.u32 s26, $0x3  }
0xb: {  	s10 =	simm.s32 $0x1;
	s11 =	sadd.s32 s7, s6;
	s7 =	sadd.s32 s29, s6  }
0xc: {  	s8 =	smax.u32 s8, $0x1;
	s6 =	sadd.s32 s9, s3;
	s7 =	sadd.s32 $0xA60C00, s7  }
0xd: {  	s9 =	sadd.s32 $0x9200, s11;
	s11 =	sor.u32 $0x1C01, s31;
	s12 =	sshrl.u32 s6, $0x3  }
.LBB2_1:
0xe: {  	[tilespmem:s4], [sflag:$0x1] =	stream.linear.gather [hbm4b:s2+s4], $0x1900, $0x38;
	[tilespmem:$0x6A90] =	vst v63  }
0xf: {  	_ =	swait.ge [sflag:s10], $0x1900  }
0x10: {  	[sflag:s10] =	ssyncset.done $0x0  }
0x11: {  	[sflag:s10] =	ssyncadd.s32 $0xFFFFE700  }
0x12: {  	[spmem:s12], [sflag:s11] =	dma.local [hbm:s5], $0x500  }
0x13: {  	_ =	swait.ge [sflag:s10], $0x500  }
0x14: {  	[sflag:s10] =	ssyncset.done $0x0  }
0x15: {  	[sflag:s10] =	ssyncadd.s32 $0xFFFFFB00  }
0x16: {  	s17 =	sadd.s32 $0x0, s9;
	[bflag:$0x0] =	sbarrier.arrive $0xFFFF  }
0x17: {  	[tilespmem:s13], [sflag:$0x1] =	stream.linear.gather [hbm4b:s17+s4], $0x190, $0x38;
	[tilespmem:$0x6A90] =	vst v63  }
0x18: {  	_ =	swait.ge [sflag:s10], $0x190  }
0x19: {  	[sflag:s10] =	ssyncset.done $0x0  }
0x1a: {  	[sflag:s10] =	ssyncadd.s32 $0xFFFFFE70  }
0x1b: {  	[spmem:s3] =	stream.indirect.scatter.add.f32 [tilespmem:s4], [sflag:$0x1], $0x10, s13, s14, $0xb8;
	[tilespmem:$0x6A90] =	vst v63  }
0x1c: {  	_ =	swait.ge [sflag:s10], $0x1900  }
0x1d: {  	s18 =	simm.s32 $0x64;
	s17 =	simm.s32 $0x32;
	[sflag:s10] =	ssyncset.done $0x0  }
.LBB2_2:
0x1e: {  	s19 =	sadd.s32 s17, s9  }
0x1f: {  	[sflag:s10] =	ssyncadd.s32 $0xFFFFE700;
	s17 =	smov.u32 s18;
	s20 =	sadd.s32 $0x32, s18  }
0x20: {  	[tilespmem:s13], [sflag:$0x1] =	stream.linear.gather [hbm4b:s19+s4], $0x190, $0x38;
	[tilespmem:$0x6A90] =	vst v63  }
0x21: {  	p0 =	sne.s32 s18, $0x4B0;
	_ =	swait.ge [sflag:s10], $0x190  }
.Ltmp0:
0x22: {  	[sflag:s10] =	ssyncset.done $0x0;
	(pc) =	sbr.rel @p0 .LBB2_2-.Ltmp0, $4  }
0x23: {  	[sflag:s10] =	ssyncadd.s32 $0xFFFFFE70  }
0x24: {  	[spmem:s3] =	stream.indirect.scatter.add.f32 [tilespmem:s4], [sflag:$0x1], $0x10, s13, s14, $0xb8;
	[tilespmem:$0x6A90] =	vst v63  }
0x25: {  	_ =	swait.ge [sflag:s10], $0x1900  }
0x26: {  	s18 =	smov.u32 s20;
	[sflag:s10] =	ssyncset.done $0x0  }
0x27: {  	s17 =	sadd.s32 s17, s9;
	[sflag:s10] =	ssyncadd.s32 $0xFFFFE700  }
0x28: {  	[tilespmem:s13], [sflag:$0x1] =	stream.linear.gather [hbm4b:s17+s4], $0x190, $0x38;
	[tilespmem:$0x6A90] =	vst v63  }
0x29: {  	_ =	swait.ge [sflag:s10], $0x190  }
0x2a: {  	[sflag:s10] =	ssyncset.done $0x0  }
0x2b: {  	[sflag:s10] =	ssyncadd.s32 $0xFFFFFE70  }
0x2c: {  	[spmem:s3] =	stream.indirect.scatter.add.f32 [tilespmem:s4], [sflag:$0x1], $0x10, s13, s14, $0xb8;
	[tilespmem:$0x6A90] =	vst v63  }
0x2d: {  	_ =	swait.ge [sflag:s10], $0x1900  }
0x2e: {  	[sflag:s10] =	ssyncset.done $0x0  }
0x2f: {  	[sflag:s10] =	ssyncadd.s32 $0xFFFFE700  }
0x30: {  	[bflag:$0x0] =	sbarrier.arrive $0xFFFF  }
0x31: {  	[tilespmem:s15], [sflag:$0x1] =	stream.linear.gather [spmem:s6], $0x2800, $0x38;
	[tilespmem:$0x6A90] =	vst v63  }
0x32: {  	s16 =	sadd.s32 $0x1, s16;
	_ =	swait.ge [sflag:s10], $0x2800  }
0x33: {  	p0 =	sne.s32 s16, s8;
	[sflag:s10] =	ssyncset.done $0x0  }
.Ltmp1:
0x34: {  	[sflag:s10] =	ssyncadd.s32 $0xFFFFD800;
	(pc) =	sbr.rel @p0 .LBB2_1-.Ltmp1, $4  }
0x35: {  	[hbm4b:s7+s4] =	stream.linear.scatter [tilespmem:s15], [sflag:$0x1], $0x2800, $0x38;
	[tilespmem:$0x6A90] =	vst v63  }
0x36: {  	_ =	swait.ge [sflag:s10], $0x2800  }
0x37: {  	[sflag:s10] =	ssyncset.done $0x0  }
0x38: {  	[sflag:s10] =	ssyncadd.s32 $0xFFFFD800  }
0x39: {  	_ =	sfence.sel $0x180000  }
0x3a: {  	[bflag:$0x0] =	sbarrier.arrive $0xFFFF  }
0x3b: {  	p0 =	sne.s32 s0, $0x0;
	_ =	strace $0x9000004D  }
0x3c: {  	s0 =	sadd.s32 @!p0 $0x100000, s1;
	[bflag:$0x2] =	sbarrier.arrive $0xFFFF  }
0x3d: {  	[sflag:s0] =	ssyncadd.tile.s32 @!p0 $0x1;
	_ =	shalt  }
.Lfunc_end2:
_tile_overlayer_lowered:
.L_overlay_start_2:
0x3e: {  	(tag) =	ssettag $0x2  }
0x3f: {  	s0 =	rddreg [dreg:$0x0];
	s2 =	stileid.u32  }
0x40: {  	s1 =	rddreg [dreg:$0x1];
	p0 =	sne.s32 s2, $0x0  }
0x41: {  	s3 =	rddreg [dreg:$0x2];
	[bflag:$0x3] =	sbarrier.arrive $0xFFFF;
	s2 =	simm.s32 @!p0 $0x1C01  }
0x42: {  	[timem:s3], [sflag:s2] =	dma.local @!p0 [hbm:s0], s1  }
0x43: {  	s0 =	simm.s32 @!p0 $0x1  }
0x44: {  	_ =	swait.ge @!p0 [sflag:s0], s1  }
0x45: {  	s1 =	ssub.s32 @!p0 $0x0, s1;
	[sflag:s0] =	ssyncset.done @!p0 $0x0  }
0x46: {  	[sflag:s0] =	ssyncadd.s32 @!p0 s1  }
0x47: {  	[bflag:$0x3] =	sbarrier.arrive $0xFFFF  }
0x48: {  	_ =	shalt  }

// kernel: kernel.25.cloned.1.call-start
scs
__scs_entry_jumppad:
0x0: {  	(pc) =	sbr.rel $0x88, $3  }
0x1: {  	(tag) =	ssettag $0x0;
	lr =	simm.s32 $0x1  }
0x2: {  	[smem:$0x3F8B] =	sst lr;
	_ =	strace $0xD0000000  }
0x3: {  	_ = 	snop  }
0x4: {  	_ = 	snop  }
0x5: {  	_ = 	snop  }
0x6: {  	_ = 	snop  }
0x7: {  	_ = 	snop  }
__scs_overlays_trampoline_lowered:
0x8: {  	[smem:$0x3F9A] =	sst s0  }
0x9: {  	[smem:$0x3F9B] =	sst s1  }
0xa: {  	[smem:$0x3F9C] =	sst s2  }
0xb: {  	[smem:$0x3F9D] =	sst s3  }
0xc: {  	[smem:$0x3F9E] =	sst s4  }
0xd: {  	[smem:$0x3F9F] =	sst s5  }
0xe: {  	[smem:$0x3FA0] =	sst s6  }
0xf: {  	[smem:$0x3FA1] =	sst s7  }
0x10: {  	[smem:$0x3FA2] =	sst s8  }
0x11: {  	[smem:$0x3FA3] =	sst s9;
	s0 =	simm.s32 @!p0 $0x0  }
0x12: {  	s1 =	sld [smem:$0x3F89];
	s0 =	simm.s32 @p0 $0x1  }
0x13: {  	[smem:$0x3FA4] =	sst s0;
	s0 =	simm.s32 @!p1 $0x0  }
0x14: {  	s2 =	sld [smem:$0x3F88];
	s0 =	simm.s32 @p1 $0x1  }
0x15: {  	[smem:$0x3FA5] =	sst s0;
	s0 =	simm.s32 @!p2 $0x0  }
0x16: {  	s3 =	sld [smem:$0x3FDB];
	s0 =	simm.s32 @p2 $0x1  }
0x17: {  	s4 =	simm.s32 $0x1BF5;
	[smem:$0x3FA7] =	sst s0  }
0x18: {  	s0 =	sld [smem:$0x3F8A];
	_ =	swait.ge [sflag:s4], $0x0  }
0x19: {  	s7 =	sld [smem:$0x3F8B]  }
0x1a: {  	s8 =	sadd.s32 $0xFFFFE003, lr  }
0x1b: {  	s9 =	sadd.s32 $0xFFFFFEF7, lr;
	s5 =	simm.s32 $0xFFFFFFFF;
	p2 =	slt.u32 s8, $0xFFFFF086  }
0x1c: {  	p1 =	slt.u32 s9, $0xF7A;
	s5 =	simm.s32 @!p2 $0x0  }
0x1d: {  	s5 =	simm.s32 @p1 $0x1;
	p0 =	seq.s32 s7, s2  }
0x1e: {  	s7 =	smul.u32 @!p0 $0xF7A, s2;
	p2 =	seq.s32 @!p0 s5, $0x0  }
0x1f: {  	s9 =	smul.u32 $0xF7A, s1;
	s8 =	simm.s32 @!p0 $0x1BF5;
	p2 =	por !p2, p0  }
0x20: {  	[sflag:s8] =	ssyncset.s32 @!p0 $0xFFFFF086;
	s6 =	sadd.s32 @!p0 s3, s7;
	s7 =	simm.s32 @!p0 $0x108  }
0x21: {  	s3 =	sadd.s32 s3, s9;
	s6 =	sadd.s32 @!p0 $0x88, s6;
	s7 =	simm.s32 @p2 $0x1082  }
0x22: {  	[simem:s7], [sflag:s8] =	dma.local @!p0 [hbm:s6], $0xF7A  }
0x23: {  	s9 =	sor.u32 $0xD0000000, s2;
	s6 =	simm.s32 $0x108;
	_ =	swait.ge @!p0 [sflag:s8], $0x0  }
0x24: {  	s3 =	sadd.s32 $0x88, s3;
	s6 =	simm.s32 @!p1 $0x1082;
	[sflag:s4] =	ssyncset.s32 $0xFFFFF086  }
0x25: {  	[simem:s6], [sflag:s4] =	dma.local [hbm:s3], $0xF7A  }
0x26: {  	[smem:$0x3F8B] =	sst s1;
	(tag) =	ssettag s2;
	_ =	strace s9  }
0x27: {  	s1 =	sld [smem:$0x3F9B]  }
0x28: {  	s2 =	sld [smem:$0x3F9C]  }
0x29: {  	s4 =	sld [smem:$0x3F9E]  }
0x2a: {  	p0 =	seq.s32 s5, $0x0;
	s5 =	sld [smem:$0x3F9F]  }
0x2b: {  	s6 =	sld [smem:$0x3FA0]  }
0x2c: {  	s7 =	sld [smem:$0x3FA1]  }
0x2d: {  	s3 =	simm.s32 $0x108;
	s8 =	sld [smem:$0x3FA2]  }
0x2e: {  	s3 =	simm.s32 @!p0 $0x1082;
	s9 =	sld [smem:$0x3FA3]  }
0x2f: {  	lr =	sadd.s32 s0, s3;
	s0 =	sld [smem:$0x3F9A]  }
0x30: {  	s3 =	sld [smem:$0x3F9D]  }
0x31: {  	[smem:$0x3FA6] =	sst s10  }
0x32: {  	s10 =	sld [smem:$0x3FA4];
	_ =	sdelay $0x3  }
0x33: {  	p0 =	seq.s32 s10, $0x1;
	s10 =	sld [smem:$0x3FA6];
	_ =	sdelay $0x3  }
0x34: {  	[smem:$0x3FA6] =	sst s10  }
0x35: {  	s10 =	sld [smem:$0x3FA5];
	_ =	sdelay $0x3  }
0x36: {  	p1 =	seq.s32 s10, $0x1;
	s10 =	sld [smem:$0x3FA6];
	_ =	sdelay $0x3  }
0x37: {  	[smem:$0x3FA6] =	sst s10  }
0x38: {  	s10 =	sld [smem:$0x3FA7]  }
0x39: {  	_ = 	snop;
	(pc) =	sbr.ind lr, $3  }
0x3a: {  	_ = 	snop  }
0x3b: {  	_ = 	snop  }
0x3c: {  	p2 =	seq.s32 s10, $0x1;
	s10 =	sld [smem:$0x3FA6]  }
0x3d: {  	_ =	shalt  }
0x3e: {  	_ =	shalt  }
0x3f: {  	_ =	shalt  }
0x40: {  	_ =	shalt  }
0x41: {  	_ =	shalt  }
0x42: {  	_ =	shalt  }
0x43: {  	_ =	shalt  }
0x44: {  	_ =	shalt  }
0x45: {  	_ =	shalt  }
0x46: {  	_ =	shalt  }
0x47: {  	_ =	shalt  }
0x48: {  	_ =	shalt  }
0x49: {  	_ =	shalt  }
0x4a: {  	_ =	shalt  }
0x4b: {  	_ =	shalt  }
0x4c: {  	_ =	shalt  }
0x4d: {  	_ =	shalt  }
0x4e: {  	_ =	shalt  }
0x4f: {  	_ =	shalt  }
0x50: {  	_ =	shalt  }
0x51: {  	_ =	shalt  }
0x52: {  	_ =	shalt  }
0x53: {  	_ =	shalt  }
0x54: {  	_ =	shalt  }
0x55: {  	_ =	shalt  }
0x56: {  	_ =	shalt  }
0x57: {  	_ =	shalt  }
0x58: {  	_ =	shalt  }
0x59: {  	_ =	shalt  }
0x5a: {  	_ =	shalt  }
0x5b: {  	_ =	shalt  }
0x5c: {  	_ =	shalt  }
0x5d: {  	_ =	shalt  }
0x5e: {  	_ =	shalt  }
0x5f: {  	_ =	shalt  }
0x60: {  	_ =	shalt  }
0x61: {  	_ =	shalt  }
0x62: {  	_ =	shalt  }
0x63: {  	_ =	shalt  }
0x64: {  	_ =	shalt  }
0x65: {  	_ =	shalt  }
0x66: {  	_ =	shalt  }
0x67: {  	_ =	shalt  }
0x68: {  	_ =	shalt  }
0x69: {  	_ =	shalt  }
0x6a: {  	_ =	shalt  }
0x6b: {  	_ =	shalt  }
0x6c: {  	_ =	shalt  }
0x6d: {  	_ =	shalt  }
0x6e: {  	_ =	shalt  }
0x6f: {  	_ =	shalt  }
0x70: {  	_ =	shalt  }
0x71: {  	_ =	shalt  }
0x72: {  	_ =	shalt  }
0x73: {  	_ =	shalt  }
0x74: {  	_ =	shalt  }
0x75: {  	_ =	shalt  }
0x76: {  	_ =	shalt  }
0x77: {  	_ =	shalt  }
0x78: {  	_ =	shalt  }
0x79: {  	_ =	shalt  }
0x7a: {  	_ =	shalt  }
0x7b: {  	_ =	shalt  }
0x7c: {  	_ =	shalt  }
0x7d: {  	_ =	shalt  }
0x7e: {  	_ =	shalt  }
0x7f: {  	_ =	shalt  }
0x80: {  	_ =	shalt  }
0x81: {  	_ =	shalt  }
0x82: {  	_ =	shalt  }
0x83: {  	_ =	shalt  }
0x84: {  	_ =	shalt  }
0x85: {  	_ =	shalt  }
0x86: {  	_ =	shalt  }
0x87: {  	_ =	shalt  }
.Lfunc_end0:
.L_simem_size_0:
called_computation.1_lowered:
.L_overlay_start_0:
0x88: {  	s2 =	sld [smem:$0x3FD9]  }
0x89: {  	s3 =	sld [smem:$0x3FFE];
	_ =	sdelay $0x1  }
0x8a: {  	s1 =	srdreg.scid  }
0x8b: {  	s0 =	sand.u32 $0x1, s1  }
0x8c: {  	s17 =	sshll.u32 s0, $0xA;
	s2 =	sadd.s32 s3, s2  }
0x8d: {  	s2 =	sadd.s32 s2, s17  }
0x8e: {  	[smem:$0x3FB2] =	sst s2  }
0x8f: {  	_ = 	snop  }
0x90: {  	(tm) =	ssettm $0x1  }
0x91: {  	s18 =	sld [smem:$0x3FFB];
	_ =	sdelay $0x3  }
0x92: {  	_ =	strace s18  }
0x93: {  	s2 =	sld [smem:$0x3FFC];
	_ =	sdelay $0x3  }
0x94: {  	_ =	strace s2  }
0x95: {  	s2 =	sld [smem:$0x3FFD];
	_ =	sdelay $0x3  }
0x96: {  	_ =	strace s2  }
0x97: {  	_ =	strace $0x8FFFFFFF  }
0x98: {  	s19 =	sld [smem:$0x3FDB];
	_ =	sdelay $0x1  }
0x99: {  	s20 =	simm.s32 $_scs_section_size  }
0x9a: {  	s4 =	simm.s32 $_size__tile_overlayer_lowered;
	s5 =	simm.s32 $_tile_overlayer_lowered  }
0x9b: {  	s6 =	simm.s32 $0x1BFF;
	s21 =	sshll.u32 s5, $0x1;
	s3 =	sadd.s32 s20, s19  }
0x9c: {  	s22 =	simm.s32 $0x0;
	s4 =	sshll.u32 s4, $0x1;
	s5 =	sadd.s32 s21, s3  }
0x9d: {  	[timem:s22], [sflag:s6] =	dma.local [hbm:s5], s4  }
0x9e: {  	_ =	swait.ge [sflag:s6], s4  }
0x9f: {  	s4 =	ssub.s32 $0x0, s4;
	[sflag:s6] =	ssyncset.done $0x0  }
0xa0: {  	[sflag:s6] =	ssyncadd.s32 s4;
	_ =	sdelay $0x1  }
0xa1: {  	s23 =	simm.s32 $0x1B8B  }
0xa2: {  	_ =	swait.ge [sflag:s23], $0x1  }
0xa3: {  	[sflag:s23] =	ssyncset.done $0x0  }
0xa4: {  	[sflag:s23] =	ssyncadd.s32 $0xFFFFFFFF  }
0xa5: {  	s4 =	sld [smem:$0x0]  }
0xa6: {  	s5 =	sand.u32 $0xFFFFFFFE, s1  }
0xa7: {  	p0 =	sne.s32 s1, s5  }
0xa8: {  	s5 =	sshll.u32 @p0 s5, $0xE  }
0xa9: {  	s5 =	sadd.s32 @p0 $0x11B8D, s5;
	s6 =	sshll.u32 @p0 s4, $0x11  }
0xaa: {  	s5 =	sor.u32 @p0 s6, s5  }
0xab: {  	[sflag:s5] =	ssyncadd.remote.s32 @p0 $0x1;
	_ =	sdelay $0x1  }
0xac: {  	s5 =	simm.s32 @p0 $0x1B8D  }
0xad: {  	_ =	swait.eq @p0 [sflag:s5], $0x1  }
0xae: {  	[sflag:s5] =	ssyncadd.s32 @p0 $0xFFFFFFFF  }
0xaf: {  	s6 =	sshll.u32 @!p0 s1, $0xE  }
0xb0: {  	s6 =	sor.u32 @!p0 $0x4000, s6;
	s5 =	simm.s32 @!p0 $0x1B8D  }
0xb1: {  	s4 =	sshll.u32 @!p0 s4, $0x11;
	s6 =	sadd.s32 @!p0 $0x11B8D, s6;
	_ =	swait.eq @!p0 [sflag:s5], $0x1  }
0xb2: {  	s4 =	sor.u32 @!p0 s4, s6;
	[sflag:s5] =	ssyncadd.s32 @!p0 $0xFFFFFFFF  }
0xb3: {  	s25 =	simm.s32 $0x1B8E;
	s24 =	sld [smem:$0x3FFE];
	[sflag:s4] =	ssyncadd.remote.s32 @!p0 $0x1  }
0xb4: {  	s26 =	simm.s32 $execute0_lowered;
	[smem:$0x3FD2] =	sst s25  }
0xb5: {  	s5 =	sshll.u32 s26, $0x1;
	_ =	strace $0x80000049;
	[dreg:$0x1] =	wrdreg $0xFFFFFFFF  }
0xb6: {  	s28 =	simm.s32 $_size_execute0_lowered;
	s3 =	sadd.s32 s3, s5;
	[dreg:$0x0] =	wrdreg $0x0  }
0xb7: {  	s5 =	sshll.u32 s28, $0x1;
	[dreg:$0x2] =	wrdreg s3  }
0xb8: {  	[dreg:$0x3] =	wrdreg s5  }
0xb9: {  	[dreg:$0x4] =	wrdreg $0xC0  }
0xba: {  	_ =	task [dreg:s22], $0x5FFFF  }
0xbb: {  	[dreg:$0x1] =	wrdreg $0xFFFFFFFF  }
0xbc: {  	[dreg:$0x0] =	wrdreg $0x60  }
0xbd: {  	[dreg:$0x2] =	wrdreg s24  }
0xbe: {  	[dreg:$0x3] =	wrdreg $0xA  }
0xbf: {  	_ =	task.clear_ibuf [dreg:s22], $0x4FFFF;
	_ =	strace $0x90000049  }
0xc0: {  	s29 =	simm.s32 $0xA;
	_ =	strace $0x8000004B  }
0xc1: {  	_ =	swait.ge [sflag:s29], $0x1  }
0xc2: {  	[sflag:s29] =	ssyncadd.s32 $0xFFFFFFFF  }
0xc3: {  	_ =	strace $0x9000004B  }
0xc4: {  	_ =	sfence  }
0xc5: {  	s30 =	sld [smem:$0x0];
	_ =	sdelay $0x2  }
0xc6: {  	s31 =	sshll.u32 s1, $0xD;
	s1 =	sshrl.u32 s1, $0x2  }
0xc7: {  	s4 =	sand.u32 $0x4000, s31;
	s1 =	sadd.s32 s1, s30  }
0xc8: {  	s0 =	sor.u32 s4, s0;
	s1 =	sshll.u32 s1, $0x11  }
0xc9: {  	s0 =	sor.u32 s1, s0  }
0xca: {  	s0 =	sadd.s32 $0x8F2B, s0  }
0xcb: {  	[sflag:s0] =	ssyncadd.remote.s32 $0x1  }
0xcc: {  	_ =	sfence.sel $0xFFFF  }
0xcd: {  	[dreg:$0x0] =	wrdreg $0xFFFFFFFF;
	(pc) =	sbr.abs _section_cstart, $3  }
0xce: {  	[dreg:$0x1] =	wrdreg $0xFFFFFFFF  }
0xcf: {  	_ =	task.clear_ibuf [dreg:s22], $0x2FFFF;
	_ =	strace $0x9FFFFFFF  }
0xd0: {  	(tm) =	ssettm $0x7FFFFFFF  }
0xd1: {  	_ =	shalt  }
tec
execute0_lowered:
.L_overlay_start_1:
0x0: {  	(tag) =	ssettag $0x1  }
0x1: {  	s1 =	srdreg.scid  }
0x2: {  	s0 =	stileid.u32;
	s5 =	rddreg [dreg:$0x0];
	s2 =	simm.s32 $0x0  }
0x3: {  	s12 =	simm.s32 $0xC8;
	s13 =	simm.s32 $0x2800;
	s14 =	simm.s32 $0x8C00  }
0x4: {  	s15 =	simm.s32 $0x1;
	s16 =	simm.s32 $0x2;
	s17 =	simm.s32 $0x3  }
0x5: {  	s18 =	simm.s32 $0x4;
	s6 =	sand.u32 $0x1, s1;
	s1 =	rddreg [dreg:$0x1]  }
0x6: {  	s19 =	simm.s32 $0x0;
	s3 =	sshll.u32 s0, $0x1;
	[smem:$0x7FF] =	sst s2  }
0x7: {  	s4 =	sadd.s32 $0x6B400, s5;
	s8 =	smul.u32 $0x27100, s0;
	s3 =	sor.u32 s6, s3  }
0x8: {  	_ =	strace $0x8000004A;
	s9 =	ssub.s32 $0x2, s6;
	s7 =	smul.u32 $0x1388, s3  }
0x9: {  	s11 =	smul.u32 $0x13880, s6;
	s3 =	sadd.s32 $0x44200, s5;
	s10 =	sshrl.u32 s9, $0x1  }
0xa: {  	s8 =	sadd.s32 s8, s5;
	s9 =	ssub.s32 s9, s10;
	s7 =	sshrl.u32 s7, $0x3  }
0xb: {  	s31 =	sadd.s32 s11, s8;
	s11 =	simm.s32 $0x1400;
	s7 =	sadd.s32 s7, s5  }
0xc: {  	s10 =	simm.s32 $0x5;
	s8 =	sadd.s32 $0x57E600, s31;
	s5 =	sadd.s32 $0x579600, s7  }
0xd: {  	s6 =	sadd.s32 $0x574600, s7;
	s7 =	smax.u32 s9, $0x1;
	s9 =	sadd.s32 $0x7EF600, s31  }
.LBB2_1:
0xe: {  	[tilespmem:s2], [sflag:$0x5] =	stream.linear.gather [hbm4b:s5+s2], $0x1388, $0x38;
	[tilespmem:$0xF000] =	vst v63  }
0xf: {  	_ =	swait.ge [sflag:s10], $0x1388  }
0x10: {  	[sflag:s10] =	ssyncset.done $0x0  }
0x11: {  	[sflag:s10] =	ssyncadd.s32 $0xFFFFEC78  }
0x12: {  	[tilespmem:s11], [sflag:$0x5] =	stream.linear.gather [hbm4b:s6+s2], $0x1388, $0x38;
	[tilespmem:$0xF000] =	vst v63  }
0x13: {  	_ =	swait.ge [sflag:s10], $0x1388  }
0x14: {  	[sflag:s10] =	ssyncset.done $0x0  }
0x15: {  	s20 =	simm.s32 $0x0;
	[sflag:s10] =	ssyncadd.s32 $0xFFFFEC78  }
0x16: {  	[tilespmem:s13], [sflag:$0x1] =	stream.indirect.gather [hbm4b:s3+s12], $0x80, s20, s12, $0xb8;
	[tilespmem:$0xF000] =	vst v63  }
0x17: {  	s31 =	simm.s32 $0x1400  }
0x18: {  	[tilespmem:s14], [sflag:$0x2] =	stream.indirect.gather [hbm4b:s4+s12], $0x80, s31, s12, $0xb8;
	[tilespmem:$0xF000] =	vst v63  }
0x19: {  	_ =	swait.ge [sflag:s15], $0x6400  }
0x1a: {  	[sflag:s15] =	ssyncset.done $0x0  }
0x1b: {  	[sflag:s15] =	ssyncadd.s32 $0xFFFF9C00  }
0x1c: {  	_ =	swait.ge [sflag:s16], $0x6400  }
0x1d: {  	[sflag:s16] =	ssyncset.done $0x0  }
0x1e: {  	[sflag:s16] =	ssyncadd.s32 $0xFFFF9C00  }
0x1f: {  	[hbm4b:s8+s2] =	stream.linear.scatter [tilespmem:s13], [sflag:$0x3], $0x6400, $0x38;
	[tilespmem:$0xF000] =	vst v63  }
0x20: {  	_ = 	snop  }
0x21: {  	[hbm4b:s9+s2] =	stream.linear.scatter [tilespmem:s14], [sflag:$0x4], $0x6400, $0x38;
	[tilespmem:$0xF000] =	vst v63  }
0x22: {  	_ =	swait.ge [sflag:s17], $0x6400  }
0x23: {  	[sflag:s17] =	ssyncset.done $0x0  }
0x24: {  	[sflag:s17] =	ssyncadd.s32 $0xFFFF9C00  }
0x25: {  	s22 =	simm.s32 $0x320;
	s23 =	simm.s32 $0x640;
	_ =	swait.ge [sflag:s18], $0x6400  }
0x26: {  	s21 =	sadd.s32 $0xC80, s9;
	s20 =	sadd.s32 $0xC80, s8;
	[sflag:s18] =	ssyncset.done $0x0  }
.LBB2_2:
0x27: {  	s24 =	sshra.s32 s22, $0x2  }
0x28: {  	[sflag:s18] =	ssyncadd.s32 $0xFFFF9C00;
	s22 =	smov.u32 s23;
	s25 =	sadd.s32 $0x320, s23  }
0x29: {  	[tilespmem:s13], [sflag:$0x1] =	stream.indirect.gather [hbm4b:s3+s12], $0x80, s24, s12, $0xb8;
	[tilespmem:$0xF000] =	vst v63  }
0x2a: {  	p0 =	sne.s32 s23, $0x4B00;
	s23 =	sadd.s32 $0x1400, s24  }
0x2b: {  	[tilespmem:s14], [sflag:$0x2] =	stream.indirect.gather [hbm4b:s4+s12], $0x80, s23, s12, $0xb8;
	[tilespmem:$0xF000] =	vst v63  }
0x2c: {  	_ =	swait.ge [sflag:s15], $0x6400  }
0x2d: {  	[sflag:s15] =	ssyncset.done $0x0  }
0x2e: {  	[sflag:s15] =	ssyncadd.s32 $0xFFFF9C00  }
0x2f: {  	_ =	swait.ge [sflag:s16], $0x6400  }
0x30: {  	[sflag:s16] =	ssyncset.done $0x0  }
0x31: {  	[sflag:s16] =	ssyncadd.s32 $0xFFFF9C00  }
0x32: {  	[hbm4b:s20+s2] =	stream.linear.scatter [tilespmem:s13], [sflag:$0x3], $0x6400, $0x38;
	[tilespmem:$0xF000] =	vst v63  }
0x33: {  	_ = 	snop  }
0x34: {  	[hbm4b:s21+s2] =	stream.linear.scatter [tilespmem:s14], [sflag:$0x4], $0x6400, $0x38;
	[tilespmem:$0xF000] =	vst v63  }
.Ltmp0:
0x35: {  	_ =	swait.ge [sflag:s17], $0x6400;
	(pc) =	sbr.rel @p0 .LBB2_2-.Ltmp0, $4  }
0x36: {  	[sflag:s17] =	ssyncset.done $0x0  }
0x37: {  	[sflag:s17] =	ssyncadd.s32 $0xFFFF9C00  }
0x38: {  	s23 =	smov.u32 s25;
	_ =	swait.ge [sflag:s18], $0x6400  }
0x39: {  	s20 =	sadd.s32 $0xC80, s20;
	s21 =	sadd.s32 $0xC80, s21;
	[sflag:s18] =	ssyncset.done $0x0  }
0x3a: {  	s22 =	sshra.s32 s22, $0x2;
	[sflag:s18] =	ssyncadd.s32 $0xFFFF9C00  }
0x3b: {  	[tilespmem:s13], [sflag:$0x1] =	stream.indirect.gather [hbm4b:s3+s12], $0x80, s22, s12, $0xb8;
	[tilespmem:$0xF000] =	vst v63  }
0x3c: {  	s22 =	sadd.s32 $0x1400, s22  }
0x3d: {  	[tilespmem:s14], [sflag:$0x2] =	stream.indirect.gather [hbm4b:s4+s12], $0x80, s22, s12, $0xb8;
	[tilespmem:$0xF000] =	vst v63  }
0x3e: {  	_ =	swait.ge [sflag:s15], $0x6400  }
0x3f: {  	[sflag:s15] =	ssyncset.done $0x0  }
0x40: {  	[sflag:s15] =	ssyncadd.s32 $0xFFFF9C00  }
0x41: {  	_ =	swait.ge [sflag:s16], $0x6400  }
0x42: {  	[sflag:s16] =	ssyncset.done $0x0  }
0x43: {  	[sflag:s16] =	ssyncadd.s32 $0xFFFF9C00  }
0x44: {  	[hbm4b:s20+s2] =	stream.linear.scatter [tilespmem:s13], [sflag:$0x3], $0x6400, $0x38;
	[tilespmem:$0xF000] =	vst v63  }
0x45: {  	s19 =	sadd.s32 $0x1, s19  }
0x46: {  	[hbm4b:s21+s2] =	stream.linear.scatter [tilespmem:s14], [sflag:$0x4], $0x6400, $0x38;
	[tilespmem:$0xF000] =	vst v63  }
0x47: {  	p0 =	sne.s32 s19, s7;
	_ =	swait.ge [sflag:s17], $0x6400  }
.Ltmp1:
0x48: {  	[sflag:s17] =	ssyncset.done $0x0;
	(pc) =	sbr.rel @p0 .LBB2_1-.Ltmp1, $4  }
0x49: {  	[sflag:s17] =	ssyncadd.s32 $0xFFFF9C00  }
0x4a: {  	_ =	swait.ge [sflag:s18], $0x6400  }
0x4b: {  	[sflag:s18] =	ssyncset.done $0x0  }
0x4c: {  	[sflag:s18] =	ssyncadd.s32 $0xFFFF9C00  }
0x4d: {  	_ =	sfence.sel $0x180000  }
0x4e: {  	[bflag:$0x0] =	sbarrier.arrive $0xFFFF  }
0x4f: {  	p0 =	sne.s32 s0, $0x0;
	_ =	strace $0x9000004A  }
0x50: {  	s0 =	sadd.s32 @!p0 $0x100000, s1;
	[bflag:$0x2] =	sbarrier.arrive $0xFFFF  }
0x51: {  	[sflag:s0] =	ssyncadd.tile.s32 @!p0 $0x1;
	_ =	shalt  }
.Lfunc_end2:
_tile_overlayer_lowered:
.L_overlay_start_2:
0x52: {  	(tag) =	ssettag $0x2  }
0x53: {  	s0 =	rddreg [dreg:$0x0];
	s2 =	stileid.u32  }
0x54: {  	s1 =	rddreg [dreg:$0x1];
	p0 =	sne.s32 s2, $0x0  }
0x55: {  	s3 =	rddreg [dreg:$0x2];
	[bflag:$0x3] =	sbarrier.arrive $0xFFFF;
	s2 =	simm.s32 @!p0 $0x1C05  }
0x56: {  	[timem:s3], [sflag:s2] =	dma.local @!p0 [hbm:s0], s1  }
0x57: {  	s0 =	simm.s32 @!p0 $0x5  }
0x58: {  	_ =	swait.ge @!p0 [sflag:s0], s1  }
0x59: {  	s1 =	ssub.s32 @!p0 $0x0, s1;
	[sflag:s0] =	ssyncset.done @!p0 $0x0  }
0x5a: {  	[sflag:s0] =	ssyncadd.s32 @!p0 s1  }
0x5b: {  	[bflag:$0x3] =	sbarrier.arrive $0xFFFF  }
0x5c: {  	_ =	shalt  }

// kernel: kernel.28.cloned.1.call-start
scs
__scs_entry_jumppad:
0x0: {  	(pc) =	sbr.rel $0x88, $3  }
0x1: {  	(tag) =	ssettag $0x0;
	lr =	simm.s32 $0x1  }
0x2: {  	[smem:$0x3F8B] =	sst lr;
	_ =	strace $0xD0000000  }
0x3: {  	_ = 	snop  }
0x4: {  	_ = 	snop  }
0x5: {  	_ = 	snop  }
0x6: {  	_ = 	snop  }
0x7: {  	_ = 	snop  }
__scs_overlays_trampoline_lowered:
0x8: {  	[smem:$0x3F9A] =	sst s0  }
0x9: {  	[smem:$0x3F9B] =	sst s1  }
0xa: {  	[smem:$0x3F9C] =	sst s2  }
0xb: {  	[smem:$0x3F9D] =	sst s3  }
0xc: {  	[smem:$0x3F9E] =	sst s4  }
0xd: {  	[smem:$0x3F9F] =	sst s5  }
0xe: {  	[smem:$0x3FA0] =	sst s6  }
0xf: {  	[smem:$0x3FA1] =	sst s7  }
0x10: {  	[smem:$0x3FA2] =	sst s8  }
0x11: {  	[smem:$0x3FA3] =	sst s9;
	s0 =	simm.s32 @!p0 $0x0  }
0x12: {  	s1 =	sld [smem:$0x3F89];
	s0 =	simm.s32 @p0 $0x1  }
0x13: {  	[smem:$0x3FA4] =	sst s0;
	s0 =	simm.s32 @!p1 $0x0  }
0x14: {  	s2 =	sld [smem:$0x3F88];
	s0 =	simm.s32 @p1 $0x1  }
0x15: {  	[smem:$0x3FA5] =	sst s0;
	s0 =	simm.s32 @!p2 $0x0  }
0x16: {  	s3 =	sld [smem:$0x3FDB];
	s0 =	simm.s32 @p2 $0x1  }
0x17: {  	s4 =	simm.s32 $0x1BF5;
	[smem:$0x3FA7] =	sst s0  }
0x18: {  	s0 =	sld [smem:$0x3F8A];
	_ =	swait.ge [sflag:s4], $0x0  }
0x19: {  	s7 =	sld [smem:$0x3F8B]  }
0x1a: {  	s8 =	sadd.s32 $0xFFFFE003, lr  }
0x1b: {  	s9 =	sadd.s32 $0xFFFFFEF7, lr;
	s5 =	simm.s32 $0xFFFFFFFF;
	p2 =	slt.u32 s8, $0xFFFFF086  }
0x1c: {  	p1 =	slt.u32 s9, $0xF7A;
	s5 =	simm.s32 @!p2 $0x0  }
0x1d: {  	s5 =	simm.s32 @p1 $0x1;
	p0 =	seq.s32 s7, s2  }
0x1e: {  	s7 =	smul.u32 @!p0 $0xF7A, s2;
	p2 =	seq.s32 @!p0 s5, $0x0  }
0x1f: {  	s9 =	smul.u32 $0xF7A, s1;
	s8 =	simm.s32 @!p0 $0x1BF5;
	p2 =	por !p2, p0  }
0x20: {  	[sflag:s8] =	ssyncset.s32 @!p0 $0xFFFFF086;
	s6 =	sadd.s32 @!p0 s3, s7;
	s7 =	simm.s32 @!p0 $0x108  }
0x21: {  	s3 =	sadd.s32 s3, s9;
	s6 =	sadd.s32 @!p0 $0x88, s6;
	s7 =	simm.s32 @p2 $0x1082  }
0x22: {  	[simem:s7], [sflag:s8] =	dma.local @!p0 [hbm:s6], $0xF7A  }
0x23: {  	s9 =	sor.u32 $0xD0000000, s2;
	s6 =	simm.s32 $0x108;
	_ =	swait.ge @!p0 [sflag:s8], $0x0  }
0x24: {  	s3 =	sadd.s32 $0x88, s3;
	s6 =	simm.s32 @!p1 $0x1082;
	[sflag:s4] =	ssyncset.s32 $0xFFFFF086  }
0x25: {  	[simem:s6], [sflag:s4] =	dma.local [hbm:s3], $0xF7A  }
0x26: {  	[smem:$0x3F8B] =	sst s1;
	(tag) =	ssettag s2;
	_ =	strace s9  }
0x27: {  	s1 =	sld [smem:$0x3F9B]  }
0x28: {  	s2 =	sld [smem:$0x3F9C]  }
0x29: {  	s4 =	sld [smem:$0x3F9E]  }
0x2a: {  	p0 =	seq.s32 s5, $0x0;
	s5 =	sld [smem:$0x3F9F]  }
0x2b: {  	s6 =	sld [smem:$0x3FA0]  }
0x2c: {  	s7 =	sld [smem:$0x3FA1]  }
0x2d: {  	s3 =	simm.s32 $0x108;
	s8 =	sld [smem:$0x3FA2]  }
0x2e: {  	s3 =	simm.s32 @!p0 $0x1082;
	s9 =	sld [smem:$0x3FA3]  }
0x2f: {  	lr =	sadd.s32 s0, s3;
	s0 =	sld [smem:$0x3F9A]  }
0x30: {  	s3 =	sld [smem:$0x3F9D]  }
0x31: {  	[smem:$0x3FA6] =	sst s10  }
0x32: {  	s10 =	sld [smem:$0x3FA4];
	_ =	sdelay $0x3  }
0x33: {  	p0 =	seq.s32 s10, $0x1;
	s10 =	sld [smem:$0x3FA6];
	_ =	sdelay $0x3  }
0x34: {  	[smem:$0x3FA6] =	sst s10  }
0x35: {  	s10 =	sld [smem:$0x3FA5];
	_ =	sdelay $0x3  }
0x36: {  	p1 =	seq.s32 s10, $0x1;
	s10 =	sld [smem:$0x3FA6];
	_ =	sdelay $0x3  }
0x37: {  	[smem:$0x3FA6] =	sst s10  }
0x38: {  	s10 =	sld [smem:$0x3FA7]  }
0x39: {  	_ = 	snop;
	(pc) =	sbr.ind lr, $3  }
0x3a: {  	_ = 	snop  }
0x3b: {  	_ = 	snop  }
0x3c: {  	p2 =	seq.s32 s10, $0x1;
	s10 =	sld [smem:$0x3FA6]  }
0x3d: {  	_ =	shalt  }
0x3e: {  	_ =	shalt  }
0x3f: {  	_ =	shalt  }
0x40: {  	_ =	shalt  }
0x41: {  	_ =	shalt  }
0x42: {  	_ =	shalt  }
0x43: {  	_ =	shalt  }
0x44: {  	_ =	shalt  }
0x45: {  	_ =	shalt  }
0x46: {  	_ =	shalt  }
0x47: {  	_ =	shalt  }
0x48: {  	_ =	shalt  }
0x49: {  	_ =	shalt  }
0x4a: {  	_ =	shalt  }
0x4b: {  	_ =	shalt  }
0x4c: {  	_ =	shalt  }
0x4d: {  	_ =	shalt  }
0x4e: {  	_ =	shalt  }
0x4f: {  	_ =	shalt  }
0x50: {  	_ =	shalt  }
0x51: {  	_ =	shalt  }
0x52: {  	_ =	shalt  }
0x53: {  	_ =	shalt  }
0x54: {  	_ =	shalt  }
0x55: {  	_ =	shalt  }
0x56: {  	_ =	shalt  }
0x57: {  	_ =	shalt  }
0x58: {  	_ =	shalt  }
0x59: {  	_ =	shalt  }
0x5a: {  	_ =	shalt  }
0x5b: {  	_ =	shalt  }
0x5c: {  	_ =	shalt  }
0x5d: {  	_ =	shalt  }
0x5e: {  	_ =	shalt  }
0x5f: {  	_ =	shalt  }
0x60: {  	_ =	shalt  }
0x61: {  	_ =	shalt  }
0x62: {  	_ =	shalt  }
0x63: {  	_ =	shalt  }
0x64: {  	_ =	shalt  }
0x65: {  	_ =	shalt  }
0x66: {  	_ =	shalt  }
0x67: {  	_ =	shalt  }
0x68: {  	_ =	shalt  }
0x69: {  	_ =	shalt  }
0x6a: {  	_ =	shalt  }
0x6b: {  	_ =	shalt  }
0x6c: {  	_ =	shalt  }
0x6d: {  	_ =	shalt  }
0x6e: {  	_ =	shalt  }
0x6f: {  	_ =	shalt  }
0x70: {  	_ =	shalt  }
0x71: {  	_ =	shalt  }
0x72: {  	_ =	shalt  }
0x73: {  	_ =	shalt  }
0x74: {  	_ =	shalt  }
0x75: {  	_ =	shalt  }
0x76: {  	_ =	shalt  }
0x77: {  	_ =	shalt  }
0x78: {  	_ =	shalt  }
0x79: {  	_ =	shalt  }
0x7a: {  	_ =	shalt  }
0x7b: {  	_ =	shalt  }
0x7c: {  	_ =	shalt  }
0x7d: {  	_ =	shalt  }
0x7e: {  	_ =	shalt  }
0x7f: {  	_ =	shalt  }
0x80: {  	_ =	shalt  }
0x81: {  	_ =	shalt  }
0x82: {  	_ =	shalt  }
0x83: {  	_ =	shalt  }
0x84: {  	_ =	shalt  }
0x85: {  	_ =	shalt  }
0x86: {  	_ =	shalt  }
0x87: {  	_ =	shalt  }
.Lfunc_end0:
.L_simem_size_0:
called_computation.2_lowered:
.L_overlay_start_0:
0x88: {  	s2 =	sld [smem:$0x3FD9]  }
0x89: {  	s3 =	sld [smem:$0x3FFE];
	_ =	sdelay $0x1  }
0x8a: {  	s1 =	srdreg.scid  }
0x8b: {  	s0 =	sand.u32 $0x1, s1  }
0x8c: {  	s16 =	sshll.u32 s0, $0xA;
	s2 =	sadd.s32 s3, s2  }
0x8d: {  	s2 =	sadd.s32 s2, s16  }
0x8e: {  	[smem:$0x3FB2] =	sst s2  }
0x8f: {  	_ = 	snop  }
0x90: {  	(tm) =	ssettm $0x1  }
0x91: {  	s17 =	sld [smem:$0x3FFB];
	_ =	sdelay $0x3  }
0x92: {  	_ =	strace s17  }
0x93: {  	s2 =	sld [smem:$0x3FFC];
	_ =	sdelay $0x3  }
0x94: {  	_ =	strace s2  }
0x95: {  	s2 =	sld [smem:$0x3FFD];
	_ =	sdelay $0x3  }
0x96: {  	_ =	strace s2  }
0x97: {  	_ =	strace $0x8FFFFFFF  }
0x98: {  	s18 =	sld [smem:$0x3FDB];
	_ =	sdelay $0x1  }
0x99: {  	s19 =	simm.s32 $_scs_section_size  }
0x9a: {  	s4 =	simm.s32 $_size__tile_overlayer_lowered;
	s5 =	simm.s32 $_tile_overlayer_lowered  }
0x9b: {  	s22 =	simm.s32 $0x1BFF;
	s21 =	sshll.u32 s5, $0x1;
	s2 =	sadd.s32 s19, s18  }
0x9c: {  	s6 =	simm.s32 $0x0;
	s20 =	sshll.u32 s4, $0x1;
	s4 =	sadd.s32 s21, s2  }
0x9d: {  	[timem:s6], [sflag:s22] =	dma.local [hbm:s4], s20  }
0x9e: {  	_ =	swait.ge [sflag:s22], s20  }
0x9f: {  	s3 =	ssub.s32 $0x0, s20;
	[sflag:s22] =	ssyncset.done $0x0  }
0xa0: {  	[sflag:s22] =	ssyncadd.s32 s3;
	_ =	sdelay $0x1  }
0xa1: {  	s23 =	simm.s32 $0x1B8B  }
0xa2: {  	_ =	swait.ge [sflag:s23], $0x1  }
0xa3: {  	[sflag:s23] =	ssyncset.done $0x0  }
0xa4: {  	s25 =	simm.s32 $0x1B8E;
	s24 =	sld [smem:$0x3FFE];
	[sflag:s23] =	ssyncadd.s32 $0xFFFFFFFF  }
0xa5: {  	s26 =	simm.s32 $execute0_lowered;
	[smem:$0x3FD2] =	sst s25  }
0xa6: {  	s4 =	sshll.u32 s26, $0x1;
	_ =	strace $0x80000046;
	[dreg:$0x1] =	wrdreg $0xFFFFFFFF  }
0xa7: {  	s28 =	simm.s32 $_size_execute0_lowered;
	s2 =	sadd.s32 s2, s4;
	[dreg:$0x0] =	wrdreg $0x0  }
0xa8: {  	s4 =	sshll.u32 s28, $0x1;
	[dreg:$0x2] =	wrdreg s2  }
0xa9: {  	[dreg:$0x3] =	wrdreg s4  }
0xaa: {  	[dreg:$0x4] =	wrdreg $0xC0  }
0xab: {  	_ =	task [dreg:s6], $0x5FFFF  }
0xac: {  	[dreg:$0x1] =	wrdreg $0xFFFFFFFF  }
0xad: {  	[dreg:$0x0] =	wrdreg $0x60  }
0xae: {  	[dreg:$0x2] =	wrdreg s24  }
0xaf: {  	[dreg:$0x3] =	wrdreg $0xB  }
0xb0: {  	_ =	task.clear_ibuf [dreg:s6], $0x4FFFF;
	_ =	strace $0x90000046  }
0xb1: {  	s29 =	simm.s32 $0xB;
	_ =	strace $0x80000048  }
0xb2: {  	_ =	swait.ge [sflag:s29], $0x1  }
0xb3: {  	[sflag:s29] =	ssyncadd.s32 $0xFFFFFFFF  }
0xb4: {  	_ =	strace $0x90000048  }
0xb5: {  	_ =	sfence  }
0xb6: {  	s30 =	sld [smem:$0x0];
	_ =	sdelay $0x2  }
0xb7: {  	s31 =	sshll.u32 s1, $0xD;
	s1 =	sshrl.u32 s1, $0x2  }
0xb8: {  	s3 =	sand.u32 $0x4000, s31;
	s1 =	sadd.s32 s1, s30  }
0xb9: {  	s0 =	sor.u32 s3, s0;
	s1 =	sshll.u32 s1, $0x11  }
0xba: {  	s0 =	sor.u32 s1, s0  }
0xbb: {  	s0 =	sadd.s32 $0x8F2B, s0  }
0xbc: {  	[sflag:s0] =	ssyncadd.remote.s32 $0x1  }
0xbd: {  	_ =	sfence.sel $0xFFFF  }
0xbe: {  	[dreg:$0x0] =	wrdreg $0xFFFFFFFF;
	(pc) =	sbr.abs _section_cstart, $3  }
0xbf: {  	[dreg:$0x1] =	wrdreg $0xFFFFFFFF  }
0xc0: {  	_ =	task.clear_ibuf [dreg:s6], $0x2FFFF;
	_ =	strace $0x9FFFFFFF  }
0xc1: {  	(tm) =	ssettm $0x7FFFFFFF  }
tec
execute0_lowered:
.L_overlay_start_1:
0x0: {  	(tag) =	ssettag $0x1  }
0x1: {  	s1 =	srdreg.scid  }
0x2: {  	s0 =	stileid.u32;
	s5 =	rddreg [dreg:$0x0];
	s2 =	simm.s32 $0x0  }
0x3: {  	s12 =	simm.s32 $0xC8;
	s13 =	simm.s32 $0x2800;
	s14 =	simm.s32 $0x8C00  }
0x4: {  	s15 =	simm.s32 $0x1;
	s16 =	simm.s32 $0x2;
	s17 =	simm.s32 $0x3  }
0x5: {  	s18 =	simm.s32 $0x4;
	s6 =	sand.u32 $0x1, s1;
	s1 =	rddreg [dreg:$0x1]  }
0x6: {  	s19 =	simm.s32 $0x0;
	s3 =	sshll.u32 s0, $0x1;
	[smem:$0x7FF] =	sst s2  }
0x7: {  	s4 =	sadd.s32 $0x6B400, s5;
	s8 =	smul.u32 $0x27100, s0;
	s3 =	sor.u32 s6, s3  }
0x8: {  	_ =	strace $0x80000047;
	s9 =	ssub.s32 $0x2, s6;
	s7 =	smul.u32 $0x1388, s3  }
0x9: {  	s11 =	smul.u32 $0x13880, s6;
	s3 =	sadd.s32 $0x44200, s5;
	s10 =	sshrl.u32 s9, $0x1  }
0xa: {  	s8 =	sadd.s32 s8, s5;
	s9 =	ssub.s32 s9, s10;
	s7 =	sshrl.u32 s7, $0x3  }
0xb: {  	s31 =	sadd.s32 s11, s8;
	s10 =	simm.s32 $0x5;
	s7 =	sadd.s32 s7, s5  }
0xc: {  	s11 =	simm.s32 $0x1400;
	s8 =	sadd.s32 $0x92600, s31;
	s5 =	sadd.s32 $0x13000, s7  }
0xd: {  	s6 =	sadd.s32 $0x18000, s7;
	s7 =	smax.u32 s9, $0x1;
	s9 =	sadd.s32 $0x303600, s31  }
.LBB2_1:
0xe: {  	[tilespmem:s2], [sflag:$0x5] =	stream.linear.gather [hbm4b:s5+s2], $0x1388, $0x38;
	[tilespmem:$0xF000] =	vst v63  }
0xf: {  	_ =	swait.ge [sflag:s10], $0x1388  }
0x10: {  	[sflag:s10] =	ssyncset.done $0x0  }
0x11: {  	[sflag:s10] =	ssyncadd.s32 $0xFFFFEC78  }
0x12: {  	[tilespmem:s11], [sflag:$0x5] =	stream.linear.gather [hbm4b:s6+s2], $0x1388, $0x38;
	[tilespmem:$0xF000] =	vst v63  }
0x13: {  	_ =	swait.ge [sflag:s10], $0x1388  }
0x14: {  	[sflag:s10] =	ssyncset.done $0x0  }
0x15: {  	s20 =	simm.s32 $0x0;
	[sflag:s10] =	ssyncadd.s32 $0xFFFFEC78  }
0x16: {  	[tilespmem:s13], [sflag:$0x1] =	stream.indirect.gather [hbm4b:s3+s12], $0x80, s20, s12, $0xb8;
	[tilespmem:$0xF000] =	vst v63  }
0x17: {  	s31 =	simm.s32 $0x1400  }
0x18: {  	[tilespmem:s14], [sflag:$0x2] =	stream.indirect.gather [hbm4b:s4+s12], $0x80, s31, s12, $0xb8;
	[tilespmem:$0xF000] =	vst v63  }
0x19: {  	_ =	swait.ge [sflag:s15], $0x6400  }
0x1a: {  	[sflag:s15] =	ssyncset.done $0x0  }
0x1b: {  	[sflag:s15] =	ssyncadd.s32 $0xFFFF9C00  }
0x1c: {  	_ =	swait.ge [sflag:s16], $0x6400  }
0x1d: {  	[sflag:s16] =	ssyncset.done $0x0  }
0x1e: {  	[sflag:s16] =	ssyncadd.s32 $0xFFFF9C00  }
0x1f: {  	[hbm4b:s8+s2] =	stream.linear.scatter [tilespmem:s13], [sflag:$0x3], $0x6400, $0x38;
	[tilespmem:$0xF000] =	vst v63  }
0x20: {  	_ = 	snop  }
0x21: {  	[hbm4b:s9+s2] =	stream.linear.scatter [tilespmem:s14], [sflag:$0x4], $0x6400, $0x38;
	[tilespmem:$0xF000] =	vst v63  }
0x22: {  	_ =	swait.ge [sflag:s17], $0x6400  }
0x23: {  	[sflag:s17] =	ssyncset.done $0x0  }
0x24: {  	[sflag:s17] =	ssyncadd.s32 $0xFFFF9C00  }
0x25: {  	s22 =	simm.s32 $0x320;
	s23 =	simm.s32 $0x640;
	_ =	swait.ge [sflag:s18], $0x6400  }
0x26: {  	s21 =	sadd.s32 $0xC80, s9;
	s20 =	sadd.s32 $0xC80, s8;
	[sflag:s18] =	ssyncset.done $0x0  }
.LBB2_2:
0x27: {  	s24 =	sshra.s32 s22, $0x2  }
0x28: {  	[sflag:s18] =	ssyncadd.s32 $0xFFFF9C00;
	s22 =	smov.u32 s23;
	s25 =	sadd.s32 $0x320, s23  }
0x29: {  	[tilespmem:s13], [sflag:$0x1] =	stream.indirect.gather [hbm4b:s3+s12], $0x80, s24, s12, $0xb8;
	[tilespmem:$0xF000] =	vst v63  }
0x2a: {  	p0 =	sne.s32 s23, $0x4B00;
	s23 =	sadd.s32 $0x1400, s24  }
0x2b: {  	[tilespmem:s14], [sflag:$0x2] =	stream.indirect.gather [hbm4b:s4+s12], $0x80, s23, s12, $0xb8;
	[tilespmem:$0xF000] =	vst v63  }
0x2c: {  	_ =	swait.ge [sflag:s15], $0x6400  }
0x2d: {  	[sflag:s15] =	ssyncset.done $0x0  }
0x2e: {  	[sflag:s15] =	ssyncadd.s32 $0xFFFF9C00  }
0x2f: {  	_ =	swait.ge [sflag:s16], $0x6400  }
0x30: {  	[sflag:s16] =	ssyncset.done $0x0  }
0x31: {  	[sflag:s16] =	ssyncadd.s32 $0xFFFF9C00  }
0x32: {  	[hbm4b:s20+s2] =	stream.linear.scatter [tilespmem:s13], [sflag:$0x3], $0x6400, $0x38;
	[tilespmem:$0xF000] =	vst v63  }
0x33: {  	_ = 	snop  }
0x34: {  	[hbm4b:s21+s2] =	stream.linear.scatter [tilespmem:s14], [sflag:$0x4], $0x6400, $0x38;
	[tilespmem:$0xF000] =	vst v63  }
.Ltmp0:
0x35: {  	_ =	swait.ge [sflag:s17], $0x6400;
	(pc) =	sbr.rel @p0 .LBB2_2-.Ltmp0, $4  }
0x36: {  	[sflag:s17] =	ssyncset.done $0x0  }
0x37: {  	[sflag:s17] =	ssyncadd.s32 $0xFFFF9C00  }
0x38: {  	s23 =	smov.u32 s25;
	_ =	swait.ge [sflag:s18], $0x6400  }
0x39: {  	s20 =	sadd.s32 $0xC80, s20;
	s21 =	sadd.s32 $0xC80, s21;
	[sflag:s18] =	ssyncset.done $0x0  }
0x3a: {  	s22 =	sshra.s32 s22, $0x2;
	[sflag:s18] =	ssyncadd.s32 $0xFFFF9C00  }
0x3b: {  	[tilespmem:s13], [sflag:$0x1] =	stream.indirect.gather [hbm4b:s3+s12], $0x80, s22, s12, $0xb8;
	[tilespmem:$0xF000] =	vst v63  }
0x3c: {  	s22 =	sadd.s32 $0x1400, s22  }
0x3d: {  	[tilespmem:s14], [sflag:$0x2] =	stream.indirect.gather [hbm4b:s4+s12], $0x80, s22, s12, $0xb8;
	[tilespmem:$0xF000] =	vst v63  }
0x3e: {  	_ =	swait.ge [sflag:s15], $0x6400  }
0x3f: {  	[sflag:s15] =	ssyncset.done $0x0  }
0x40: {  	[sflag:s15] =	ssyncadd.s32 $0xFFFF9C00  }
0x41: {  	_ =	swait.ge [sflag:s16], $0x6400  }
0x42: {  	[sflag:s16] =	ssyncset.done $0x0  }
0x43: {  	[sflag:s16] =	ssyncadd.s32 $0xFFFF9C00  }
0x44: {  	[hbm4b:s20+s2] =	stream.linear.scatter [tilespmem:s13], [sflag:$0x3], $0x6400, $0x38;
	[tilespmem:$0xF000] =	vst v63  }
0x45: {  	s19 =	sadd.s32 $0x1, s19  }
0x46: {  	[hbm4b:s21+s2] =	stream.linear.scatter [tilespmem:s14], [sflag:$0x4], $0x6400, $0x38;
	[tilespmem:$0xF000] =	vst v63  }
0x47: {  	p0 =	sne.s32 s19, s7;
	_ =	swait.ge [sflag:s17], $0x6400  }
.Ltmp1:
0x48: {  	[sflag:s17] =	ssyncset.done $0x0;
	(pc) =	sbr.rel @p0 .LBB2_1-.Ltmp1, $4  }
0x49: {  	[sflag:s17] =	ssyncadd.s32 $0xFFFF9C00  }
0x4a: {  	_ =	swait.ge [sflag:s18], $0x6400  }
0x4b: {  	[sflag:s18] =	ssyncset.done $0x0  }
0x4c: {  	[sflag:s18] =	ssyncadd.s32 $0xFFFF9C00  }
0x4d: {  	_ =	sfence.sel $0x180000  }
0x4e: {  	[bflag:$0x0] =	sbarrier.arrive $0xFFFF  }
0x4f: {  	p0 =	sne.s32 s0, $0x0;
	_ =	strace $0x90000047  }
0x50: {  	s0 =	sadd.s32 @!p0 $0x100000, s1;
	[bflag:$0x2] =	sbarrier.arrive $0xFFFF  }
0x51: {  	[sflag:s0] =	ssyncadd.tile.s32 @!p0 $0x1;
	_ =	shalt  }
.Lfunc_end2:
_tile_overlayer_lowered:
.L_overlay_start_2:
0x52: {  	(tag) =	ssettag $0x2  }
0x53: {  	s0 =	rddreg [dreg:$0x0];
	s2 =	stileid.u32  }
0x54: {  	s1 =	rddreg [dreg:$0x1];
	p0 =	sne.s32 s2, $0x0  }
0x55: {  	s3 =	rddreg [dreg:$0x2];
	[bflag:$0x3] =	sbarrier.arrive $0xFFFF;
	s2 =	simm.s32 @!p0 $0x1C05  }
0x56: {  	[timem:s3], [sflag:s2] =	dma.local @!p0 [hbm:s0], s1  }
0x57: {  	s0 =	simm.s32 @!p0 $0x5  }
0x58: {  	_ =	swait.ge @!p0 [sflag:s0], s1  }
0x59: {  	s1 =	ssub.s32 @!p0 $0x0, s1;
	[sflag:s0] =	ssyncset.done @!p0 $0x0  }
0x5a: {  	[sflag:s0] =	ssyncadd.s32 @!p0 s1  }
0x5b: {  	[bflag:$0x3] =	sbarrier.arrive $0xFFFF  }
0x5c: {  	_ =	shalt  }

// kernel: kernel.31.cloned.1.call-start
scs
__scs_entry_jumppad:
0x0: {  	(pc) =	sbr.rel $0x88, $3  }
0x1: {  	(tag) =	ssettag $0x0;
	lr =	simm.s32 $0x1  }
0x2: {  	[smem:$0x3F8B] =	sst lr;
	_ =	strace $0xD0000000  }
0x3: {  	_ = 	snop  }
0x4: {  	_ = 	snop  }
0x5: {  	_ = 	snop  }
0x6: {  	_ = 	snop  }
0x7: {  	_ = 	snop  }
__scs_overlays_trampoline_lowered:
0x8: {  	[smem:$0x3F9A] =	sst s0  }
0x9: {  	[smem:$0x3F9B] =	sst s1  }
0xa: {  	[smem:$0x3F9C] =	sst s2  }
0xb: {  	[smem:$0x3F9D] =	sst s3  }
0xc: {  	[smem:$0x3F9E] =	sst s4  }
0xd: {  	[smem:$0x3F9F] =	sst s5  }
0xe: {  	[smem:$0x3FA0] =	sst s6  }
0xf: {  	[smem:$0x3FA1] =	sst s7  }
0x10: {  	[smem:$0x3FA2] =	sst s8  }
0x11: {  	[smem:$0x3FA3] =	sst s9;
	s0 =	simm.s32 @!p0 $0x0  }
0x12: {  	s1 =	sld [smem:$0x3F89];
	s0 =	simm.s32 @p0 $0x1  }
0x13: {  	[smem:$0x3FA4] =	sst s0;
	s0 =	simm.s32 @!p1 $0x0  }
0x14: {  	s2 =	sld [smem:$0x3F88];
	s0 =	simm.s32 @p1 $0x1  }
0x15: {  	[smem:$0x3FA5] =	sst s0;
	s0 =	simm.s32 @!p2 $0x0  }
0x16: {  	s3 =	sld [smem:$0x3FDB];
	s0 =	simm.s32 @p2 $0x1  }
0x17: {  	s4 =	simm.s32 $0x1BF5;
	[smem:$0x3FA7] =	sst s0  }
0x18: {  	s0 =	sld [smem:$0x3F8A];
	_ =	swait.ge [sflag:s4], $0x0  }
0x19: {  	s7 =	sld [smem:$0x3F8B]  }
0x1a: {  	s8 =	sadd.s32 $0xFFFFE003, lr  }
0x1b: {  	s9 =	sadd.s32 $0xFFFFFEF7, lr;
	s5 =	simm.s32 $0xFFFFFFFF;
	p2 =	slt.u32 s8, $0xFFFFF086  }
0x1c: {  	p1 =	slt.u32 s9, $0xF7A;
	s5 =	simm.s32 @!p2 $0x0  }
0x1d: {  	s5 =	simm.s32 @p1 $0x1;
	p0 =	seq.s32 s7, s2  }
0x1e: {  	s7 =	smul.u32 @!p0 $0xF7A, s2;
	p2 =	seq.s32 @!p0 s5, $0x0  }
0x1f: {  	s9 =	smul.u32 $0xF7A, s1;
	s8 =	simm.s32 @!p0 $0x1BF5;
	p2 =	por !p2, p0  }
0x20: {  	[sflag:s8] =	ssyncset.s32 @!p0 $0xFFFFF086;
	s6 =	sadd.s32 @!p0 s3, s7;
	s7 =	simm.s32 @!p0 $0x108  }
0x21: {  	s3 =	sadd.s32 s3, s9;
	s6 =	sadd.s32 @!p0 $0x88, s6;
	s7 =	simm.s32 @p2 $0x1082  }
0x22: {  	[simem:s7], [sflag:s8] =	dma.local @!p0 [hbm:s6], $0xF7A  }
0x23: {  	s9 =	sor.u32 $0xD0000000, s2;
	s6 =	simm.s32 $0x108;
	_ =	swait.ge @!p0 [sflag:s8], $0x0  }
0x24: {  	s3 =	sadd.s32 $0x88, s3;
	s6 =	simm.s32 @!p1 $0x1082;
	[sflag:s4] =	ssyncset.s32 $0xFFFFF086  }
0x25: {  	[simem:s6], [sflag:s4] =	dma.local [hbm:s3], $0xF7A  }
0x26: {  	[smem:$0x3F8B] =	sst s1;
	(tag) =	ssettag s2;
	_ =	strace s9  }
0x27: {  	s1 =	sld [smem:$0x3F9B]  }
0x28: {  	s2 =	sld [smem:$0x3F9C]  }
0x29: {  	s4 =	sld [smem:$0x3F9E]  }
0x2a: {  	p0 =	seq.s32 s5, $0x0;
	s5 =	sld [smem:$0x3F9F]  }
0x2b: {  	s6 =	sld [smem:$0x3FA0]  }
0x2c: {  	s7 =	sld [smem:$0x3FA1]  }
0x2d: {  	s3 =	simm.s32 $0x108;
	s8 =	sld [smem:$0x3FA2]  }
0x2e: {  	s3 =	simm.s32 @!p0 $0x1082;
	s9 =	sld [smem:$0x3FA3]  }
0x2f: {  	lr =	sadd.s32 s0, s3;
	s0 =	sld [smem:$0x3F9A]  }
0x30: {  	s3 =	sld [smem:$0x3F9D]  }
0x31: {  	[smem:$0x3FA6] =	sst s10  }
0x32: {  	s10 =	sld [smem:$0x3FA4];
	_ =	sdelay $0x3  }
0x33: {  	p0 =	seq.s32 s10, $0x1;
	s10 =	sld [smem:$0x3FA6];
	_ =	sdelay $0x3  }
0x34: {  	[smem:$0x3FA6] =	sst s10  }
0x35: {  	s10 =	sld [smem:$0x3FA5];
	_ =	sdelay $0x3  }
0x36: {  	p1 =	seq.s32 s10, $0x1;
	s10 =	sld [smem:$0x3FA6];
	_ =	sdelay $0x3  }
0x37: {  	[smem:$0x3FA6] =	sst s10  }
0x38: {  	s10 =	sld [smem:$0x3FA7]  }
0x39: {  	_ = 	snop;
	(pc) =	sbr.ind lr, $3  }
0x3a: {  	_ = 	snop  }
0x3b: {  	_ = 	snop  }
0x3c: {  	p2 =	seq.s32 s10, $0x1;
	s10 =	sld [smem:$0x3FA6]  }
0x3d: {  	_ =	shalt  }
0x3e: {  	_ =	shalt  }
0x3f: {  	_ =	shalt  }
0x40: {  	_ =	shalt  }
0x41: {  	_ =	shalt  }
0x42: {  	_ =	shalt  }
0x43: {  	_ =	shalt  }
0x44: {  	_ =	shalt  }
0x45: {  	_ =	shalt  }
0x46: {  	_ =	shalt  }
0x47: {  	_ =	shalt  }
0x48: {  	_ =	shalt  }
0x49: {  	_ =	shalt  }
0x4a: {  	_ =	shalt  }
0x4b: {  	_ =	shalt  }
0x4c: {  	_ =	shalt  }
0x4d: {  	_ =	shalt  }
0x4e: {  	_ =	shalt  }
0x4f: {  	_ =	shalt  }
0x50: {  	_ =	shalt  }
0x51: {  	_ =	shalt  }
0x52: {  	_ =	shalt  }
0x53: {  	_ =	shalt  }
0x54: {  	_ =	shalt  }
0x55: {  	_ =	shalt  }
0x56: {  	_ =	shalt  }
0x57: {  	_ =	shalt  }
0x58: {  	_ =	shalt  }
0x59: {  	_ =	shalt  }
0x5a: {  	_ =	shalt  }
0x5b: {  	_ =	shalt  }
0x5c: {  	_ =	shalt  }
0x5d: {  	_ =	shalt  }
0x5e: {  	_ =	shalt  }
0x5f: {  	_ =	shalt  }
0x60: {  	_ =	shalt  }
0x61: {  	_ =	shalt  }
0x62: {  	_ =	shalt  }
0x63: {  	_ =	shalt  }
0x64: {  	_ =	shalt  }
0x65: {  	_ =	shalt  }
0x66: {  	_ =	shalt  }
0x67: {  	_ =	shalt  }
0x68: {  	_ =	shalt  }
0x69: {  	_ =	shalt  }
0x6a: {  	_ =	shalt  }
0x6b: {  	_ =	shalt  }
0x6c: {  	_ =	shalt  }
0x6d: {  	_ =	shalt  }
0x6e: {  	_ =	shalt  }
0x6f: {  	_ =	shalt  }
0x70: {  	_ =	shalt  }
0x71: {  	_ =	shalt  }
0x72: {  	_ =	shalt  }
0x73: {  	_ =	shalt  }
0x74: {  	_ =	shalt  }
0x75: {  	_ =	shalt  }
0x76: {  	_ =	shalt  }
0x77: {  	_ =	shalt  }
0x78: {  	_ =	shalt  }
0x79: {  	_ =	shalt  }
0x7a: {  	_ =	shalt  }
0x7b: {  	_ =	shalt  }
0x7c: {  	_ =	shalt  }
0x7d: {  	_ =	shalt  }
0x7e: {  	_ =	shalt  }
0x7f: {  	_ =	shalt  }
0x80: {  	_ =	shalt  }
0x81: {  	_ =	shalt  }
0x82: {  	_ =	shalt  }
0x83: {  	_ =	shalt  }
0x84: {  	_ =	shalt  }
0x85: {  	_ =	shalt  }
0x86: {  	_ =	shalt  }
0x87: {  	_ =	shalt  }
.Lfunc_end0:
.L_simem_size_0:
called_computation.3_lowered:
.L_overlay_start_0:
0x88: {  	s2 =	sld [smem:$0x3FD9]  }
0x89: {  	s3 =	sld [smem:$0x3FFE];
	_ =	sdelay $0x1  }
0x8a: {  	s1 =	srdreg.scid  }
0x8b: {  	s0 =	sand.u32 $0x1, s1  }
0x8c: {  	s17 =	sshll.u32 s0, $0xA;
	s2 =	sadd.s32 s3, s2  }
0x8d: {  	s2 =	sadd.s32 s2, s17  }
0x8e: {  	[smem:$0x3FB2] =	sst s2  }
0x8f: {  	_ = 	snop  }
0x90: {  	(tm) =	ssettm $0x1  }
0x91: {  	s18 =	sld [smem:$0x3FFB];
	_ =	sdelay $0x3  }
0x92: {  	_ =	strace s18  }
0x93: {  	s2 =	sld [smem:$0x3FFC];
	_ =	sdelay $0x3  }
0x94: {  	_ =	strace s2  }
0x95: {  	s2 =	sld [smem:$0x3FFD];
	_ =	sdelay $0x3  }
0x96: {  	_ =	strace s2  }
0x97: {  	_ =	strace $0x8FFFFFFF  }
0x98: {  	s19 =	sld [smem:$0x3FDB];
	_ =	sdelay $0x1  }
0x99: {  	s20 =	simm.s32 $_scs_section_size  }
0x9a: {  	s4 =	simm.s32 $_size__tile_overlayer_lowered;
	s5 =	simm.s32 $_tile_overlayer_lowered  }
0x9b: {  	s6 =	simm.s32 $0x1BFF;
	s21 =	sshll.u32 s5, $0x1;
	s3 =	sadd.s32 s20, s19  }
0x9c: {  	s22 =	simm.s32 $0x0;
	s4 =	sshll.u32 s4, $0x1;
	s5 =	sadd.s32 s21, s3  }
0x9d: {  	[timem:s22], [sflag:s6] =	dma.local [hbm:s5], s4  }
0x9e: {  	_ =	swait.ge [sflag:s6], s4  }
0x9f: {  	s4 =	ssub.s32 $0x0, s4;
	[sflag:s6] =	ssyncset.done $0x0  }
0xa0: {  	[sflag:s6] =	ssyncadd.s32 s4;
	_ =	sdelay $0x1  }
0xa1: {  	s23 =	simm.s32 $0x1B8B  }
0xa2: {  	_ =	swait.ge [sflag:s23], $0x1  }
0xa3: {  	[sflag:s23] =	ssyncset.done $0x0  }
0xa4: {  	[sflag:s23] =	ssyncadd.s32 $0xFFFFFFFF  }
0xa5: {  	s4 =	sld [smem:$0x0]  }
0xa6: {  	s5 =	sand.u32 $0xFFFFFFFE, s1  }
0xa7: {  	p0 =	sne.s32 s1, s5  }
0xa8: {  	s5 =	sshll.u32 @p0 s5, $0xE  }
0xa9: {  	s5 =	sadd.s32 @p0 $0x11B8D, s5;
	s6 =	sshll.u32 @p0 s4, $0x11  }
0xaa: {  	s5 =	sor.u32 @p0 s6, s5  }
0xab: {  	[sflag:s5] =	ssyncadd.remote.s32 @p0 $0x1;
	_ =	sdelay $0x1  }
0xac: {  	s5 =	simm.s32 @p0 $0x1B8D  }
0xad: {  	_ =	swait.eq @p0 [sflag:s5], $0x1  }
0xae: {  	[sflag:s5] =	ssyncadd.s32 @p0 $0xFFFFFFFF  }
0xaf: {  	s6 =	sshll.u32 @!p0 s1, $0xE  }
0xb0: {  	s6 =	sor.u32 @!p0 $0x4000, s6;
	s5 =	simm.s32 @!p0 $0x1B8D  }
0xb1: {  	s4 =	sshll.u32 @!p0 s4, $0x11;
	s6 =	sadd.s32 @!p0 $0x11B8D, s6;
	_ =	swait.eq @!p0 [sflag:s5], $0x1  }
0xb2: {  	s4 =	sor.u32 @!p0 s4, s6;
	[sflag:s5] =	ssyncadd.s32 @!p0 $0xFFFFFFFF  }
0xb3: {  	s25 =	simm.s32 $0x1B8E;
	s24 =	sld [smem:$0x3FFE];
	[sflag:s4] =	ssyncadd.remote.s32 @!p0 $0x1  }
0xb4: {  	s26 =	simm.s32 $execute0_lowered;
	[smem:$0x3FD2] =	sst s25  }
0xb5: {  	s5 =	sshll.u32 s26, $0x1;
	_ =	strace $0x80000052;
	[dreg:$0x1] =	wrdreg $0xFFFFFFFF  }
0xb6: {  	s28 =	simm.s32 $_size_execute0_lowered;
	s3 =	sadd.s32 s3, s5;
	[dreg:$0x0] =	wrdreg $0x0  }
0xb7: {  	s5 =	sshll.u32 s28, $0x1;
	[dreg:$0x2] =	wrdreg s3  }
0xb8: {  	[dreg:$0x3] =	wrdreg s5  }
0xb9: {  	[dreg:$0x4] =	wrdreg $0xC0  }
0xba: {  	_ =	task [dreg:s22], $0x5FFFF  }
0xbb: {  	[dreg:$0x1] =	wrdreg $0xFFFFFFFF  }
0xbc: {  	[dreg:$0x0] =	wrdreg $0x60  }
0xbd: {  	[dreg:$0x2] =	wrdreg s24  }
0xbe: {  	[dreg:$0x3] =	wrdreg $0x65000  }
0xbf: {  	[dreg:$0x4] =	wrdreg $0xA  }
0xc0: {  	_ =	task.clear_ibuf [dreg:s22], $0x5FFFF;
	_ =	strace $0x90000052  }
0xc1: {  	s29 =	simm.s32 $0xA;
	_ =	strace $0x80000054  }
0xc2: {  	_ =	swait.ge [sflag:s29], $0x1  }
0xc3: {  	[sflag:s29] =	ssyncadd.s32 $0xFFFFFFFF  }
0xc4: {  	_ =	strace $0x90000054  }
0xc5: {  	_ =	sfence  }
0xc6: {  	s30 =	sld [smem:$0x0];
	_ =	sdelay $0x2  }
0xc7: {  	s31 =	sshll.u32 s1, $0xD;
	s1 =	sshrl.u32 s1, $0x2  }
0xc8: {  	s4 =	sand.u32 $0x4000, s31;
	s1 =	sadd.s32 s1, s30  }
0xc9: {  	s0 =	sor.u32 s4, s0;
	s1 =	sshll.u32 s1, $0x11  }
0xca: {  	s0 =	sor.u32 s1, s0  }
0xcb: {  	s0 =	sadd.s32 $0x8F2B, s0  }
0xcc: {  	[sflag:s0] =	ssyncadd.remote.s32 $0x1  }
0xcd: {  	_ =	sfence.sel $0xFFFF  }
0xce: {  	[dreg:$0x0] =	wrdreg $0xFFFFFFFF;
	(pc) =	sbr.abs _section_cstart, $3  }
0xcf: {  	[dreg:$0x1] =	wrdreg $0xFFFFFFFF  }
0xd0: {  	_ =	task.clear_ibuf [dreg:s22], $0x2FFFF;
	_ =	strace $0x9FFFFFFF  }
0xd1: {  	(tm) =	ssettm $0x7FFFFFFF  }
tec
execute0_lowered:
.L_overlay_start_1:
0x0: {  	(tag) =	ssettag $0x1  }
0x1: {  	s5 =	rddreg [dreg:$0x0];
	s0 =	stileid.u32  }
0x2: {  	s1 =	srdreg.scid;
	s4 =	smul.u32 $0x2710, s0  }
0x3: {  	s2 =	rddreg [dreg:$0x1];
	s3 =	simm.s32 $0x0;
	s7 =	smul.u32 $0x27100, s0  }
0x4: {  	s21 =	simm.s32 $0x1;
	s22 =	simm.s32 $0xC8;
	s25 =	smul.u32 $0x50000, s0  }
0x5: {  	s11 =	sand.u32 $0x1, s1;
	s1 =	rddreg [dreg:$0x2];
	s13 =	smul.u32 $0x14000, s0  }
0x6: {  	s23 =	simm.s32 $0x0;
	[smem:$0x7FF] =	sst s3;
	s6 =	smul.u32 $0x1388, s11  }
0x7: {  	s14 =	sadd.s32 $0x355E00, s5;
	s29 =	sshll.u32 s0, $0x6;
	s12 =	smul.u32 $0x140000, s11  }
0x8: {  	_ =	strace $0x80000053;
	s26 =	ssub.s32 $0x2, s11;
	s20 =	smul.u32 $0x13880, s11  }
0x9: {  	s15 =	sadd.s32 s7, s5;
	s8 =	sshrl.u32 s26, $0x1;
	s28 =	sshrl.u32 s25, $0x2  }
0xa: {  	s9 =	sadd.s32 $0x5000, s13;
	s17 =	sadd.s32 $0xA000, s13;
	s4 =	sadd.s32 s6, s4  }
0xb: {  	s7 =	ssub.s32 s26, s8;
	s30 =	sadd.s32 s12, s13;
	s6 =	sor.u32 $0x1C03, s29  }
0xc: {  	s10 =	sadd.s32 s12, s9;
	s9 =	sadd.s32 s9, s2;
	s18 =	sadd.s32 s12, s17  }
0xd: {  	s13 =	sadd.s32 $0xF000, s13;
	s11 =	sadd.s32 s17, s2;
	s15 =	sadd.s32 s20, s15  }
0xe: {  	s20 =	simm.s32 $0x2;
	s4 =	sshrl.u32 s4, $0x3;
	s8 =	sshrl.u32 s30, $0x3  }
0xf: {  	s7 =	smax.u32 s7, $0x1;
	s10 =	sshrl.u32 s10, $0x3;
	s18 =	sshrl.u32 s18, $0x3  }
0x10: {  	s19 =	sadd.s32 s12, s13;
	s13 =	sadd.s32 s13, s2;
	s15 =	sadd.s32 $0xF9AE00, s15  }
0x11: {  	s16 =	sadd.s32 s4, s5;
	s4 =	sadd.s32 $0x92600, s5;
	s5 =	sadd.s32 s28, s2  }
0x12: {  	s8 =	sadd.s32 s14, s8;
	s10 =	sadd.s32 s14, s10;
	s12 =	sadd.s32 s14, s18  }
0x13: {  	s31 =	sshrl.u32 s19, $0x3;
	s18 =	simm.s32 $0x3;
	s19 =	simm.s32 $0x6400  }
0x14: {  	s14 =	sadd.s32 s14, s31;
	s16 =	sadd.s32 $0x579600, s16;
	s17 =	sshrl.u32 s5, $0x3  }
.LBB2_1:
0x15: {  	[spmem:s17], [sflag:s6] =	dma.local [hbm:s4], $0x2800  }
0x16: {  	_ =	swait.ge [sflag:s18], $0x2800  }
0x17: {  	[sflag:s18] =	ssyncset.done $0x0  }
0x18: {  	[sflag:s18] =	ssyncadd.s32 $0xFFFFD800  }
0x19: {  	s24 =	sadd.s32 $0x0, s16;
	[bflag:$0x0] =	sbarrier.arrive $0xFFFF  }
0x1a: {  	[tilespmem:s19], [sflag:$0x2] =	stream.linear.gather [hbm4b:s24+s3], $0xC8, $0x38;
	[tilespmem:$0x1A500] =	vst v63  }
0x1b: {  	_ = 	snop  }
0x1c: {  	[tilespmem:s3], [sflag:$0x1] =	stream.linear.gather [hbm4b:s15+s3], $0x6400, $0x38;
	[tilespmem:$0x1A500] =	vst v63  }
0x1d: {  	_ =	swait.ge [sflag:s20], $0xC8  }
0x1e: {  	[sflag:s20] =	ssyncset.done $0x0  }
0x1f: {  	[sflag:s20] =	ssyncadd.s32 $0xFFFFFF38  }
0x20: {  	_ =	swait.ge [sflag:s21], $0x6400  }
0x21: {  	[sflag:s21] =	ssyncset.done $0x0  }
0x22: {  	[sflag:s21] =	ssyncadd.s32 $0xFFFF9C00  }
0x23: {  	[spmem:s2] =	stream.indirect.scatter.add.f32 [tilespmem:s3], [sflag:$0x3], $0x80, s19, s22, $0xb8;
	[tilespmem:$0x1A500] =	vst v63  }
0x24: {  	s25 =	simm.s32 $0x19;
	_ =	swait.ge [sflag:s18], $0x6400  }
0x25: {  	s26 =	simm.s32 $0x32;
	s24 =	sadd.s32 $0xC80, s15;
	[sflag:s18] =	ssyncset.done $0x0  }
.LBB2_2:
0x26: {  	s28 =	sadd.s32 s25, s16  }
0x27: {  	[sflag:s18] =	ssyncadd.s32 $0xFFFF9C00;
	s25 =	smov.u32 s26;
	s29 =	sadd.s32 $0x19, s26  }
0x28: {  	[tilespmem:s19], [sflag:$0x2] =	stream.linear.gather [hbm4b:s28+s3], $0xC8, $0x38;
	[tilespmem:$0x1A500] =	vst v63  }
0x29: {  	p0 =	sne.s32 s26, $0x258  }
0x2a: {  	[tilespmem:s3], [sflag:$0x1] =	stream.linear.gather [hbm4b:s24+s3], $0x6400, $0x38;
	[tilespmem:$0x1A500] =	vst v63  }
0x2b: {  	_ =	swait.ge [sflag:s20], $0xC8  }
0x2c: {  	[sflag:s20] =	ssyncset.done $0x0  }
0x2d: {  	[sflag:s20] =	ssyncadd.s32 $0xFFFFFF38  }
0x2e: {  	_ =	swait.ge [sflag:s21], $0x6400  }
.Ltmp0:
0x2f: {  	[sflag:s21] =	ssyncset.done $0x0;
	(pc) =	sbr.rel @p0 .LBB2_2-.Ltmp0, $4  }
0x30: {  	[sflag:s21] =	ssyncadd.s32 $0xFFFF9C00  }
0x31: {  	[spmem:s2] =	stream.indirect.scatter.add.f32 [tilespmem:s3], [sflag:$0x3], $0x80, s19, s22, $0xb8;
	[tilespmem:$0x1A500] =	vst v63  }
0x32: {  	_ =	swait.ge [sflag:s18], $0x6400  }
0x33: {  	s26 =	smov.u32 s29;
	s24 =	sadd.s32 $0xC80, s24;
	[sflag:s18] =	ssyncset.done $0x0  }
0x34: {  	s25 =	sadd.s32 s25, s16;
	[sflag:s18] =	ssyncadd.s32 $0xFFFF9C00  }
0x35: {  	[tilespmem:s19], [sflag:$0x2] =	stream.linear.gather [hbm4b:s25+s3], $0xC8, $0x38;
	[tilespmem:$0x1A500] =	vst v63  }
0x36: {  	_ = 	snop  }
0x37: {  	[tilespmem:s3], [sflag:$0x1] =	stream.linear.gather [hbm4b:s24+s3], $0x6400, $0x38;
	[tilespmem:$0x1A500] =	vst v63  }
0x38: {  	_ =	swait.ge [sflag:s20], $0xC8  }
0x39: {  	[sflag:s20] =	ssyncset.done $0x0  }
0x3a: {  	[sflag:s20] =	ssyncadd.s32 $0xFFFFFF38  }
0x3b: {  	_ =	swait.ge [sflag:s21], $0x6400  }
0x3c: {  	[sflag:s21] =	ssyncset.done $0x0  }
0x3d: {  	[sflag:s21] =	ssyncadd.s32 $0xFFFF9C00  }
0x3e: {  	[spmem:s2] =	stream.indirect.scatter.add.f32 [tilespmem:s3], [sflag:$0x3], $0x80, s19, s22, $0xb8;
	[tilespmem:$0x1A500] =	vst v63  }
0x3f: {  	_ =	swait.ge [sflag:s18], $0x6400  }
0x40: {  	[sflag:s18] =	ssyncset.done $0x0  }
0x41: {  	[sflag:s18] =	ssyncadd.s32 $0xFFFF9C00  }
0x42: {  	[bflag:$0x0] =	sbarrier.arrive $0xFFFF  }
0x43: {  	[tilespmem:s3], [sflag:$0x3] =	stream.linear.gather [spmem:s5], $0x5000, $0x38;
	[tilespmem:$0x1A500] =	vst v63  }
0x44: {  	_ =	swait.ge [sflag:s18], $0x5000  }
0x45: {  	[sflag:s18] =	ssyncset.done $0x0  }
0x46: {  	[sflag:s18] =	ssyncadd.s32 $0xFFFFB000  }
0x47: {  	[hbm4b:s8+s3] =	stream.linear.scatter [tilespmem:s3], [sflag:$0x3], $0x5000, $0x38;
	[tilespmem:$0x1A500] =	vst v63  }
0x48: {  	_ =	swait.ge [sflag:s18], $0x5000  }
0x49: {  	[sflag:s18] =	ssyncset.done $0x0  }
0x4a: {  	[sflag:s18] =	ssyncadd.s32 $0xFFFFB000  }
0x4b: {  	[tilespmem:s3], [sflag:$0x3] =	stream.linear.gather [spmem:s9], $0x5000, $0x38;
	[tilespmem:$0x1A500] =	vst v63  }
0x4c: {  	_ =	swait.ge [sflag:s18], $0x5000  }
0x4d: {  	[sflag:s18] =	ssyncset.done $0x0  }
0x4e: {  	[sflag:s18] =	ssyncadd.s32 $0xFFFFB000  }
0x4f: {  	[hbm4b:s10+s3] =	stream.linear.scatter [tilespmem:s3], [sflag:$0x3], $0x5000, $0x38;
	[tilespmem:$0x1A500] =	vst v63  }
0x50: {  	_ =	swait.ge [sflag:s18], $0x5000  }
0x51: {  	[sflag:s18] =	ssyncset.done $0x0  }
0x52: {  	[sflag:s18] =	ssyncadd.s32 $0xFFFFB000  }
0x53: {  	[tilespmem:s3], [sflag:$0x3] =	stream.linear.gather [spmem:s11], $0x5000, $0x38;
	[tilespmem:$0x1A500] =	vst v63  }
0x54: {  	_ =	swait.ge [sflag:s18], $0x5000  }
0x55: {  	[sflag:s18] =	ssyncset.done $0x0  }
0x56: {  	[sflag:s18] =	ssyncadd.s32 $0xFFFFB000  }
0x57: {  	[hbm4b:s12+s3] =	stream.linear.scatter [tilespmem:s3], [sflag:$0x3], $0x5000, $0x38;
	[tilespmem:$0x1A500] =	vst v63  }
0x58: {  	_ =	swait.ge [sflag:s18], $0x5000  }
0x59: {  	[sflag:s18] =	ssyncset.done $0x0  }
0x5a: {  	[sflag:s18] =	ssyncadd.s32 $0xFFFFB000  }
0x5b: {  	[tilespmem:s3], [sflag:$0x3] =	stream.linear.gather [spmem:s13], $0x5000, $0x38;
	[tilespmem:$0x1A500] =	vst v63  }
0x5c: {  	s23 =	sadd.s32 $0x1, s23;
	_ =	swait.ge [sflag:s18], $0x5000  }
0x5d: {  	p0 =	sne.s32 s23, s7;
	[sflag:s18] =	ssyncset.done $0x0  }
.Ltmp1:
0x5e: {  	[sflag:s18] =	ssyncadd.s32 $0xFFFFB000;
	(pc) =	sbr.rel @p0 .LBB2_1-.Ltmp1, $4  }
0x5f: {  	[hbm4b:s14+s3] =	stream.linear.scatter [tilespmem:s3], [sflag:$0x3], $0x5000, $0x38;
	[tilespmem:$0x1A500] =	vst v63  }
0x60: {  	_ =	swait.ge [sflag:s18], $0x5000  }
0x61: {  	[sflag:s18] =	ssyncset.done $0x0  }
0x62: {  	[sflag:s18] =	ssyncadd.s32 $0xFFFFB000  }
0x63: {  	_ =	sfence.sel $0x180000  }
0x64: {  	[bflag:$0x0] =	sbarrier.arrive $0xFFFF  }
0x65: {  	p0 =	sne.s32 s0, $0x0;
	_ =	strace $0x90000053  }
0x66: {  	s0 =	sadd.s32 @!p0 $0x100000, s1;
	[bflag:$0x2] =	sbarrier.arrive $0xFFFF  }
0x67: {  	[sflag:s0] =	ssyncadd.tile.s32 @!p0 $0x1;
	_ =	shalt  }
.Lfunc_end2:
_tile_overlayer_lowered:
.L_overlay_start_2:
0x68: {  	(tag) =	ssettag $0x2  }
0x69: {  	s0 =	rddreg [dreg:$0x0];
	s2 =	stileid.u32  }
0x6a: {  	s1 =	rddreg [dreg:$0x1];
	p0 =	sne.s32 s2, $0x0  }
0x6b: {  	s3 =	rddreg [dreg:$0x2];
	[bflag:$0x3] =	sbarrier.arrive $0xFFFF;
	s2 =	simm.s32 @!p0 $0x1C03  }
0x6c: {  	[timem:s3], [sflag:s2] =	dma.local @!p0 [hbm:s0], s1  }
0x6d: {  	s0 =	simm.s32 @!p0 $0x3  }
0x6e: {  	_ =	swait.ge @!p0 [sflag:s0], s1  }
0x6f: {  	s1 =	ssub.s32 @!p0 $0x0, s1;
	[sflag:s0] =	ssyncset.done @!p0 $0x0  }
0x70: {  	[sflag:s0] =	ssyncadd.s32 @!p0 s1  }
0x71: {  	[bflag:$0x3] =	sbarrier.arrive $0xFFFF  }
0x72: {  	_ =	shalt  }

// kernel: kernel.34.cloned.1.call-start
scs
__scs_entry_jumppad:
0x0: {  	(pc) =	sbr.rel $0x88, $3  }
0x1: {  	(tag) =	ssettag $0x0;
	lr =	simm.s32 $0x1  }
0x2: {  	[smem:$0x3F8B] =	sst lr;
	_ =	strace $0xD0000000  }
0x3: {  	_ = 	snop  }
0x4: {  	_ = 	snop  }
0x5: {  	_ = 	snop  }
0x6: {  	_ = 	snop  }
0x7: {  	_ = 	snop  }
__scs_overlays_trampoline_lowered:
0x8: {  	[smem:$0x3F9A] =	sst s0  }
0x9: {  	[smem:$0x3F9B] =	sst s1  }
0xa: {  	[smem:$0x3F9C] =	sst s2  }
0xb: {  	[smem:$0x3F9D] =	sst s3  }
0xc: {  	[smem:$0x3F9E] =	sst s4  }
0xd: {  	[smem:$0x3F9F] =	sst s5  }
0xe: {  	[smem:$0x3FA0] =	sst s6  }
0xf: {  	[smem:$0x3FA1] =	sst s7  }
0x10: {  	[smem:$0x3FA2] =	sst s8  }
0x11: {  	[smem:$0x3FA3] =	sst s9;
	s0 =	simm.s32 @!p0 $0x0  }
0x12: {  	s1 =	sld [smem:$0x3F89];
	s0 =	simm.s32 @p0 $0x1  }
0x13: {  	[smem:$0x3FA4] =	sst s0;
	s0 =	simm.s32 @!p1 $0x0  }
0x14: {  	s2 =	sld [smem:$0x3F88];
	s0 =	simm.s32 @p1 $0x1  }
0x15: {  	[smem:$0x3FA5] =	sst s0;
	s0 =	simm.s32 @!p2 $0x0  }
0x16: {  	s3 =	sld [smem:$0x3FDB];
	s0 =	simm.s32 @p2 $0x1  }
0x17: {  	s4 =	simm.s32 $0x1BF5;
	[smem:$0x3FA7] =	sst s0  }
0x18: {  	s0 =	sld [smem:$0x3F8A];
	_ =	swait.ge [sflag:s4], $0x0  }
0x19: {  	s7 =	sld [smem:$0x3F8B]  }
0x1a: {  	s8 =	sadd.s32 $0xFFFFE003, lr  }
0x1b: {  	s9 =	sadd.s32 $0xFFFFFEF7, lr;
	s5 =	simm.s32 $0xFFFFFFFF;
	p2 =	slt.u32 s8, $0xFFFFF086  }
0x1c: {  	p1 =	slt.u32 s9, $0xF7A;
	s5 =	simm.s32 @!p2 $0x0  }
0x1d: {  	s5 =	simm.s32 @p1 $0x1;
	p0 =	seq.s32 s7, s2  }
0x1e: {  	s7 =	smul.u32 @!p0 $0xF7A, s2;
	p2 =	seq.s32 @!p0 s5, $0x0  }
0x1f: {  	s9 =	smul.u32 $0xF7A, s1;
	s8 =	simm.s32 @!p0 $0x1BF5;
	p2 =	por !p2, p0  }
0x20: {  	[sflag:s8] =	ssyncset.s32 @!p0 $0xFFFFF086;
	s6 =	sadd.s32 @!p0 s3, s7;
	s7 =	simm.s32 @!p0 $0x108  }
0x21: {  	s3 =	sadd.s32 s3, s9;
	s6 =	sadd.s32 @!p0 $0x88, s6;
	s7 =	simm.s32 @p2 $0x1082  }
0x22: {  	[simem:s7], [sflag:s8] =	dma.local @!p0 [hbm:s6], $0xF7A  }
0x23: {  	s9 =	sor.u32 $0xD0000000, s2;
	s6 =	simm.s32 $0x108;
	_ =	swait.ge @!p0 [sflag:s8], $0x0  }
0x24: {  	s3 =	sadd.s32 $0x88, s3;
	s6 =	simm.s32 @!p1 $0x1082;
	[sflag:s4] =	ssyncset.s32 $0xFFFFF086  }
0x25: {  	[simem:s6], [sflag:s4] =	dma.local [hbm:s3], $0xF7A  }
0x26: {  	[smem:$0x3F8B] =	sst s1;
	(tag) =	ssettag s2;
	_ =	strace s9  }
0x27: {  	s1 =	sld [smem:$0x3F9B]  }
0x28: {  	s2 =	sld [smem:$0x3F9C]  }
0x29: {  	s4 =	sld [smem:$0x3F9E]  }
0x2a: {  	p0 =	seq.s32 s5, $0x0;
	s5 =	sld [smem:$0x3F9F]  }
0x2b: {  	s6 =	sld [smem:$0x3FA0]  }
0x2c: {  	s7 =	sld [smem:$0x3FA1]  }
0x2d: {  	s3 =	simm.s32 $0x108;
	s8 =	sld [smem:$0x3FA2]  }
0x2e: {  	s3 =	simm.s32 @!p0 $0x1082;
	s9 =	sld [smem:$0x3FA3]  }
0x2f: {  	lr =	sadd.s32 s0, s3;
	s0 =	sld [smem:$0x3F9A]  }
0x30: {  	s3 =	sld [smem:$0x3F9D]  }
0x31: {  	[smem:$0x3FA6] =	sst s10  }
0x32: {  	s10 =	sld [smem:$0x3FA4];
	_ =	sdelay $0x3  }
0x33: {  	p0 =	seq.s32 s10, $0x1;
	s10 =	sld [smem:$0x3FA6];
	_ =	sdelay $0x3  }
0x34: {  	[smem:$0x3FA6] =	sst s10  }
0x35: {  	s10 =	sld [smem:$0x3FA5];
	_ =	sdelay $0x3  }
0x36: {  	p1 =	seq.s32 s10, $0x1;
	s10 =	sld [smem:$0x3FA6];
	_ =	sdelay $0x3  }
0x37: {  	[smem:$0x3FA6] =	sst s10  }
0x38: {  	s10 =	sld [smem:$0x3FA7]  }
0x39: {  	_ = 	snop;
	(pc) =	sbr.ind lr, $3  }
0x3a: {  	_ = 	snop  }
0x3b: {  	_ = 	snop  }
0x3c: {  	p2 =	seq.s32 s10, $0x1;
	s10 =	sld [smem:$0x3FA6]  }
0x3d: {  	_ =	shalt  }
0x3e: {  	_ =	shalt  }
0x3f: {  	_ =	shalt  }
0x40: {  	_ =	shalt  }
0x41: {  	_ =	shalt  }
0x42: {  	_ =	shalt  }
0x43: {  	_ =	shalt  }
0x44: {  	_ =	shalt  }
0x45: {  	_ =	shalt  }
0x46: {  	_ =	shalt  }
0x47: {  	_ =	shalt  }
0x48: {  	_ =	shalt  }
0x49: {  	_ =	shalt  }
0x4a: {  	_ =	shalt  }
0x4b: {  	_ =	shalt  }
0x4c: {  	_ =	shalt  }
0x4d: {  	_ =	shalt  }
0x4e: {  	_ =	shalt  }
0x4f: {  	_ =	shalt  }
0x50: {  	_ =	shalt  }
0x51: {  	_ =	shalt  }
0x52: {  	_ =	shalt  }
0x53: {  	_ =	shalt  }
0x54: {  	_ =	shalt  }
0x55: {  	_ =	shalt  }
0x56: {  	_ =	shalt  }
0x57: {  	_ =	shalt  }
0x58: {  	_ =	shalt  }
0x59: {  	_ =	shalt  }
0x5a: {  	_ =	shalt  }
0x5b: {  	_ =	shalt  }
0x5c: {  	_ =	shalt  }
0x5d: {  	_ =	shalt  }
0x5e: {  	_ =	shalt  }
0x5f: {  	_ =	shalt  }
0x60: {  	_ =	shalt  }
0x61: {  	_ =	shalt  }
0x62: {  	_ =	shalt  }
0x63: {  	_ =	shalt  }
0x64: {  	_ =	shalt  }
0x65: {  	_ =	shalt  }
0x66: {  	_ =	shalt  }
0x67: {  	_ =	shalt  }
0x68: {  	_ =	shalt  }
0x69: {  	_ =	shalt  }
0x6a: {  	_ =	shalt  }
0x6b: {  	_ =	shalt  }
0x6c: {  	_ =	shalt  }
0x6d: {  	_ =	shalt  }
0x6e: {  	_ =	shalt  }
0x6f: {  	_ =	shalt  }
0x70: {  	_ =	shalt  }
0x71: {  	_ =	shalt  }
0x72: {  	_ =	shalt  }
0x73: {  	_ =	shalt  }
0x74: {  	_ =	shalt  }
0x75: {  	_ =	shalt  }
0x76: {  	_ =	shalt  }
0x77: {  	_ =	shalt  }
0x78: {  	_ =	shalt  }
0x79: {  	_ =	shalt  }
0x7a: {  	_ =	shalt  }
0x7b: {  	_ =	shalt  }
0x7c: {  	_ =	shalt  }
0x7d: {  	_ =	shalt  }
0x7e: {  	_ =	shalt  }
0x7f: {  	_ =	shalt  }
0x80: {  	_ =	shalt  }
0x81: {  	_ =	shalt  }
0x82: {  	_ =	shalt  }
0x83: {  	_ =	shalt  }
0x84: {  	_ =	shalt  }
0x85: {  	_ =	shalt  }
0x86: {  	_ =	shalt  }
0x87: {  	_ =	shalt  }
.Lfunc_end0:
.L_simem_size_0:
called_computation.4_lowered:
.L_overlay_start_0:
0x88: {  	s2 =	sld [smem:$0x3FD9]  }
0x89: {  	s3 =	sld [smem:$0x3FFE];
	_ =	sdelay $0x1  }
0x8a: {  	s1 =	srdreg.scid  }
0x8b: {  	s0 =	sand.u32 $0x1, s1  }
0x8c: {  	s17 =	sshll.u32 s0, $0xA;
	s2 =	sadd.s32 s3, s2  }
0x8d: {  	s2 =	sadd.s32 s2, s17  }
0x8e: {  	[smem:$0x3FB2] =	sst s2  }
0x8f: {  	_ = 	snop  }
0x90: {  	(tm) =	ssettm $0x1  }
0x91: {  	s18 =	sld [smem:$0x3FFB];
	_ =	sdelay $0x3  }
0x92: {  	_ =	strace s18  }
0x93: {  	s2 =	sld [smem:$0x3FFC];
	_ =	sdelay $0x3  }
0x94: {  	_ =	strace s2  }
0x95: {  	s2 =	sld [smem:$0x3FFD];
	_ =	sdelay $0x3  }
0x96: {  	_ =	strace s2  }
0x97: {  	_ =	strace $0x8FFFFFFF  }
0x98: {  	s19 =	sld [smem:$0x3FDB];
	_ =	sdelay $0x1  }
0x99: {  	s20 =	simm.s32 $_scs_section_size  }
0x9a: {  	s4 =	simm.s32 $_size__tile_overlayer_lowered;
	s5 =	simm.s32 $_tile_overlayer_lowered  }
0x9b: {  	s6 =	simm.s32 $0x1BFF;
	s21 =	sshll.u32 s5, $0x1;
	s3 =	sadd.s32 s20, s19  }
0x9c: {  	s22 =	simm.s32 $0x0;
	s4 =	sshll.u32 s4, $0x1;
	s5 =	sadd.s32 s21, s3  }
0x9d: {  	[timem:s22], [sflag:s6] =	dma.local [hbm:s5], s4  }
0x9e: {  	_ =	swait.ge [sflag:s6], s4  }
0x9f: {  	s4 =	ssub.s32 $0x0, s4;
	[sflag:s6] =	ssyncset.done $0x0  }
0xa0: {  	[sflag:s6] =	ssyncadd.s32 s4;
	_ =	sdelay $0x1  }
0xa1: {  	s23 =	simm.s32 $0x1B8B  }
0xa2: {  	_ =	swait.ge [sflag:s23], $0x1  }
0xa3: {  	[sflag:s23] =	ssyncset.done $0x0  }
0xa4: {  	[sflag:s23] =	ssyncadd.s32 $0xFFFFFFFF  }
0xa5: {  	s4 =	sld [smem:$0x0]  }
0xa6: {  	s5 =	sand.u32 $0xFFFFFFFE, s1  }
0xa7: {  	p0 =	sne.s32 s1, s5  }
0xa8: {  	s5 =	sshll.u32 @p0 s5, $0xE  }
0xa9: {  	s5 =	sadd.s32 @p0 $0x11B8D, s5;
	s6 =	sshll.u32 @p0 s4, $0x11  }
0xaa: {  	s5 =	sor.u32 @p0 s6, s5  }
0xab: {  	[sflag:s5] =	ssyncadd.remote.s32 @p0 $0x1;
	_ =	sdelay $0x1  }
0xac: {  	s5 =	simm.s32 @p0 $0x1B8D  }
0xad: {  	_ =	swait.eq @p0 [sflag:s5], $0x1  }
0xae: {  	[sflag:s5] =	ssyncadd.s32 @p0 $0xFFFFFFFF  }
0xaf: {  	s6 =	sshll.u32 @!p0 s1, $0xE  }
0xb0: {  	s6 =	sor.u32 @!p0 $0x4000, s6;
	s5 =	simm.s32 @!p0 $0x1B8D  }
0xb1: {  	s4 =	sshll.u32 @!p0 s4, $0x11;
	s6 =	sadd.s32 @!p0 $0x11B8D, s6;
	_ =	swait.eq @!p0 [sflag:s5], $0x1  }
0xb2: {  	s4 =	sor.u32 @!p0 s4, s6;
	[sflag:s5] =	ssyncadd.s32 @!p0 $0xFFFFFFFF  }
0xb3: {  	s25 =	simm.s32 $0x1B8E;
	s24 =	sld [smem:$0x3FFE];
	[sflag:s4] =	ssyncadd.remote.s32 @!p0 $0x1  }
0xb4: {  	s26 =	simm.s32 $execute0_lowered;
	[smem:$0x3FD2] =	sst s25  }
0xb5: {  	s5 =	sshll.u32 s26, $0x1;
	_ =	strace $0x8000004F;
	[dreg:$0x1] =	wrdreg $0xFFFFFFFF  }
0xb6: {  	s28 =	simm.s32 $_size_execute0_lowered;
	s3 =	sadd.s32 s3, s5;
	[dreg:$0x0] =	wrdreg $0x0  }
0xb7: {  	s5 =	sshll.u32 s28, $0x1;
	[dreg:$0x2] =	wrdreg s3  }
0xb8: {  	[dreg:$0x3] =	wrdreg s5  }
0xb9: {  	[dreg:$0x4] =	wrdreg $0xC0  }
0xba: {  	_ =	task [dreg:s22], $0x5FFFF  }
0xbb: {  	[dreg:$0x1] =	wrdreg $0xFFFFFFFF  }
0xbc: {  	[dreg:$0x0] =	wrdreg $0x60  }
0xbd: {  	[dreg:$0x2] =	wrdreg s24  }
0xbe: {  	[dreg:$0x3] =	wrdreg $0x65000  }
0xbf: {  	[dreg:$0x4] =	wrdreg $0xB  }
0xc0: {  	_ =	task.clear_ibuf [dreg:s22], $0x5FFFF;
	_ =	strace $0x9000004F  }
0xc1: {  	s29 =	simm.s32 $0xB;
	_ =	strace $0x80000051  }
0xc2: {  	_ =	swait.ge [sflag:s29], $0x1  }
0xc3: {  	[sflag:s29] =	ssyncadd.s32 $0xFFFFFFFF  }
0xc4: {  	_ =	strace $0x90000051  }
0xc5: {  	_ =	sfence  }
0xc6: {  	s30 =	sld [smem:$0x0];
	_ =	sdelay $0x2  }
0xc7: {  	s31 =	sshll.u32 s1, $0xD;
	s1 =	sshrl.u32 s1, $0x2  }
0xc8: {  	s4 =	sand.u32 $0x4000, s31;
	s1 =	sadd.s32 s1, s30  }
0xc9: {  	s0 =	sor.u32 s4, s0;
	s1 =	sshll.u32 s1, $0x11  }
0xca: {  	s0 =	sor.u32 s1, s0  }
0xcb: {  	s0 =	sadd.s32 $0x8F2B, s0  }
0xcc: {  	[sflag:s0] =	ssyncadd.remote.s32 $0x1  }
0xcd: {  	_ =	sfence.sel $0xFFFF  }
0xce: {  	[dreg:$0x0] =	wrdreg $0xFFFFFFFF;
	(pc) =	sbr.abs _section_cstart, $3  }
0xcf: {  	[dreg:$0x1] =	wrdreg $0xFFFFFFFF  }
0xd0: {  	_ =	task.clear_ibuf [dreg:s22], $0x2FFFF;
	_ =	strace $0x9FFFFFFF  }
0xd1: {  	(tm) =	ssettm $0x7FFFFFFF  }
tec
execute0_lowered:
.L_overlay_start_1:
0x0: {  	(tag) =	ssettag $0x1  }
0x1: {  	s5 =	rddreg [dreg:$0x0];
	s0 =	stileid.u32  }
0x2: {  	s1 =	srdreg.scid;
	s4 =	smul.u32 $0x2710, s0  }
0x3: {  	s2 =	rddreg [dreg:$0x1];
	s3 =	simm.s32 $0x0;
	s7 =	smul.u32 $0x27100, s0  }
0x4: {  	s21 =	simm.s32 $0x1;
	s22 =	simm.s32 $0xC8;
	s25 =	smul.u32 $0x50000, s0  }
0x5: {  	s11 =	sand.u32 $0x1, s1;
	s1 =	rddreg [dreg:$0x2];
	s13 =	smul.u32 $0x14000, s0  }
0x6: {  	s23 =	simm.s32 $0x0;
	[smem:$0x7FF] =	sst s3;
	s6 =	smul.u32 $0x1388, s11  }
0x7: {  	s14 =	sadd.s32 $0x94E00, s5;
	s29 =	sshll.u32 s0, $0x6;
	s12 =	smul.u32 $0x140000, s11  }
0x8: {  	_ =	strace $0x80000050;
	s26 =	ssub.s32 $0x2, s11;
	s20 =	smul.u32 $0x13880, s11  }
0x9: {  	s15 =	sadd.s32 s7, s5;
	s8 =	sshrl.u32 s26, $0x1;
	s28 =	sshrl.u32 s25, $0x2  }
0xa: {  	s9 =	sadd.s32 $0x5000, s13;
	s17 =	sadd.s32 $0xA000, s13;
	s4 =	sadd.s32 s6, s4  }
0xb: {  	s7 =	ssub.s32 s26, s8;
	s30 =	sadd.s32 s12, s13;
	s6 =	sor.u32 $0x1C03, s29  }
0xc: {  	s10 =	sadd.s32 s12, s9;
	s9 =	sadd.s32 s9, s2;
	s18 =	sadd.s32 s12, s17  }
0xd: {  	s13 =	sadd.s32 $0xF000, s13;
	s11 =	sadd.s32 s17, s2;
	s15 =	sadd.s32 s20, s15  }
0xe: {  	s20 =	simm.s32 $0x2;
	s4 =	sshrl.u32 s4, $0x3;
	s8 =	sshrl.u32 s30, $0x3  }
0xf: {  	s7 =	smax.u32 s7, $0x1;
	s10 =	sshrl.u32 s10, $0x3;
	s18 =	sshrl.u32 s18, $0x3  }
0x10: {  	s19 =	sadd.s32 s12, s13;
	s13 =	sadd.s32 s13, s2;
	s15 =	sadd.s32 $0xD29E00, s15  }
0x11: {  	s16 =	sadd.s32 s4, s5;
	s4 =	sadd.s32 $0x92600, s5;
	s5 =	sadd.s32 s28, s2  }
0x12: {  	s8 =	sadd.s32 s14, s8;
	s10 =	sadd.s32 s14, s10;
	s12 =	sadd.s32 s14, s18  }
0x13: {  	s31 =	sshrl.u32 s19, $0x3;
	s18 =	simm.s32 $0x3;
	s19 =	simm.s32 $0x6400  }
0x14: {  	s14 =	sadd.s32 s14, s31;
	s16 =	sadd.s32 $0x13000, s16;
	s17 =	sshrl.u32 s5, $0x3  }
.LBB2_1:
0x15: {  	[spmem:s17], [sflag:s6] =	dma.local [hbm:s4], $0x2800  }
0x16: {  	_ =	swait.ge [sflag:s18], $0x2800  }
0x17: {  	[sflag:s18] =	ssyncset.done $0x0  }
0x18: {  	[sflag:s18] =	ssyncadd.s32 $0xFFFFD800  }
0x19: {  	s24 =	sadd.s32 $0x0, s16;
	[bflag:$0x0] =	sbarrier.arrive $0xFFFF  }
0x1a: {  	[tilespmem:s19], [sflag:$0x2] =	stream.linear.gather [hbm4b:s24+s3], $0xC8, $0x38;
	[tilespmem:$0x1A500] =	vst v63  }
0x1b: {  	_ = 	snop  }
0x1c: {  	[tilespmem:s3], [sflag:$0x1] =	stream.linear.gather [hbm4b:s15+s3], $0x6400, $0x38;
	[tilespmem:$0x1A500] =	vst v63  }
0x1d: {  	_ =	swait.ge [sflag:s20], $0xC8  }
0x1e: {  	[sflag:s20] =	ssyncset.done $0x0  }
0x1f: {  	[sflag:s20] =	ssyncadd.s32 $0xFFFFFF38  }
0x20: {  	_ =	swait.ge [sflag:s21], $0x6400  }
0x21: {  	[sflag:s21] =	ssyncset.done $0x0  }
0x22: {  	[sflag:s21] =	ssyncadd.s32 $0xFFFF9C00  }
0x23: {  	[spmem:s2] =	stream.indirect.scatter.add.f32 [tilespmem:s3], [sflag:$0x3], $0x80, s19, s22, $0xb8;
	[tilespmem:$0x1A500] =	vst v63  }
0x24: {  	s25 =	simm.s32 $0x19;
	_ =	swait.ge [sflag:s18], $0x6400  }
0x25: {  	s26 =	simm.s32 $0x32;
	s24 =	sadd.s32 $0xC80, s15;
	[sflag:s18] =	ssyncset.done $0x0  }
.LBB2_2:
0x26: {  	s28 =	sadd.s32 s25, s16  }
0x27: {  	[sflag:s18] =	ssyncadd.s32 $0xFFFF9C00;
	s25 =	smov.u32 s26;
	s29 =	sadd.s32 $0x19, s26  }
0x28: {  	[tilespmem:s19], [sflag:$0x2] =	stream.linear.gather [hbm4b:s28+s3], $0xC8, $0x38;
	[tilespmem:$0x1A500] =	vst v63  }
0x29: {  	p0 =	sne.s32 s26, $0x258  }
0x2a: {  	[tilespmem:s3], [sflag:$0x1] =	stream.linear.gather [hbm4b:s24+s3], $0x6400, $0x38;
	[tilespmem:$0x1A500] =	vst v63  }
0x2b: {  	_ =	swait.ge [sflag:s20], $0xC8  }
0x2c: {  	[sflag:s20] =	ssyncset.done $0x0  }
0x2d: {  	[sflag:s20] =	ssyncadd.s32 $0xFFFFFF38  }
0x2e: {  	_ =	swait.ge [sflag:s21], $0x6400  }
.Ltmp0:
0x2f: {  	[sflag:s21] =	ssyncset.done $0x0;
	(pc) =	sbr.rel @p0 .LBB2_2-.Ltmp0, $4  }
0x30: {  	[sflag:s21] =	ssyncadd.s32 $0xFFFF9C00  }
0x31: {  	[spmem:s2] =	stream.indirect.scatter.add.f32 [tilespmem:s3], [sflag:$0x3], $0x80, s19, s22, $0xb8;
	[tilespmem:$0x1A500] =	vst v63  }
0x32: {  	_ =	swait.ge [sflag:s18], $0x6400  }
0x33: {  	s26 =	smov.u32 s29;
	s24 =	sadd.s32 $0xC80, s24;
	[sflag:s18] =	ssyncset.done $0x0  }
0x34: {  	s25 =	sadd.s32 s25, s16;
	[sflag:s18] =	ssyncadd.s32 $0xFFFF9C00  }
0x35: {  	[tilespmem:s19], [sflag:$0x2] =	stream.linear.gather [hbm4b:s25+s3], $0xC8, $0x38;
	[tilespmem:$0x1A500] =	vst v63  }
0x36: {  	_ = 	snop  }
0x37: {  	[tilespmem:s3], [sflag:$0x1] =	stream.linear.gather [hbm4b:s24+s3], $0x6400, $0x38;
	[tilespmem:$0x1A500] =	vst v63  }
0x38: {  	_ =	swait.ge [sflag:s20], $0xC8  }
0x39: {  	[sflag:s20] =	ssyncset.done $0x0  }
0x3a: {  	[sflag:s20] =	ssyncadd.s32 $0xFFFFFF38  }
0x3b: {  	_ =	swait.ge [sflag:s21], $0x6400  }
0x3c: {  	[sflag:s21] =	ssyncset.done $0x0  }
0x3d: {  	[sflag:s21] =	ssyncadd.s32 $0xFFFF9C00  }
0x3e: {  	[spmem:s2] =	stream.indirect.scatter.add.f32 [tilespmem:s3], [sflag:$0x3], $0x80, s19, s22, $0xb8;
	[tilespmem:$0x1A500] =	vst v63  }
0x3f: {  	_ =	swait.ge [sflag:s18], $0x6400  }
0x40: {  	[sflag:s18] =	ssyncset.done $0x0  }
0x41: {  	[sflag:s18] =	ssyncadd.s32 $0xFFFF9C00  }
0x42: {  	[bflag:$0x0] =	sbarrier.arrive $0xFFFF  }
0x43: {  	[tilespmem:s3], [sflag:$0x3] =	stream.linear.gather [spmem:s5], $0x5000, $0x38;
	[tilespmem:$0x1A500] =	vst v63  }
0x44: {  	_ =	swait.ge [sflag:s18], $0x5000  }
0x45: {  	[sflag:s18] =	ssyncset.done $0x0  }
0x46: {  	[sflag:s18] =	ssyncadd.s32 $0xFFFFB000  }
0x47: {  	[hbm4b:s8+s3] =	stream.linear.scatter [tilespmem:s3], [sflag:$0x3], $0x5000, $0x38;
	[tilespmem:$0x1A500] =	vst v63  }
0x48: {  	_ =	swait.ge [sflag:s18], $0x5000  }
0x49: {  	[sflag:s18] =	ssyncset.done $0x0  }
0x4a: {  	[sflag:s18] =	ssyncadd.s32 $0xFFFFB000  }
0x4b: {  	[tilespmem:s3], [sflag:$0x3] =	stream.linear.gather [spmem:s9], $0x5000, $0x38;
	[tilespmem:$0x1A500] =	vst v63  }
0x4c: {  	_ =	swait.ge [sflag:s18], $0x5000  }
0x4d: {  	[sflag:s18] =	ssyncset.done $0x0  }
0x4e: {  	[sflag:s18] =	ssyncadd.s32 $0xFFFFB000  }
0x4f: {  	[hbm4b:s10+s3] =	stream.linear.scatter [tilespmem:s3], [sflag:$0x3], $0x5000, $0x38;
	[tilespmem:$0x1A500] =	vst v63  }
0x50: {  	_ =	swait.ge [sflag:s18], $0x5000  }
0x51: {  	[sflag:s18] =	ssyncset.done $0x0  }
0x52: {  	[sflag:s18] =	ssyncadd.s32 $0xFFFFB000  }
0x53: {  	[tilespmem:s3], [sflag:$0x3] =	stream.linear.gather [spmem:s11], $0x5000, $0x38;
	[tilespmem:$0x1A500] =	vst v63  }
0x54: {  	_ =	swait.ge [sflag:s18], $0x5000  }
0x55: {  	[sflag:s18] =	ssyncset.done $0x0  }
0x56: {  	[sflag:s18] =	ssyncadd.s32 $0xFFFFB000  }
0x57: {  	[hbm4b:s12+s3] =	stream.linear.scatter [tilespmem:s3], [sflag:$0x3], $0x5000, $0x38;
	[tilespmem:$0x1A500] =	vst v63  }
0x58: {  	_ =	swait.ge [sflag:s18], $0x5000  }
0x59: {  	[sflag:s18] =	ssyncset.done $0x0  }
0x5a: {  	[sflag:s18] =	ssyncadd.s32 $0xFFFFB000  }
0x5b: {  	[tilespmem:s3], [sflag:$0x3] =	stream.linear.gather [spmem:s13], $0x5000, $0x38;
	[tilespmem:$0x1A500] =	vst v63  }
0x5c: {  	s23 =	sadd.s32 $0x1, s23;
	_ =	swait.ge [sflag:s18], $0x5000  }
0x5d: {  	p0 =	sne.s32 s23, s7;
	[sflag:s18] =	ssyncset.done $0x0  }
.Ltmp1:
0x5e: {  	[sflag:s18] =	ssyncadd.s32 $0xFFFFB000;
	(pc) =	sbr.rel @p0 .LBB2_1-.Ltmp1, $4  }
0x5f: {  	[hbm4b:s14+s3] =	stream.linear.scatter [tilespmem:s3], [sflag:$0x3], $0x5000, $0x38;
	[tilespmem:$0x1A500] =	vst v63  }
0x60: {  	_ =	swait.ge [sflag:s18], $0x5000  }
0x61: {  	[sflag:s18] =	ssyncset.done $0x0  }
0x62: {  	[sflag:s18] =	ssyncadd.s32 $0xFFFFB000  }
0x63: {  	_ =	sfence.sel $0x180000  }
0x64: {  	[bflag:$0x0] =	sbarrier.arrive $0xFFFF  }
0x65: {  	p0 =	sne.s32 s0, $0x0;
	_ =	strace $0x90000050  }
0x66: {  	s0 =	sadd.s32 @!p0 $0x100000, s1;
	[bflag:$0x2] =	sbarrier.arrive $0xFFFF  }
0x67: {  	[sflag:s0] =	ssyncadd.tile.s32 @!p0 $0x1;
	_ =	shalt  }
.Lfunc_end2:
_tile_overlayer_lowered:
.L_overlay_start_2:
0x68: {  	(tag) =	ssettag $0x2  }
0x69: {  	s0 =	rddreg [dreg:$0x0];
	s2 =	stileid.u32  }
0x6a: {  	s1 =	rddreg [dreg:$0x1];
	p0 =	sne.s32 s2, $0x0  }
0x6b: {  	s3 =	rddreg [dreg:$0x2];
	[bflag:$0x3] =	sbarrier.arrive $0xFFFF;
	s2 =	simm.s32 @!p0 $0x1C03  }
0x6c: {  	[timem:s3], [sflag:s2] =	dma.local @!p0 [hbm:s0], s1  }
0x6d: {  	s0 =	simm.s32 @!p0 $0x3  }
0x6e: {  	_ =	swait.ge @!p0 [sflag:s0], s1  }
0x6f: {  	s1 =	ssub.s32 @!p0 $0x0, s1;
	[sflag:s0] =	ssyncset.done @!p0 $0x0  }
0x70: {  	[sflag:s0] =	ssyncadd.s32 @!p0 s1  }
0x71: {  	[bflag:$0x3] =	sbarrier.arrive $0xFFFF  }
0x72: {  	_ =	shalt  }

// kernel: kernel.37.cloned.1.call-start
scs
__scs_entry_jumppad:
0x0: {  	(pc) =	sbr.rel $0x88, $3  }
0x1: {  	(tag) =	ssettag $0x0;
	lr =	simm.s32 $0x1  }
0x2: {  	[smem:$0x3F8B] =	sst lr;
	_ =	strace $0xD0000000  }
0x3: {  	_ = 	snop  }
0x4: {  	_ = 	snop  }
0x5: {  	_ = 	snop  }
0x6: {  	_ = 	snop  }
0x7: {  	_ = 	snop  }
__scs_overlays_trampoline_lowered:
0x8: {  	[smem:$0x3F9A] =	sst s0  }
0x9: {  	[smem:$0x3F9B] =	sst s1  }
0xa: {  	[smem:$0x3F9C] =	sst s2  }
0xb: {  	[smem:$0x3F9D] =	sst s3  }
0xc: {  	[smem:$0x3F9E] =	sst s4  }
0xd: {  	[smem:$0x3F9F] =	sst s5  }
0xe: {  	[smem:$0x3FA0] =	sst s6  }
0xf: {  	[smem:$0x3FA1] =	sst s7  }
0x10: {  	[smem:$0x3FA2] =	sst s8  }
0x11: {  	[smem:$0x3FA3] =	sst s9;
	s0 =	simm.s32 @!p0 $0x0  }
0x12: {  	s1 =	sld [smem:$0x3F89];
	s0 =	simm.s32 @p0 $0x1  }
0x13: {  	[smem:$0x3FA4] =	sst s0;
	s0 =	simm.s32 @!p1 $0x0  }
0x14: {  	s2 =	sld [smem:$0x3F88];
	s0 =	simm.s32 @p1 $0x1  }
0x15: {  	[smem:$0x3FA5] =	sst s0;
	s0 =	simm.s32 @!p2 $0x0  }
0x16: {  	s3 =	sld [smem:$0x3FDB];
	s0 =	simm.s32 @p2 $0x1  }
0x17: {  	s4 =	simm.s32 $0x1BF5;
	[smem:$0x3FA7] =	sst s0  }
0x18: {  	s0 =	sld [smem:$0x3F8A];
	_ =	swait.ge [sflag:s4], $0x0  }
0x19: {  	s7 =	sld [smem:$0x3F8B]  }
0x1a: {  	s8 =	sadd.s32 $0xFFFFE003, lr  }
0x1b: {  	s9 =	sadd.s32 $0xFFFFFEF7, lr;
	s5 =	simm.s32 $0xFFFFFFFF;
	p2 =	slt.u32 s8, $0xFFFFF086  }
0x1c: {  	p1 =	slt.u32 s9, $0xF7A;
	s5 =	simm.s32 @!p2 $0x0  }
0x1d: {  	s5 =	simm.s32 @p1 $0x1;
	p0 =	seq.s32 s7, s2  }
0x1e: {  	s7 =	smul.u32 @!p0 $0xF7A, s2;
	p2 =	seq.s32 @!p0 s5, $0x0  }
0x1f: {  	s9 =	smul.u32 $0xF7A, s1;
	s8 =	simm.s32 @!p0 $0x1BF5;
	p2 =	por !p2, p0  }
0x20: {  	[sflag:s8] =	ssyncset.s32 @!p0 $0xFFFFF086;
	s6 =	sadd.s32 @!p0 s3, s7;
	s7 =	simm.s32 @!p0 $0x108  }
0x21: {  	s3 =	sadd.s32 s3, s9;
	s6 =	sadd.s32 @!p0 $0x88, s6;
	s7 =	simm.s32 @p2 $0x1082  }
0x22: {  	[simem:s7], [sflag:s8] =	dma.local @!p0 [hbm:s6], $0xF7A  }
0x23: {  	s9 =	sor.u32 $0xD0000000, s2;
	s6 =	simm.s32 $0x108;
	_ =	swait.ge @!p0 [sflag:s8], $0x0  }
0x24: {  	s3 =	sadd.s32 $0x88, s3;
	s6 =	simm.s32 @!p1 $0x1082;
	[sflag:s4] =	ssyncset.s32 $0xFFFFF086  }
0x25: {  	[simem:s6], [sflag:s4] =	dma.local [hbm:s3], $0xF7A  }
0x26: {  	[smem:$0x3F8B] =	sst s1;
	(tag) =	ssettag s2;
	_ =	strace s9  }
0x27: {  	s1 =	sld [smem:$0x3F9B]  }
0x28: {  	s2 =	sld [smem:$0x3F9C]  }
0x29: {  	s4 =	sld [smem:$0x3F9E]  }
0x2a: {  	p0 =	seq.s32 s5, $0x0;
	s5 =	sld [smem:$0x3F9F]  }
0x2b: {  	s6 =	sld [smem:$0x3FA0]  }
0x2c: {  	s7 =	sld [smem:$0x3FA1]  }
0x2d: {  	s3 =	simm.s32 $0x108;
	s8 =	sld [smem:$0x3FA2]  }
0x2e: {  	s3 =	simm.s32 @!p0 $0x1082;
	s9 =	sld [smem:$0x3FA3]  }
0x2f: {  	lr =	sadd.s32 s0, s3;
	s0 =	sld [smem:$0x3F9A]  }
0x30: {  	s3 =	sld [smem:$0x3F9D]  }
0x31: {  	[smem:$0x3FA6] =	sst s10  }
0x32: {  	s10 =	sld [smem:$0x3FA4];
	_ =	sdelay $0x3  }
0x33: {  	p0 =	seq.s32 s10, $0x1;
	s10 =	sld [smem:$0x3FA6];
	_ =	sdelay $0x3  }
0x34: {  	[smem:$0x3FA6] =	sst s10  }
0x35: {  	s10 =	sld [smem:$0x3FA5];
	_ =	sdelay $0x3  }
0x36: {  	p1 =	seq.s32 s10, $0x1;
	s10 =	sld [smem:$0x3FA6];
	_ =	sdelay $0x3  }
0x37: {  	[smem:$0x3FA6] =	sst s10  }
0x38: {  	s10 =	sld [smem:$0x3FA7]  }
0x39: {  	_ = 	snop;
	(pc) =	sbr.ind lr, $3  }
0x3a: {  	_ = 	snop  }
0x3b: {  	_ = 	snop  }
0x3c: {  	p2 =	seq.s32 s10, $0x1;
	s10 =	sld [smem:$0x3FA6]  }
0x3d: {  	_ =	shalt  }
0x3e: {  	_ =	shalt  }
0x3f: {  	_ =	shalt  }
0x40: {  	_ =	shalt  }
0x41: {  	_ =	shalt  }
0x42: {  	_ =	shalt  }
0x43: {  	_ =	shalt  }
0x44: {  	_ =	shalt  }
0x45: {  	_ =	shalt  }
0x46: {  	_ =	shalt  }
0x47: {  	_ =	shalt  }
0x48: {  	_ =	shalt  }
0x49: {  	_ =	shalt  }
0x4a: {  	_ =	shalt  }
0x4b: {  	_ =	shalt  }
0x4c: {  	_ =	shalt  }
0x4d: {  	_ =	shalt  }
0x4e: {  	_ =	shalt  }
0x4f: {  	_ =	shalt  }
0x50: {  	_ =	shalt  }
0x51: {  	_ =	shalt  }
0x52: {  	_ =	shalt  }
0x53: {  	_ =	shalt  }
0x54: {  	_ =	shalt  }
0x55: {  	_ =	shalt  }
0x56: {  	_ =	shalt  }
0x57: {  	_ =	shalt  }
0x58: {  	_ =	shalt  }
0x59: {  	_ =	shalt  }
0x5a: {  	_ =	shalt  }
0x5b: {  	_ =	shalt  }
0x5c: {  	_ =	shalt  }
0x5d: {  	_ =	shalt  }
0x5e: {  	_ =	shalt  }
0x5f: {  	_ =	shalt  }
0x60: {  	_ =	shalt  }
0x61: {  	_ =	shalt  }
0x62: {  	_ =	shalt  }
0x63: {  	_ =	shalt  }
0x64: {  	_ =	shalt  }
0x65: {  	_ =	shalt  }
0x66: {  	_ =	shalt  }
0x67: {  	_ =	shalt  }
0x68: {  	_ =	shalt  }
0x69: {  	_ =	shalt  }
0x6a: {  	_ =	shalt  }
0x6b: {  	_ =	shalt  }
0x6c: {  	_ =	shalt  }
0x6d: {  	_ =	shalt  }
0x6e: {  	_ =	shalt  }
0x6f: {  	_ =	shalt  }
0x70: {  	_ =	shalt  }
0x71: {  	_ =	shalt  }
0x72: {  	_ =	shalt  }
0x73: {  	_ =	shalt  }
0x74: {  	_ =	shalt  }
0x75: {  	_ =	shalt  }
0x76: {  	_ =	shalt  }
0x77: {  	_ =	shalt  }
0x78: {  	_ =	shalt  }
0x79: {  	_ =	shalt  }
0x7a: {  	_ =	shalt  }
0x7b: {  	_ =	shalt  }
0x7c: {  	_ =	shalt  }
0x7d: {  	_ =	shalt  }
0x7e: {  	_ =	shalt  }
0x7f: {  	_ =	shalt  }
0x80: {  	_ =	shalt  }
0x81: {  	_ =	shalt  }
0x82: {  	_ =	shalt  }
0x83: {  	_ =	shalt  }
0x84: {  	_ =	shalt  }
0x85: {  	_ =	shalt  }
0x86: {  	_ =	shalt  }
0x87: {  	_ =	shalt  }
.Lfunc_end0:
.L_simem_size_0:
called_computation.5_lowered:
.L_overlay_start_0:
0x88: {  	s2 =	sld [smem:$0x3FD9]  }
0x89: {  	s3 =	sld [smem:$0x3FFE];
	_ =	sdelay $0x1  }
0x8a: {  	s1 =	srdreg.scid  }
0x8b: {  	s0 =	sand.u32 $0x1, s1  }
0x8c: {  	s17 =	sshll.u32 s0, $0xA;
	s2 =	sadd.s32 s3, s2  }
0x8d: {  	s2 =	sadd.s32 s2, s17  }
0x8e: {  	[smem:$0x3FB2] =	sst s2  }
0x8f: {  	_ = 	snop  }
0x90: {  	(tm) =	ssettm $0x1  }
0x91: {  	s18 =	sld [smem:$0x3FFB];
	_ =	sdelay $0x3  }
0x92: {  	_ =	strace s18  }
0x93: {  	s2 =	sld [smem:$0x3FFC];
	_ =	sdelay $0x3  }
0x94: {  	_ =	strace s2  }
0x95: {  	s2 =	sld [smem:$0x3FFD];
	_ =	sdelay $0x3  }
0x96: {  	_ =	strace s2  }
0x97: {  	_ =	strace $0x8FFFFFFF  }
0x98: {  	s19 =	sld [smem:$0x3FDB];
	_ =	sdelay $0x1  }
0x99: {  	s20 =	simm.s32 $_scs_section_size  }
0x9a: {  	s4 =	simm.s32 $_size__tile_overlayer_lowered;
	s5 =	simm.s32 $_tile_overlayer_lowered  }
0x9b: {  	s6 =	simm.s32 $0x1BFF;
	s21 =	sshll.u32 s5, $0x1;
	s3 =	sadd.s32 s20, s19  }
0x9c: {  	s22 =	simm.s32 $0x0;
	s4 =	sshll.u32 s4, $0x1;
	s5 =	sadd.s32 s21, s3  }
0x9d: {  	[timem:s22], [sflag:s6] =	dma.local [hbm:s5], s4  }
0x9e: {  	_ =	swait.ge [sflag:s6], s4  }
0x9f: {  	s4 =	ssub.s32 $0x0, s4;
	[sflag:s6] =	ssyncset.done $0x0  }
0xa0: {  	[sflag:s6] =	ssyncadd.s32 s4;
	_ =	sdelay $0x1  }
0xa1: {  	s23 =	simm.s32 $0x1B8B  }
0xa2: {  	_ =	swait.ge [sflag:s23], $0x1  }
0xa3: {  	[sflag:s23] =	ssyncset.done $0x0  }
0xa4: {  	[sflag:s23] =	ssyncadd.s32 $0xFFFFFFFF  }
0xa5: {  	s4 =	sld [smem:$0x0]  }
0xa6: {  	s5 =	sand.u32 $0xFFFFFFFE, s1  }
0xa7: {  	p0 =	sne.s32 s1, s5  }
0xa8: {  	s5 =	sshll.u32 @p0 s5, $0xE  }
0xa9: {  	s5 =	sadd.s32 @p0 $0x11B8D, s5;
	s6 =	sshll.u32 @p0 s4, $0x11  }
0xaa: {  	s5 =	sor.u32 @p0 s6, s5  }
0xab: {  	[sflag:s5] =	ssyncadd.remote.s32 @p0 $0x1;
	_ =	sdelay $0x1  }
0xac: {  	s5 =	simm.s32 @p0 $0x1B8D  }
0xad: {  	_ =	swait.eq @p0 [sflag:s5], $0x1  }
0xae: {  	[sflag:s5] =	ssyncadd.s32 @p0 $0xFFFFFFFF  }
0xaf: {  	s6 =	sshll.u32 @!p0 s1, $0xE  }
0xb0: {  	s6 =	sor.u32 @!p0 $0x4000, s6;
	s5 =	simm.s32 @!p0 $0x1B8D  }
0xb1: {  	s4 =	sshll.u32 @!p0 s4, $0x11;
	s6 =	sadd.s32 @!p0 $0x11B8D, s6;
	_ =	swait.eq @!p0 [sflag:s5], $0x1  }
0xb2: {  	s4 =	sor.u32 @!p0 s4, s6;
	[sflag:s5] =	ssyncadd.s32 @!p0 $0xFFFFFFFF  }
0xb3: {  	s25 =	simm.s32 $0x1B8E;
	s24 =	sld [smem:$0x3FFE];
	[sflag:s4] =	ssyncadd.remote.s32 @!p0 $0x1  }
0xb4: {  	s26 =	simm.s32 $execute0_lowered;
	[smem:$0x3FD2] =	sst s25  }
0xb5: {  	s5 =	sshll.u32 s26, $0x1;
	_ =	strace $0x80000058;
	[dreg:$0x1] =	wrdreg $0xFFFFFFFF  }
0xb6: {  	s28 =	simm.s32 $_size_execute0_lowered;
	s3 =	sadd.s32 s3, s5;
	[dreg:$0x0] =	wrdreg $0x0  }
0xb7: {  	s5 =	sshll.u32 s28, $0x1;
	[dreg:$0x2] =	wrdreg s3  }
0xb8: {  	[dreg:$0x3] =	wrdreg s5  }
0xb9: {  	[dreg:$0x4] =	wrdreg $0xC0  }
0xba: {  	_ =	task [dreg:s22], $0x5FFFF  }
0xbb: {  	[dreg:$0x1] =	wrdreg $0xFFFFFFFF  }
0xbc: {  	[dreg:$0x0] =	wrdreg $0x60  }
0xbd: {  	[dreg:$0x2] =	wrdreg s24  }
0xbe: {  	[dreg:$0x3] =	wrdreg $0x9  }
0xbf: {  	_ =	task.clear_ibuf [dreg:s22], $0x4FFFF;
	_ =	strace $0x90000058  }
0xc0: {  	s29 =	simm.s32 $0x9;
	_ =	strace $0x8000005A  }
0xc1: {  	_ =	swait.ge [sflag:s29], $0x1  }
0xc2: {  	[sflag:s29] =	ssyncadd.s32 $0xFFFFFFFF  }
0xc3: {  	_ =	strace $0x9000005A  }
0xc4: {  	_ =	sfence  }
0xc5: {  	s30 =	sld [smem:$0x0];
	_ =	sdelay $0x2  }
0xc6: {  	s31 =	sshll.u32 s1, $0xD;
	s1 =	sshrl.u32 s1, $0x2  }
0xc7: {  	s4 =	sand.u32 $0x4000, s31;
	s1 =	sadd.s32 s1, s30  }
0xc8: {  	s0 =	sor.u32 s4, s0;
	s1 =	sshll.u32 s1, $0x11  }
0xc9: {  	s0 =	sor.u32 s1, s0  }
0xca: {  	s0 =	sadd.s32 $0x8F2B, s0  }
0xcb: {  	[sflag:s0] =	ssyncadd.remote.s32 $0x1  }
0xcc: {  	_ =	sfence.sel $0xFFFF  }
0xcd: {  	[dreg:$0x0] =	wrdreg $0xFFFFFFFF;
	(pc) =	sbr.abs _section_cstart, $3  }
0xce: {  	[dreg:$0x1] =	wrdreg $0xFFFFFFFF  }
0xcf: {  	_ =	task.clear_ibuf [dreg:s22], $0x2FFFF;
	_ =	strace $0x9FFFFFFF  }
0xd0: {  	(tm) =	ssettm $0x7FFFFFFF  }
0xd1: {  	_ =	shalt  }
tec
execute0_lowered:
.L_overlay_start_1:
0x0: {  	(tag) =	ssettag $0x1  }
0x1: {  	s5 =	rddreg [dreg:$0x0]  }
0x2: {  	s0 =	rddreg [dreg:$0x1]  }
0x3: {  	s3 =	srdreg.scid;
	s1 =	stileid.u32  }
0x4: {  	s2 =	simm.s32 $0x0;
	s12 =	simm.s32 $0xC8;
	s13 =	simm.s32 $0x2800  }
0x5: {  	s14 =	simm.s32 $0x8C00;
	s15 =	simm.s32 $0x1;
	s16 =	simm.s32 $0x2  }
0x6: {  	s17 =	simm.s32 $0x3;
	s18 =	simm.s32 $0x4;
	s19 =	simm.s32 $0x0  }
0x7: {  	s6 =	sand.u32 $0x1, s3;
	s30 =	sshll.u32 s1, $0x1;
	[smem:$0x7FF] =	sst s2  }
0x8: {  	s4 =	sadd.s32 $0x355E00, s5;
	s8 =	smul.u32 $0x27100, s1;
	s3 =	sor.u32 s6, s30  }
0x9: {  	_ =	strace $0x80000059;
	s9 =	ssub.s32 $0x2, s6;
	s7 =	smul.u32 $0x1388, s3  }
0xa: {  	s11 =	smul.u32 $0x13880, s6;
	s3 =	sadd.s32 $0xBC000, s5;
	s10 =	sshrl.u32 s9, $0x1  }
0xb: {  	s8 =	sadd.s32 s8, s5;
	s9 =	ssub.s32 s9, s10;
	s7 =	sshrl.u32 s7, $0x3  }
0xc: {  	s31 =	sadd.s32 s11, s8;
	s11 =	simm.s32 $0x1400;
	s7 =	sadd.s32 s7, s5  }
0xd: {  	s10 =	simm.s32 $0x5;
	s8 =	sadd.s32 $0xD29E00, s31;
	s5 =	sadd.s32 $0x579600, s7  }
0xe: {  	s6 =	sadd.s32 $0x574600, s7;
	s7 =	smax.u32 s9, $0x1;
	s9 =	sadd.s32 $0xF9AE00, s31  }
.LBB2_1:
0xf: {  	[tilespmem:s2], [sflag:$0x5] =	stream.linear.gather [hbm4b:s5+s2], $0x1388, $0x38;
	[tilespmem:$0xF000] =	vst v63  }
0x10: {  	_ =	swait.ge [sflag:s10], $0x1388  }
0x11: {  	[sflag:s10] =	ssyncset.done $0x0  }
0x12: {  	[sflag:s10] =	ssyncadd.s32 $0xFFFFEC78  }
0x13: {  	[tilespmem:s11], [sflag:$0x5] =	stream.linear.gather [hbm4b:s6+s2], $0x1388, $0x38;
	[tilespmem:$0xF000] =	vst v63  }
0x14: {  	_ =	swait.ge [sflag:s10], $0x1388  }
0x15: {  	[sflag:s10] =	ssyncset.done $0x0  }
0x16: {  	s20 =	simm.s32 $0x0;
	[sflag:s10] =	ssyncadd.s32 $0xFFFFEC78  }
0x17: {  	[tilespmem:s13], [sflag:$0x1] =	stream.indirect.gather [hbm4b:s3+s12], $0x80, s20, s12, $0xb8;
	[tilespmem:$0xF000] =	vst v63  }
0x18: {  	s31 =	simm.s32 $0x1400  }
0x19: {  	[tilespmem:s14], [sflag:$0x2] =	stream.indirect.gather [hbm4b:s4+s12], $0x80, s31, s12, $0xb8;
	[tilespmem:$0xF000] =	vst v63  }
0x1a: {  	_ =	swait.ge [sflag:s15], $0x6400  }
0x1b: {  	[sflag:s15] =	ssyncset.done $0x0  }
0x1c: {  	[sflag:s15] =	ssyncadd.s32 $0xFFFF9C00  }
0x1d: {  	_ =	swait.ge [sflag:s16], $0x6400  }
0x1e: {  	[sflag:s16] =	ssyncset.done $0x0  }
0x1f: {  	[sflag:s16] =	ssyncadd.s32 $0xFFFF9C00  }
0x20: {  	[hbm4b:s8+s2] =	stream.linear.scatter [tilespmem:s13], [sflag:$0x3], $0x6400, $0x38;
	[tilespmem:$0xF000] =	vst v63  }
0x21: {  	_ = 	snop  }
0x22: {  	[hbm4b:s9+s2] =	stream.linear.scatter [tilespmem:s14], [sflag:$0x4], $0x6400, $0x38;
	[tilespmem:$0xF000] =	vst v63  }
0x23: {  	_ =	swait.ge [sflag:s17], $0x6400  }
0x24: {  	[sflag:s17] =	ssyncset.done $0x0  }
0x25: {  	[sflag:s17] =	ssyncadd.s32 $0xFFFF9C00  }
0x26: {  	s22 =	simm.s32 $0x320;
	s23 =	simm.s32 $0x640;
	_ =	swait.ge [sflag:s18], $0x6400  }
0x27: {  	s21 =	sadd.s32 $0xC80, s9;
	s20 =	sadd.s32 $0xC80, s8;
	[sflag:s18] =	ssyncset.done $0x0  }
.LBB2_2:
0x28: {  	s24 =	sshra.s32 s22, $0x2  }
0x29: {  	[sflag:s18] =	ssyncadd.s32 $0xFFFF9C00;
	s22 =	smov.u32 s23;
	s25 =	sadd.s32 $0x320, s23  }
0x2a: {  	[tilespmem:s13], [sflag:$0x1] =	stream.indirect.gather [hbm4b:s3+s12], $0x80, s24, s12, $0xb8;
	[tilespmem:$0xF000] =	vst v63  }
0x2b: {  	p0 =	sne.s32 s23, $0x4B00;
	s23 =	sadd.s32 $0x1400, s24  }
0x2c: {  	[tilespmem:s14], [sflag:$0x2] =	stream.indirect.gather [hbm4b:s4+s12], $0x80, s23, s12, $0xb8;
	[tilespmem:$0xF000] =	vst v63  }
0x2d: {  	_ =	swait.ge [sflag:s15], $0x6400  }
0x2e: {  	[sflag:s15] =	ssyncset.done $0x0  }
0x2f: {  	[sflag:s15] =	ssyncadd.s32 $0xFFFF9C00  }
0x30: {  	_ =	swait.ge [sflag:s16], $0x6400  }
0x31: {  	[sflag:s16] =	ssyncset.done $0x0  }
0x32: {  	[sflag:s16] =	ssyncadd.s32 $0xFFFF9C00  }
0x33: {  	[hbm4b:s20+s2] =	stream.linear.scatter [tilespmem:s13], [sflag:$0x3], $0x6400, $0x38;
	[tilespmem:$0xF000] =	vst v63  }
0x34: {  	_ = 	snop  }
0x35: {  	[hbm4b:s21+s2] =	stream.linear.scatter [tilespmem:s14], [sflag:$0x4], $0x6400, $0x38;
	[tilespmem:$0xF000] =	vst v63  }
.Ltmp0:
0x36: {  	_ =	swait.ge [sflag:s17], $0x6400;
	(pc) =	sbr.rel @p0 .LBB2_2-.Ltmp0, $4  }
0x37: {  	[sflag:s17] =	ssyncset.done $0x0  }
0x38: {  	[sflag:s17] =	ssyncadd.s32 $0xFFFF9C00  }
0x39: {  	s23 =	smov.u32 s25;
	_ =	swait.ge [sflag:s18], $0x6400  }
0x3a: {  	s20 =	sadd.s32 $0xC80, s20;
	s21 =	sadd.s32 $0xC80, s21;
	[sflag:s18] =	ssyncset.done $0x0  }
0x3b: {  	s22 =	sshra.s32 s22, $0x2;
	[sflag:s18] =	ssyncadd.s32 $0xFFFF9C00  }
0x3c: {  	[tilespmem:s13], [sflag:$0x1] =	stream.indirect.gather [hbm4b:s3+s12], $0x80, s22, s12, $0xb8;
	[tilespmem:$0xF000] =	vst v63  }
0x3d: {  	s22 =	sadd.s32 $0x1400, s22  }
0x3e: {  	[tilespmem:s14], [sflag:$0x2] =	stream.indirect.gather [hbm4b:s4+s12], $0x80, s22, s12, $0xb8;
	[tilespmem:$0xF000] =	vst v63  }
0x3f: {  	_ =	swait.ge [sflag:s15], $0x6400  }
0x40: {  	[sflag:s15] =	ssyncset.done $0x0  }
0x41: {  	[sflag:s15] =	ssyncadd.s32 $0xFFFF9C00  }
0x42: {  	_ =	swait.ge [sflag:s16], $0x6400  }
0x43: {  	[sflag:s16] =	ssyncset.done $0x0  }
0x44: {  	[sflag:s16] =	ssyncadd.s32 $0xFFFF9C00  }
0x45: {  	[hbm4b:s20+s2] =	stream.linear.scatter [tilespmem:s13], [sflag:$0x3], $0x6400, $0x38;
	[tilespmem:$0xF000] =	vst v63  }
0x46: {  	s19 =	sadd.s32 $0x1, s19  }
0x47: {  	[hbm4b:s21+s2] =	stream.linear.scatter [tilespmem:s14], [sflag:$0x4], $0x6400, $0x38;
	[tilespmem:$0xF000] =	vst v63  }
0x48: {  	p0 =	sne.s32 s19, s7;
	_ =	swait.ge [sflag:s17], $0x6400  }
.Ltmp1:
0x49: {  	[sflag:s17] =	ssyncset.done $0x0;
	(pc) =	sbr.rel @p0 .LBB2_1-.Ltmp1, $4  }
0x4a: {  	[sflag:s17] =	ssyncadd.s32 $0xFFFF9C00  }
0x4b: {  	_ =	swait.ge [sflag:s18], $0x6400  }
0x4c: {  	[sflag:s18] =	ssyncset.done $0x0  }
0x4d: {  	[sflag:s18] =	ssyncadd.s32 $0xFFFF9C00  }
0x4e: {  	_ =	sfence.sel $0x180000  }
0x4f: {  	[bflag:$0x0] =	sbarrier.arrive $0xFFFF  }
0x50: {  	p0 =	sne.s32 s1, $0x0;
	_ =	strace $0x90000059  }
0x51: {  	s0 =	sadd.s32 @!p0 $0x100000, s0;
	[bflag:$0x2] =	sbarrier.arrive $0xFFFF  }
0x52: {  	[sflag:s0] =	ssyncadd.tile.s32 @!p0 $0x1;
	_ =	shalt  }
.Lfunc_end2:
_tile_overlayer_lowered:
.L_overlay_start_2:
0x53: {  	(tag) =	ssettag $0x2  }
0x54: {  	s0 =	rddreg [dreg:$0x0];
	s2 =	stileid.u32  }
0x55: {  	s1 =	rddreg [dreg:$0x1];
	p0 =	sne.s32 s2, $0x0  }
0x56: {  	s3 =	rddreg [dreg:$0x2];
	[bflag:$0x3] =	sbarrier.arrive $0xFFFF;
	s2 =	simm.s32 @!p0 $0x1C05  }
0x57: {  	[timem:s3], [sflag:s2] =	dma.local @!p0 [hbm:s0], s1  }
0x58: {  	s0 =	simm.s32 @!p0 $0x5  }
0x59: {  	_ =	swait.ge @!p0 [sflag:s0], s1  }
0x5a: {  	s1 =	ssub.s32 @!p0 $0x0, s1;
	[sflag:s0] =	ssyncset.done @!p0 $0x0  }
0x5b: {  	[sflag:s0] =	ssyncadd.s32 @!p0 s1  }
0x5c: {  	[bflag:$0x3] =	sbarrier.arrive $0xFFFF  }
0x5d: {  	_ =	shalt  }

// kernel: kernel.40.cloned.1.call-start
scs
__scs_entry_jumppad:
0x0: {  	(pc) =	sbr.rel $0x88, $3  }
0x1: {  	(tag) =	ssettag $0x0;
	lr =	simm.s32 $0x1  }
0x2: {  	[smem:$0x3F8B] =	sst lr;
	_ =	strace $0xD0000000  }
0x3: {  	_ = 	snop  }
0x4: {  	_ = 	snop  }
0x5: {  	_ = 	snop  }
0x6: {  	_ = 	snop  }
0x7: {  	_ = 	snop  }
__scs_overlays_trampoline_lowered:
0x8: {  	[smem:$0x3F9A] =	sst s0  }
0x9: {  	[smem:$0x3F9B] =	sst s1  }
0xa: {  	[smem:$0x3F9C] =	sst s2  }
0xb: {  	[smem:$0x3F9D] =	sst s3  }
0xc: {  	[smem:$0x3F9E] =	sst s4  }
0xd: {  	[smem:$0x3F9F] =	sst s5  }
0xe: {  	[smem:$0x3FA0] =	sst s6  }
0xf: {  	[smem:$0x3FA1] =	sst s7  }
0x10: {  	[smem:$0x3FA2] =	sst s8  }
0x11: {  	[smem:$0x3FA3] =	sst s9;
	s0 =	simm.s32 @!p0 $0x0  }
0x12: {  	s1 =	sld [smem:$0x3F89];
	s0 =	simm.s32 @p0 $0x1  }
0x13: {  	[smem:$0x3FA4] =	sst s0;
	s0 =	simm.s32 @!p1 $0x0  }
0x14: {  	s2 =	sld [smem:$0x3F88];
	s0 =	simm.s32 @p1 $0x1  }
0x15: {  	[smem:$0x3FA5] =	sst s0;
	s0 =	simm.s32 @!p2 $0x0  }
0x16: {  	s3 =	sld [smem:$0x3FDB];
	s0 =	simm.s32 @p2 $0x1  }
0x17: {  	s4 =	simm.s32 $0x1BF5;
	[smem:$0x3FA7] =	sst s0  }
0x18: {  	s0 =	sld [smem:$0x3F8A];
	_ =	swait.ge [sflag:s4], $0x0  }
0x19: {  	s7 =	sld [smem:$0x3F8B]  }
0x1a: {  	s8 =	sadd.s32 $0xFFFFE003, lr  }
0x1b: {  	s9 =	sadd.s32 $0xFFFFFEF7, lr;
	s5 =	simm.s32 $0xFFFFFFFF;
	p2 =	slt.u32 s8, $0xFFFFF086  }
0x1c: {  	p1 =	slt.u32 s9, $0xF7A;
	s5 =	simm.s32 @!p2 $0x0  }
0x1d: {  	s5 =	simm.s32 @p1 $0x1;
	p0 =	seq.s32 s7, s2  }
0x1e: {  	s7 =	smul.u32 @!p0 $0xF7A, s2;
	p2 =	seq.s32 @!p0 s5, $0x0  }
0x1f: {  	s9 =	smul.u32 $0xF7A, s1;
	s8 =	simm.s32 @!p0 $0x1BF5;
	p2 =	por !p2, p0  }
0x20: {  	[sflag:s8] =	ssyncset.s32 @!p0 $0xFFFFF086;
	s6 =	sadd.s32 @!p0 s3, s7;
	s7 =	simm.s32 @!p0 $0x108  }
0x21: {  	s3 =	sadd.s32 s3, s9;
	s6 =	sadd.s32 @!p0 $0x88, s6;
	s7 =	simm.s32 @p2 $0x1082  }
0x22: {  	[simem:s7], [sflag:s8] =	dma.local @!p0 [hbm:s6], $0xF7A  }
0x23: {  	s9 =	sor.u32 $0xD0000000, s2;
	s6 =	simm.s32 $0x108;
	_ =	swait.ge @!p0 [sflag:s8], $0x0  }
0x24: {  	s3 =	sadd.s32 $0x88, s3;
	s6 =	simm.s32 @!p1 $0x1082;
	[sflag:s4] =	ssyncset.s32 $0xFFFFF086  }
0x25: {  	[simem:s6], [sflag:s4] =	dma.local [hbm:s3], $0xF7A  }
0x26: {  	[smem:$0x3F8B] =	sst s1;
	(tag) =	ssettag s2;
	_ =	strace s9  }
0x27: {  	s1 =	sld [smem:$0x3F9B]  }
0x28: {  	s2 =	sld [smem:$0x3F9C]  }
0x29: {  	s4 =	sld [smem:$0x3F9E]  }
0x2a: {  	p0 =	seq.s32 s5, $0x0;
	s5 =	sld [smem:$0x3F9F]  }
0x2b: {  	s6 =	sld [smem:$0x3FA0]  }
0x2c: {  	s7 =	sld [smem:$0x3FA1]  }
0x2d: {  	s3 =	simm.s32 $0x108;
	s8 =	sld [smem:$0x3FA2]  }
0x2e: {  	s3 =	simm.s32 @!p0 $0x1082;
	s9 =	sld [smem:$0x3FA3]  }
0x2f: {  	lr =	sadd.s32 s0, s3;
	s0 =	sld [smem:$0x3F9A]  }
0x30: {  	s3 =	sld [smem:$0x3F9D]  }
0x31: {  	[smem:$0x3FA6] =	sst s10  }
0x32: {  	s10 =	sld [smem:$0x3FA4];
	_ =	sdelay $0x3  }
0x33: {  	p0 =	seq.s32 s10, $0x1;
	s10 =	sld [smem:$0x3FA6];
	_ =	sdelay $0x3  }
0x34: {  	[smem:$0x3FA6] =	sst s10  }
0x35: {  	s10 =	sld [smem:$0x3FA5];
	_ =	sdelay $0x3  }
0x36: {  	p1 =	seq.s32 s10, $0x1;
	s10 =	sld [smem:$0x3FA6];
	_ =	sdelay $0x3  }
0x37: {  	[smem:$0x3FA6] =	sst s10  }
0x38: {  	s10 =	sld [smem:$0x3FA7]  }
0x39: {  	_ = 	snop;
	(pc) =	sbr.ind lr, $3  }
0x3a: {  	_ = 	snop  }
0x3b: {  	_ = 	snop  }
0x3c: {  	p2 =	seq.s32 s10, $0x1;
	s10 =	sld [smem:$0x3FA6]  }
0x3d: {  	_ =	shalt  }
0x3e: {  	_ =	shalt  }
0x3f: {  	_ =	shalt  }
0x40: {  	_ =	shalt  }
0x41: {  	_ =	shalt  }
0x42: {  	_ =	shalt  }
0x43: {  	_ =	shalt  }
0x44: {  	_ =	shalt  }
0x45: {  	_ =	shalt  }
0x46: {  	_ =	shalt  }
0x47: {  	_ =	shalt  }
0x48: {  	_ =	shalt  }
0x49: {  	_ =	shalt  }
0x4a: {  	_ =	shalt  }
0x4b: {  	_ =	shalt  }
0x4c: {  	_ =	shalt  }
0x4d: {  	_ =	shalt  }
0x4e: {  	_ =	shalt  }
0x4f: {  	_ =	shalt  }
0x50: {  	_ =	shalt  }
0x51: {  	_ =	shalt  }
0x52: {  	_ =	shalt  }
0x53: {  	_ =	shalt  }
0x54: {  	_ =	shalt  }
0x55: {  	_ =	shalt  }
0x56: {  	_ =	shalt  }
0x57: {  	_ =	shalt  }
0x58: {  	_ =	shalt  }
0x59: {  	_ =	shalt  }
0x5a: {  	_ =	shalt  }
0x5b: {  	_ =	shalt  }
0x5c: {  	_ =	shalt  }
0x5d: {  	_ =	shalt  }
0x5e: {  	_ =	shalt  }
0x5f: {  	_ =	shalt  }
0x60: {  	_ =	shalt  }
0x61: {  	_ =	shalt  }
0x62: {  	_ =	shalt  }
0x63: {  	_ =	shalt  }
0x64: {  	_ =	shalt  }
0x65: {  	_ =	shalt  }
0x66: {  	_ =	shalt  }
0x67: {  	_ =	shalt  }
0x68: {  	_ =	shalt  }
0x69: {  	_ =	shalt  }
0x6a: {  	_ =	shalt  }
0x6b: {  	_ =	shalt  }
0x6c: {  	_ =	shalt  }
0x6d: {  	_ =	shalt  }
0x6e: {  	_ =	shalt  }
0x6f: {  	_ =	shalt  }
0x70: {  	_ =	shalt  }
0x71: {  	_ =	shalt  }
0x72: {  	_ =	shalt  }
0x73: {  	_ =	shalt  }
0x74: {  	_ =	shalt  }
0x75: {  	_ =	shalt  }
0x76: {  	_ =	shalt  }
0x77: {  	_ =	shalt  }
0x78: {  	_ =	shalt  }
0x79: {  	_ =	shalt  }
0x7a: {  	_ =	shalt  }
0x7b: {  	_ =	shalt  }
0x7c: {  	_ =	shalt  }
0x7d: {  	_ =	shalt  }
0x7e: {  	_ =	shalt  }
0x7f: {  	_ =	shalt  }
0x80: {  	_ =	shalt  }
0x81: {  	_ =	shalt  }
0x82: {  	_ =	shalt  }
0x83: {  	_ =	shalt  }
0x84: {  	_ =	shalt  }
0x85: {  	_ =	shalt  }
0x86: {  	_ =	shalt  }
0x87: {  	_ =	shalt  }
.Lfunc_end0:
.L_simem_size_0:
called_computation.6_lowered:
.L_overlay_start_0:
0x88: {  	s2 =	sld [smem:$0x3FD9]  }
0x89: {  	s3 =	sld [smem:$0x3FFE];
	_ =	sdelay $0x1  }
0x8a: {  	s1 =	srdreg.scid  }
0x8b: {  	s0 =	sand.u32 $0x1, s1  }
0x8c: {  	s16 =	sshll.u32 s0, $0xA;
	s2 =	sadd.s32 s3, s2  }
0x8d: {  	s2 =	sadd.s32 s2, s16  }
0x8e: {  	[smem:$0x3FB2] =	sst s2  }
0x8f: {  	_ = 	snop  }
0x90: {  	(tm) =	ssettm $0x1  }
0x91: {  	s17 =	sld [smem:$0x3FFB];
	_ =	sdelay $0x3  }
0x92: {  	_ =	strace s17  }
0x93: {  	s2 =	sld [smem:$0x3FFC];
	_ =	sdelay $0x3  }
0x94: {  	_ =	strace s2  }
0x95: {  	s2 =	sld [smem:$0x3FFD];
	_ =	sdelay $0x3  }
0x96: {  	_ =	strace s2  }
0x97: {  	_ =	strace $0x8FFFFFFF  }
0x98: {  	s18 =	sld [smem:$0x3FDB];
	_ =	sdelay $0x1  }
0x99: {  	s19 =	simm.s32 $_scs_section_size  }
0x9a: {  	s4 =	simm.s32 $_size__tile_overlayer_lowered;
	s5 =	simm.s32 $_tile_overlayer_lowered  }
0x9b: {  	s22 =	simm.s32 $0x1BFF;
	s21 =	sshll.u32 s5, $0x1;
	s2 =	sadd.s32 s19, s18  }
0x9c: {  	s6 =	simm.s32 $0x0;
	s20 =	sshll.u32 s4, $0x1;
	s4 =	sadd.s32 s21, s2  }
0x9d: {  	[timem:s6], [sflag:s22] =	dma.local [hbm:s4], s20  }
0x9e: {  	_ =	swait.ge [sflag:s22], s20  }
0x9f: {  	s3 =	ssub.s32 $0x0, s20;
	[sflag:s22] =	ssyncset.done $0x0  }
0xa0: {  	[sflag:s22] =	ssyncadd.s32 s3;
	_ =	sdelay $0x1  }
0xa1: {  	s23 =	simm.s32 $0x1B8B  }
0xa2: {  	_ =	swait.ge [sflag:s23], $0x1  }
0xa3: {  	[sflag:s23] =	ssyncset.done $0x0  }
0xa4: {  	s25 =	simm.s32 $0x1B8E;
	s24 =	sld [smem:$0x3FFE];
	[sflag:s23] =	ssyncadd.s32 $0xFFFFFFFF  }
0xa5: {  	s26 =	simm.s32 $execute0_lowered;
	[smem:$0x3FD2] =	sst s25  }
0xa6: {  	s4 =	sshll.u32 s26, $0x1;
	_ =	strace $0x80000055;
	[dreg:$0x1] =	wrdreg $0xFFFFFFFF  }
0xa7: {  	s28 =	simm.s32 $_size_execute0_lowered;
	s2 =	sadd.s32 s2, s4;
	[dreg:$0x0] =	wrdreg $0x0  }
0xa8: {  	s4 =	sshll.u32 s28, $0x1;
	[dreg:$0x2] =	wrdreg s2  }
0xa9: {  	[dreg:$0x3] =	wrdreg s4  }
0xaa: {  	[dreg:$0x4] =	wrdreg $0xC0  }
0xab: {  	_ =	task [dreg:s6], $0x5FFFF  }
0xac: {  	[dreg:$0x1] =	wrdreg $0xFFFFFFFF  }
0xad: {  	[dreg:$0x0] =	wrdreg $0x60  }
0xae: {  	[dreg:$0x2] =	wrdreg s24  }
0xaf: {  	[dreg:$0x3] =	wrdreg $0xA  }
0xb0: {  	_ =	task.clear_ibuf [dreg:s6], $0x4FFFF;
	_ =	strace $0x90000055  }
0xb1: {  	s29 =	simm.s32 $0xA;
	_ =	strace $0x80000057  }
0xb2: {  	_ =	swait.ge [sflag:s29], $0x1  }
0xb3: {  	[sflag:s29] =	ssyncadd.s32 $0xFFFFFFFF  }
0xb4: {  	_ =	strace $0x90000057  }
0xb5: {  	_ =	sfence  }
0xb6: {  	s30 =	sld [smem:$0x0];
	_ =	sdelay $0x2  }
0xb7: {  	s31 =	sshll.u32 s1, $0xD;
	s1 =	sshrl.u32 s1, $0x2  }
0xb8: {  	s3 =	sand.u32 $0x4000, s31;
	s1 =	sadd.s32 s1, s30  }
0xb9: {  	s0 =	sor.u32 s3, s0;
	s1 =	sshll.u32 s1, $0x11  }
0xba: {  	s0 =	sor.u32 s1, s0  }
0xbb: {  	s0 =	sadd.s32 $0x8F2B, s0  }
0xbc: {  	[sflag:s0] =	ssyncadd.remote.s32 $0x1  }
0xbd: {  	_ =	sfence.sel $0xFFFF  }
0xbe: {  	[dreg:$0x0] =	wrdreg $0xFFFFFFFF;
	(pc) =	sbr.abs _section_cstart, $3  }
0xbf: {  	[dreg:$0x1] =	wrdreg $0xFFFFFFFF  }
0xc0: {  	_ =	task.clear_ibuf [dreg:s6], $0x2FFFF;
	_ =	strace $0x9FFFFFFF  }
0xc1: {  	(tm) =	ssettm $0x7FFFFFFF  }
tec
execute0_lowered:
.L_overlay_start_1:
0x0: {  	(tag) =	ssettag $0x1  }
0x1: {  	s5 =	rddreg [dreg:$0x0]  }
0x2: {  	s0 =	rddreg [dreg:$0x1]  }
0x3: {  	s3 =	srdreg.scid;
	s1 =	stileid.u32  }
0x4: {  	s2 =	simm.s32 $0x0;
	s12 =	simm.s32 $0xC8;
	s13 =	simm.s32 $0x2800  }
0x5: {  	s14 =	simm.s32 $0x8C00;
	s15 =	simm.s32 $0x1;
	s16 =	simm.s32 $0x2  }
0x6: {  	s17 =	simm.s32 $0x3;
	s18 =	simm.s32 $0x4;
	s19 =	simm.s32 $0x0  }
0x7: {  	s6 =	sand.u32 $0x1, s3;
	s30 =	sshll.u32 s1, $0x1;
	[smem:$0x7FF] =	sst s2  }
0x8: {  	s4 =	sadd.s32 $0x355E00, s5;
	s8 =	smul.u32 $0x27100, s1;
	s3 =	sor.u32 s6, s30  }
0x9: {  	_ =	strace $0x80000056;
	s9 =	ssub.s32 $0x2, s6;
	s7 =	smul.u32 $0x1388, s3  }
0xa: {  	s11 =	smul.u32 $0x13880, s6;
	s3 =	sadd.s32 $0xBC000, s5;
	s10 =	sshrl.u32 s9, $0x1  }
0xb: {  	s8 =	sadd.s32 s8, s5;
	s9 =	ssub.s32 s9, s10;
	s7 =	sshrl.u32 s7, $0x3  }
0xc: {  	s31 =	sadd.s32 s11, s8;
	s10 =	simm.s32 $0x5;
	s7 =	sadd.s32 s7, s5  }
0xd: {  	s11 =	simm.s32 $0x1400;
	s8 =	sadd.s32 $0x57E600, s31;
	s5 =	sadd.s32 $0x13000, s7  }
0xe: {  	s6 =	sadd.s32 $0x18000, s7;
	s7 =	smax.u32 s9, $0x1;
	s9 =	sadd.s32 $0x7EF600, s31  }
.LBB2_1:
0xf: {  	[tilespmem:s2], [sflag:$0x5] =	stream.linear.gather [hbm4b:s5+s2], $0x1388, $0x38;
	[tilespmem:$0xF000] =	vst v63  }
0x10: {  	_ =	swait.ge [sflag:s10], $0x1388  }
0x11: {  	[sflag:s10] =	ssyncset.done $0x0  }
0x12: {  	[sflag:s10] =	ssyncadd.s32 $0xFFFFEC78  }
0x13: {  	[tilespmem:s11], [sflag:$0x5] =	stream.linear.gather [hbm4b:s6+s2], $0x1388, $0x38;
	[tilespmem:$0xF000] =	vst v63  }
0x14: {  	_ =	swait.ge [sflag:s10], $0x1388  }
0x15: {  	[sflag:s10] =	ssyncset.done $0x0  }
0x16: {  	s20 =	simm.s32 $0x0;
	[sflag:s10] =	ssyncadd.s32 $0xFFFFEC78  }
0x17: {  	[tilespmem:s13], [sflag:$0x1] =	stream.indirect.gather [hbm4b:s3+s12], $0x80, s20, s12, $0xb8;
	[tilespmem:$0xF000] =	vst v63  }
0x18: {  	s31 =	simm.s32 $0x1400  }
0x19: {  	[tilespmem:s14], [sflag:$0x2] =	stream.indirect.gather [hbm4b:s4+s12], $0x80, s31, s12, $0xb8;
	[tilespmem:$0xF000] =	vst v63  }
0x1a: {  	_ =	swait.ge [sflag:s15], $0x6400  }
0x1b: {  	[sflag:s15] =	ssyncset.done $0x0  }
0x1c: {  	[sflag:s15] =	ssyncadd.s32 $0xFFFF9C00  }
0x1d: {  	_ =	swait.ge [sflag:s16], $0x6400  }
0x1e: {  	[sflag:s16] =	ssyncset.done $0x0  }
0x1f: {  	[sflag:s16] =	ssyncadd.s32 $0xFFFF9C00  }
0x20: {  	[hbm4b:s8+s2] =	stream.linear.scatter [tilespmem:s13], [sflag:$0x3], $0x6400, $0x38;
	[tilespmem:$0xF000] =	vst v63  }
0x21: {  	_ = 	snop  }
0x22: {  	[hbm4b:s9+s2] =	stream.linear.scatter [tilespmem:s14], [sflag:$0x4], $0x6400, $0x38;
	[tilespmem:$0xF000] =	vst v63  }
0x23: {  	_ =	swait.ge [sflag:s17], $0x6400  }
0x24: {  	[sflag:s17] =	ssyncset.done $0x0  }
0x25: {  	[sflag:s17] =	ssyncadd.s32 $0xFFFF9C00  }
0x26: {  	s22 =	simm.s32 $0x320;
	s23 =	simm.s32 $0x640;
	_ =	swait.ge [sflag:s18], $0x6400  }
0x27: {  	s21 =	sadd.s32 $0xC80, s9;
	s20 =	sadd.s32 $0xC80, s8;
	[sflag:s18] =	ssyncset.done $0x0  }
.LBB2_2:
0x28: {  	s24 =	sshra.s32 s22, $0x2  }
0x29: {  	[sflag:s18] =	ssyncadd.s32 $0xFFFF9C00;
	s22 =	smov.u32 s23;
	s25 =	sadd.s32 $0x320, s23  }
0x2a: {  	[tilespmem:s13], [sflag:$0x1] =	stream.indirect.gather [hbm4b:s3+s12], $0x80, s24, s12, $0xb8;
	[tilespmem:$0xF000] =	vst v63  }
0x2b: {  	p0 =	sne.s32 s23, $0x4B00;
	s23 =	sadd.s32 $0x1400, s24  }
0x2c: {  	[tilespmem:s14], [sflag:$0x2] =	stream.indirect.gather [hbm4b:s4+s12], $0x80, s23, s12, $0xb8;
	[tilespmem:$0xF000] =	vst v63  }
0x2d: {  	_ =	swait.ge [sflag:s15], $0x6400  }
0x2e: {  	[sflag:s15] =	ssyncset.done $0x0  }
0x2f: {  	[sflag:s15] =	ssyncadd.s32 $0xFFFF9C00  }
0x30: {  	_ =	swait.ge [sflag:s16], $0x6400  }
0x31: {  	[sflag:s16] =	ssyncset.done $0x0  }
0x32: {  	[sflag:s16] =	ssyncadd.s32 $0xFFFF9C00  }
0x33: {  	[hbm4b:s20+s2] =	stream.linear.scatter [tilespmem:s13], [sflag:$0x3], $0x6400, $0x38;
	[tilespmem:$0xF000] =	vst v63  }
0x34: {  	_ = 	snop  }
0x35: {  	[hbm4b:s21+s2] =	stream.linear.scatter [tilespmem:s14], [sflag:$0x4], $0x6400, $0x38;
	[tilespmem:$0xF000] =	vst v63  }
.Ltmp0:
0x36: {  	_ =	swait.ge [sflag:s17], $0x6400;
	(pc) =	sbr.rel @p0 .LBB2_2-.Ltmp0, $4  }
0x37: {  	[sflag:s17] =	ssyncset.done $0x0  }
0x38: {  	[sflag:s17] =	ssyncadd.s32 $0xFFFF9C00  }
0x39: {  	s23 =	smov.u32 s25;
	_ =	swait.ge [sflag:s18], $0x6400  }
0x3a: {  	s20 =	sadd.s32 $0xC80, s20;
	s21 =	sadd.s32 $0xC80, s21;
	[sflag:s18] =	ssyncset.done $0x0  }
0x3b: {  	s22 =	sshra.s32 s22, $0x2;
	[sflag:s18] =	ssyncadd.s32 $0xFFFF9C00  }
0x3c: {  	[tilespmem:s13], [sflag:$0x1] =	stream.indirect.gather [hbm4b:s3+s12], $0x80, s22, s12, $0xb8;
	[tilespmem:$0xF000] =	vst v63  }
0x3d: {  	s22 =	sadd.s32 $0x1400, s22  }
0x3e: {  	[tilespmem:s14], [sflag:$0x2] =	stream.indirect.gather [hbm4b:s4+s12], $0x80, s22, s12, $0xb8;
	[tilespmem:$0xF000] =	vst v63  }
0x3f: {  	_ =	swait.ge [sflag:s15], $0x6400  }
0x40: {  	[sflag:s15] =	ssyncset.done $0x0  }
0x41: {  	[sflag:s15] =	ssyncadd.s32 $0xFFFF9C00  }
0x42: {  	_ =	swait.ge [sflag:s16], $0x6400  }
0x43: {  	[sflag:s16] =	ssyncset.done $0x0  }
0x44: {  	[sflag:s16] =	ssyncadd.s32 $0xFFFF9C00  }
0x45: {  	[hbm4b:s20+s2] =	stream.linear.scatter [tilespmem:s13], [sflag:$0x3], $0x6400, $0x38;
	[tilespmem:$0xF000] =	vst v63  }
0x46: {  	s19 =	sadd.s32 $0x1, s19  }
0x47: {  	[hbm4b:s21+s2] =	stream.linear.scatter [tilespmem:s14], [sflag:$0x4], $0x6400, $0x38;
	[tilespmem:$0xF000] =	vst v63  }
0x48: {  	p0 =	sne.s32 s19, s7;
	_ =	swait.ge [sflag:s17], $0x6400  }
.Ltmp1:
0x49: {  	[sflag:s17] =	ssyncset.done $0x0;
	(pc) =	sbr.rel @p0 .LBB2_1-.Ltmp1, $4  }
0x4a: {  	[sflag:s17] =	ssyncadd.s32 $0xFFFF9C00  }
0x4b: {  	_ =	swait.ge [sflag:s18], $0x6400  }
0x4c: {  	[sflag:s18] =	ssyncset.done $0x0  }
0x4d: {  	[sflag:s18] =	ssyncadd.s32 $0xFFFF9C00  }
0x4e: {  	_ =	sfence.sel $0x180000  }
0x4f: {  	[bflag:$0x0] =	sbarrier.arrive $0xFFFF  }
0x50: {  	p0 =	sne.s32 s1, $0x0;
	_ =	strace $0x90000056  }
0x51: {  	s0 =	sadd.s32 @!p0 $0x100000, s0;
	[bflag:$0x2] =	sbarrier.arrive $0xFFFF  }
0x52: {  	[sflag:s0] =	ssyncadd.tile.s32 @!p0 $0x1;
	_ =	shalt  }
.Lfunc_end2:
_tile_overlayer_lowered:
.L_overlay_start_2:
0x53: {  	(tag) =	ssettag $0x2  }
0x54: {  	s0 =	rddreg [dreg:$0x0];
	s2 =	stileid.u32  }
0x55: {  	s1 =	rddreg [dreg:$0x1];
	p0 =	sne.s32 s2, $0x0  }
0x56: {  	s3 =	rddreg [dreg:$0x2];
	[bflag:$0x3] =	sbarrier.arrive $0xFFFF;
	s2 =	simm.s32 @!p0 $0x1C05  }
0x57: {  	[timem:s3], [sflag:s2] =	dma.local @!p0 [hbm:s0], s1  }
0x58: {  	s0 =	simm.s32 @!p0 $0x5  }
0x59: {  	_ =	swait.ge @!p0 [sflag:s0], s1  }
0x5a: {  	s1 =	ssub.s32 @!p0 $0x0, s1;
	[sflag:s0] =	ssyncset.done @!p0 $0x0  }
0x5b: {  	[sflag:s0] =	ssyncadd.s32 @!p0 s1  }
0x5c: {  	[bflag:$0x3] =	sbarrier.arrive $0xFFFF  }
0x5d: {  	_ =	shalt  }

// kernel: kernel.43.cloned.1.call-start
scs
__scs_entry_jumppad:
0x0: {  	(pc) =	sbr.rel $0x88, $3  }
0x1: {  	(tag) =	ssettag $0x0;
	lr =	simm.s32 $0x1  }
0x2: {  	[smem:$0x3F8B] =	sst lr;
	_ =	strace $0xD0000000  }
0x3: {  	_ = 	snop  }
0x4: {  	_ = 	snop  }
0x5: {  	_ = 	snop  }
0x6: {  	_ = 	snop  }
0x7: {  	_ = 	snop  }
__scs_overlays_trampoline_lowered:
0x8: {  	[smem:$0x3F9A] =	sst s0  }
0x9: {  	[smem:$0x3F9B] =	sst s1  }
0xa: {  	[smem:$0x3F9C] =	sst s2  }
0xb: {  	[smem:$0x3F9D] =	sst s3  }
0xc: {  	[smem:$0x3F9E] =	sst s4  }
0xd: {  	[smem:$0x3F9F] =	sst s5  }
0xe: {  	[smem:$0x3FA0] =	sst s6  }
0xf: {  	[smem:$0x3FA1] =	sst s7  }
0x10: {  	[smem:$0x3FA2] =	sst s8  }
0x11: {  	[smem:$0x3FA3] =	sst s9;
	s0 =	simm.s32 @!p0 $0x0  }
0x12: {  	s1 =	sld [smem:$0x3F89];
	s0 =	simm.s32 @p0 $0x1  }
0x13: {  	[smem:$0x3FA4] =	sst s0;
	s0 =	simm.s32 @!p1 $0x0  }
0x14: {  	s2 =	sld [smem:$0x3F88];
	s0 =	simm.s32 @p1 $0x1  }
0x15: {  	[smem:$0x3FA5] =	sst s0;
	s0 =	simm.s32 @!p2 $0x0  }
0x16: {  	s3 =	sld [smem:$0x3FDB];
	s0 =	simm.s32 @p2 $0x1  }
0x17: {  	s4 =	simm.s32 $0x1BF5;
	[smem:$0x3FA7] =	sst s0  }
0x18: {  	s0 =	sld [smem:$0x3F8A];
	_ =	swait.ge [sflag:s4], $0x0  }
0x19: {  	s7 =	sld [smem:$0x3F8B]  }
0x1a: {  	s8 =	sadd.s32 $0xFFFFE003, lr  }
0x1b: {  	s9 =	sadd.s32 $0xFFFFFEF7, lr;
	s5 =	simm.s32 $0xFFFFFFFF;
	p2 =	slt.u32 s8, $0xFFFFF086  }
0x1c: {  	p1 =	slt.u32 s9, $0xF7A;
	s5 =	simm.s32 @!p2 $0x0  }
0x1d: {  	s5 =	simm.s32 @p1 $0x1;
	p0 =	seq.s32 s7, s2  }
0x1e: {  	s7 =	smul.u32 @!p0 $0xF7A, s2;
	p2 =	seq.s32 @!p0 s5, $0x0  }
0x1f: {  	s9 =	smul.u32 $0xF7A, s1;
	s8 =	simm.s32 @!p0 $0x1BF5;
	p2 =	por !p2, p0  }
0x20: {  	[sflag:s8] =	ssyncset.s32 @!p0 $0xFFFFF086;
	s6 =	sadd.s32 @!p0 s3, s7;
	s7 =	simm.s32 @!p0 $0x108  }
0x21: {  	s3 =	sadd.s32 s3, s9;
	s6 =	sadd.s32 @!p0 $0x88, s6;
	s7 =	simm.s32 @p2 $0x1082  }
0x22: {  	[simem:s7], [sflag:s8] =	dma.local @!p0 [hbm:s6], $0xF7A  }
0x23: {  	s9 =	sor.u32 $0xD0000000, s2;
	s6 =	simm.s32 $0x108;
	_ =	swait.ge @!p0 [sflag:s8], $0x0  }
0x24: {  	s3 =	sadd.s32 $0x88, s3;
	s6 =	simm.s32 @!p1 $0x1082;
	[sflag:s4] =	ssyncset.s32 $0xFFFFF086  }
0x25: {  	[simem:s6], [sflag:s4] =	dma.local [hbm:s3], $0xF7A  }
0x26: {  	[smem:$0x3F8B] =	sst s1;
	(tag) =	ssettag s2;
	_ =	strace s9  }
0x27: {  	s1 =	sld [smem:$0x3F9B]  }
0x28: {  	s2 =	sld [smem:$0x3F9C]  }
0x29: {  	s4 =	sld [smem:$0x3F9E]  }
0x2a: {  	p0 =	seq.s32 s5, $0x0;
	s5 =	sld [smem:$0x3F9F]  }
0x2b: {  	s6 =	sld [smem:$0x3FA0]  }
0x2c: {  	s7 =	sld [smem:$0x3FA1]  }
0x2d: {  	s3 =	simm.s32 $0x108;
	s8 =	sld [smem:$0x3FA2]  }
0x2e: {  	s3 =	simm.s32 @!p0 $0x1082;
	s9 =	sld [smem:$0x3FA3]  }
0x2f: {  	lr =	sadd.s32 s0, s3;
	s0 =	sld [smem:$0x3F9A]  }
0x30: {  	s3 =	sld [smem:$0x3F9D]  }
0x31: {  	[smem:$0x3FA6] =	sst s10  }
0x32: {  	s10 =	sld [smem:$0x3FA4];
	_ =	sdelay $0x3  }
0x33: {  	p0 =	seq.s32 s10, $0x1;
	s10 =	sld [smem:$0x3FA6];
	_ =	sdelay $0x3  }
0x34: {  	[smem:$0x3FA6] =	sst s10  }
0x35: {  	s10 =	sld [smem:$0x3FA5];
	_ =	sdelay $0x3  }
0x36: {  	p1 =	seq.s32 s10, $0x1;
	s10 =	sld [smem:$0x3FA6];
	_ =	sdelay $0x3  }
0x37: {  	[smem:$0x3FA6] =	sst s10  }
0x38: {  	s10 =	sld [smem:$0x3FA7]  }
0x39: {  	_ = 	snop;
	(pc) =	sbr.ind lr, $3  }
0x3a: {  	_ = 	snop  }
0x3b: {  	_ = 	snop  }
0x3c: {  	p2 =	seq.s32 s10, $0x1;
	s10 =	sld [smem:$0x3FA6]  }
0x3d: {  	_ =	shalt  }
0x3e: {  	_ =	shalt  }
0x3f: {  	_ =	shalt  }
0x40: {  	_ =	shalt  }
0x41: {  	_ =	shalt  }
0x42: {  	_ =	shalt  }
0x43: {  	_ =	shalt  }
0x44: {  	_ =	shalt  }
0x45: {  	_ =	shalt  }
0x46: {  	_ =	shalt  }
0x47: {  	_ =	shalt  }
0x48: {  	_ =	shalt  }
0x49: {  	_ =	shalt  }
0x4a: {  	_ =	shalt  }
0x4b: {  	_ =	shalt  }
0x4c: {  	_ =	shalt  }
0x4d: {  	_ =	shalt  }
0x4e: {  	_ =	shalt  }
0x4f: {  	_ =	shalt  }
0x50: {  	_ =	shalt  }
0x51: {  	_ =	shalt  }
0x52: {  	_ =	shalt  }
0x53: {  	_ =	shalt  }
0x54: {  	_ =	shalt  }
0x55: {  	_ =	shalt  }
0x56: {  	_ =	shalt  }
0x57: {  	_ =	shalt  }
0x58: {  	_ =	shalt  }
0x59: {  	_ =	shalt  }
0x5a: {  	_ =	shalt  }
0x5b: {  	_ =	shalt  }
0x5c: {  	_ =	shalt  }
0x5d: {  	_ =	shalt  }
0x5e: {  	_ =	shalt  }
0x5f: {  	_ =	shalt  }
0x60: {  	_ =	shalt  }
0x61: {  	_ =	shalt  }
0x62: {  	_ =	shalt  }
0x63: {  	_ =	shalt  }
0x64: {  	_ =	shalt  }
0x65: {  	_ =	shalt  }
0x66: {  	_ =	shalt  }
0x67: {  	_ =	shalt  }
0x68: {  	_ =	shalt  }
0x69: {  	_ =	shalt  }
0x6a: {  	_ =	shalt  }
0x6b: {  	_ =	shalt  }
0x6c: {  	_ =	shalt  }
0x6d: {  	_ =	shalt  }
0x6e: {  	_ =	shalt  }
0x6f: {  	_ =	shalt  }
0x70: {  	_ =	shalt  }
0x71: {  	_ =	shalt  }
0x72: {  	_ =	shalt  }
0x73: {  	_ =	shalt  }
0x74: {  	_ =	shalt  }
0x75: {  	_ =	shalt  }
0x76: {  	_ =	shalt  }
0x77: {  	_ =	shalt  }
0x78: {  	_ =	shalt  }
0x79: {  	_ =	shalt  }
0x7a: {  	_ =	shalt  }
0x7b: {  	_ =	shalt  }
0x7c: {  	_ =	shalt  }
0x7d: {  	_ =	shalt  }
0x7e: {  	_ =	shalt  }
0x7f: {  	_ =	shalt  }
0x80: {  	_ =	shalt  }
0x81: {  	_ =	shalt  }
0x82: {  	_ =	shalt  }
0x83: {  	_ =	shalt  }
0x84: {  	_ =	shalt  }
0x85: {  	_ =	shalt  }
0x86: {  	_ =	shalt  }
0x87: {  	_ =	shalt  }
.Lfunc_end0:
.L_simem_size_0:
called_computation.7_lowered:
.L_overlay_start_0:
0x88: {  	s2 =	sld [smem:$0x3FD9]  }
0x89: {  	s3 =	sld [smem:$0x3FFE];
	_ =	sdelay $0x1  }
0x8a: {  	s1 =	srdreg.scid  }
0x8b: {  	s0 =	sand.u32 $0x1, s1  }
0x8c: {  	s17 =	sshll.u32 s0, $0xA;
	s2 =	sadd.s32 s3, s2  }
0x8d: {  	s2 =	sadd.s32 s2, s17  }
0x8e: {  	[smem:$0x3FB2] =	sst s2  }
0x8f: {  	_ = 	snop  }
0x90: {  	(tm) =	ssettm $0x1  }
0x91: {  	s18 =	sld [smem:$0x3FFB];
	_ =	sdelay $0x3  }
0x92: {  	_ =	strace s18  }
0x93: {  	s2 =	sld [smem:$0x3FFC];
	_ =	sdelay $0x3  }
0x94: {  	_ =	strace s2  }
0x95: {  	s2 =	sld [smem:$0x3FFD];
	_ =	sdelay $0x3  }
0x96: {  	_ =	strace s2  }
0x97: {  	_ =	strace $0x8FFFFFFF  }
0x98: {  	s19 =	sld [smem:$0x3FDB];
	_ =	sdelay $0x1  }
0x99: {  	s20 =	simm.s32 $_scs_section_size  }
0x9a: {  	s4 =	simm.s32 $_size__tile_overlayer_lowered;
	s5 =	simm.s32 $_tile_overlayer_lowered  }
0x9b: {  	s6 =	simm.s32 $0x1BFF;
	s21 =	sshll.u32 s5, $0x1;
	s3 =	sadd.s32 s20, s19  }
0x9c: {  	s22 =	simm.s32 $0x0;
	s4 =	sshll.u32 s4, $0x1;
	s5 =	sadd.s32 s21, s3  }
0x9d: {  	[timem:s22], [sflag:s6] =	dma.local [hbm:s5], s4  }
0x9e: {  	_ =	swait.ge [sflag:s6], s4  }
0x9f: {  	s4 =	ssub.s32 $0x0, s4;
	[sflag:s6] =	ssyncset.done $0x0  }
0xa0: {  	[sflag:s6] =	ssyncadd.s32 s4;
	_ =	sdelay $0x1  }
0xa1: {  	s23 =	simm.s32 $0x1B8B  }
0xa2: {  	_ =	swait.ge [sflag:s23], $0x1  }
0xa3: {  	[sflag:s23] =	ssyncset.done $0x0  }
0xa4: {  	[sflag:s23] =	ssyncadd.s32 $0xFFFFFFFF  }
0xa5: {  	s4 =	sld [smem:$0x0]  }
0xa6: {  	s5 =	sand.u32 $0xFFFFFFFE, s1  }
0xa7: {  	p0 =	sne.s32 s1, s5  }
0xa8: {  	s5 =	sshll.u32 @p0 s5, $0xE  }
0xa9: {  	s5 =	sadd.s32 @p0 $0x11B8D, s5;
	s6 =	sshll.u32 @p0 s4, $0x11  }
0xaa: {  	s5 =	sor.u32 @p0 s6, s5  }
0xab: {  	[sflag:s5] =	ssyncadd.remote.s32 @p0 $0x1;
	_ =	sdelay $0x1  }
0xac: {  	s5 =	simm.s32 @p0 $0x1B8D  }
0xad: {  	_ =	swait.eq @p0 [sflag:s5], $0x1  }
0xae: {  	[sflag:s5] =	ssyncadd.s32 @p0 $0xFFFFFFFF  }
0xaf: {  	s6 =	sshll.u32 @!p0 s1, $0xE  }
0xb0: {  	s6 =	sor.u32 @!p0 $0x4000, s6;
	s5 =	simm.s32 @!p0 $0x1B8D  }
0xb1: {  	s4 =	sshll.u32 @!p0 s4, $0x11;
	s6 =	sadd.s32 @!p0 $0x11B8D, s6;
	_ =	swait.eq @!p0 [sflag:s5], $0x1  }
0xb2: {  	s4 =	sor.u32 @!p0 s4, s6;
	[sflag:s5] =	ssyncadd.s32 @!p0 $0xFFFFFFFF  }
0xb3: {  	s25 =	simm.s32 $0x1B8E;
	s24 =	sld [smem:$0x3FFE];
	[sflag:s4] =	ssyncadd.remote.s32 @!p0 $0x1  }
0xb4: {  	s26 =	simm.s32 $execute0_lowered;
	[smem:$0x3FD2] =	sst s25  }
0xb5: {  	s5 =	sshll.u32 s26, $0x1;
	_ =	strace $0x8000005E;
	[dreg:$0x1] =	wrdreg $0xFFFFFFFF  }
0xb6: {  	s28 =	simm.s32 $_size_execute0_lowered;
	s3 =	sadd.s32 s3, s5;
	[dreg:$0x0] =	wrdreg $0x0  }
0xb7: {  	s5 =	sshll.u32 s28, $0x1;
	[dreg:$0x2] =	wrdreg s3  }
0xb8: {  	[dreg:$0x3] =	wrdreg s5  }
0xb9: {  	[dreg:$0x4] =	wrdreg $0xC0  }
0xba: {  	_ =	task [dreg:s22], $0x5FFFF  }
0xbb: {  	[dreg:$0x1] =	wrdreg $0xFFFFFFFF  }
0xbc: {  	[dreg:$0x0] =	wrdreg $0x60  }
0xbd: {  	[dreg:$0x2] =	wrdreg s24  }
0xbe: {  	[dreg:$0x3] =	wrdreg $0x65000  }
0xbf: {  	[dreg:$0x4] =	wrdreg $0x9  }
0xc0: {  	_ =	task.clear_ibuf [dreg:s22], $0x5FFFF;
	_ =	strace $0x9000005E  }
0xc1: {  	s29 =	simm.s32 $0x9;
	_ =	strace $0x80000060  }
0xc2: {  	_ =	swait.ge [sflag:s29], $0x1  }
0xc3: {  	[sflag:s29] =	ssyncadd.s32 $0xFFFFFFFF  }
0xc4: {  	_ =	strace $0x90000060  }
0xc5: {  	_ =	sfence  }
0xc6: {  	s30 =	sld [smem:$0x0];
	_ =	sdelay $0x2  }
0xc7: {  	s31 =	sshll.u32 s1, $0xD;
	s1 =	sshrl.u32 s1, $0x2  }
0xc8: {  	s4 =	sand.u32 $0x4000, s31;
	s1 =	sadd.s32 s1, s30  }
0xc9: {  	s0 =	sor.u32 s4, s0;
	s1 =	sshll.u32 s1, $0x11  }
0xca: {  	s0 =	sor.u32 s1, s0  }
0xcb: {  	s0 =	sadd.s32 $0x8F2B, s0  }
0xcc: {  	[sflag:s0] =	ssyncadd.remote.s32 $0x1  }
0xcd: {  	_ =	sfence.sel $0xFFFF  }
0xce: {  	[dreg:$0x0] =	wrdreg $0xFFFFFFFF;
	(pc) =	sbr.abs _section_cstart, $3  }
0xcf: {  	[dreg:$0x1] =	wrdreg $0xFFFFFFFF  }
0xd0: {  	_ =	task.clear_ibuf [dreg:s22], $0x2FFFF;
	_ =	strace $0x9FFFFFFF  }
0xd1: {  	(tm) =	ssettm $0x7FFFFFFF  }
tec
execute0_lowered:
.L_overlay_start_1:
0x0: {  	(tag) =	ssettag $0x1  }
0x1: {  	s5 =	rddreg [dreg:$0x0];
	s0 =	stileid.u32  }
0x2: {  	s1 =	srdreg.scid;
	s4 =	smul.u32 $0x2710, s0  }
0x3: {  	s2 =	rddreg [dreg:$0x1];
	s3 =	simm.s32 $0x0;
	s7 =	smul.u32 $0x27100, s0  }
0x4: {  	s21 =	simm.s32 $0x1;
	s22 =	simm.s32 $0xC8;
	s25 =	smul.u32 $0x50000, s0  }
0x5: {  	s11 =	sand.u32 $0x1, s1;
	s1 =	rddreg [dreg:$0x2];
	s13 =	smul.u32 $0x14000, s0  }
0x6: {  	s23 =	simm.s32 $0x0;
	[smem:$0x7FF] =	sst s3;
	s6 =	smul.u32 $0x1388, s11  }
0x7: {  	s14 =	sadd.s32 $0x3F5E00, s5;
	s29 =	sshll.u32 s0, $0x6;
	s12 =	smul.u32 $0x140000, s11  }
0x8: {  	_ =	strace $0x8000005F;
	s26 =	ssub.s32 $0x2, s11;
	s20 =	smul.u32 $0x13880, s11  }
0x9: {  	s15 =	sadd.s32 s7, s5;
	s8 =	sshrl.u32 s26, $0x1;
	s28 =	sshrl.u32 s25, $0x2  }
0xa: {  	s9 =	sadd.s32 $0x5000, s13;
	s17 =	sadd.s32 $0xA000, s13;
	s4 =	sadd.s32 s6, s4  }
0xb: {  	s7 =	ssub.s32 s26, s8;
	s30 =	sadd.s32 s12, s13;
	s6 =	sor.u32 $0x1C03, s29  }
0xc: {  	s10 =	sadd.s32 s12, s9;
	s9 =	sadd.s32 s9, s2;
	s18 =	sadd.s32 s12, s17  }
0xd: {  	s13 =	sadd.s32 $0xF000, s13;
	s11 =	sadd.s32 s17, s2;
	s15 =	sadd.s32 s20, s15  }
0xe: {  	s20 =	simm.s32 $0x2;
	s4 =	sshrl.u32 s4, $0x3;
	s8 =	sshrl.u32 s30, $0x3  }
0xf: {  	s7 =	smax.u32 s7, $0x1;
	s10 =	sshrl.u32 s10, $0x3;
	s18 =	sshrl.u32 s18, $0x3  }
0x10: {  	s19 =	sadd.s32 s12, s13;
	s13 =	sadd.s32 s13, s2;
	s15 =	sadd.s32 $0x57E600, s15  }
0x11: {  	s16 =	sadd.s32 s4, s5;
	s4 =	sadd.s32 $0x92600, s5;
	s5 =	sadd.s32 s28, s2  }
0x12: {  	s8 =	sadd.s32 s14, s8;
	s10 =	sadd.s32 s14, s10;
	s12 =	sadd.s32 s14, s18  }
0x13: {  	s31 =	sshrl.u32 s19, $0x3;
	s18 =	simm.s32 $0x3;
	s19 =	simm.s32 $0x6400  }
0x14: {  	s14 =	sadd.s32 s14, s31;
	s16 =	sadd.s32 $0x579600, s16;
	s17 =	sshrl.u32 s5, $0x3  }
.LBB2_1:
0x15: {  	[spmem:s17], [sflag:s6] =	dma.local [hbm:s4], $0x2800  }
0x16: {  	_ =	swait.ge [sflag:s18], $0x2800  }
0x17: {  	[sflag:s18] =	ssyncset.done $0x0  }
0x18: {  	[sflag:s18] =	ssyncadd.s32 $0xFFFFD800  }
0x19: {  	s24 =	sadd.s32 $0x0, s16;
	[bflag:$0x0] =	sbarrier.arrive $0xFFFF  }
0x1a: {  	[tilespmem:s19], [sflag:$0x2] =	stream.linear.gather [hbm4b:s24+s3], $0xC8, $0x38;
	[tilespmem:$0x1A500] =	vst v63  }
0x1b: {  	_ = 	snop  }
0x1c: {  	[tilespmem:s3], [sflag:$0x1] =	stream.linear.gather [hbm4b:s15+s3], $0x6400, $0x38;
	[tilespmem:$0x1A500] =	vst v63  }
0x1d: {  	_ =	swait.ge [sflag:s20], $0xC8  }
0x1e: {  	[sflag:s20] =	ssyncset.done $0x0  }
0x1f: {  	[sflag:s20] =	ssyncadd.s32 $0xFFFFFF38  }
0x20: {  	_ =	swait.ge [sflag:s21], $0x6400  }
0x21: {  	[sflag:s21] =	ssyncset.done $0x0  }
0x22: {  	[sflag:s21] =	ssyncadd.s32 $0xFFFF9C00  }
0x23: {  	[spmem:s2] =	stream.indirect.scatter.add.f32 [tilespmem:s3], [sflag:$0x3], $0x80, s19, s22, $0xb8;
	[tilespmem:$0x1A500] =	vst v63  }
0x24: {  	s25 =	simm.s32 $0x19;
	_ =	swait.ge [sflag:s18], $0x6400  }
0x25: {  	s26 =	simm.s32 $0x32;
	s24 =	sadd.s32 $0xC80, s15;
	[sflag:s18] =	ssyncset.done $0x0  }
.LBB2_2:
0x26: {  	s28 =	sadd.s32 s25, s16  }
0x27: {  	[sflag:s18] =	ssyncadd.s32 $0xFFFF9C00;
	s25 =	smov.u32 s26;
	s29 =	sadd.s32 $0x19, s26  }
0x28: {  	[tilespmem:s19], [sflag:$0x2] =	stream.linear.gather [hbm4b:s28+s3], $0xC8, $0x38;
	[tilespmem:$0x1A500] =	vst v63  }
0x29: {  	p0 =	sne.s32 s26, $0x258  }
0x2a: {  	[tilespmem:s3], [sflag:$0x1] =	stream.linear.gather [hbm4b:s24+s3], $0x6400, $0x38;
	[tilespmem:$0x1A500] =	vst v63  }
0x2b: {  	_ =	swait.ge [sflag:s20], $0xC8  }
0x2c: {  	[sflag:s20] =	ssyncset.done $0x0  }
0x2d: {  	[sflag:s20] =	ssyncadd.s32 $0xFFFFFF38  }
0x2e: {  	_ =	swait.ge [sflag:s21], $0x6400  }
.Ltmp0:
0x2f: {  	[sflag:s21] =	ssyncset.done $0x0;
	(pc) =	sbr.rel @p0 .LBB2_2-.Ltmp0, $4  }
0x30: {  	[sflag:s21] =	ssyncadd.s32 $0xFFFF9C00  }
0x31: {  	[spmem:s2] =	stream.indirect.scatter.add.f32 [tilespmem:s3], [sflag:$0x3], $0x80, s19, s22, $0xb8;
	[tilespmem:$0x1A500] =	vst v63  }
0x32: {  	_ =	swait.ge [sflag:s18], $0x6400  }
0x33: {  	s26 =	smov.u32 s29;
	s24 =	sadd.s32 $0xC80, s24;
	[sflag:s18] =	ssyncset.done $0x0  }
0x34: {  	s25 =	sadd.s32 s25, s16;
	[sflag:s18] =	ssyncadd.s32 $0xFFFF9C00  }
0x35: {  	[tilespmem:s19], [sflag:$0x2] =	stream.linear.gather [hbm4b:s25+s3], $0xC8, $0x38;
	[tilespmem:$0x1A500] =	vst v63  }
0x36: {  	_ = 	snop  }
0x37: {  	[tilespmem:s3], [sflag:$0x1] =	stream.linear.gather [hbm4b:s24+s3], $0x6400, $0x38;
	[tilespmem:$0x1A500] =	vst v63  }
0x38: {  	_ =	swait.ge [sflag:s20], $0xC8  }
0x39: {  	[sflag:s20] =	ssyncset.done $0x0  }
0x3a: {  	[sflag:s20] =	ssyncadd.s32 $0xFFFFFF38  }
0x3b: {  	_ =	swait.ge [sflag:s21], $0x6400  }
0x3c: {  	[sflag:s21] =	ssyncset.done $0x0  }
0x3d: {  	[sflag:s21] =	ssyncadd.s32 $0xFFFF9C00  }
0x3e: {  	[spmem:s2] =	stream.indirect.scatter.add.f32 [tilespmem:s3], [sflag:$0x3], $0x80, s19, s22, $0xb8;
	[tilespmem:$0x1A500] =	vst v63  }
0x3f: {  	_ =	swait.ge [sflag:s18], $0x6400  }
0x40: {  	[sflag:s18] =	ssyncset.done $0x0  }
0x41: {  	[sflag:s18] =	ssyncadd.s32 $0xFFFF9C00  }
0x42: {  	[bflag:$0x0] =	sbarrier.arrive $0xFFFF  }
0x43: {  	[tilespmem:s3], [sflag:$0x3] =	stream.linear.gather [spmem:s5], $0x5000, $0x38;
	[tilespmem:$0x1A500] =	vst v63  }
0x44: {  	_ =	swait.ge [sflag:s18], $0x5000  }
0x45: {  	[sflag:s18] =	ssyncset.done $0x0  }
0x46: {  	[sflag:s18] =	ssyncadd.s32 $0xFFFFB000  }
0x47: {  	[hbm4b:s8+s3] =	stream.linear.scatter [tilespmem:s3], [sflag:$0x3], $0x5000, $0x38;
	[tilespmem:$0x1A500] =	vst v63  }
0x48: {  	_ =	swait.ge [sflag:s18], $0x5000  }
0x49: {  	[sflag:s18] =	ssyncset.done $0x0  }
0x4a: {  	[sflag:s18] =	ssyncadd.s32 $0xFFFFB000  }
0x4b: {  	[tilespmem:s3], [sflag:$0x3] =	stream.linear.gather [spmem:s9], $0x5000, $0x38;
	[tilespmem:$0x1A500] =	vst v63  }
0x4c: {  	_ =	swait.ge [sflag:s18], $0x5000  }
0x4d: {  	[sflag:s18] =	ssyncset.done $0x0  }
0x4e: {  	[sflag:s18] =	ssyncadd.s32 $0xFFFFB000  }
0x4f: {  	[hbm4b:s10+s3] =	stream.linear.scatter [tilespmem:s3], [sflag:$0x3], $0x5000, $0x38;
	[tilespmem:$0x1A500] =	vst v63  }
0x50: {  	_ =	swait.ge [sflag:s18], $0x5000  }
0x51: {  	[sflag:s18] =	ssyncset.done $0x0  }
0x52: {  	[sflag:s18] =	ssyncadd.s32 $0xFFFFB000  }
0x53: {  	[tilespmem:s3], [sflag:$0x3] =	stream.linear.gather [spmem:s11], $0x5000, $0x38;
	[tilespmem:$0x1A500] =	vst v63  }
0x54: {  	_ =	swait.ge [sflag:s18], $0x5000  }
0x55: {  	[sflag:s18] =	ssyncset.done $0x0  }
0x56: {  	[sflag:s18] =	ssyncadd.s32 $0xFFFFB000  }
0x57: {  	[hbm4b:s12+s3] =	stream.linear.scatter [tilespmem:s3], [sflag:$0x3], $0x5000, $0x38;
	[tilespmem:$0x1A500] =	vst v63  }
0x58: {  	_ =	swait.ge [sflag:s18], $0x5000  }
0x59: {  	[sflag:s18] =	ssyncset.done $0x0  }
0x5a: {  	[sflag:s18] =	ssyncadd.s32 $0xFFFFB000  }
0x5b: {  	[tilespmem:s3], [sflag:$0x3] =	stream.linear.gather [spmem:s13], $0x5000, $0x38;
	[tilespmem:$0x1A500] =	vst v63  }
0x5c: {  	s23 =	sadd.s32 $0x1, s23;
	_ =	swait.ge [sflag:s18], $0x5000  }
0x5d: {  	p0 =	sne.s32 s23, s7;
	[sflag:s18] =	ssyncset.done $0x0  }
.Ltmp1:
0x5e: {  	[sflag:s18] =	ssyncadd.s32 $0xFFFFB000;
	(pc) =	sbr.rel @p0 .LBB2_1-.Ltmp1, $4  }
0x5f: {  	[hbm4b:s14+s3] =	stream.linear.scatter [tilespmem:s3], [sflag:$0x3], $0x5000, $0x38;
	[tilespmem:$0x1A500] =	vst v63  }
0x60: {  	_ =	swait.ge [sflag:s18], $0x5000  }
0x61: {  	[sflag:s18] =	ssyncset.done $0x0  }
0x62: {  	[sflag:s18] =	ssyncadd.s32 $0xFFFFB000  }
0x63: {  	_ =	sfence.sel $0x180000  }
0x64: {  	[bflag:$0x0] =	sbarrier.arrive $0xFFFF  }
0x65: {  	p0 =	sne.s32 s0, $0x0;
	_ =	strace $0x9000005F  }
0x66: {  	s0 =	sadd.s32 @!p0 $0x100000, s1;
	[bflag:$0x2] =	sbarrier.arrive $0xFFFF  }
0x67: {  	[sflag:s0] =	ssyncadd.tile.s32 @!p0 $0x1;
	_ =	shalt  }
.Lfunc_end2:
_tile_overlayer_lowered:
.L_overlay_start_2:
0x68: {  	(tag) =	ssettag $0x2  }
0x69: {  	s0 =	rddreg [dreg:$0x0];
	s2 =	stileid.u32  }
0x6a: {  	s1 =	rddreg [dreg:$0x1];
	p0 =	sne.s32 s2, $0x0  }
0x6b: {  	s3 =	rddreg [dreg:$0x2];
	[bflag:$0x3] =	sbarrier.arrive $0xFFFF;
	s2 =	simm.s32 @!p0 $0x1C03  }
0x6c: {  	[timem:s3], [sflag:s2] =	dma.local @!p0 [hbm:s0], s1  }
0x6d: {  	s0 =	simm.s32 @!p0 $0x3  }
0x6e: {  	_ =	swait.ge @!p0 [sflag:s0], s1  }
0x6f: {  	s1 =	ssub.s32 @!p0 $0x0, s1;
	[sflag:s0] =	ssyncset.done @!p0 $0x0  }
0x70: {  	[sflag:s0] =	ssyncadd.s32 @!p0 s1  }
0x71: {  	[bflag:$0x3] =	sbarrier.arrive $0xFFFF  }
0x72: {  	_ =	shalt  }

// kernel: kernel.46.cloned.1.call-start
scs
__scs_entry_jumppad:
0x0: {  	(pc) =	sbr.rel $0x88, $3  }
0x1: {  	(tag) =	ssettag $0x0;
	lr =	simm.s32 $0x1  }
0x2: {  	[smem:$0x3F8B] =	sst lr;
	_ =	strace $0xD0000000  }
0x3: {  	_ = 	snop  }
0x4: {  	_ = 	snop  }
0x5: {  	_ = 	snop  }
0x6: {  	_ = 	snop  }
0x7: {  	_ = 	snop  }
__scs_overlays_trampoline_lowered:
0x8: {  	[smem:$0x3F9A] =	sst s0  }
0x9: {  	[smem:$0x3F9B] =	sst s1  }
0xa: {  	[smem:$0x3F9C] =	sst s2  }
0xb: {  	[smem:$0x3F9D] =	sst s3  }
0xc: {  	[smem:$0x3F9E] =	sst s4  }
0xd: {  	[smem:$0x3F9F] =	sst s5  }
0xe: {  	[smem:$0x3FA0] =	sst s6  }
0xf: {  	[smem:$0x3FA1] =	sst s7  }
0x10: {  	[smem:$0x3FA2] =	sst s8  }
0x11: {  	[smem:$0x3FA3] =	sst s9;
	s0 =	simm.s32 @!p0 $0x0  }
0x12: {  	s1 =	sld [smem:$0x3F89];
	s0 =	simm.s32 @p0 $0x1  }
0x13: {  	[smem:$0x3FA4] =	sst s0;
	s0 =	simm.s32 @!p1 $0x0  }
0x14: {  	s2 =	sld [smem:$0x3F88];
	s0 =	simm.s32 @p1 $0x1  }
0x15: {  	[smem:$0x3FA5] =	sst s0;
	s0 =	simm.s32 @!p2 $0x0  }
0x16: {  	s3 =	sld [smem:$0x3FDB];
	s0 =	simm.s32 @p2 $0x1  }
0x17: {  	s4 =	simm.s32 $0x1BF5;
	[smem:$0x3FA7] =	sst s0  }
0x18: {  	s0 =	sld [smem:$0x3F8A];
	_ =	swait.ge [sflag:s4], $0x0  }
0x19: {  	s7 =	sld [smem:$0x3F8B]  }
0x1a: {  	s8 =	sadd.s32 $0xFFFFE003, lr  }
0x1b: {  	s9 =	sadd.s32 $0xFFFFFEF7, lr;
	s5 =	simm.s32 $0xFFFFFFFF;
	p2 =	slt.u32 s8, $0xFFFFF086  }
0x1c: {  	p1 =	slt.u32 s9, $0xF7A;
	s5 =	simm.s32 @!p2 $0x0  }
0x1d: {  	s5 =	simm.s32 @p1 $0x1;
	p0 =	seq.s32 s7, s2  }
0x1e: {  	s7 =	smul.u32 @!p0 $0xF7A, s2;
	p2 =	seq.s32 @!p0 s5, $0x0  }
0x1f: {  	s9 =	smul.u32 $0xF7A, s1;
	s8 =	simm.s32 @!p0 $0x1BF5;
	p2 =	por !p2, p0  }
0x20: {  	[sflag:s8] =	ssyncset.s32 @!p0 $0xFFFFF086;
	s6 =	sadd.s32 @!p0 s3, s7;
	s7 =	simm.s32 @!p0 $0x108  }
0x21: {  	s3 =	sadd.s32 s3, s9;
	s6 =	sadd.s32 @!p0 $0x88, s6;
	s7 =	simm.s32 @p2 $0x1082  }
0x22: {  	[simem:s7], [sflag:s8] =	dma.local @!p0 [hbm:s6], $0xF7A  }
0x23: {  	s9 =	sor.u32 $0xD0000000, s2;
	s6 =	simm.s32 $0x108;
	_ =	swait.ge @!p0 [sflag:s8], $0x0  }
0x24: {  	s3 =	sadd.s32 $0x88, s3;
	s6 =	simm.s32 @!p1 $0x1082;
	[sflag:s4] =	ssyncset.s32 $0xFFFFF086  }
0x25: {  	[simem:s6], [sflag:s4] =	dma.local [hbm:s3], $0xF7A  }
0x26: {  	[smem:$0x3F8B] =	sst s1;
	(tag) =	ssettag s2;
	_ =	strace s9  }
0x27: {  	s1 =	sld [smem:$0x3F9B]  }
0x28: {  	s2 =	sld [smem:$0x3F9C]  }
0x29: {  	s4 =	sld [smem:$0x3F9E]  }
0x2a: {  	p0 =	seq.s32 s5, $0x0;
	s5 =	sld [smem:$0x3F9F]  }
0x2b: {  	s6 =	sld [smem:$0x3FA0]  }
0x2c: {  	s7 =	sld [smem:$0x3FA1]  }
0x2d: {  	s3 =	simm.s32 $0x108;
	s8 =	sld [smem:$0x3FA2]  }
0x2e: {  	s3 =	simm.s32 @!p0 $0x1082;
	s9 =	sld [smem:$0x3FA3]  }
0x2f: {  	lr =	sadd.s32 s0, s3;
	s0 =	sld [smem:$0x3F9A]  }
0x30: {  	s3 =	sld [smem:$0x3F9D]  }
0x31: {  	[smem:$0x3FA6] =	sst s10  }
0x32: {  	s10 =	sld [smem:$0x3FA4];
	_ =	sdelay $0x3  }
0x33: {  	p0 =	seq.s32 s10, $0x1;
	s10 =	sld [smem:$0x3FA6];
	_ =	sdelay $0x3  }
0x34: {  	[smem:$0x3FA6] =	sst s10  }
0x35: {  	s10 =	sld [smem:$0x3FA5];
	_ =	sdelay $0x3  }
0x36: {  	p1 =	seq.s32 s10, $0x1;
	s10 =	sld [smem:$0x3FA6];
	_ =	sdelay $0x3  }
0x37: {  	[smem:$0x3FA6] =	sst s10  }
0x38: {  	s10 =	sld [smem:$0x3FA7]  }
0x39: {  	_ = 	snop;
	(pc) =	sbr.ind lr, $3  }
0x3a: {  	_ = 	snop  }
0x3b: {  	_ = 	snop  }
0x3c: {  	p2 =	seq.s32 s10, $0x1;
	s10 =	sld [smem:$0x3FA6]  }
0x3d: {  	_ =	shalt  }
0x3e: {  	_ =	shalt  }
0x3f: {  	_ =	shalt  }
0x40: {  	_ =	shalt  }
0x41: {  	_ =	shalt  }
0x42: {  	_ =	shalt  }
0x43: {  	_ =	shalt  }
0x44: {  	_ =	shalt  }
0x45: {  	_ =	shalt  }
0x46: {  	_ =	shalt  }
0x47: {  	_ =	shalt  }
0x48: {  	_ =	shalt  }
0x49: {  	_ =	shalt  }
0x4a: {  	_ =	shalt  }
0x4b: {  	_ =	shalt  }
0x4c: {  	_ =	shalt  }
0x4d: {  	_ =	shalt  }
0x4e: {  	_ =	shalt  }
0x4f: {  	_ =	shalt  }
0x50: {  	_ =	shalt  }
0x51: {  	_ =	shalt  }
0x52: {  	_ =	shalt  }
0x53: {  	_ =	shalt  }
0x54: {  	_ =	shalt  }
0x55: {  	_ =	shalt  }
0x56: {  	_ =	shalt  }
0x57: {  	_ =	shalt  }
0x58: {  	_ =	shalt  }
0x59: {  	_ =	shalt  }
0x5a: {  	_ =	shalt  }
0x5b: {  	_ =	shalt  }
0x5c: {  	_ =	shalt  }
0x5d: {  	_ =	shalt  }
0x5e: {  	_ =	shalt  }
0x5f: {  	_ =	shalt  }
0x60: {  	_ =	shalt  }
0x61: {  	_ =	shalt  }
0x62: {  	_ =	shalt  }
0x63: {  	_ =	shalt  }
0x64: {  	_ =	shalt  }
0x65: {  	_ =	shalt  }
0x66: {  	_ =	shalt  }
0x67: {  	_ =	shalt  }
0x68: {  	_ =	shalt  }
0x69: {  	_ =	shalt  }
0x6a: {  	_ =	shalt  }
0x6b: {  	_ =	shalt  }
0x6c: {  	_ =	shalt  }
0x6d: {  	_ =	shalt  }
0x6e: {  	_ =	shalt  }
0x6f: {  	_ =	shalt  }
0x70: {  	_ =	shalt  }
0x71: {  	_ =	shalt  }
0x72: {  	_ =	shalt  }
0x73: {  	_ =	shalt  }
0x74: {  	_ =	shalt  }
0x75: {  	_ =	shalt  }
0x76: {  	_ =	shalt  }
0x77: {  	_ =	shalt  }
0x78: {  	_ =	shalt  }
0x79: {  	_ =	shalt  }
0x7a: {  	_ =	shalt  }
0x7b: {  	_ =	shalt  }
0x7c: {  	_ =	shalt  }
0x7d: {  	_ =	shalt  }
0x7e: {  	_ =	shalt  }
0x7f: {  	_ =	shalt  }
0x80: {  	_ =	shalt  }
0x81: {  	_ =	shalt  }
0x82: {  	_ =	shalt  }
0x83: {  	_ =	shalt  }
0x84: {  	_ =	shalt  }
0x85: {  	_ =	shalt  }
0x86: {  	_ =	shalt  }
0x87: {  	_ =	shalt  }
.Lfunc_end0:
.L_simem_size_0:
called_computation.8_lowered:
.L_overlay_start_0:
0x88: {  	s2 =	sld [smem:$0x3FD9]  }
0x89: {  	s3 =	sld [smem:$0x3FFE];
	_ =	sdelay $0x1  }
0x8a: {  	s1 =	srdreg.scid  }
0x8b: {  	s0 =	sand.u32 $0x1, s1  }
0x8c: {  	s17 =	sshll.u32 s0, $0xA;
	s2 =	sadd.s32 s3, s2  }
0x8d: {  	s2 =	sadd.s32 s2, s17  }
0x8e: {  	[smem:$0x3FB2] =	sst s2  }
0x8f: {  	_ = 	snop  }
0x90: {  	(tm) =	ssettm $0x1  }
0x91: {  	s18 =	sld [smem:$0x3FFB];
	_ =	sdelay $0x3  }
0x92: {  	_ =	strace s18  }
0x93: {  	s2 =	sld [smem:$0x3FFC];
	_ =	sdelay $0x3  }
0x94: {  	_ =	strace s2  }
0x95: {  	s2 =	sld [smem:$0x3FFD];
	_ =	sdelay $0x3  }
0x96: {  	_ =	strace s2  }
0x97: {  	_ =	strace $0x8FFFFFFF  }
0x98: {  	s19 =	sld [smem:$0x3FDB];
	_ =	sdelay $0x1  }
0x99: {  	s20 =	simm.s32 $_scs_section_size  }
0x9a: {  	s4 =	simm.s32 $_size__tile_overlayer_lowered;
	s5 =	simm.s32 $_tile_overlayer_lowered  }
0x9b: {  	s6 =	simm.s32 $0x1BFF;
	s21 =	sshll.u32 s5, $0x1;
	s3 =	sadd.s32 s20, s19  }
0x9c: {  	s22 =	simm.s32 $0x0;
	s4 =	sshll.u32 s4, $0x1;
	s5 =	sadd.s32 s21, s3  }
0x9d: {  	[timem:s22], [sflag:s6] =	dma.local [hbm:s5], s4  }
0x9e: {  	_ =	swait.ge [sflag:s6], s4  }
0x9f: {  	s4 =	ssub.s32 $0x0, s4;
	[sflag:s6] =	ssyncset.done $0x0  }
0xa0: {  	[sflag:s6] =	ssyncadd.s32 s4;
	_ =	sdelay $0x1  }
0xa1: {  	s23 =	simm.s32 $0x1B8B  }
0xa2: {  	_ =	swait.ge [sflag:s23], $0x1  }
0xa3: {  	[sflag:s23] =	ssyncset.done $0x0  }
0xa4: {  	[sflag:s23] =	ssyncadd.s32 $0xFFFFFFFF  }
0xa5: {  	s4 =	sld [smem:$0x0]  }
0xa6: {  	s5 =	sand.u32 $0xFFFFFFFE, s1  }
0xa7: {  	p0 =	sne.s32 s1, s5  }
0xa8: {  	s5 =	sshll.u32 @p0 s5, $0xE  }
0xa9: {  	s5 =	sadd.s32 @p0 $0x11B8D, s5;
	s6 =	sshll.u32 @p0 s4, $0x11  }
0xaa: {  	s5 =	sor.u32 @p0 s6, s5  }
0xab: {  	[sflag:s5] =	ssyncadd.remote.s32 @p0 $0x1;
	_ =	sdelay $0x1  }
0xac: {  	s5 =	simm.s32 @p0 $0x1B8D  }
0xad: {  	_ =	swait.eq @p0 [sflag:s5], $0x1  }
0xae: {  	[sflag:s5] =	ssyncadd.s32 @p0 $0xFFFFFFFF  }
0xaf: {  	s6 =	sshll.u32 @!p0 s1, $0xE  }
0xb0: {  	s6 =	sor.u32 @!p0 $0x4000, s6;
	s5 =	simm.s32 @!p0 $0x1B8D  }
0xb1: {  	s4 =	sshll.u32 @!p0 s4, $0x11;
	s6 =	sadd.s32 @!p0 $0x11B8D, s6;
	_ =	swait.eq @!p0 [sflag:s5], $0x1  }
0xb2: {  	s4 =	sor.u32 @!p0 s4, s6;
	[sflag:s5] =	ssyncadd.s32 @!p0 $0xFFFFFFFF  }
0xb3: {  	s25 =	simm.s32 $0x1B8E;
	s24 =	sld [smem:$0x3FFE];
	[sflag:s4] =	ssyncadd.remote.s32 @!p0 $0x1  }
0xb4: {  	s26 =	simm.s32 $execute0_lowered;
	[smem:$0x3FD2] =	sst s25  }
0xb5: {  	s5 =	sshll.u32 s26, $0x1;
	_ =	strace $0x8000005B;
	[dreg:$0x1] =	wrdreg $0xFFFFFFFF  }
0xb6: {  	s28 =	simm.s32 $_size_execute0_lowered;
	s3 =	sadd.s32 s3, s5;
	[dreg:$0x0] =	wrdreg $0x0  }
0xb7: {  	s5 =	sshll.u32 s28, $0x1;
	[dreg:$0x2] =	wrdreg s3  }
0xb8: {  	[dreg:$0x3] =	wrdreg s5  }
0xb9: {  	[dreg:$0x4] =	wrdreg $0xC0  }
0xba: {  	_ =	task [dreg:s22], $0x5FFFF  }
0xbb: {  	[dreg:$0x1] =	wrdreg $0xFFFFFFFF  }
0xbc: {  	[dreg:$0x0] =	wrdreg $0x60  }
0xbd: {  	[dreg:$0x2] =	wrdreg s24  }
0xbe: {  	[dreg:$0x3] =	wrdreg $0x65000  }
0xbf: {  	[dreg:$0x4] =	wrdreg $0xA  }
0xc0: {  	_ =	task.clear_ibuf [dreg:s22], $0x5FFFF;
	_ =	strace $0x9000005B  }
0xc1: {  	s29 =	simm.s32 $0xA;
	_ =	strace $0x8000005D  }
0xc2: {  	_ =	swait.ge [sflag:s29], $0x1  }
0xc3: {  	[sflag:s29] =	ssyncadd.s32 $0xFFFFFFFF  }
0xc4: {  	_ =	strace $0x9000005D  }
0xc5: {  	_ =	sfence  }
0xc6: {  	s30 =	sld [smem:$0x0];
	_ =	sdelay $0x2  }
0xc7: {  	s31 =	sshll.u32 s1, $0xD;
	s1 =	sshrl.u32 s1, $0x2  }
0xc8: {  	s4 =	sand.u32 $0x4000, s31;
	s1 =	sadd.s32 s1, s30  }
0xc9: {  	s0 =	sor.u32 s4, s0;
	s1 =	sshll.u32 s1, $0x11  }
0xca: {  	s0 =	sor.u32 s1, s0  }
0xcb: {  	s0 =	sadd.s32 $0x8F2B, s0  }
0xcc: {  	[sflag:s0] =	ssyncadd.remote.s32 $0x1  }
0xcd: {  	_ =	sfence.sel $0xFFFF  }
0xce: {  	[dreg:$0x0] =	wrdreg $0xFFFFFFFF;
	(pc) =	sbr.abs _section_cstart, $3  }
0xcf: {  	[dreg:$0x1] =	wrdreg $0xFFFFFFFF  }
0xd0: {  	_ =	task.clear_ibuf [dreg:s22], $0x2FFFF;
	_ =	strace $0x9FFFFFFF  }
0xd1: {  	(tm) =	ssettm $0x7FFFFFFF  }
tec
execute0_lowered:
.L_overlay_start_1:
0x0: {  	(tag) =	ssettag $0x1  }
0x1: {  	s5 =	rddreg [dreg:$0x0];
	s0 =	stileid.u32  }
0x2: {  	s1 =	srdreg.scid;
	s4 =	smul.u32 $0x2710, s0  }
0x3: {  	s2 =	rddreg [dreg:$0x1];
	s3 =	simm.s32 $0x0;
	s7 =	smul.u32 $0x27100, s0  }
0x4: {  	s21 =	simm.s32 $0x1;
	s22 =	simm.s32 $0xC8;
	s25 =	smul.u32 $0x50000, s0  }
0x5: {  	s11 =	sand.u32 $0x1, s1;
	s1 =	rddreg [dreg:$0x2];
	s13 =	smul.u32 $0x14000, s0  }
0x6: {  	s23 =	simm.s32 $0x0;
	[smem:$0x7FF] =	sst s3;
	s6 =	smul.u32 $0x1388, s11  }
0x7: {  	s14 =	sadd.s32 $0x18000, s5;
	s29 =	sshll.u32 s0, $0x6;
	s12 =	smul.u32 $0x140000, s11  }
0x8: {  	_ =	strace $0x8000005C;
	s26 =	ssub.s32 $0x2, s11;
	s20 =	smul.u32 $0x13880, s11  }
0x9: {  	s15 =	sadd.s32 s7, s5;
	s8 =	sshrl.u32 s26, $0x1;
	s28 =	sshrl.u32 s25, $0x2  }
0xa: {  	s9 =	sadd.s32 $0x5000, s13;
	s17 =	sadd.s32 $0xA000, s13;
	s4 =	sadd.s32 s6, s4  }
0xb: {  	s7 =	ssub.s32 s26, s8;
	s30 =	sadd.s32 s12, s13;
	s6 =	sor.u32 $0x1C03, s29  }
0xc: {  	s10 =	sadd.s32 s12, s9;
	s9 =	sadd.s32 s9, s2;
	s18 =	sadd.s32 s12, s17  }
0xd: {  	s13 =	sadd.s32 $0xF000, s13;
	s11 =	sadd.s32 s17, s2;
	s15 =	sadd.s32 s20, s15  }
0xe: {  	s20 =	simm.s32 $0x2;
	s4 =	sshrl.u32 s4, $0x3;
	s8 =	sshrl.u32 s30, $0x3  }
0xf: {  	s7 =	smax.u32 s7, $0x1;
	s10 =	sshrl.u32 s10, $0x3;
	s18 =	sshrl.u32 s18, $0x3  }
0x10: {  	s19 =	sadd.s32 s12, s13;
	s13 =	sadd.s32 s13, s2;
	s15 =	sadd.s32 $0x120BE00, s15  }
0x11: {  	s16 =	sadd.s32 s4, s5;
	s4 =	sadd.s32 $0x92600, s5;
	s5 =	sadd.s32 s28, s2  }
0x12: {  	s8 =	sadd.s32 s14, s8;
	s10 =	sadd.s32 s14, s10;
	s12 =	sadd.s32 s14, s18  }
0x13: {  	s31 =	sshrl.u32 s19, $0x3;
	s18 =	simm.s32 $0x3;
	s19 =	simm.s32 $0x6400  }
0x14: {  	s14 =	sadd.s32 s14, s31;
	s16 =	sadd.s32 $0x13000, s16;
	s17 =	sshrl.u32 s5, $0x3  }
.LBB2_1:
0x15: {  	[spmem:s17], [sflag:s6] =	dma.local [hbm:s4], $0x2800  }
0x16: {  	_ =	swait.ge [sflag:s18], $0x2800  }
0x17: {  	[sflag:s18] =	ssyncset.done $0x0  }
0x18: {  	[sflag:s18] =	ssyncadd.s32 $0xFFFFD800  }
0x19: {  	s24 =	sadd.s32 $0x0, s16;
	[bflag:$0x0] =	sbarrier.arrive $0xFFFF  }
0x1a: {  	[tilespmem:s19], [sflag:$0x2] =	stream.linear.gather [hbm4b:s24+s3], $0xC8, $0x38;
	[tilespmem:$0x1A500] =	vst v63  }
0x1b: {  	_ = 	snop  }
0x1c: {  	[tilespmem:s3], [sflag:$0x1] =	stream.linear.gather [hbm4b:s15+s3], $0x6400, $0x38;
	[tilespmem:$0x1A500] =	vst v63  }
0x1d: {  	_ =	swait.ge [sflag:s20], $0xC8  }
0x1e: {  	[sflag:s20] =	ssyncset.done $0x0  }
0x1f: {  	[sflag:s20] =	ssyncadd.s32 $0xFFFFFF38  }
0x20: {  	_ =	swait.ge [sflag:s21], $0x6400  }
0x21: {  	[sflag:s21] =	ssyncset.done $0x0  }
0x22: {  	[sflag:s21] =	ssyncadd.s32 $0xFFFF9C00  }
0x23: {  	[spmem:s2] =	stream.indirect.scatter.add.f32 [tilespmem:s3], [sflag:$0x3], $0x80, s19, s22, $0xb8;
	[tilespmem:$0x1A500] =	vst v63  }
0x24: {  	s25 =	simm.s32 $0x19;
	_ =	swait.ge [sflag:s18], $0x6400  }
0x25: {  	s26 =	simm.s32 $0x32;
	s24 =	sadd.s32 $0xC80, s15;
	[sflag:s18] =	ssyncset.done $0x0  }
.LBB2_2:
0x26: {  	s28 =	sadd.s32 s25, s16  }
0x27: {  	[sflag:s18] =	ssyncadd.s32 $0xFFFF9C00;
	s25 =	smov.u32 s26;
	s29 =	sadd.s32 $0x19, s26  }
0x28: {  	[tilespmem:s19], [sflag:$0x2] =	stream.linear.gather [hbm4b:s28+s3], $0xC8, $0x38;
	[tilespmem:$0x1A500] =	vst v63  }
0x29: {  	p0 =	sne.s32 s26, $0x258  }
0x2a: {  	[tilespmem:s3], [sflag:$0x1] =	stream.linear.gather [hbm4b:s24+s3], $0x6400, $0x38;
	[tilespmem:$0x1A500] =	vst v63  }
0x2b: {  	_ =	swait.ge [sflag:s20], $0xC8  }
0x2c: {  	[sflag:s20] =	ssyncset.done $0x0  }
0x2d: {  	[sflag:s20] =	ssyncadd.s32 $0xFFFFFF38  }
0x2e: {  	_ =	swait.ge [sflag:s21], $0x6400  }
.Ltmp0:
0x2f: {  	[sflag:s21] =	ssyncset.done $0x0;
	(pc) =	sbr.rel @p0 .LBB2_2-.Ltmp0, $4  }
0x30: {  	[sflag:s21] =	ssyncadd.s32 $0xFFFF9C00  }
0x31: {  	[spmem:s2] =	stream.indirect.scatter.add.f32 [tilespmem:s3], [sflag:$0x3], $0x80, s19, s22, $0xb8;
	[tilespmem:$0x1A500] =	vst v63  }
0x32: {  	_ =	swait.ge [sflag:s18], $0x6400  }
0x33: {  	s26 =	smov.u32 s29;
	s24 =	sadd.s32 $0xC80, s24;
	[sflag:s18] =	ssyncset.done $0x0  }
0x34: {  	s25 =	sadd.s32 s25, s16;
	[sflag:s18] =	ssyncadd.s32 $0xFFFF9C00  }
0x35: {  	[tilespmem:s19], [sflag:$0x2] =	stream.linear.gather [hbm4b:s25+s3], $0xC8, $0x38;
	[tilespmem:$0x1A500] =	vst v63  }
0x36: {  	_ = 	snop  }
0x37: {  	[tilespmem:s3], [sflag:$0x1] =	stream.linear.gather [hbm4b:s24+s3], $0x6400, $0x38;
	[tilespmem:$0x1A500] =	vst v63  }
0x38: {  	_ =	swait.ge [sflag:s20], $0xC8  }
0x39: {  	[sflag:s20] =	ssyncset.done $0x0  }
0x3a: {  	[sflag:s20] =	ssyncadd.s32 $0xFFFFFF38  }
0x3b: {  	_ =	swait.ge [sflag:s21], $0x6400  }
0x3c: {  	[sflag:s21] =	ssyncset.done $0x0  }
0x3d: {  	[sflag:s21] =	ssyncadd.s32 $0xFFFF9C00  }
0x3e: {  	[spmem:s2] =	stream.indirect.scatter.add.f32 [tilespmem:s3], [sflag:$0x3], $0x80, s19, s22, $0xb8;
	[tilespmem:$0x1A500] =	vst v63  }
0x3f: {  	_ =	swait.ge [sflag:s18], $0x6400  }
0x40: {  	[sflag:s18] =	ssyncset.done $0x0  }
0x41: {  	[sflag:s18] =	ssyncadd.s32 $0xFFFF9C00  }
0x42: {  	[bflag:$0x0] =	sbarrier.arrive $0xFFFF  }
0x43: {  	[tilespmem:s3], [sflag:$0x3] =	stream.linear.gather [spmem:s5], $0x5000, $0x38;
	[tilespmem:$0x1A500] =	vst v63  }
0x44: {  	_ =	swait.ge [sflag:s18], $0x5000  }
0x45: {  	[sflag:s18] =	ssyncset.done $0x0  }
0x46: {  	[sflag:s18] =	ssyncadd.s32 $0xFFFFB000  }
0x47: {  	[hbm4b:s8+s3] =	stream.linear.scatter [tilespmem:s3], [sflag:$0x3], $0x5000, $0x38;
	[tilespmem:$0x1A500] =	vst v63  }
0x48: {  	_ =	swait.ge [sflag:s18], $0x5000  }
0x49: {  	[sflag:s18] =	ssyncset.done $0x0  }
0x4a: {  	[sflag:s18] =	ssyncadd.s32 $0xFFFFB000  }
0x4b: {  	[tilespmem:s3], [sflag:$0x3] =	stream.linear.gather [spmem:s9], $0x5000, $0x38;
	[tilespmem:$0x1A500] =	vst v63  }
0x4c: {  	_ =	swait.ge [sflag:s18], $0x5000  }
0x4d: {  	[sflag:s18] =	ssyncset.done $0x0  }
0x4e: {  	[sflag:s18] =	ssyncadd.s32 $0xFFFFB000  }
0x4f: {  	[hbm4b:s10+s3] =	stream.linear.scatter [tilespmem:s3], [sflag:$0x3], $0x5000, $0x38;
	[tilespmem:$0x1A500] =	vst v63  }
0x50: {  	_ =	swait.ge [sflag:s18], $0x5000  }
0x51: {  	[sflag:s18] =	ssyncset.done $0x0  }
0x52: {  	[sflag:s18] =	ssyncadd.s32 $0xFFFFB000  }
0x53: {  	[tilespmem:s3], [sflag:$0x3] =	stream.linear.gather [spmem:s11], $0x5000, $0x38;
	[tilespmem:$0x1A500] =	vst v63  }
0x54: {  	_ =	swait.ge [sflag:s18], $0x5000  }
0x55: {  	[sflag:s18] =	ssyncset.done $0x0  }
0x56: {  	[sflag:s18] =	ssyncadd.s32 $0xFFFFB000  }
0x57: {  	[hbm4b:s12+s3] =	stream.linear.scatter [tilespmem:s3], [sflag:$0x3], $0x5000, $0x38;
	[tilespmem:$0x1A500] =	vst v63  }
0x58: {  	_ =	swait.ge [sflag:s18], $0x5000  }
0x59: {  	[sflag:s18] =	ssyncset.done $0x0  }
0x5a: {  	[sflag:s18] =	ssyncadd.s32 $0xFFFFB000  }
0x5b: {  	[tilespmem:s3], [sflag:$0x3] =	stream.linear.gather [spmem:s13], $0x5000, $0x38;
	[tilespmem:$0x1A500] =	vst v63  }
0x5c: {  	s23 =	sadd.s32 $0x1, s23;
	_ =	swait.ge [sflag:s18], $0x5000  }
0x5d: {  	p0 =	sne.s32 s23, s7;
	[sflag:s18] =	ssyncset.done $0x0  }
.Ltmp1:
0x5e: {  	[sflag:s18] =	ssyncadd.s32 $0xFFFFB000;
	(pc) =	sbr.rel @p0 .LBB2_1-.Ltmp1, $4  }
0x5f: {  	[hbm4b:s14+s3] =	stream.linear.scatter [tilespmem:s3], [sflag:$0x3], $0x5000, $0x38;
	[tilespmem:$0x1A500] =	vst v63  }
0x60: {  	_ =	swait.ge [sflag:s18], $0x5000  }
0x61: {  	[sflag:s18] =	ssyncset.done $0x0  }
0x62: {  	[sflag:s18] =	ssyncadd.s32 $0xFFFFB000  }
0x63: {  	_ =	sfence.sel $0x180000  }
0x64: {  	[bflag:$0x0] =	sbarrier.arrive $0xFFFF  }
0x65: {  	p0 =	sne.s32 s0, $0x0;
	_ =	strace $0x9000005C  }
0x66: {  	s0 =	sadd.s32 @!p0 $0x100000, s1;
	[bflag:$0x2] =	sbarrier.arrive $0xFFFF  }
0x67: {  	[sflag:s0] =	ssyncadd.tile.s32 @!p0 $0x1;
	_ =	shalt  }
.Lfunc_end2:
_tile_overlayer_lowered:
.L_overlay_start_2:
0x68: {  	(tag) =	ssettag $0x2  }
0x69: {  	s0 =	rddreg [dreg:$0x0];
	s2 =	stileid.u32  }
0x6a: {  	s1 =	rddreg [dreg:$0x1];
	p0 =	sne.s32 s2, $0x0  }
0x6b: {  	s3 =	rddreg [dreg:$0x2];
	[bflag:$0x3] =	sbarrier.arrive $0xFFFF;
	s2 =	simm.s32 @!p0 $0x1C03  }
0x6c: {  	[timem:s3], [sflag:s2] =	dma.local @!p0 [hbm:s0], s1  }
0x6d: {  	s0 =	simm.s32 @!p0 $0x3  }
0x6e: {  	_ =	swait.ge @!p0 [sflag:s0], s1  }
0x6f: {  	s1 =	ssub.s32 @!p0 $0x0, s1;
	[sflag:s0] =	ssyncset.done @!p0 $0x0  }
0x70: {  	[sflag:s0] =	ssyncadd.s32 @!p0 s1  }
0x71: {  	[bflag:$0x3] =	sbarrier.arrive $0xFFFF  }
0x72: {  	_ =	shalt  }

// kernel: kernel.49.cloned.1.call-start
scs
__scs_entry_jumppad:
0x0: {  	(pc) =	sbr.rel $0x88, $3  }
0x1: {  	(tag) =	ssettag $0x0;
	lr =	simm.s32 $0x1  }
0x2: {  	[smem:$0x3F8B] =	sst lr;
	_ =	strace $0xD0000000  }
0x3: {  	_ = 	snop  }
0x4: {  	_ = 	snop  }
0x5: {  	_ = 	snop  }
0x6: {  	_ = 	snop  }
0x7: {  	_ = 	snop  }
__scs_overlays_trampoline_lowered:
0x8: {  	[smem:$0x3F9A] =	sst s0  }
0x9: {  	[smem:$0x3F9B] =	sst s1  }
0xa: {  	[smem:$0x3F9C] =	sst s2  }
0xb: {  	[smem:$0x3F9D] =	sst s3  }
0xc: {  	[smem:$0x3F9E] =	sst s4  }
0xd: {  	[smem:$0x3F9F] =	sst s5  }
0xe: {  	[smem:$0x3FA0] =	sst s6  }
0xf: {  	[smem:$0x3FA1] =	sst s7  }
0x10: {  	[smem:$0x3FA2] =	sst s8  }
0x11: {  	[smem:$0x3FA3] =	sst s9;
	s0 =	simm.s32 @!p0 $0x0  }
0x12: {  	s1 =	sld [smem:$0x3F89];
	s0 =	simm.s32 @p0 $0x1  }
0x13: {  	[smem:$0x3FA4] =	sst s0;
	s0 =	simm.s32 @!p1 $0x0  }
0x14: {  	s2 =	sld [smem:$0x3F88];
	s0 =	simm.s32 @p1 $0x1  }
0x15: {  	[smem:$0x3FA5] =	sst s0;
	s0 =	simm.s32 @!p2 $0x0  }
0x16: {  	s3 =	sld [smem:$0x3FDB];
	s0 =	simm.s32 @p2 $0x1  }
0x17: {  	s4 =	simm.s32 $0x1BF5;
	[smem:$0x3FA7] =	sst s0  }
0x18: {  	s0 =	sld [smem:$0x3F8A];
	_ =	swait.ge [sflag:s4], $0x0  }
0x19: {  	s7 =	sld [smem:$0x3F8B]  }
0x1a: {  	s8 =	sadd.s32 $0xFFFFE003, lr  }
0x1b: {  	s9 =	sadd.s32 $0xFFFFFEF7, lr;
	s5 =	simm.s32 $0xFFFFFFFF;
	p2 =	slt.u32 s8, $0xFFFFF086  }
0x1c: {  	p1 =	slt.u32 s9, $0xF7A;
	s5 =	simm.s32 @!p2 $0x0  }
0x1d: {  	s5 =	simm.s32 @p1 $0x1;
	p0 =	seq.s32 s7, s2  }
0x1e: {  	s7 =	smul.u32 @!p0 $0xF7A, s2;
	p2 =	seq.s32 @!p0 s5, $0x0  }
0x1f: {  	s9 =	smul.u32 $0xF7A, s1;
	s8 =	simm.s32 @!p0 $0x1BF5;
	p2 =	por !p2, p0  }
0x20: {  	[sflag:s8] =	ssyncset.s32 @!p0 $0xFFFFF086;
	s6 =	sadd.s32 @!p0 s3, s7;
	s7 =	simm.s32 @!p0 $0x108  }
0x21: {  	s3 =	sadd.s32 s3, s9;
	s6 =	sadd.s32 @!p0 $0x88, s6;
	s7 =	simm.s32 @p2 $0x1082  }
0x22: {  	[simem:s7], [sflag:s8] =	dma.local @!p0 [hbm:s6], $0xF7A  }
0x23: {  	s9 =	sor.u32 $0xD0000000, s2;
	s6 =	simm.s32 $0x108;
	_ =	swait.ge @!p0 [sflag:s8], $0x0  }
0x24: {  	s3 =	sadd.s32 $0x88, s3;
	s6 =	simm.s32 @!p1 $0x1082;
	[sflag:s4] =	ssyncset.s32 $0xFFFFF086  }
0x25: {  	[simem:s6], [sflag:s4] =	dma.local [hbm:s3], $0xF7A  }
0x26: {  	[smem:$0x3F8B] =	sst s1;
	(tag) =	ssettag s2;
	_ =	strace s9  }
0x27: {  	s1 =	sld [smem:$0x3F9B]  }
0x28: {  	s2 =	sld [smem:$0x3F9C]  }
0x29: {  	s4 =	sld [smem:$0x3F9E]  }
0x2a: {  	p0 =	seq.s32 s5, $0x0;
	s5 =	sld [smem:$0x3F9F]  }
0x2b: {  	s6 =	sld [smem:$0x3FA0]  }
0x2c: {  	s7 =	sld [smem:$0x3FA1]  }
0x2d: {  	s3 =	simm.s32 $0x108;
	s8 =	sld [smem:$0x3FA2]  }
0x2e: {  	s3 =	simm.s32 @!p0 $0x1082;
	s9 =	sld [smem:$0x3FA3]  }
0x2f: {  	lr =	sadd.s32 s0, s3;
	s0 =	sld [smem:$0x3F9A]  }
0x30: {  	s3 =	sld [smem:$0x3F9D]  }
0x31: {  	[smem:$0x3FA6] =	sst s10  }
0x32: {  	s10 =	sld [smem:$0x3FA4];
	_ =	sdelay $0x3  }
0x33: {  	p0 =	seq.s32 s10, $0x1;
	s10 =	sld [smem:$0x3FA6];
	_ =	sdelay $0x3  }
0x34: {  	[smem:$0x3FA6] =	sst s10  }
0x35: {  	s10 =	sld [smem:$0x3FA5];
	_ =	sdelay $0x3  }
0x36: {  	p1 =	seq.s32 s10, $0x1;
	s10 =	sld [smem:$0x3FA6];
	_ =	sdelay $0x3  }
0x37: {  	[smem:$0x3FA6] =	sst s10  }
0x38: {  	s10 =	sld [smem:$0x3FA7]  }
0x39: {  	_ = 	snop;
	(pc) =	sbr.ind lr, $3  }
0x3a: {  	_ = 	snop  }
0x3b: {  	_ = 	snop  }
0x3c: {  	p2 =	seq.s32 s10, $0x1;
	s10 =	sld [smem:$0x3FA6]  }
0x3d: {  	_ =	shalt  }
0x3e: {  	_ =	shalt  }
0x3f: {  	_ =	shalt  }
0x40: {  	_ =	shalt  }
0x41: {  	_ =	shalt  }
0x42: {  	_ =	shalt  }
0x43: {  	_ =	shalt  }
0x44: {  	_ =	shalt  }
0x45: {  	_ =	shalt  }
0x46: {  	_ =	shalt  }
0x47: {  	_ =	shalt  }
0x48: {  	_ =	shalt  }
0x49: {  	_ =	shalt  }
0x4a: {  	_ =	shalt  }
0x4b: {  	_ =	shalt  }
0x4c: {  	_ =	shalt  }
0x4d: {  	_ =	shalt  }
0x4e: {  	_ =	shalt  }
0x4f: {  	_ =	shalt  }
0x50: {  	_ =	shalt  }
0x51: {  	_ =	shalt  }
0x52: {  	_ =	shalt  }
0x53: {  	_ =	shalt  }
0x54: {  	_ =	shalt  }
0x55: {  	_ =	shalt  }
0x56: {  	_ =	shalt  }
0x57: {  	_ =	shalt  }
0x58: {  	_ =	shalt  }
0x59: {  	_ =	shalt  }
0x5a: {  	_ =	shalt  }
0x5b: {  	_ =	shalt  }
0x5c: {  	_ =	shalt  }
0x5d: {  	_ =	shalt  }
0x5e: {  	_ =	shalt  }
0x5f: {  	_ =	shalt  }
0x60: {  	_ =	shalt  }
0x61: {  	_ =	shalt  }
0x62: {  	_ =	shalt  }
0x63: {  	_ =	shalt  }
0x64: {  	_ =	shalt  }
0x65: {  	_ =	shalt  }
0x66: {  	_ =	shalt  }
0x67: {  	_ =	shalt  }
0x68: {  	_ =	shalt  }
0x69: {  	_ =	shalt  }
0x6a: {  	_ =	shalt  }
0x6b: {  	_ =	shalt  }
0x6c: {  	_ =	shalt  }
0x6d: {  	_ =	shalt  }
0x6e: {  	_ =	shalt  }
0x6f: {  	_ =	shalt  }
0x70: {  	_ =	shalt  }
0x71: {  	_ =	shalt  }
0x72: {  	_ =	shalt  }
0x73: {  	_ =	shalt  }
0x74: {  	_ =	shalt  }
0x75: {  	_ =	shalt  }
0x76: {  	_ =	shalt  }
0x77: {  	_ =	shalt  }
0x78: {  	_ =	shalt  }
0x79: {  	_ =	shalt  }
0x7a: {  	_ =	shalt  }
0x7b: {  	_ =	shalt  }
0x7c: {  	_ =	shalt  }
0x7d: {  	_ =	shalt  }
0x7e: {  	_ =	shalt  }
0x7f: {  	_ =	shalt  }
0x80: {  	_ =	shalt  }
0x81: {  	_ =	shalt  }
0x82: {  	_ =	shalt  }
0x83: {  	_ =	shalt  }
0x84: {  	_ =	shalt  }
0x85: {  	_ =	shalt  }
0x86: {  	_ =	shalt  }
0x87: {  	_ =	shalt  }
.Lfunc_end0:
.L_simem_size_0:
called_computation.9_lowered:
.L_overlay_start_0:
0x88: {  	s2 =	sld [smem:$0x3FD9]  }
0x89: {  	s3 =	sld [smem:$0x3FFE];
	_ =	sdelay $0x1  }
0x8a: {  	s1 =	srdreg.scid  }
0x8b: {  	s0 =	sand.u32 $0x1, s1  }
0x8c: {  	s17 =	sshll.u32 s0, $0xA;
	s2 =	sadd.s32 s3, s2  }
0x8d: {  	s2 =	sadd.s32 s2, s17  }
0x8e: {  	[smem:$0x3FB2] =	sst s2  }
0x8f: {  	_ = 	snop  }
0x90: {  	s2 =	sld [smem:$0x3FD0];
	(tm) =	ssettm $0x1  }
0x91: {  	s18 =	sld [smem:$0x3FFB];
	_ =	sdelay $0x3  }
0x92: {  	_ =	strace s18  }
0x93: {  	s3 =	sld [smem:$0x3FFC];
	_ =	sdelay $0x3  }
0x94: {  	_ =	strace s3  }
0x95: {  	s3 =	sld [smem:$0x3FFD];
	_ =	sdelay $0x3  }
0x96: {  	_ =	strace s3  }
0x97: {  	_ =	strace $0x8FFFFFFF  }
0x98: {  	s19 =	sld [smem:$0x3FDB];
	_ =	sdelay $0x1  }
0x99: {  	s4 =	simm.s32 $_scs_section_size  }
0x9a: {  	s5 =	simm.s32 $_size__tile_overlayer_lowered;
	s6 =	simm.s32 $_tile_overlayer_lowered  }
0x9b: {  	s22 =	simm.s32 $0x1BFF;
	s21 =	sshll.u32 s6, $0x1;
	s3 =	sadd.s32 s4, s19  }
0x9c: {  	s7 =	simm.s32 $0x0;
	s20 =	sshll.u32 s5, $0x1;
	s5 =	sadd.s32 s21, s3  }
0x9d: {  	[timem:s7], [sflag:s22] =	dma.local [hbm:s5], s20  }
0x9e: {  	_ =	swait.ge [sflag:s22], s20  }
0x9f: {  	s4 =	ssub.s32 $0x0, s20;
	[sflag:s22] =	ssyncset.done $0x0  }
0xa0: {  	[sflag:s22] =	ssyncadd.s32 s4;
	_ =	sdelay $0x1  }
0xa1: {  	s23 =	simm.s32 $0x1B8B  }
0xa2: {  	_ =	swait.ge [sflag:s23], $0x1  }
0xa3: {  	[sflag:s23] =	ssyncset.done $0x0  }
0xa4: {  	s25 =	simm.s32 $0x1B8E;
	s24 =	sld [smem:$0x3FFE];
	[sflag:s23] =	ssyncadd.s32 $0xFFFFFFFF  }
0xa5: {  	s26 =	simm.s32 $execute0_lowered;
	[smem:$0x3FD2] =	sst s25  }
0xa6: {  	s5 =	sshll.u32 s26, $0x1;
	_ =	strace $0x80000061;
	[dreg:$0x1] =	wrdreg $0xFFFFFFFF  }
0xa7: {  	s28 =	simm.s32 $_size_execute0_lowered;
	s3 =	sadd.s32 s3, s5;
	[dreg:$0x0] =	wrdreg $0x0  }
0xa8: {  	s5 =	sshll.u32 s28, $0x1;
	[dreg:$0x2] =	wrdreg s3  }
0xa9: {  	[dreg:$0x3] =	wrdreg s5  }
0xaa: {  	[dreg:$0x4] =	wrdreg $0xC0  }
0xab: {  	_ =	task [dreg:s7], $0x5FFFF  }
0xac: {  	[dreg:$0x1] =	wrdreg $0xFFFFFFFF  }
0xad: {  	[dreg:$0x0] =	wrdreg $0x60  }
0xae: {  	[dreg:$0x2] =	wrdreg s24  }
0xaf: {  	[dreg:$0x3] =	wrdreg s2  }
0xb0: {  	[dreg:$0x4] =	wrdreg $0xA1800  }
0xb1: {  	[dreg:$0x5] =	wrdreg $0x9  }
0xb2: {  	_ =	task.clear_ibuf [dreg:s7], $0x6FFFF;
	_ =	strace $0x90000061  }
0xb3: {  	s29 =	simm.s32 $0x9;
	_ =	strace $0x80000063  }
0xb4: {  	_ =	swait.ge [sflag:s29], $0x1  }
0xb5: {  	[sflag:s29] =	ssyncadd.s32 $0xFFFFFFFF  }
0xb6: {  	_ =	strace $0x90000063  }
0xb7: {  	_ =	sfence  }
0xb8: {  	s30 =	sld [smem:$0x0];
	_ =	sdelay $0x2  }
0xb9: {  	s31 =	sshll.u32 s1, $0xD;
	s1 =	sshrl.u32 s1, $0x2  }
0xba: {  	s3 =	sand.u32 $0x4000, s31;
	s1 =	sadd.s32 s1, s30  }
0xbb: {  	s0 =	sor.u32 s3, s0;
	s1 =	sshll.u32 s1, $0x11  }
0xbc: {  	s0 =	sor.u32 s1, s0  }
0xbd: {  	s0 =	sadd.s32 $0x8F2B, s0  }
0xbe: {  	[sflag:s0] =	ssyncadd.remote.s32 $0x1  }
0xbf: {  	_ =	sfence.sel $0xFFFF  }
0xc0: {  	[dreg:$0x0] =	wrdreg $0xFFFFFFFF;
	(pc) =	sbr.abs _section_cstart, $3  }
0xc1: {  	[dreg:$0x1] =	wrdreg $0xFFFFFFFF  }
0xc2: {  	_ =	task.clear_ibuf [dreg:s7], $0x2FFFF;
	_ =	strace $0x9FFFFFFF  }
0xc3: {  	(tm) =	ssettm $0x7FFFFFFF  }
tec
execute0_lowered:
.L_overlay_start_1:
0x0: {  	(tag) =	ssettag $0x1  }
0x1: {  	s15 =	rddreg [dreg:$0x0]  }
0x2: {  	s2 =	rddreg [dreg:$0x1]  }
0x3: {  	s3 =	rddreg [dreg:$0x2]  }
0x4: {  	s0 =	rddreg [dreg:$0x3]  }
0x5: {  	s4 =	simm.s32 $0x0;
	s5 =	srdreg.scid;
	s1 =	stileid.u32  }
0x6: {  	s7 =	simm.s32 $0x3;
	[smem:$0x7FF] =	sst s4;
	s16 =	sand.u32 $0x1, s5  }
0x7: {  	s28 =	sshll.u32 s1, $0x1;
	s29 =	sshll.u32 s1, $0xA;
	s6 =	sshll.u32 s1, $0x6  }
0x8: {  	_ =	strace $0x80000062;
	s9 =	sor.u32 s16, s28;
	s5 =	sadd.s32 s29, s3  }
0x9: {  	s6 =	sor.u32 $0x1C03, s6;
	s10 =	smul.u32 $0x1400, s9;
	s8 =	sshrl.u32 s5, $0x3  }
0xa: {  	[spmem:s8], [sflag:s6] =	dma.local [hbm:s2], $0x80  }
0xb: {  	s9 =	smul.u32 $0x28, s9;
	_ =	swait.ge [sflag:s7], $0x80  }
0xc: {  	[sflag:s7] =	ssyncset.done $0x0  }
0xd: {  	s11 =	sadd.s32 s10, s15;
	s9 =	sadd.s32 s9, s15;
	[sflag:s7] =	ssyncadd.s32 $0xFFFFFF80  }
0xe: {  	s10 =	simm.s32 $0xA000;
	s9 =	sadd.s32 $0x9200, s9;
	[bflag:$0x0] =	sbarrier.arrive $0xFFFF  }
0xf: {  	[tilespmem:s10], [sflag:$0x2] =	stream.linear.gather [hbm4b:s9+s4], $0x140, $0x38;
	[tilespmem:$0xA580] =	vst v63  }
0x10: {  	s12 =	simm.s32 $0x2;
	s11 =	sadd.s32 $0x9800, s11  }
0x11: {  	[tilespmem:s4], [sflag:$0x1] =	stream.linear.gather [hbm4b:s11+s4], $0xA000, $0x38;
	[tilespmem:$0xA580] =	vst v63  }
0x12: {  	_ =	swait.ge [sflag:s12], $0x140  }
0x13: {  	[sflag:s12] =	ssyncset.done $0x0  }
0x14: {  	s13 =	simm.s32 $0x1;
	[sflag:s12] =	ssyncadd.s32 $0xFFFFFEC0  }
0x15: {  	_ =	swait.ge [sflag:s13], $0xA000  }
0x16: {  	[sflag:s13] =	ssyncset.done $0x0  }
0x17: {  	s14 =	simm.s32 $0x140;
	[sflag:s13] =	ssyncadd.s32 $0xFFFF6000  }
0x18: {  	[spmem:s3] =	stream.indirect.scatter.add.f32 [tilespmem:s4], [sflag:$0x3], $0x80, s10, s14, $0xb8;
	[tilespmem:$0xA580] =	vst v63  }
0x19: {  	s30 =	ssub.s32 $0x2, s16;
	_ =	swait.ge [sflag:s7], $0xA000  }
0x1a: {  	s17 =	sshll.u32 s1, $0x7;
	s18 =	sshrl.u32 s30, $0x1;
	[sflag:s7] =	ssyncset.done $0x0  }
0x1b: {  	s15 =	sadd.s32 s17, s15;
	s17 =	ssub.s32 s30, s18;
	[sflag:s7] =	ssyncadd.s32 $0xFFFF6000  }
0x1c: {  	s31 =	smax.u32 s17, $0x1;
	[bflag:$0x0] =	sbarrier.arrive $0xFFFF  }
0x1d: {  	[tilespmem:s4], [sflag:$0x3] =	stream.linear.gather [spmem:s5], $0x400, $0x38;
	[tilespmem:$0xA580] =	vst v63  }
0x1e: {  	s16 =	sshll.u32 s16, $0xB;
	p0 =	sne.s32 s31, $0x1;
	_ =	swait.ge [sflag:s7], $0x400  }
.Ltmp0:
0x1f: {  	s15 =	sadd.s32 s16, s15;
	[sflag:s7] =	ssyncset.done $0x0;
	(pc) =	sbr.rel @!p0 .LBB2_2-.Ltmp0, $4  }
0x20: {  	s15 =	sadd.s32 $0x31800, s15;
	[sflag:s7] =	ssyncadd.s32 $0xFFFFFC00  }
0x21: {  	[hbm4b:s15+s4] =	stream.linear.scatter [tilespmem:s4], [sflag:$0x3], $0x400, $0x38;
	[tilespmem:$0xA580] =	vst v63  }
0x22: {  	_ =	swait.ge [sflag:s7], $0x400  }
0x23: {  	s16 =	sadd.s32 $0xFFFFFFFF, s31;
	[sflag:s7] =	ssyncset.done $0x0  }
.LBB2_1:
0x24: {  	p0 =	sne.s32 s16, $0x1;
	s16 =	sadd.s32 $0xFFFFFFFF, s16;
	[sflag:s7] =	ssyncadd.s32 $0xFFFFFC00  }
0x25: {  	[spmem:s8], [sflag:s6] =	dma.local [hbm:s2], $0x80  }
0x26: {  	_ =	swait.ge [sflag:s7], $0x80  }
0x27: {  	[sflag:s7] =	ssyncset.done $0x0  }
0x28: {  	[sflag:s7] =	ssyncadd.s32 $0xFFFFFF80  }
0x29: {  	[bflag:$0x0] =	sbarrier.arrive $0xFFFF  }
0x2a: {  	[tilespmem:s10], [sflag:$0x2] =	stream.linear.gather [hbm4b:s9+s4], $0x140, $0x38;
	[tilespmem:$0xA580] =	vst v63  }
0x2b: {  	_ = 	snop  }
0x2c: {  	[tilespmem:s4], [sflag:$0x1] =	stream.linear.gather [hbm4b:s11+s4], $0xA000, $0x38;
	[tilespmem:$0xA580] =	vst v63  }
0x2d: {  	_ =	swait.ge [sflag:s12], $0x140  }
0x2e: {  	[sflag:s12] =	ssyncset.done $0x0  }
0x2f: {  	[sflag:s12] =	ssyncadd.s32 $0xFFFFFEC0  }
0x30: {  	_ =	swait.ge [sflag:s13], $0xA000  }
0x31: {  	[sflag:s13] =	ssyncset.done $0x0  }
0x32: {  	[sflag:s13] =	ssyncadd.s32 $0xFFFF6000  }
0x33: {  	[spmem:s3] =	stream.indirect.scatter.add.f32 [tilespmem:s4], [sflag:$0x3], $0x80, s10, s14, $0xb8;
	[tilespmem:$0xA580] =	vst v63  }
0x34: {  	_ =	swait.ge [sflag:s7], $0xA000  }
0x35: {  	[sflag:s7] =	ssyncset.done $0x0  }
0x36: {  	[sflag:s7] =	ssyncadd.s32 $0xFFFF6000  }
0x37: {  	[bflag:$0x0] =	sbarrier.arrive $0xFFFF  }
0x38: {  	[tilespmem:s4], [sflag:$0x3] =	stream.linear.gather [spmem:s5], $0x400, $0x38;
	[tilespmem:$0xA580] =	vst v63  }
0x39: {  	_ =	swait.ge [sflag:s7], $0x400  }
.Ltmp1:
0x3a: {  	[sflag:s7] =	ssyncset.done $0x0;
	(pc) =	sbr.rel @p0 .LBB2_1-.Ltmp1, $4  }
0x3b: {  	[sflag:s7] =	ssyncadd.s32 $0xFFFFFC00  }
0x3c: {  	[hbm4b:s15+s4] =	stream.linear.scatter [tilespmem:s4], [sflag:$0x3], $0x400, $0x38;
	[tilespmem:$0xA580] =	vst v63  }
0x3d: {  	_ =	swait.ge [sflag:s7], $0x400  }
0x3e: {  	[sflag:s7] =	ssyncset.done $0x0  }
.LBB2_2:
0x3f: {  	[sflag:s7] =	ssyncadd.s32 $0xFFFFFC00  }
0x40: {  	_ =	sfence.sel $0x180000  }
0x41: {  	[bflag:$0x0] =	sbarrier.arrive $0xFFFF  }
0x42: {  	p0 =	sne.s32 s1, $0x0;
	_ =	strace $0x90000062  }
0x43: {  	s0 =	sadd.s32 @!p0 $0x100000, s0;
	[bflag:$0x2] =	sbarrier.arrive $0xFFFF  }
0x44: {  	[sflag:s0] =	ssyncadd.tile.s32 @!p0 $0x1;
	_ =	shalt  }
.Lfunc_end2:
_tile_overlayer_lowered:
.L_overlay_start_2:
0x45: {  	(tag) =	ssettag $0x2  }
0x46: {  	s0 =	rddreg [dreg:$0x0];
	s2 =	stileid.u32  }
0x47: {  	s1 =	rddreg [dreg:$0x1];
	p0 =	sne.s32 s2, $0x0  }
0x48: {  	s3 =	rddreg [dreg:$0x2];
	[bflag:$0x3] =	sbarrier.arrive $0xFFFF;
	s2 =	simm.s32 @!p0 $0x1C03  }
0x49: {  	[timem:s3], [sflag:s2] =	dma.local @!p0 [hbm:s0], s1  }
0x4a: {  	s0 =	simm.s32 @!p0 $0x3  }
0x4b: {  	_ =	swait.ge @!p0 [sflag:s0], s1  }
0x4c: {  	s1 =	ssub.s32 @!p0 $0x0, s1;
	[sflag:s0] =	ssyncset.done @!p0 $0x0  }
0x4d: {  	[sflag:s0] =	ssyncadd.s32 @!p0 s1  }
0x4e: {  	[bflag:$0x3] =	sbarrier.arrive $0xFFFF  }
0x4f: {  	_ =	shalt  }

</sc_bundles>
